<compile_context>
chip_gen: v7x
topology: tpu7x:2x2x1
jax: 0.10.2.dev20260603
libtpu: 0.0.44.dev20260713+nightly
codegen_flags: <defaults>
</compile_context>

<pallas_src>
import functools

import jax
import jax.numpy as jnp
import numpy as np
from jax import lax
from jax.experimental import pallas as pl
from jax.experimental.pallas import tpu as pltpu
from jax.experimental.pallas import tpu_sc as plsc

N_NODES = 10000
N_EDGES = 160000
F_DIM = 256
K_DIM = 64
CUTOFF = 10.0

E_PAD = 163840
N_PAD = 10240
NW = 32
EPW = E_PAD // NW
EPT = E_PAD // 16
CH = 64
NCH = EPT // CH
GRPI = 16
NGRP = NCH // GRPI
JGC = 80
NT = 5
TN = N_NODES // NT
ET = 2048
EG = E_PAD // ET

_LOG2 = 0.6931471805599453
_EXPC = float(np.exp(-CUTOFF))
_WID = float((0.5 / ((1.0 - np.exp(-CUTOFF)) / K_DIM)) ** 2)
_CSTEP = float((np.exp(-CUTOFF) - 1.0) / (K_DIM - 1))


def _act(x):
    return jnp.maximum(x, 0.0) + jnp.log1p(jnp.exp(-jnp.abs(x))) - _LOG2


def _f32(shape):
    return jax.ShapeDtypeStruct(shape, jnp.float32)



def _d2_body(r_hbm, ii_hbm, jj_hbm, d2_hbm, r_v, ii_v, jj_v, d2_v):
    c = lax.axis_index("c")
    s = lax.axis_index("s")
    w = s * 2 + c
    base = w * EPW
    pltpu.sync_copy(r_hbm, r_v)
    pltpu.sync_copy(ii_hbm.at[pl.ds(base, EPW)], ii_v)
    pltpu.sync_copy(jj_hbm.at[pl.ds(base, EPW)], jj_v)

    def batch(t, carry):
        sl = pl.ds(t * 16, 16)
        ib = ii_v[sl] * 3
        jb = jj_v[sl] * 3
        dx = plsc.load_gather(r_v, [ib]) - plsc.load_gather(r_v, [jb])
        dy = plsc.load_gather(r_v, [ib + 1]) - plsc.load_gather(r_v, [jb + 1])
        dz = plsc.load_gather(r_v, [ib + 2]) - plsc.load_gather(r_v, [jb + 2])
        d2_v[sl] = dx * dx + dy * dy + dz * dz
        return carry

    lax.fori_loop(0, EPW // 16, batch, 0)
    pltpu.sync_copy(d2_v, d2_hbm.at[pl.ds(base, EPW)])


def _d2_call(r_flat, ii, jj):
    mesh = plsc.VectorSubcoreMesh(core_axis_name="c", subcore_axis_name="s", num_cores=2, num_subcores=16)
    k = functools.partial(
        pl.kernel,
        out_type=_f32((E_PAD,)),
        mesh=mesh,
        compiler_params=pltpu.CompilerParams(needs_layout_passes=False),
        scratch_types=[
            pltpu.VMEM((3 * N_NODES,), jnp.float32),
            pltpu.VMEM((EPW,), jnp.int32),
            pltpu.VMEM((EPW,), jnp.int32),
            pltpu.VMEM((EPW,), jnp.float32),
        ],
    )(_d2_body)
    return k(r_flat, ii, jj)



def _msg_body(g0_hbm, g1_hbm, x0_hbm, x1_hbm, ii_hbm, jj_hbm, z_hbm,
              o0_hbm, o1_hbm, acc, jj_v, ii_v,
              rows0, rows1, gb0, gb1, sg0, sg1, sl0, sl1, ss0, ss1):
    c = lax.axis_index("c")
    s = lax.axis_index("s")
    rsl = pl.ds(s * (N_PAD // 16), N_PAD // 16)
    pltpu.sync_copy(z_hbm, acc.at[rsl])
    pltpu.sync_copy(jj_hbm.at[s], jj_v)
    plsc.subcore_barrier()

    rows = (rows0, rows1)
    gbs = (gb0, gb1)
    sgs = (sg0, sg1)
    sls = (sl0, sl1)
    sss = (ss0, ss1)

    def run(g_hbm, x_hbm):
        def issue(q, qq, b):
            pltpu.async_copy(x_hbm.at[jj_v.at[qq]], rows[b], sgs[b])
            pltpu.async_copy(g_hbm.at[pl.ds(s * EPT + q * CH, CH)], gbs[b], sls[b])

        def drain(q, qq, b):
            pltpu.make_async_copy(x_hbm.at[jj_v.at[qq]], rows[b], sgs[b]).wait()
            pltpu.make_async_copy(
                g_hbm.at[pl.ds(s * EPT + q * CH, CH)], gbs[b], sls[b]
            ).wait()

        def scat_wait(b):
            pltpu.make_async_copy(rows[b], acc.at[ii_v.at[0]], sss[b]).wait()

        def jgrp(j, carry0):
            pltpu.sync_copy(jj_hbm.at[s * (NCH // JGC) + j], jj_v)
            pl.when(j > 0)(functools.partial(scat_wait, 0))
            issue(j * JGC, 0, 0)

            def igrp(gi, carry1):
                pltpu.sync_copy(
                    ii_hbm.at[s * NGRP + j * (JGC // GRPI) + gi], ii_v
                )

                def pair(pp, carry):
                    for b in (0, 1):
                        lq = gi * GRPI + pp * 2 + b
                        q = j * JGC + lq
                        if b == 0:
                            pl.when(j + gi + pp > 0)(
                                functools.partial(scat_wait, 1)
                            )
                        else:
                            pl.when(lq + 1 < JGC)(
                                functools.partial(scat_wait, 0)
                            )
                        pl.when(lq + 1 < JGC)(
                            functools.partial(issue, q + 1, lq + 1, 1 - b)
                        )
                        drain(q, lq, b)

                        def rowm(r, carry2, _b=b):
                            for t in range(8):
                                sl = pl.ds(t * 16, 16)
                                rows[_b][r, sl] = rows[_b][r, sl] * gbs[_b][r, sl]
                            return carry2

                        lax.fori_loop(0, CH, rowm, 0)
                        pltpu.async_copy(
                            rows[b], acc.at[ii_v.at[pp * 2 + b]], sss[b], add=True
                        )
                    return carry

                lax.fori_loop(0, GRPI // 2, pair, 0)
                return carry1

            lax.fori_loop(0, JGC // GRPI, igrp, 0)
            return carry0

        lax.fori_loop(0, NCH // JGC, jgrp, 0)
        scat_wait(0)
        scat_wait(1)

    pl.when(c == 0)(lambda: run(g0_hbm, x0_hbm))
    pl.when(c == 1)(lambda: run(g1_hbm, x1_hbm))
    plsc.subcore_barrier()
    pl.when(c == 0)(lambda: pltpu.sync_copy(acc.at[rsl], o0_hbm.at[rsl]))
    pl.when(c == 1)(lambda: pltpu.sync_copy(acc.at[rsl], o1_hbm.at[rsl]))


def _msg_call(g0, g1, x0, x1, ii3, jj3, zrows):
    mesh = plsc.VectorSubcoreMesh(core_axis_name="c", subcore_axis_name="s", num_cores=2, num_subcores=16)
    k = functools.partial(
        pl.kernel,
        out_type=(_f32((N_PAD, 128)), _f32((N_PAD, 128))),
        mesh=mesh,
        compiler_params=pltpu.CompilerParams(needs_layout_passes=False),
        scratch_types=[
            pltpu.VMEM_SHARED((N_PAD, 128), jnp.float32),
            pltpu.VMEM((JGC, CH), jnp.int32),
            pltpu.VMEM((GRPI, CH), jnp.int32),
            pltpu.VMEM((CH, 128), jnp.float32),
            pltpu.VMEM((CH, 128), jnp.float32),
            pltpu.VMEM((CH, 128), jnp.float32),
            pltpu.VMEM((CH, 128), jnp.float32),
            pltpu.SemaphoreType.DMA,
            pltpu.SemaphoreType.DMA,
            pltpu.SemaphoreType.DMA,
            pltpu.SemaphoreType.DMA,
            pltpu.SemaphoreType.DMA,
            pltpu.SemaphoreType.DMA,
        ],
    )(_msg_body)
    return k(g0, g1, x0, x1, ii3, jj3, zrows)



def _emb_body(z_ref, e_ref, x_ref):
    z = z_ref[...]
    ids = lax.broadcasted_iota(jnp.int32, (TN, 128), 1)
    oh = (ids == z).astype(jnp.float32)
    x_ref[...] = jnp.dot(oh, e_ref[...], preferred_element_type=jnp.float32)


_emb_call = pl.pallas_call(
    _emb_body,
    grid=(NT,),
    in_specs=[
        pl.BlockSpec((TN, 1), lambda i: (i, 0)),
        pl.BlockSpec((128, F_DIM), lambda i: (0, 0)),
    ],
    out_specs=pl.BlockSpec((TN, F_DIM), lambda i: (i, 0)),
    out_shape=_f32((N_NODES, F_DIM)),
)


def _proj_body(x_ref, wi_ref, bi_ref, wj_ref, bj_ref, xi_ref, x0_ref, x1_ref):
    xa = _act(x_ref[...])
    xi_ref[...] = (
        jnp.dot(xa, wi_ref[...], preferred_element_type=jnp.float32)
        + bi_ref[...]
    )
    y = jnp.dot(xa, wj_ref[...], preferred_element_type=jnp.float32) + bj_ref[...]
    x0_ref[...] = y[:, :128]
    x1_ref[...] = y[:, 128:]


_proj_call = pl.pallas_call(
    _proj_body,
    grid=(NT,),
    in_specs=[
        pl.BlockSpec((TN, F_DIM), lambda i: (i, 0)),
        pl.BlockSpec((F_DIM, F_DIM), lambda i: (0, 0)),
        pl.BlockSpec((1, F_DIM), lambda i: (0, 0)),
        pl.BlockSpec((F_DIM, F_DIM), lambda i: (0, 0)),
        pl.BlockSpec((1, F_DIM), lambda i: (0, 0)),
    ],
    out_specs=[
        pl.BlockSpec((TN, F_DIM), lambda i: (i, 0)),
        pl.BlockSpec((TN, 128), lambda i: (i, 0)),
        pl.BlockSpec((TN, 128), lambda i: (i, 0)),
    ],
    out_shape=[_f32((N_NODES, F_DIM)), _f32((N_NODES, 128)), _f32((N_NODES, 128))],
)


def _rbf_g_body(d2_ref, k2f_ref, *out_refs):
    i = pl.program_id(0)
    d2 = d2_ref[...]
    d = jnp.sqrt(jnp.maximum(d2, 0.0))
    row = lax.broadcasted_iota(jnp.int32, (ET, 1), 0) + i * ET
    xc = d * (1.0 / CUTOFF)
    x3 = xc * xc * xc
    x4 = x3 * xc
    x5 = x4 * xc
    poly = 1.0 - 6.0 * x5 + 15.0 * x4 - 10.0 * x3
    fcut = jnp.where((row < N_EDGES) & (xc < 1.0), poly, 0.0)
    centers = 1.0 + _CSTEP * lax.broadcasted_iota(
        jnp.int32, (ET, K_DIM), 1
    ).astype(jnp.float32)
    diff = jnp.exp(-d) - centers
    rbf = fcut * jnp.exp(-_WID * (diff * diff))
    for b in range(3):
        y = jnp.dot(rbf, k2f_ref[b], preferred_element_type=jnp.float32)
        out_refs[2 * b][...] = y[:, :128]
        out_refs[2 * b + 1][...] = y[:, 128:]


_rbf_g_call = pl.pallas_call(
    _rbf_g_body,
    grid=(EG,),
    in_specs=[
        pl.BlockSpec((ET, 1), lambda i: (i, 0)),
        pl.BlockSpec((3, K_DIM, F_DIM), lambda i: (0, 0, 0)),
    ],
    out_specs=[pl.BlockSpec((ET, 128), lambda i: (i, 0)) for _ in range(6)],
    out_shape=[_f32((E_PAD, 128)) for _ in range(6)],
)


def _block_body(xi_ref, s0_ref, s1_ref, x_ref, w1_ref, b1_ref, w2_ref, b2_ref,
                wd_ref, bd_ref, u_ref, wo_ref, xn_ref, out_ref):
    def res(v, k):
        h = _act(v)
        h = jnp.dot(h, w1_ref[k], preferred_element_type=jnp.float32) + b1_ref[k]
        return v + jnp.dot(h, w2_ref[k], preferred_element_type=jnp.float32) + b2_ref[k]

    m = xi_ref[...] + jnp.concatenate([s0_ref[...], s1_ref[...]], axis=1)
    m = res(m, 0)
    m = res(m, 1)
    m = _act(m)
    xn = (
        u_ref[...] * x_ref[...]
        + jnp.dot(m, wd_ref[...], preferred_element_type=jnp.float32)
        + bd_ref[...]
    )
    xn = res(xn, 2)
    xn = res(xn, 3)
    xn_ref[...] = xn
    o = _act(res(xn, 4))
    out_ref[...] = jnp.dot(o, wo_ref[...], preferred_element_type=jnp.float32)


_block_call = pl.pallas_call(
    _block_body,
    grid=(NT,),
    in_specs=[
        pl.BlockSpec((TN, F_DIM), lambda i: (i, 0)),
        pl.BlockSpec((TN, 128), lambda i: (i, 0)),
        pl.BlockSpec((TN, 128), lambda i: (i, 0)),
        pl.BlockSpec((TN, F_DIM), lambda i: (i, 0)),
        pl.BlockSpec((5, F_DIM, F_DIM), lambda i: (0, 0, 0)),
        pl.BlockSpec((5, 1, F_DIM), lambda i: (0, 0, 0)),
        pl.BlockSpec((5, F_DIM, F_DIM), lambda i: (0, 0, 0)),
        pl.BlockSpec((5, 1, F_DIM), lambda i: (0, 0, 0)),
        pl.BlockSpec((F_DIM, F_DIM), lambda i: (0, 0)),
        pl.BlockSpec((1, F_DIM), lambda i: (0, 0)),
        pl.BlockSpec((1, F_DIM), lambda i: (0, 0)),
        pl.BlockSpec((F_DIM, 2), lambda i: (0, 0)),
    ],
    out_specs=[
        pl.BlockSpec((TN, F_DIM), lambda i: (i, 0)),
        pl.BlockSpec((TN, 2), lambda i: (i, 0)),
    ],
    out_shape=[_f32((N_NODES, F_DIM)), _f32((N_NODES, 2))],
)


def _final_body(o0_ref, o1_ref, o2_ref, e_ref, q_ref, nh_ref):
    i = pl.program_id(0)
    a = o0_ref[...]
    b = o1_ref[...]
    c = o2_ref[...]
    t = a + b + c
    e_ref[...] = t[:, :1]
    q_ref[...] = t[:, 1:2]
    a2 = a * a
    b2 = b * b
    c2 = c * c
    v = b2 / (b2 + a2 + 1e-7) + c2 / (c2 + b2 + 1e-7)
    p = jnp.sum(v).reshape(1, 1)

    @pl.when(i == 0)
    def _():
        nh_ref[...] = jnp.zeros((1, 1), jnp.float32)

    nh_ref[...] += p

    @pl.when(i == NT - 1)
    def _():
        nh_ref[...] *= 1.0 / (2.0 * N_NODES)


_final_call = pl.pallas_call(
    _final_body,
    grid=(NT,),
    in_specs=[pl.BlockSpec((TN, 2), lambda i: (i, 0)) for _ in range(3)],
    out_specs=[
        pl.BlockSpec((TN, 1), lambda i: (i, 0)),
        pl.BlockSpec((TN, 1), lambda i: (i, 0)),
        pl.BlockSpec((1, 1), lambda i: (0, 0)),
    ],
    out_shape=[_f32((N_NODES, 1)), _f32((N_NODES, 1)), _f32((1, 1))],
)



@jax.jit
def _run(R, params, Z, idx_i, idx_j):
    pad = jnp.zeros((E_PAD - N_EDGES,), jnp.int32)
    ii = jnp.concatenate([idx_i, pad])
    jj = jnp.concatenate([idx_j, pad])
    ii3 = ii.reshape(16 * NGRP, GRPI, CH)
    jj3 = jj.reshape(16 * (NCH // JGC), JGC, CH)

    d2 = _d2_call(R.reshape(-1), ii, jj)
    k2f_all = jnp.stack(
        [params["blocks"][b]["interaction"]["k2f"]["W"] for b in range(3)]
    )
    g = _rbf_g_call(d2.reshape(E_PAD, 1), k2f_all)

    emb_pad = jnp.zeros((128, F_DIM), jnp.float32).at[:20].set(params["atom_emb"])
    x = _emb_call(Z.reshape(-1, 1), emb_pad)

    zrows = jnp.zeros((N_PAD // 16, 128), jnp.float32)
    outs = []
    for b in range(3):
        blk = params["blocks"][b]
        ip = blk["interaction"]
        xi, x0, x1 = _proj_call(
            x,
            ip["dense_i"]["W"], ip["dense_i"]["b"].reshape(1, F_DIM),
            ip["dense_j"]["W"], ip["dense_j"]["b"].reshape(1, F_DIM),
        )
        s0, s1 = _msg_call(g[2 * b], g[2 * b + 1], x0, x1, ii3, jj3, zrows)
        rps = (
            list(ip["residuals"])
            + list(blk["atom_residuals"])
            + list(blk["output"]["residuals"])
        )
        w1 = jnp.stack([rp["dense1"]["W"] for rp in rps])
        b1 = jnp.stack([rp["dense1"]["b"].reshape(1, F_DIM) for rp in rps])
        w2 = jnp.stack([rp["dense2"]["W"] for rp in rps])
        b2 = jnp.stack([rp["dense2"]["b"].reshape(1, F_DIM) for rp in rps])
        x, outb = _block_call(
            xi, s0, s1, x, w1, b1, w2, b2,
            ip["dense"]["W"], ip["dense"]["b"].reshape(1, F_DIM),
            ip["u"].reshape(1, F_DIM),
            blk["output"]["dense"]["W"],
        )
        outs.append(outb)

    e, q, nh = _final_call(*outs)
    return e.reshape(-1), q.reshape(-1), nh.reshape(())


def kernel(R, params, Z, idx_i, idx_j):
    return _run(R, params, Z, idx_i, idx_j)

# --- scband reference (transcript-rebuilt; emitter-appended) ---
"""Pipeline reference for scband-phys-net-53223234732354 (READ-ONLY COPY).

The authoritative reference and input builder live on the scoring server;
editing this copy changes nothing except your own understanding.
"""

import jax, jax.numpy as jnp
import numpy as np

N_NODES = 10000
N_EDGES = 160000
F_DIM = 256
K_DIM = 64
CUTOFF = 10.0
NUM_BLOCKS = 3
NUM_RES_ATOM = 2
NUM_RES_INT = 2
NUM_RES_OUT = 1
NUM_ATOM_TYPES = 20


def _act(x):
    return jax.nn.softplus(x) - jnp.log(2.0)


def _lin(p, x):
    y = x @ p["W"]
    if "b" in p:
        y = y + p["b"]
    return y


def _res(p, x):
    return x + _lin(p["dense2"], _lin(p["dense1"], _act(x)))


def _make_linear(key, din, dout, bias=True):
    W = jax.random.normal(key, (din, dout), dtype=jnp.float32) * (1.0 / np.sqrt(din))
    p = {"W": W}
    if bias:
        p["b"] = jnp.zeros((dout,), dtype=jnp.float32)
    return p


def _make_res(key, d):
    k1, k2 = jax.random.split(key)
    return {"dense1": _make_linear(k1, d, d), "dense2": _make_linear(k2, d, d)}


def _make_params(key):
    keys = jax.random.split(key, NUM_BLOCKS + 1)
    atom_emb = jax.random.normal(keys[0], (NUM_ATOM_TYPES, F_DIM), dtype=jnp.float32)
    blocks = []
    for b in range(NUM_BLOCKS):
        bk = jax.random.split(keys[b + 1], 8 + NUM_RES_INT + NUM_RES_ATOM + NUM_RES_OUT)
        inter = {
            "k2f": _make_linear(bk[0], K_DIM, F_DIM, bias=False),
            "dense_i": _make_linear(bk[1], F_DIM, F_DIM),
            "dense_j": _make_linear(bk[2], F_DIM, F_DIM),
            "residuals": [_make_res(bk[5 + r], F_DIM) for r in range(NUM_RES_INT)],
            "dense": _make_linear(bk[3], F_DIM, F_DIM),
            "u": jax.random.uniform(bk[4], (F_DIM,), dtype=jnp.float32),
        }
        atom_res = [_make_res(bk[5 + NUM_RES_INT + r], F_DIM) for r in range(NUM_RES_ATOM)]
        out_blk = {
            "residuals": [_make_res(bk[5 + NUM_RES_INT + NUM_RES_ATOM + r], F_DIM) for r in range(NUM_RES_OUT)],
            "dense": _make_linear(bk[5 + NUM_RES_INT + NUM_RES_ATOM + NUM_RES_OUT], F_DIM, 2, bias=False),
        }
        blocks.append({"interaction": inter, "atom_residuals": atom_res, "output": out_blk})
    return {"atom_emb": atom_emb, "blocks": blocks}


def _forward(R, params, Z, idx_i, idx_j):
    centers = jnp.linspace(1.0, float(np.exp(-CUTOFF)), K_DIM).astype(jnp.float32)
    widths = jnp.full((K_DIM,), (0.5 / ((1.0 - float(np.exp(-CUTOFF))) / K_DIM)) ** 2, dtype=jnp.float32)
    Ri = jnp.take(R, idx_i, axis=0)
    Rj = jnp.take(R, idx_j, axis=0)
    D = jnp.sqrt(jax.nn.relu(jnp.sum((Ri - Rj) ** 2, axis=-1)))
    xc = D / CUTOFF
    x3 = xc ** 3
    x4 = x3 * xc
    x5 = x4 * xc
    fcut = jnp.where(xc < 1.0, 1.0 - 6.0 * x5 + 15.0 * x4 - 10.0 * x3, jnp.zeros_like(xc))
    rbf = fcut[:, None] * jnp.exp(-widths[None, :] * (jnp.exp(-D)[:, None] - centers[None, :]) ** 2)
    x = jnp.take(params["atom_emb"], Z, axis=0)
    E_total = jnp.zeros((N_NODES,), dtype=jnp.float32)
    Q_total = jnp.zeros((N_NODES,), dtype=jnp.float32)
    nhloss = jnp.asarray(0.0, dtype=jnp.float32)
    last_out2 = None
    for i, blk in enumerate(params["blocks"]):
        ip = blk["interaction"]
        xa = _act(x)
        g = rbf @ ip["k2f"]["W"]
        xi = _lin(ip["dense_i"], xa)
        msg = g * jnp.take(_lin(ip["dense_j"], xa), idx_j, axis=0)
        xj = jax.ops.segment_sum(msg, idx_i, num_segments=N_NODES)
        m = xi + xj
        for rp in ip["residuals"]:
            m = _res(rp, m)
        m = _act(m)
        x = ip["u"] * x + _lin(ip["dense"], m)
        for rp in blk["atom_residuals"]:
            x = _res(rp, x)
        o = x
        for rp in blk["output"]["residuals"]:
            o = _res(rp, o)
        o = _act(o)
        out = o @ blk["output"]["dense"]["W"]
        E_total = E_total + out[:, 0]
        Q_total = Q_total + out[:, 1]
        out2 = out ** 2
        if i > 0:
            nhloss = nhloss + jnp.mean(out2 / (out2 + last_out2 + 1e-07))
        last_out2 = out2
    return (E_total, Q_total, nhloss)


def setup_inputs(seed: int = 0):
    key = jax.random.key(seed)
    ks = jax.random.split(key, 5)
    Z = jax.random.randint(ks[0], (N_NODES,), 0, NUM_ATOM_TYPES, dtype=jnp.int32)
    R = jax.random.normal(ks[1], (N_NODES, 3), dtype=jnp.float32)
    idx_i = jax.random.randint(ks[2], (N_EDGES,), 0, N_NODES, dtype=jnp.int32)
    idx_j = jax.random.randint(ks[3], (N_EDGES,), 0, N_NODES, dtype=jnp.int32)
    params = _make_params(ks[4])
    return {"R": R, "params": params, "Z": Z, "idx_i": idx_i, "idx_j": idx_j}


def reference(R, params, Z, idx_i, idx_j):
    return _forward(R, params, Z, idx_i, idx_j)

if __name__ == "__main__":
    import jax
    _d = setup_inputs()
    print(jax.jit(kernel)(*tuple(_d.values())))

</pallas_src>

<mosaic_0001>
#map = affine_map<(d0, d1) -> (0)>
module attributes {stable_mosaic.version = 14 : i64} {
  func.func @_d2_body(%arg0: i32, %arg1: i32, %arg2: memref<30000xf32, #tpu.memory_space<hbm>>, %arg3: memref<163840xi32, #tpu.memory_space<hbm>>, %arg4: memref<163840xi32, #tpu.memory_space<hbm>>, %arg5: memref<163840xf32, #tpu.memory_space<hbm>>, %arg6: memref<30000xf32, #tpu.memory_space<vmem>>, %arg7: memref<5120xi32, #tpu.memory_space<vmem>>, %arg8: memref<5120xi32, #tpu.memory_space<vmem>>, %arg9: memref<5120xf32, #tpu.memory_space<vmem>>) attributes {dimension_semantics = [#tpu.dimension_semantics<core_parallel>, #tpu.dimension_semantics<subcore_parallel>], iteration_bounds = array<i64: 2, 16>, scalar_prefetch = 0 : i64, scratch_operands = 4 : i64, tpu.core_type = #tpu.core_type<sc_vector_subcore>, window_params = [{transform_indices = #map}, {transform_indices = #map}, {transform_indices = #map}, {transform_indices = #map}]} {
    %mul3A = arith.constant 2 : i32
    %mul3A_0 = arith.muli %arg1, %mul3A : i32
    %add3A = arith.addi %mul3A_0, %arg0 : i32
    %mul3A_1 = arith.constant 5120 : i32
    %mul3A_2 = arith.muli %add3A, %mul3A_1 : i32
    "tpu.region"() ({
      %run_scoped3A = tpu.sem_alloc : memref<!tpu.dma_semaphore, #tpu.memory_space<semaphore_mem>>
      tpu.enqueue_dma source(%arg2 : memref<30000xf32, #tpu.memory_space<hbm>>) target(%arg6 : memref<30000xf32, #tpu.memory_space<vmem>>) target_semaphore(%run_scoped3A : memref<!tpu.dma_semaphore, #tpu.memory_space<semaphore_mem>>)
      tpu.wait_dma2 semaphore(%run_scoped3A : memref<!tpu.dma_semaphore, #tpu.memory_space<semaphore_mem>>) src(%arg2 : memref<30000xf32, #tpu.memory_space<hbm>>) dst(%arg6 : memref<30000xf32, #tpu.memory_space<vmem>>)
      tpu.yield
    }) : () -> ()
    "tpu.region"() ({
      %run_scoped3A = tpu.sem_alloc : memref<!tpu.dma_semaphore, #tpu.memory_space<semaphore_mem>>
      %dma_start3A = tpu.memref_slice %arg3[%mul3A_2] : memref<163840xi32, #tpu.memory_space<hbm>> -> memref<5120xi32, #tpu.memory_space<hbm>>
      %dma_start3A_8 = tpu.memref_slice %arg3[%mul3A_2] : memref<163840xi32, #tpu.memory_space<hbm>> -> memref<5120xi32, #tpu.memory_space<hbm>>
      tpu.enqueue_dma source(%dma_start3A_8 : memref<5120xi32, #tpu.memory_space<hbm>>) target(%arg7 : memref<5120xi32, #tpu.memory_space<vmem>>) target_semaphore(%run_scoped3A : memref<!tpu.dma_semaphore, #tpu.memory_space<semaphore_mem>>)
      %dma_wait3A = tpu.memref_slice %arg3[%mul3A_2] : memref<163840xi32, #tpu.memory_space<hbm>> -> memref<5120xi32, #tpu.memory_space<hbm>>
      %dma_wait3A_9 = tpu.memref_slice %arg3[%mul3A_2] : memref<163840xi32, #tpu.memory_space<hbm>> -> memref<5120xi32, #tpu.memory_space<hbm>>
      tpu.wait_dma2 semaphore(%run_scoped3A : memref<!tpu.dma_semaphore, #tpu.memory_space<semaphore_mem>>) src(%dma_wait3A_9 : memref<5120xi32, #tpu.memory_space<hbm>>) dst(%arg7 : memref<5120xi32, #tpu.memory_space<vmem>>)
      tpu.yield
    }) : () -> ()
    "tpu.region"() ({
      %run_scoped3A = tpu.sem_alloc : memref<!tpu.dma_semaphore, #tpu.memory_space<semaphore_mem>>
      %dma_start3A = tpu.memref_slice %arg4[%mul3A_2] : memref<163840xi32, #tpu.memory_space<hbm>> -> memref<5120xi32, #tpu.memory_space<hbm>>
      %dma_start3A_8 = tpu.memref_slice %arg4[%mul3A_2] : memref<163840xi32, #tpu.memory_space<hbm>> -> memref<5120xi32, #tpu.memory_space<hbm>>
      tpu.enqueue_dma source(%dma_start3A_8 : memref<5120xi32, #tpu.memory_space<hbm>>) target(%arg8 : memref<5120xi32, #tpu.memory_space<vmem>>) target_semaphore(%run_scoped3A : memref<!tpu.dma_semaphore, #tpu.memory_space<semaphore_mem>>)
      %dma_wait3A = tpu.memref_slice %arg4[%mul3A_2] : memref<163840xi32, #tpu.memory_space<hbm>> -> memref<5120xi32, #tpu.memory_space<hbm>>
      %dma_wait3A_9 = tpu.memref_slice %arg4[%mul3A_2] : memref<163840xi32, #tpu.memory_space<hbm>> -> memref<5120xi32, #tpu.memory_space<hbm>>
      tpu.wait_dma2 semaphore(%run_scoped3A : memref<!tpu.dma_semaphore, #tpu.memory_space<semaphore_mem>>) src(%dma_wait3A_9 : memref<5120xi32, #tpu.memory_space<hbm>>) dst(%arg8 : memref<5120xi32, #tpu.memory_space<vmem>>)
      tpu.yield
    }) : () -> ()
    %scan3A = arith.constant 0 : i32
    %scan3A_3 = arith.constant 0 : i32
    %scan3A_4 = arith.constant 320 : i32
    %scan3A_5 = arith.addi %scan3A_3, %scan3A_4 : i32
    %scan3A_6 = arith.constant 1 : i32
    scf.for %scan3A_8 = %scan3A_3 to %scan3A_5 step %scan3A_6  : i32 {
      %mul3A_9 = arith.constant 16 : i32
      %mul3A_10 = arith.muli %scan3A_8, %mul3A_9 : i32
      %get3A = arith.index_cast %mul3A_10 : i32 to index
      %get3A_11 = tpu.vector_load %arg7[%get3A] {strides = array<i32>} : memref<5120xi32, #tpu.memory_space<vmem>>, vector<16xi32>,
      %mul3A_12 = arith.constant 3 : i32
      %mul3A_13 = vector.broadcast %mul3A_12 : i32 to vector<16xi32>
      %mul3A_14 = arith.muli %get3A_11, %mul3A_13 : vector<16xi32>
      %get3A_15 = arith.index_cast %mul3A_10 : i32 to index
      %get3A_16 = tpu.vector_load %arg8[%get3A_15] {strides = array<i32>} : memref<5120xi32, #tpu.memory_space<vmem>>, vector<16xi32>,
      %mul3A_17 = arith.constant 3 : i32
      %mul3A_18 = vector.broadcast %mul3A_17 : i32 to vector<16xi32>
      %mul3A_19 = arith.muli %get3A_16, %mul3A_18 : vector<16xi32>
      %gather3A = tpu.vector_load_idx %arg6[%mul3A_14] : memref<30000xf32, #tpu.memory_space<vmem>>[vector<16xi32>], vector<16xf32>,
      %gather3A_20 = tpu.vector_load_idx %arg6[%mul3A_19] : memref<30000xf32, #tpu.memory_space<vmem>>[vector<16xi32>], vector<16xf32>,
      %sub3A = arith.subf %gather3A, %gather3A_20 : vector<16xf32>
      %add3A_21 = arith.constant 1 : i32
      %add3A_22 = vector.broadcast %add3A_21 : i32 to vector<16xi32>
      %add3A_23 = arith.addi %mul3A_14, %add3A_22 : vector<16xi32>
      %gather3A_24 = tpu.vector_load_idx %arg6[%add3A_23] : memref<30000xf32, #tpu.memory_space<vmem>>[vector<16xi32>], vector<16xf32>,
      %add3A_25 = arith.constant 1 : i32
      %add3A_26 = vector.broadcast %add3A_25 : i32 to vector<16xi32>
      %add3A_27 = arith.addi %mul3A_19, %add3A_26 : vector<16xi32>
      %gather3A_28 = tpu.vector_load_idx %arg6[%add3A_27] : memref<30000xf32, #tpu.memory_space<vmem>>[vector<16xi32>], vector<16xf32>,
      %sub3A_29 = arith.subf %gather3A_24, %gather3A_28 : vector<16xf32>
      %add3A_30 = arith.constant 2 : i32
      %add3A_31 = vector.broadcast %add3A_30 : i32 to vector<16xi32>
      %add3A_32 = arith.addi %mul3A_14, %add3A_31 : vector<16xi32>
      %gather3A_33 = tpu.vector_load_idx %arg6[%add3A_32] : memref<30000xf32, #tpu.memory_space<vmem>>[vector<16xi32>], vector<16xf32>,
      %add3A_34 = arith.constant 2 : i32
      %add3A_35 = vector.broadcast %add3A_34 : i32 to vector<16xi32>
      %add3A_36 = arith.addi %mul3A_19, %add3A_35 : vector<16xi32>
      %gather3A_37 = tpu.vector_load_idx %arg6[%add3A_36] : memref<30000xf32, #tpu.memory_space<vmem>>[vector<16xi32>], vector<16xf32>,
      %sub3A_38 = arith.subf %gather3A_33, %gather3A_37 : vector<16xf32>
      %mul3A_39 = arith.mulf %sub3A, %sub3A : vector<16xf32>
      %mul3A_40 = arith.mulf %sub3A_29, %sub3A_29 : vector<16xf32>
      %add3A_41 = arith.addf %mul3A_39, %mul3A_40 : vector<16xf32>
      %mul3A_42 = arith.mulf %sub3A_38, %sub3A_38 : vector<16xf32>
      %add3A_43 = arith.addf %add3A_41, %mul3A_42 : vector<16xf32>
      %swap3A = arith.index_cast %mul3A_10 : i32 to index
      %swap3A_44 = tpu.vector_load %arg9[%swap3A] {strides = array<i32>} : memref<5120xf32, #tpu.memory_space<vmem>>, vector<16xf32>,
      tpu.vector_store %arg9[%swap3A], %add3A_43 {strides = array<i32>} : memref<5120xf32, #tpu.memory_space<vmem>>, vector<16xf32>,
    }
    %scan3A_7 = arith.constant 320 : i32
    "tpu.region"() ({
      %run_scoped3A = tpu.sem_alloc : memref<!tpu.dma_semaphore, #tpu.memory_space<semaphore_mem>>
      %dma_start3A = tpu.memref_slice %arg5[%mul3A_2] : memref<163840xf32, #tpu.memory_space<hbm>> -> memref<5120xf32, #tpu.memory_space<hbm>>
      %dma_start3A_8 = tpu.memref_slice %arg5[%mul3A_2] : memref<163840xf32, #tpu.memory_space<hbm>> -> memref<5120xf32, #tpu.memory_space<hbm>>
      tpu.enqueue_dma source(%arg9 : memref<5120xf32, #tpu.memory_space<vmem>>) target(%dma_start3A_8 : memref<5120xf32, #tpu.memory_space<hbm>>) target_semaphore(%run_scoped3A : memref<!tpu.dma_semaphore, #tpu.memory_space<semaphore_mem>>)
      %dma_wait3A = tpu.memref_slice %arg5[%mul3A_2] : memref<163840xf32, #tpu.memory_space<hbm>> -> memref<5120xf32, #tpu.memory_space<hbm>>
      %dma_wait3A_9 = tpu.memref_slice %arg5[%mul3A_2] : memref<163840xf32, #tpu.memory_space<hbm>> -> memref<5120xf32, #tpu.memory_space<hbm>>
      tpu.wait_dma2 semaphore(%run_scoped3A : memref<!tpu.dma_semaphore, #tpu.memory_space<semaphore_mem>>) src(%arg9 : memref<5120xf32, #tpu.memory_space<vmem>>) dst(%dma_wait3A_9 : memref<5120xf32, #tpu.memory_space<hbm>>)
      tpu.yield
    }) : () -> ()
    return
  }
}

#map = affine_map<(d0, d1) -> (0, 0)>
#map1 = affine_map<(d0, d1) -> (0, 0, 0)>
module attributes {stable_mosaic.version = 14 : i64} {
  func.func @_msg_body(%arg0: i32, %arg1: i32, %arg2: memref<163840x128xf32, #tpu.memory_space<hbm>>, %arg3: memref<163840x128xf32, #tpu.memory_space<hbm>>, %arg4: memref<10000x128xf32, #tpu.memory_space<hbm>>, %arg5: memref<10000x128xf32, #tpu.memory_space<hbm>>, %arg6: memref<160x16x64xi32, #tpu.memory_space<hbm>>, %arg7: memref<32x80x64xi32, #tpu.memory_space<hbm>>, %arg8: memref<640x128xf32, #tpu.memory_space<hbm>>, %arg9: memref<10240x128xf32, #tpu.memory_space<hbm>>, %arg10: memref<10240x128xf32, #tpu.memory_space<hbm>>, %arg11: memref<10240x128xf32, #tpu.memory_space<vmem_shared>>, %arg12: memref<80x64xi32, #tpu.memory_space<vmem>>, %arg13: memref<16x64xi32, #tpu.memory_space<vmem>>, %arg14: memref<64x128xf32, #tpu.memory_space<vmem>>, %arg15: memref<64x128xf32, #tpu.memory_space<vmem>>, %arg16: memref<64x128xf32, #tpu.memory_space<vmem>>, %arg17: memref<64x128xf32, #tpu.memory_space<vmem>>, %arg18: memref<!tpu.dma_semaphore, #tpu.memory_space<semaphore_mem>>, %arg19: memref<!tpu.dma_semaphore, #tpu.memory_space<semaphore_mem>>, %arg20: memref<!tpu.dma_semaphore, #tpu.memory_space<semaphore_mem>>, %arg21: memref<!tpu.dma_semaphore, #tpu.memory_space<semaphore_mem>>, %arg22: memref<!tpu.dma_semaphore, #tpu.memory_space<semaphore_mem>>, %arg23: memref<!tpu.dma_semaphore, #tpu.memory_space<semaphore_mem>>) attributes {dimension_semantics = [#tpu.dimension_semantics<core_parallel>, #tpu.dimension_semantics<subcore_parallel>], iteration_bounds = array<i64: 2, 16>, scalar_prefetch = 0 : i64, scratch_operands = 13 : i64, tpu.core_type = #tpu.core_type<sc_vector_subcore>, window_params = [{transform_indices = #map}, {transform_indices = #map}, {transform_indices = #map}, {transform_indices = #map}, {transform_indices = #map1}, {transform_indices = #map1}, {transform_indices = #map}, {transform_indices = #map}, {transform_indices = #map}]} {
    %mul3A = arith.constant 640 : i32
    %mul3A_0 = arith.muli %arg1, %mul3A : i32
    "tpu.region"() ({
      %run_scoped3A = tpu.sem_alloc : memref<!tpu.dma_semaphore, #tpu.memory_space<semaphore_mem>>
      %dma_start3A = arith.constant 0 : i32
      %dma_start3A_19 = tpu.memref_slice %arg11[%mul3A_0, %dma_start3A] : memref<10240x128xf32, #tpu.memory_space<vmem_shared>> -> memref<640x128xf32, #tpu.memory_space<vmem_shared>>
      tpu.enqueue_dma source(%arg8 : memref<640x128xf32, #tpu.memory_space<hbm>>) target(%dma_start3A_19 : memref<640x128xf32, #tpu.memory_space<vmem_shared>>) target_semaphore(%run_scoped3A : memref<!tpu.dma_semaphore, #tpu.memory_space<semaphore_mem>>)
      %dma_wait3A = arith.constant 0 : i32
      %dma_wait3A_20 = tpu.memref_slice %arg11[%mul3A_0, %dma_wait3A] : memref<10240x128xf32, #tpu.memory_space<vmem_shared>> -> memref<640x128xf32, #tpu.memory_space<vmem_shared>>
      tpu.wait_dma2 semaphore(%run_scoped3A : memref<!tpu.dma_semaphore, #tpu.memory_space<semaphore_mem>>) src(%arg8 : memref<640x128xf32, #tpu.memory_space<hbm>>) dst(%dma_wait3A_20 : memref<640x128xf32, #tpu.memory_space<vmem_shared>>)
      tpu.yield
    }) : () -> ()
    "tpu.region"() ({
      %run_scoped3A = tpu.sem_alloc : memref<!tpu.dma_semaphore, #tpu.memory_space<semaphore_mem>>
      %dma_start3A = arith.constant 0 : i32
      %dma_start3A_19 = arith.constant 0 : i32
      %dma_start3A_20 = tpu.memref_slice %arg7[%arg1, %dma_start3A, %dma_start3A_19] : memref<32x80x64xi32, #tpu.memory_space<hbm>> -> memref<1x80x64xi32, #tpu.memory_space<hbm>>
      %dma_start3A_21 = tpu.memref_squeeze %dma_start3A_20 : memref<1x80x64xi32, #tpu.memory_space<hbm>> -> memref<80x64xi32, #tpu.memory_space<hbm>>
      %dma_start3A_22 = arith.constant 0 : i32
      %dma_start3A_23 = arith.constant 0 : i32
      %dma_start3A_24 = tpu.memref_slice %arg7[%arg1, %dma_start3A_22, %dma_start3A_23] : memref<32x80x64xi32, #tpu.memory_space<hbm>> -> memref<1x80x64xi32, #tpu.memory_space<hbm>>
      %dma_start3A_25 = tpu.memref_squeeze %dma_start3A_24 : memref<1x80x64xi32, #tpu.memory_space<hbm>> -> memref<80x64xi32, #tpu.memory_space<hbm>>
      tpu.enqueue_dma source(%dma_start3A_25 : memref<80x64xi32, #tpu.memory_space<hbm>>) target(%arg12 : memref<80x64xi32, #tpu.memory_space<vmem>>) target_semaphore(%run_scoped3A : memref<!tpu.dma_semaphore, #tpu.memory_space<semaphore_mem>>)
      %dma_wait3A = arith.constant 0 : i32
      %dma_wait3A_26 = arith.constant 0 : i32
      %dma_wait3A_27 = tpu.memref_slice %arg7[%arg1, %dma_wait3A, %dma_wait3A_26] : memref<32x80x64xi32, #tpu.memory_space<hbm>> -> memref<1x80x64xi32, #tpu.memory_space<hbm>>
      %dma_wait3A_28 = tpu.memref_squeeze %dma_wait3A_27 : memref<1x80x64xi32, #tpu.memory_space<hbm>> -> memref<80x64xi32, #tpu.memory_space<hbm>>
      %dma_wait3A_29 = arith.constant 0 : i32
      %dma_wait3A_30 = arith.constant 0 : i32
      %dma_wait3A_31 = tpu.memref_slice %arg7[%arg1, %dma_wait3A_29, %dma_wait3A_30] : memref<32x80x64xi32, #tpu.memory_space<hbm>> -> memref<1x80x64xi32, #tpu.memory_space<hbm>>
      %dma_wait3A_32 = tpu.memref_squeeze %dma_wait3A_31 : memref<1x80x64xi32, #tpu.memory_space<hbm>> -> memref<80x64xi32, #tpu.memory_space<hbm>>
      tpu.wait_dma2 semaphore(%run_scoped3A : memref<!tpu.dma_semaphore, #tpu.memory_space<semaphore_mem>>) src(%dma_wait3A_32 : memref<80x64xi32, #tpu.memory_space<hbm>>) dst(%arg12 : memref<80x64xi32, #tpu.memory_space<vmem>>)
      tpu.yield
    }) : () -> ()
    %barrier3A = arith.constant 0 : index
    tpu.barrier barrier_id(%barrier3A)
    %eq3A = arith.constant 0 : i32
    %eq3A_1 = arith.cmpi eq, %arg0, %eq3A : i32
    %convert_element_type3A = arith.extui %eq3A_1 : i1 to i32
    %cond3A = arith.constant 0 : i32
    %cond3A_2 = arith.cmpi ne, %convert_element_type3A, %cond3A : i32
    scf.if %cond3A_2 {
      %scan3A = arith.constant 0 : i32
      %scan3A_19 = arith.constant 0 : i32
      %scan3A_20 = arith.constant 2 : i32
      %scan3A_21 = arith.addi %scan3A_19, %scan3A_20 : i32
      %scan3A_22 = arith.constant 1 : i32
      scf.for %scan3A_37 = %scan3A_19 to %scan3A_21 step %scan3A_22  : i32 {
        %mul3A_38 = arith.constant 2 : i32
        %mul3A_39 = arith.muli %arg1, %mul3A_38 : i32
        %add3A = arith.addi %mul3A_39, %scan3A_37 : i32
        "tpu.region"() ({
          %run_scoped3A = tpu.sem_alloc : memref<!tpu.dma_semaphore, #tpu.memory_space<semaphore_mem>>
          %dma_start3A_67 = arith.constant 0 : i32
          %dma_start3A_68 = arith.constant 0 : i32
          %dma_start3A_69 = tpu.memref_slice %arg7[%add3A, %dma_start3A_67, %dma_start3A_68] : memref<32x80x64xi32, #tpu.memory_space<hbm>> -> memref<1x80x64xi32, #tpu.memory_space<hbm>>
          %dma_start3A_70 = tpu.memref_squeeze %dma_start3A_69 : memref<1x80x64xi32, #tpu.memory_space<hbm>> -> memref<80x64xi32, #tpu.memory_space<hbm>>
          %dma_start3A_71 = arith.constant 0 : i32
          %dma_start3A_72 = arith.constant 0 : i32
          %dma_start3A_73 = tpu.memref_slice %arg7[%add3A, %dma_start3A_71, %dma_start3A_72] : memref<32x80x64xi32, #tpu.memory_space<hbm>> -> memref<1x80x64xi32, #tpu.memory_space<hbm>>
          %dma_start3A_74 = tpu.memref_squeeze %dma_start3A_73 : memref<1x80x64xi32, #tpu.memory_space<hbm>> -> memref<80x64xi32, #tpu.memory_space<hbm>>
          tpu.enqueue_dma source(%dma_start3A_74 : memref<80x64xi32, #tpu.memory_space<hbm>>) target(%arg12 : memref<80x64xi32, #tpu.memory_space<vmem>>) target_semaphore(%run_scoped3A : memref<!tpu.dma_semaphore, #tpu.memory_space<semaphore_mem>>)
          %dma_wait3A_75 = arith.constant 0 : i32
          %dma_wait3A_76 = arith.constant 0 : i32
          %dma_wait3A_77 = tpu.memref_slice %arg7[%add3A, %dma_wait3A_75, %dma_wait3A_76] : memref<32x80x64xi32, #tpu.memory_space<hbm>> -> memref<1x80x64xi32, #tpu.memory_space<hbm>>
          %dma_wait3A_78 = tpu.memref_squeeze %dma_wait3A_77 : memref<1x80x64xi32, #tpu.memory_space<hbm>> -> memref<80x64xi32, #tpu.memory_space<hbm>>
          %dma_wait3A_79 = arith.constant 0 : i32
          %dma_wait3A_80 = arith.constant 0 : i32
          %dma_wait3A_81 = tpu.memref_slice %arg7[%add3A, %dma_wait3A_79, %dma_wait3A_80] : memref<32x80x64xi32, #tpu.memory_space<hbm>> -> memref<1x80x64xi32, #tpu.memory_space<hbm>>
          %dma_wait3A_82 = tpu.memref_squeeze %dma_wait3A_81 : memref<1x80x64xi32, #tpu.memory_space<hbm>> -> memref<80x64xi32, #tpu.memory_space<hbm>>
          tpu.wait_dma2 semaphore(%run_scoped3A : memref<!tpu.dma_semaphore, #tpu.memory_space<semaphore_mem>>) src(%dma_wait3A_82 : memref<80x64xi32, #tpu.memory_space<hbm>>) dst(%arg12 : memref<80x64xi32, #tpu.memory_space<vmem>>)
          tpu.yield
        }) : () -> ()
        %gt3A = arith.constant 0 : i32
        %gt3A_40 = arith.cmpi sgt, %scan3A_37, %gt3A : i32
        %convert_element_type3A_41 = arith.extui %gt3A_40 : i1 to i32
        %cond3A_42 = arith.constant 0 : i32
        %cond3A_43 = arith.cmpi ne, %convert_element_type3A_41, %cond3A_42 : i32
        scf.if %cond3A_43 {
          %dma_wait3A_67 = arith.constant 0 : i32
          %dma_wait3A_68 = arith.constant 0 : i32
          %dma_wait3A_69 = tpu.memref_slice %arg13[%dma_wait3A_67, %dma_wait3A_68] : memref<16x64xi32, #tpu.memory_space<vmem>> -> memref<1x64xi32, #tpu.memory_space<vmem>>
          %dma_wait3A_70 = tpu.memref_squeeze %dma_wait3A_69 : memref<1x64xi32, #tpu.memory_space<vmem>> -> memref<64xi32, #tpu.memory_space<vmem>>
          %dma_wait3A_71 = arith.constant 0 : i32
          %dma_wait3A_72 = arith.constant 0 : i32
          %dma_wait3A_73 = tpu.memref_slice %arg11[%dma_wait3A_71, %dma_wait3A_72] : memref<10240x128xf32, #tpu.memory_space<vmem_shared>> -> memref<10240x128xf32, #tpu.memory_space<vmem_shared>>
          tpu.wait_indirect_dma semaphore(%arg22 : memref<!tpu.dma_semaphore, #tpu.memory_space<semaphore_mem>>) src(%arg14 : memref<64x128xf32, #tpu.memory_space<vmem>>) dst(%dma_wait3A_73 : memref<10240x128xf32, #tpu.memory_space<vmem_shared>>)
        } else {
        }
        %mul3A_44 = arith.constant 80 : i32
        %mul3A_45 = arith.muli %scan3A_37, %mul3A_44 : i32
        %dma_start3A = arith.constant 0 : i32
        %dma_start3A_46 = arith.constant 0 : i32
        %dma_start3A_47 = tpu.memref_slice %arg12[%dma_start3A, %dma_start3A_46] : memref<80x64xi32, #tpu.memory_space<vmem>> -> memref<1x64xi32, #tpu.memory_space<vmem>>
        %dma_start3A_48 = tpu.memref_squeeze %dma_start3A_47 : memref<1x64xi32, #tpu.memory_space<vmem>> -> memref<64xi32, #tpu.memory_space<vmem>>
        %dma_start3A_49 = arith.constant 0 : i32
        %dma_start3A_50 = arith.constant 0 : i32
        %dma_start3A_51 = tpu.memref_slice %arg4[%dma_start3A_49, %dma_start3A_50] : memref<10000x128xf32, #tpu.memory_space<hbm>> -> memref<10000x128xf32, #tpu.memory_space<hbm>>
        tpu.enqueue_indirect_dma source(%dma_start3A_51 : memref<10000x128xf32, #tpu.memory_space<hbm>>) target(%arg14 : memref<64x128xf32, #tpu.memory_space<vmem>>) offsets(%dma_start3A_48 : memref<64xi32, #tpu.memory_space<vmem>>) semaphore(%arg18 : memref<!tpu.dma_semaphore, #tpu.memory_space<semaphore_mem>>)
        %mul3A_52 = arith.constant 10240 : i32
        %mul3A_53 = arith.muli %arg1, %mul3A_52 : i32
        %mul3A_54 = arith.constant 64 : i32
        %mul3A_55 = arith.muli %mul3A_45, %mul3A_54 : i32
        %add3A_56 = arith.addi %mul3A_53, %mul3A_55 : i32
        %dma_start3A_57 = arith.constant 0 : i32
        %dma_start3A_58 = tpu.memref_slice %arg2[%add3A_56, %dma_start3A_57] : memref<163840x128xf32, #tpu.memory_space<hbm>> -> memref<64x128xf32, #tpu.memory_space<hbm>>
        %dma_start3A_59 = arith.constant 0 : i32
        %dma_start3A_60 = tpu.memref_slice %arg2[%add3A_56, %dma_start3A_59] : memref<163840x128xf32, #tpu.memory_space<hbm>> -> memref<64x128xf32, #tpu.memory_space<hbm>>
        tpu.enqueue_dma source(%dma_start3A_60 : memref<64x128xf32, #tpu.memory_space<hbm>>) target(%arg16 : memref<64x128xf32, #tpu.memory_space<vmem>>) target_semaphore(%arg20 : memref<!tpu.dma_semaphore, #tpu.memory_space<semaphore_mem>>)
        %scan3A_61 = arith.constant 0 : i32
        %scan3A_62 = arith.constant 0 : i32
        %scan3A_63 = arith.constant 5 : i32
        %scan3A_64 = arith.addi %scan3A_62, %scan3A_63 : i32
        %scan3A_65 = arith.constant 1 : i32
        scf.for %scan3A_67 = %scan3A_62 to %scan3A_64 step %scan3A_65  : i32 {
          %mul3A_68 = arith.constant 10 : i32
          %mul3A_69 = arith.muli %arg1, %mul3A_68 : i32
          %mul3A_70 = arith.constant 5 : i32
          %mul3A_71 = arith.muli %scan3A_37, %mul3A_70 : i32
          %add3A_72 = arith.addi %mul3A_69, %mul3A_71 : i32
          %add3A_73 = arith.addi %add3A_72, %scan3A_67 : i32
          "tpu.region"() ({
            %run_scoped3A = tpu.sem_alloc : memref<!tpu.dma_semaphore, #tpu.memory_space<semaphore_mem>>
            %dma_start3A_80 = arith.constant 0 : i32
            %dma_start3A_81 = arith.constant 0 : i32
            %dma_start3A_82 = tpu.memref_slice %arg6[%add3A_73, %dma_start3A_80, %dma_start3A_81] : memref<160x16x64xi32, #tpu.memory_space<hbm>> -> memref<1x16x64xi32, #tpu.memory_space<hbm>>
            %dma_start3A_83 = tpu.memref_squeeze %dma_start3A_82 : memref<1x16x64xi32, #tpu.memory_space<hbm>> -> memref<16x64xi32, #tpu.memory_space<hbm>>
            %dma_start3A_84 = arith.constant 0 : i32
            %dma_start3A_85 = arith.constant 0 : i32
            %dma_start3A_86 = tpu.memref_slice %arg6[%add3A_73, %dma_start3A_84, %dma_start3A_85] : memref<160x16x64xi32, #tpu.memory_space<hbm>> -> memref<1x16x64xi32, #tpu.memory_space<hbm>>
            %dma_start3A_87 = tpu.memref_squeeze %dma_start3A_86 : memref<1x16x64xi32, #tpu.memory_space<hbm>> -> memref<16x64xi32, #tpu.memory_space<hbm>>
            tpu.enqueue_dma source(%dma_start3A_87 : memref<16x64xi32, #tpu.memory_space<hbm>>) target(%arg13 : memref<16x64xi32, #tpu.memory_space<vmem>>) target_semaphore(%run_scoped3A : memref<!tpu.dma_semaphore, #tpu.memory_space<semaphore_mem>>)
            %dma_wait3A_88 = arith.constant 0 : i32
            %dma_wait3A_89 = arith.constant 0 : i32
            %dma_wait3A_90 = tpu.memref_slice %arg6[%add3A_73, %dma_wait3A_88, %dma_wait3A_89] : memref<160x16x64xi32, #tpu.memory_space<hbm>> -> memref<1x16x64xi32, #tpu.memory_space<hbm>>
            %dma_wait3A_91 = tpu.memref_squeeze %dma_wait3A_90 : memref<1x16x64xi32, #tpu.memory_space<hbm>> -> memref<16x64xi32, #tpu.memory_space<hbm>>
            %dma_wait3A_92 = arith.constant 0 : i32
            %dma_wait3A_93 = arith.constant 0 : i32
            %dma_wait3A_94 = tpu.memref_slice %arg6[%add3A_73, %dma_wait3A_92, %dma_wait3A_93] : memref<160x16x64xi32, #tpu.memory_space<hbm>> -> memref<1x16x64xi32, #tpu.memory_space<hbm>>
            %dma_wait3A_95 = tpu.memref_squeeze %dma_wait3A_94 : memref<1x16x64xi32, #tpu.memory_space<hbm>> -> memref<16x64xi32, #tpu.memory_space<hbm>>
            tpu.wait_dma2 semaphore(%run_scoped3A : memref<!tpu.dma_semaphore, #tpu.memory_space<semaphore_mem>>) src(%dma_wait3A_95 : memref<16x64xi32, #tpu.memory_space<hbm>>) dst(%arg13 : memref<16x64xi32, #tpu.memory_space<vmem>>)
            tpu.yield
          }) : () -> ()
          %scan3A_74 = arith.constant 0 : i32
          %scan3A_75 = arith.constant 0 : i32
          %scan3A_76 = arith.constant 8 : i32
          %scan3A_77 = arith.addi %scan3A_75, %scan3A_76 : i32
          %scan3A_78 = arith.constant 1 : i32
          scf.for %scan3A_80 = %scan3A_75 to %scan3A_77 step %scan3A_78  : i32 {
            %mul3A_81 = arith.constant 16 : i32
            %mul3A_82 = arith.muli %scan3A_67, %mul3A_81 : i32
            %mul3A_83 = arith.constant 2 : i32
            %mul3A_84 = arith.muli %scan3A_80, %mul3A_83 : i32
            %add3A_85 = arith.addi %mul3A_82, %mul3A_84 : i32
            %add3A_86 = arith.constant 0 : i32
            %add3A_87 = arith.addi %add3A_85, %add3A_86 : i32
            %mul3A_88 = arith.constant 80 : i32
            %mul3A_89 = arith.muli %scan3A_37, %mul3A_88 : i32
            %add3A_90 = arith.addi %mul3A_89, %add3A_87 : i32
            %add3A_91 = arith.addi %scan3A_37, %scan3A_67 : i32
            %add3A_92 = arith.addi %add3A_91, %scan3A_80 : i32
            %gt3A_93 = arith.constant 0 : i32
            %gt3A_94 = arith.cmpi sgt, %add3A_92, %gt3A_93 : i32
            %convert_element_type3A_95 = arith.extui %gt3A_94 : i1 to i32
            %cond3A_96 = arith.constant 0 : i32
            %cond3A_97 = arith.cmpi ne, %convert_element_type3A_95, %cond3A_96 : i32
            scf.if %cond3A_97 {
              %dma_wait3A_198 = arith.constant 0 : i32
              %dma_wait3A_199 = arith.constant 0 : i32
              %dma_wait3A_200 = tpu.memref_slice %arg13[%dma_wait3A_198, %dma_wait3A_199] : memref<16x64xi32, #tpu.memory_space<vmem>> -> memref<1x64xi32, #tpu.memory_space<vmem>>
              %dma_wait3A_201 = tpu.memref_squeeze %dma_wait3A_200 : memref<1x64xi32, #tpu.memory_space<vmem>> -> memref<64xi32, #tpu.memory_space<vmem>>
              %dma_wait3A_202 = arith.constant 0 : i32
              %dma_wait3A_203 = arith.constant 0 : i32
              %dma_wait3A_204 = tpu.memref_slice %arg11[%dma_wait3A_202, %dma_wait3A_203] : memref<10240x128xf32, #tpu.memory_space<vmem_shared>> -> memref<10240x128xf32, #tpu.memory_space<vmem_shared>>
              tpu.wait_indirect_dma semaphore(%arg23 : memref<!tpu.dma_semaphore, #tpu.memory_space<semaphore_mem>>) src(%arg15 : memref<64x128xf32, #tpu.memory_space<vmem>>) dst(%dma_wait3A_204 : memref<10240x128xf32, #tpu.memory_space<vmem_shared>>)
            } else {
            }
            %add3A_98 = arith.constant 1 : i32
            %add3A_99 = arith.addi %add3A_87, %add3A_98 : i32
            %lt3A = arith.constant 80 : i32
            %lt3A_100 = arith.cmpi slt, %add3A_99, %lt3A : i32
            %add3A_101 = arith.constant 1 : i32
            %add3A_102 = arith.addi %add3A_90, %add3A_101 : i32
            %add3A_103 = arith.constant 1 : i32
            %add3A_104 = arith.addi %add3A_87, %add3A_103 : i32
            %convert_element_type3A_105 = arith.extui %lt3A_100 : i1 to i32
            %cond3A_106 = arith.constant 0 : i32
            %cond3A_107 = arith.cmpi ne, %convert_element_type3A_105, %cond3A_106 : i32
            scf.if %cond3A_107 {
              %dma_start3A_198 = arith.constant 0 : i32
              %dma_start3A_199 = tpu.memref_slice %arg12[%add3A_104, %dma_start3A_198] : memref<80x64xi32, #tpu.memory_space<vmem>> -> memref<1x64xi32, #tpu.memory_space<vmem>>
              %dma_start3A_200 = tpu.memref_squeeze %dma_start3A_199 : memref<1x64xi32, #tpu.memory_space<vmem>> -> memref<64xi32, #tpu.memory_space<vmem>>
              %dma_start3A_201 = arith.constant 0 : i32
              %dma_start3A_202 = arith.constant 0 : i32
              %dma_start3A_203 = tpu.memref_slice %arg4[%dma_start3A_201, %dma_start3A_202] : memref<10000x128xf32, #tpu.memory_space<hbm>> -> memref<10000x128xf32, #tpu.memory_space<hbm>>
              tpu.enqueue_indirect_dma source(%dma_start3A_203 : memref<10000x128xf32, #tpu.memory_space<hbm>>) target(%arg15 : memref<64x128xf32, #tpu.memory_space<vmem>>) offsets(%dma_start3A_200 : memref<64xi32, #tpu.memory_space<vmem>>) semaphore(%arg19 : memref<!tpu.dma_semaphore, #tpu.memory_space<semaphore_mem>>)
              %mul3A_204 = arith.constant 10240 : i32
              %mul3A_205 = arith.muli %arg1, %mul3A_204 : i32
              %mul3A_206 = arith.constant 64 : i32
              %mul3A_207 = arith.muli %add3A_102, %mul3A_206 : i32
              %add3A_208 = arith.addi %mul3A_205, %mul3A_207 : i32
              %dma_start3A_209 = arith.constant 0 : i32
              %dma_start3A_210 = tpu.memref_slice %arg2[%add3A_208, %dma_start3A_209] : memref<163840x128xf32, #tpu.memory_space<hbm>> -> memref<64x128xf32, #tpu.memory_space<hbm>>
              %dma_start3A_211 = arith.constant 0 : i32
              %dma_start3A_212 = tpu.memref_slice %arg2[%add3A_208, %dma_start3A_211] : memref<163840x128xf32, #tpu.memory_space<hbm>> -> memref<64x128xf32, #tpu.memory_space<hbm>>
              tpu.enqueue_dma source(%dma_start3A_212 : memref<64x128xf32, #tpu.memory_space<hbm>>) target(%arg17 : memref<64x128xf32, #tpu.memory_space<vmem>>) target_semaphore(%arg21 : memref<!tpu.dma_semaphore, #tpu.memory_space<semaphore_mem>>)
            } else {
            }
            %dma_wait3A_108 = arith.constant 0 : i32
            %dma_wait3A_109 = tpu.memref_slice %arg12[%add3A_87, %dma_wait3A_108] : memref<80x64xi32, #tpu.memory_space<vmem>> -> memref<1x64xi32, #tpu.memory_space<vmem>>
            %dma_wait3A_110 = tpu.memref_squeeze %dma_wait3A_109 : memref<1x64xi32, #tpu.memory_space<vmem>> -> memref<64xi32, #tpu.memory_space<vmem>>
            %dma_wait3A_111 = arith.constant 0 : i32
            %dma_wait3A_112 = arith.constant 0 : i32
            %dma_wait3A_113 = tpu.memref_slice %arg4[%dma_wait3A_111, %dma_wait3A_112] : memref<10000x128xf32, #tpu.memory_space<hbm>> -> memref<10000x128xf32, #tpu.memory_space<hbm>>
            tpu.wait_indirect_dma semaphore(%arg18 : memref<!tpu.dma_semaphore, #tpu.memory_space<semaphore_mem>>) src(%dma_wait3A_113 : memref<10000x128xf32, #tpu.memory_space<hbm>>) dst(%arg14 : memref<64x128xf32, #tpu.memory_space<vmem>>)
            %mul3A_114 = arith.constant 10240 : i32
            %mul3A_115 = arith.muli %arg1, %mul3A_114 : i32
            %mul3A_116 = arith.constant 64 : i32
            %mul3A_117 = arith.muli %add3A_90, %mul3A_116 : i32
            %add3A_118 = arith.addi %mul3A_115, %mul3A_117 : i32
            %dma_wait3A_119 = arith.constant 0 : i32
            %dma_wait3A_120 = tpu.memref_slice %arg2[%add3A_118, %dma_wait3A_119] : memref<163840x128xf32, #tpu.memory_space<hbm>> -> memref<64x128xf32, #tpu.memory_space<hbm>>
            %dma_wait3A_121 = arith.constant 0 : i32
            %dma_wait3A_122 = tpu.memref_slice %arg2[%add3A_118, %dma_wait3A_121] : memref<163840x128xf32, #tpu.memory_space<hbm>> -> memref<64x128xf32, #tpu.memory_space<hbm>>
            tpu.wait_dma2 semaphore(%arg20 : memref<!tpu.dma_semaphore, #tpu.memory_space<semaphore_mem>>) src(%dma_wait3A_122 : memref<64x128xf32, #tpu.memory_space<hbm>>) dst(%arg16 : memref<64x128xf32, #tpu.memory_space<vmem>>)
            %scan3A_123 = arith.constant 0 : i32
            %scan3A_124 = arith.constant 0 : i32
            %scan3A_125 = arith.constant 64 : i32
            %scan3A_126 = arith.addi %scan3A_124, %scan3A_125 : i32
            %scan3A_127 = arith.constant 1 : i32
            scf.for %scan3A_198 = %scan3A_124 to %scan3A_126 step %scan3A_127  : i32 {
              %get3A = arith.index_cast %scan3A_198 : i32 to index
              %get3A_199 = arith.constant 0 : index
              %get3A_200 = tpu.vector_load %arg14[%get3A, %get3A_199] {strides = array<i32>} : memref<64x128xf32, #tpu.memory_space<vmem>>, vector<16xf32>,
              %get3A_201 = arith.index_cast %scan3A_198 : i32 to index
              %get3A_202 = arith.constant 0 : index
              %get3A_203 = tpu.vector_load %arg16[%get3A_201, %get3A_202] {strides = array<i32>} : memref<64x128xf32, #tpu.memory_space<vmem>>, vector<16xf32>,
              %mul3A_204 = arith.mulf %get3A_200, %get3A_203 : vector<16xf32>
              %swap3A = arith.index_cast %scan3A_198 : i32 to index
              %swap3A_205 = arith.constant 0 : index
              %swap3A_206 = tpu.vector_load %arg14[%swap3A, %swap3A_205] {strides = array<i32>} : memref<64x128xf32, #tpu.memory_space<vmem>>, vector<16xf32>,
              tpu.vector_store %arg14[%swap3A, %swap3A_205], %mul3A_204 {strides = array<i32>} : memref<64x128xf32, #tpu.memory_space<vmem>>, vector<16xf32>,
              %get3A_207 = arith.index_cast %scan3A_198 : i32 to index
              %get3A_208 = arith.constant 16 : index
              %get3A_209 = tpu.vector_load %arg14[%get3A_207, %get3A_208] {strides = array<i32>} : memref<64x128xf32, #tpu.memory_space<vmem>>, vector<16xf32>,
              %get3A_210 = arith.index_cast %scan3A_198 : i32 to index
              %get3A_211 = arith.constant 16 : index
              %get3A_212 = tpu.vector_load %arg16[%get3A_210, %get3A_211] {strides = array<i32>} : memref<64x128xf32, #tpu.memory_space<vmem>>, vector<16xf32>,
              %mul3A_213 = arith.mulf %get3A_209, %get3A_212 : vector<16xf32>
              %swap3A_214 = arith.index_cast %scan3A_198 : i32 to index
              %swap3A_215 = arith.constant 16 : index
              %swap3A_216 = tpu.vector_load %arg14[%swap3A_214, %swap3A_215] {strides = array<i32>} : memref<64x128xf32, #tpu.memory_space<vmem>>, vector<16xf32>,
              tpu.vector_store %arg14[%swap3A_214, %swap3A_215], %mul3A_213 {strides = array<i32>} : memref<64x128xf32, #tpu.memory_space<vmem>>, vector<16xf32>,
              %get3A_217 = arith.index_cast %scan3A_198 : i32 to index
              %get3A_218 = arith.constant 32 : index
              %get3A_219 = tpu.vector_load %arg14[%get3A_217, %get3A_218] {strides = array<i32>} : memref<64x128xf32, #tpu.memory_space<vmem>>, vector<16xf32>,
              %get3A_220 = arith.index_cast %scan3A_198 : i32 to index
              %get3A_221 = arith.constant 32 : index
              %get3A_222 = tpu.vector_load %arg16[%get3A_220, %get3A_221] {strides = array<i32>} : memref<64x128xf32, #tpu.memory_space<vmem>>, vector<16xf32>,
              %mul3A_223 = arith.mulf %get3A_219, %get3A_222 : vector<16xf32>
              %swap3A_224 = arith.index_cast %scan3A_198 : i32 to index
              %swap3A_225 = arith.constant 32 : index
              %swap3A_226 = tpu.vector_load %arg14[%swap3A_224, %swap3A_225] {strides = array<i32>} : memref<64x128xf32, #tpu.memory_space<vmem>>, vector<16xf32>,
              tpu.vector_store %arg14[%swap3A_224, %swap3A_225], %mul3A_223 {strides = array<i32>} : memref<64x128xf32, #tpu.memory_space<vmem>>, vector<16xf32>,
              %get3A_227 = arith.index_cast %scan3A_198 : i32 to index
              %get3A_228 = arith.constant 48 : index
              %get3A_229 = tpu.vector_load %arg14[%get3A_227, %get3A_228] {strides = array<i32>} : memref<64x128xf32, #tpu.memory_space<vmem>>, vector<16xf32>,
              %get3A_230 = arith.index_cast %scan3A_198 : i32 to index
              %get3A_231 = arith.constant 48 : index
              %get3A_232 = tpu.vector_load %arg16[%get3A_230, %get3A_231] {strides = array<i32>} : memref<64x128xf32, #tpu.memory_space<vmem>>, vector<16xf32>,
              %mul3A_233 = arith.mulf %get3A_229, %get3A_232 : vector<16xf32>
              %swap3A_234 = arith.index_cast %scan3A_198 : i32 to index
              %swap3A_235 = arith.constant 48 : index
              %swap3A_236 = tpu.vector_load %arg14[%swap3A_234, %swap3A_235] {strides = array<i32>} : memref<64x128xf32, #tpu.memory_space<vmem>>, vector<16xf32>,
              tpu.vector_store %arg14[%swap3A_234, %swap3A_235], %mul3A_233 {strides = array<i32>} : memref<64x128xf32, #tpu.memory_space<vmem>>, vector<16xf32>,
              %get3A_237 = arith.index_cast %scan3A_198 : i32 to index
              %get3A_238 = arith.constant 64 : index
              %get3A_239 = tpu.vector_load %arg14[%get3A_237, %get3A_238] {strides = array<i32>} : memref<64x128xf32, #tpu.memory_space<vmem>>, vector<16xf32>,
              %get3A_240 = arith.index_cast %scan3A_198 : i32 to index
              %get3A_241 = arith.constant 64 : index
              %get3A_242 = tpu.vector_load %arg16[%get3A_240, %get3A_241] {strides = array<i32>} : memref<64x128xf32, #tpu.memory_space<vmem>>, vector<16xf32>,
              %mul3A_243 = arith.mulf %get3A_239, %get3A_242 : vector<16xf32>
              %swap3A_244 = arith.index_cast %scan3A_198 : i32 to index
              %swap3A_245 = arith.constant 64 : index
              %swap3A_246 = tpu.vector_load %arg14[%swap3A_244, %swap3A_245] {strides = array<i32>} : memref<64x128xf32, #tpu.memory_space<vmem>>, vector<16xf32>,
              tpu.vector_store %arg14[%swap3A_244, %swap3A_245], %mul3A_243 {strides = array<i32>} : memref<64x128xf32, #tpu.memory_space<vmem>>, vector<16xf32>,
              %get3A_247 = arith.index_cast %scan3A_198 : i32 to index
              %get3A_248 = arith.constant 80 : index
              %get3A_249 = tpu.vector_load %arg14[%get3A_247, %get3A_248] {strides = array<i32>} : memref<64x128xf32, #tpu.memory_space<vmem>>, vector<16xf32>,
              %get3A_250 = arith.index_cast %scan3A_198 : i32 to index
              %get3A_251 = arith.constant 80 : index
              %get3A_252 = tpu.vector_load %arg16[%get3A_250, %get3A_251] {strides = array<i32>} : memref<64x128xf32, #tpu.memory_space<vmem>>, vector<16xf32>,
              %mul3A_253 = arith.mulf %get3A_249, %get3A_252 : vector<16xf32>
              %swap3A_254 = arith.index_cast %scan3A_198 : i32 to index
              %swap3A_255 = arith.constant 80 : index
              %swap3A_256 = tpu.vector_load %arg14[%swap3A_254, %swap3A_255] {strides = array<i32>} : memref<64x128xf32, #tpu.memory_space<vmem>>, vector<16xf32>,
              tpu.vector_store %arg14[%swap3A_254, %swap3A_255], %mul3A_253 {strides = array<i32>} : memref<64x128xf32, #tpu.memory_space<vmem>>, vector<16xf32>,
              %get3A_257 = arith.index_cast %scan3A_198 : i32 to index
              %get3A_258 = arith.constant 96 : index
              %get3A_259 = tpu.vector_load %arg14[%get3A_257, %get3A_258] {strides = array<i32>} : memref<64x128xf32, #tpu.memory_space<vmem>>, vector<16xf32>,
              %get3A_260 = arith.index_cast %scan3A_198 : i32 to index
              %get3A_261 = arith.constant 96 : index
              %get3A_262 = tpu.vector_load %arg16[%get3A_260, %get3A_261] {strides = array<i32>} : memref<64x128xf32, #tpu.memory_space<vmem>>, vector<16xf32>,
              %mul3A_263 = arith.mulf %get3A_259, %get3A_262 : vector<16xf32>
              %swap3A_264 = arith.index_cast %scan3A_198 : i32 to index
              %swap3A_265 = arith.constant 96 : index
              %swap3A_266 = tpu.vector_load %arg14[%swap3A_264, %swap3A_265] {strides = array<i32>} : memref<64x128xf32, #tpu.memory_space<vmem>>, vector<16xf32>,
              tpu.vector_store %arg14[%swap3A_264, %swap3A_265], %mul3A_263 {strides = array<i32>} : memref<64x128xf32, #tpu.memory_space<vmem>>, vector<16xf32>,
              %get3A_267 = arith.index_cast %scan3A_198 : i32 to index
              %get3A_268 = arith.constant 112 : index
              %get3A_269 = tpu.vector_load %arg14[%get3A_267, %get3A_268] {strides = array<i32>} : memref<64x128xf32, #tpu.memory_space<vmem>>, vector<16xf32>,
              %get3A_270 = arith.index_cast %scan3A_198 : i32 to index
              %get3A_271 = arith.constant 112 : index
              %get3A_272 = tpu.vector_load %arg16[%get3A_270, %get3A_271] {strides = array<i32>} : memref<64x128xf32, #tpu.memory_space<vmem>>, vector<16xf32>,
              %mul3A_273 = arith.mulf %get3A_269, %get3A_272 : vector<16xf32>
              %swap3A_274 = arith.index_cast %scan3A_198 : i32 to index
              %swap3A_275 = arith.constant 112 : index
              %swap3A_276 = tpu.vector_load %arg14[%swap3A_274, %swap3A_275] {strides = array<i32>} : memref<64x128xf32, #tpu.memory_space<vmem>>, vector<16xf32>,
              tpu.vector_store %arg14[%swap3A_274, %swap3A_275], %mul3A_273 {strides = array<i32>} : memref<64x128xf32, #tpu.memory_space<vmem>>, vector<16xf32>,
            }
            %scan3A_128 = arith.constant 64 : i32
            %mul3A_129 = arith.constant 2 : i32
            %mul3A_130 = arith.muli %scan3A_80, %mul3A_129 : i32
            %add3A_131 = arith.constant 0 : i32
            %add3A_132 = arith.addi %mul3A_130, %add3A_131 : i32
            %dma_start3A_133 = arith.constant 0 : i32
            %dma_start3A_134 = tpu.memref_slice %arg13[%add3A_132, %dma_start3A_133] : memref<16x64xi32, #tpu.memory_space<vmem>> -> memref<1x64xi32, #tpu.memory_space<vmem>>
            %dma_start3A_135 = tpu.memref_squeeze %dma_start3A_134 : memref<1x64xi32, #tpu.memory_space<vmem>> -> memref<64xi32, #tpu.memory_space<vmem>>
            %dma_start3A_136 = arith.constant 0 : i32
            %dma_start3A_137 = arith.constant 0 : i32
            %dma_start3A_138 = tpu.memref_slice %arg11[%dma_start3A_136, %dma_start3A_137] : memref<10240x128xf32, #tpu.memory_space<vmem_shared>> -> memref<10240x128xf32, #tpu.memory_space<vmem_shared>>
            tpu.enqueue_indirect_dma source(%arg14 : memref<64x128xf32, #tpu.memory_space<vmem>>) target(%dma_start3A_138 : memref<10240x128xf32, #tpu.memory_space<vmem_shared>>) offsets(%dma_start3A_135 : memref<64xi32, #tpu.memory_space<vmem>>) semaphore(%arg22 : memref<!tpu.dma_semaphore, #tpu.memory_space<semaphore_mem>>) {add = true}
            %mul3A_139 = arith.constant 16 : i32
            %mul3A_140 = arith.muli %scan3A_67, %mul3A_139 : i32
            %mul3A_141 = arith.constant 2 : i32
            %mul3A_142 = arith.muli %scan3A_80, %mul3A_141 : i32
            %add3A_143 = arith.addi %mul3A_140, %mul3A_142 : i32
            %add3A_144 = arith.constant 1 : i32
            %add3A_145 = arith.addi %add3A_143, %add3A_144 : i32
            %mul3A_146 = arith.constant 80 : i32
            %mul3A_147 = arith.muli %scan3A_37, %mul3A_146 : i32
            %add3A_148 = arith.addi %mul3A_147, %add3A_145 : i32
            %add3A_149 = arith.constant 1 : i32
            %add3A_150 = arith.addi %add3A_145, %add3A_149 : i32
            %lt3A_151 = arith.constant 80 : i32
            %lt3A_152 = arith.cmpi slt, %add3A_150, %lt3A_151 : i32
            %convert_element_type3A_153 = arith.extui %lt3A_152 : i1 to i32
            %cond3A_154 = arith.constant 0 : i32
            %cond3A_155 = arith.cmpi ne, %convert_element_type3A_153, %cond3A_154 : i32
            scf.if %cond3A_155 {
              %dma_wait3A_198 = arith.constant 0 : i32
              %dma_wait3A_199 = arith.constant 0 : i32
              %dma_wait3A_200 = tpu.memref_slice %arg13[%dma_wait3A_198, %dma_wait3A_199] : memref<16x64xi32, #tpu.memory_space<vmem>> -> memref<1x64xi32, #tpu.memory_space<vmem>>
              %dma_wait3A_201 = tpu.memref_squeeze %dma_wait3A_200 : memref<1x64xi32, #tpu.memory_space<vmem>> -> memref<64xi32, #tpu.memory_space<vmem>>
              %dma_wait3A_202 = arith.constant 0 : i32
              %dma_wait3A_203 = arith.constant 0 : i32
              %dma_wait3A_204 = tpu.memref_slice %arg11[%dma_wait3A_202, %dma_wait3A_203] : memref<10240x128xf32, #tpu.memory_space<vmem_shared>> -> memref<10240x128xf32, #tpu.memory_space<vmem_shared>>
              tpu.wait_indirect_dma semaphore(%arg22 : memref<!tpu.dma_semaphore, #tpu.memory_space<semaphore_mem>>) src(%arg14 : memref<64x128xf32, #tpu.memory_space<vmem>>) dst(%dma_wait3A_204 : memref<10240x128xf32, #tpu.memory_space<vmem_shared>>)
            } else {
            }
            %add3A_156 = arith.constant 1 : i32
            %add3A_157 = arith.addi %add3A_145, %add3A_156 : i32
            %lt3A_158 = arith.constant 80 : i32
            %lt3A_159 = arith.cmpi slt, %add3A_157, %lt3A_158 : i32
            %add3A_160 = arith.constant 1 : i32
            %add3A_161 = arith.addi %add3A_148, %add3A_160 : i32
            %add3A_162 = arith.constant 1 : i32
            %add3A_163 = arith.addi %add3A_145, %add3A_162 : i32
            %convert_element_type3A_164 = arith.extui %lt3A_159 : i1 to i32
            %cond3A_165 = arith.constant 0 : i32
            %cond3A_166 = arith.cmpi ne, %convert_element_type3A_164, %cond3A_165 : i32
            scf.if %cond3A_166 {
              %dma_start3A_198 = arith.constant 0 : i32
              %dma_start3A_199 = tpu.memref_slice %arg12[%add3A_163, %dma_start3A_198] : memref<80x64xi32, #tpu.memory_space<vmem>> -> memref<1x64xi32, #tpu.memory_space<vmem>>
              %dma_start3A_200 = tpu.memref_squeeze %dma_start3A_199 : memref<1x64xi32, #tpu.memory_space<vmem>> -> memref<64xi32, #tpu.memory_space<vmem>>
              %dma_start3A_201 = arith.constant 0 : i32
              %dma_start3A_202 = arith.constant 0 : i32
              %dma_start3A_203 = tpu.memref_slice %arg4[%dma_start3A_201, %dma_start3A_202] : memref<10000x128xf32, #tpu.memory_space<hbm>> -> memref<10000x128xf32, #tpu.memory_space<hbm>>
              tpu.enqueue_indirect_dma source(%dma_start3A_203 : memref<10000x128xf32, #tpu.memory_space<hbm>>) target(%arg14 : memref<64x128xf32, #tpu.memory_space<vmem>>) offsets(%dma_start3A_200 : memref<64xi32, #tpu.memory_space<vmem>>) semaphore(%arg18 : memref<!tpu.dma_semaphore, #tpu.memory_space<semaphore_mem>>)
              %mul3A_204 = arith.constant 10240 : i32
              %mul3A_205 = arith.muli %arg1, %mul3A_204 : i32
              %mul3A_206 = arith.constant 64 : i32
              %mul3A_207 = arith.muli %add3A_161, %mul3A_206 : i32
              %add3A_208 = arith.addi %mul3A_205, %mul3A_207 : i32
              %dma_start3A_209 = arith.constant 0 : i32
              %dma_start3A_210 = tpu.memref_slice %arg2[%add3A_208, %dma_start3A_209] : memref<163840x128xf32, #tpu.memory_space<hbm>> -> memref<64x128xf32, #tpu.memory_space<hbm>>
              %dma_start3A_211 = arith.constant 0 : i32
              %dma_start3A_212 = tpu.memref_slice %arg2[%add3A_208, %dma_start3A_211] : memref<163840x128xf32, #tpu.memory_space<hbm>> -> memref<64x128xf32, #tpu.memory_space<hbm>>
              tpu.enqueue_dma source(%dma_start3A_212 : memref<64x128xf32, #tpu.memory_space<hbm>>) target(%arg16 : memref<64x128xf32, #tpu.memory_space<vmem>>) target_semaphore(%arg20 : memref<!tpu.dma_semaphore, #tpu.memory_space<semaphore_mem>>)
            } else {
            }
            %dma_wait3A_167 = arith.constant 0 : i32
            %dma_wait3A_168 = tpu.memref_slice %arg12[%add3A_145, %dma_wait3A_167] : memref<80x64xi32, #tpu.memory_space<vmem>> -> memref<1x64xi32, #tpu.memory_space<vmem>>
            %dma_wait3A_169 = tpu.memref_squeeze %dma_wait3A_168 : memref<1x64xi32, #tpu.memory_space<vmem>> -> memref<64xi32, #tpu.memory_space<vmem>>
            %dma_wait3A_170 = arith.constant 0 : i32
            %dma_wait3A_171 = arith.constant 0 : i32
            %dma_wait3A_172 = tpu.memref_slice %arg4[%dma_wait3A_170, %dma_wait3A_171] : memref<10000x128xf32, #tpu.memory_space<hbm>> -> memref<10000x128xf32, #tpu.memory_space<hbm>>
            tpu.wait_indirect_dma semaphore(%arg19 : memref<!tpu.dma_semaphore, #tpu.memory_space<semaphore_mem>>) src(%dma_wait3A_172 : memref<10000x128xf32, #tpu.memory_space<hbm>>) dst(%arg15 : memref<64x128xf32, #tpu.memory_space<vmem>>)
            %mul3A_173 = arith.constant 10240 : i32
            %mul3A_174 = arith.muli %arg1, %mul3A_173 : i32
            %mul3A_175 = arith.constant 64 : i32
            %mul3A_176 = arith.muli %add3A_148, %mul3A_175 : i32
            %add3A_177 = arith.addi %mul3A_174, %mul3A_176 : i32
            %dma_wait3A_178 = arith.constant 0 : i32
            %dma_wait3A_179 = tpu.memref_slice %arg2[%add3A_177, %dma_wait3A_178] : memref<163840x128xf32, #tpu.memory_space<hbm>> -> memref<64x128xf32, #tpu.memory_space<hbm>>
            %dma_wait3A_180 = arith.constant 0 : i32
            %dma_wait3A_181 = tpu.memref_slice %arg2[%add3A_177, %dma_wait3A_180] : memref<163840x128xf32, #tpu.memory_space<hbm>> -> memref<64x128xf32, #tpu.memory_space<hbm>>
            tpu.wait_dma2 semaphore(%arg21 : memref<!tpu.dma_semaphore, #tpu.memory_space<semaphore_mem>>) src(%dma_wait3A_181 : memref<64x128xf32, #tpu.memory_space<hbm>>) dst(%arg17 : memref<64x128xf32, #tpu.memory_space<vmem>>)
            %scan3A_182 = arith.constant 0 : i32
            %scan3A_183 = arith.constant 0 : i32
            %scan3A_184 = arith.constant 64 : i32
            %scan3A_185 = arith.addi %scan3A_183, %scan3A_184 : i32
            %scan3A_186 = arith.constant 1 : i32
            scf.for %scan3A_198 = %scan3A_183 to %scan3A_185 step %scan3A_186  : i32 {
              %get3A = arith.index_cast %scan3A_198 : i32 to index
              %get3A_199 = arith.constant 0 : index
              %get3A_200 = tpu.vector_load %arg15[%get3A, %get3A_199] {strides = array<i32>} : memref<64x128xf32, #tpu.memory_space<vmem>>, vector<16xf32>,
              %get3A_201 = arith.index_cast %scan3A_198 : i32 to index
              %get3A_202 = arith.constant 0 : index
              %get3A_203 = tpu.vector_load %arg17[%get3A_201, %get3A_202] {strides = array<i32>} : memref<64x128xf32, #tpu.memory_space<vmem>>, vector<16xf32>,
              %mul3A_204 = arith.mulf %get3A_200, %get3A_203 : vector<16xf32>
              %swap3A = arith.index_cast %scan3A_198 : i32 to index
              %swap3A_205 = arith.constant 0 : index
              %swap3A_206 = tpu.vector_load %arg15[%swap3A, %swap3A_205] {strides = array<i32>} : memref<64x128xf32, #tpu.memory_space<vmem>>, vector<16xf32>,
              tpu.vector_store %arg15[%swap3A, %swap3A_205], %mul3A_204 {strides = array<i32>} : memref<64x128xf32, #tpu.memory_space<vmem>>, vector<16xf32>,
              %get3A_207 = arith.index_cast %scan3A_198 : i32 to index
              %get3A_208 = arith.constant 16 : index
              %get3A_209 = tpu.vector_load %arg15[%get3A_207, %get3A_208] {strides = array<i32>} : memref<64x128xf32, #tpu.memory_space<vmem>>, vector<16xf32>,
              %get3A_210 = arith.index_cast %scan3A_198 : i32 to index
              %get3A_211 = arith.constant 16 : index
              %get3A_212 = tpu.vector_load %arg17[%get3A_210, %get3A_211] {strides = array<i32>} : memref<64x128xf32, #tpu.memory_space<vmem>>, vector<16xf32>,
              %mul3A_213 = arith.mulf %get3A_209, %get3A_212 : vector<16xf32>
              %swap3A_214 = arith.index_cast %scan3A_198 : i32 to index
              %swap3A_215 = arith.constant 16 : index
              %swap3A_216 = tpu.vector_load %arg15[%swap3A_214, %swap3A_215] {strides = array<i32>} : memref<64x128xf32, #tpu.memory_space<vmem>>, vector<16xf32>,
              tpu.vector_store %arg15[%swap3A_214, %swap3A_215], %mul3A_213 {strides = array<i32>} : memref<64x128xf32, #tpu.memory_space<vmem>>, vector<16xf32>,
              %get3A_217 = arith.index_cast %scan3A_198 : i32 to index
              %get3A_218 = arith.constant 32 : index
              %get3A_219 = tpu.vector_load %arg15[%get3A_217, %get3A_218] {strides = array<i32>} : memref<64x128xf32, #tpu.memory_space<vmem>>, vector<16xf32>,
              %get3A_220 = arith.index_cast %scan3A_198 : i32 to index
              %get3A_221 = arith.constant 32 : index
              %get3A_222 = tpu.vector_load %arg17[%get3A_220, %get3A_221] {strides = array<i32>} : memref<64x128xf32, #tpu.memory_space<vmem>>, vector<16xf32>,
              %mul3A_223 = arith.mulf %get3A_219, %get3A_222 : vector<16xf32>
              %swap3A_224 = arith.index_cast %scan3A_198 : i32 to index
              %swap3A_225 = arith.constant 32 : index
              %swap3A_226 = tpu.vector_load %arg15[%swap3A_224, %swap3A_225] {strides = array<i32>} : memref<64x128xf32, #tpu.memory_space<vmem>>, vector<16xf32>,
              tpu.vector_store %arg15[%swap3A_224, %swap3A_225], %mul3A_223 {strides = array<i32>} : memref<64x128xf32, #tpu.memory_space<vmem>>, vector<16xf32>,
              %get3A_227 = arith.index_cast %scan3A_198 : i32 to index
              %get3A_228 = arith.constant 48 : index
              %get3A_229 = tpu.vector_load %arg15[%get3A_227, %get3A_228] {strides = array<i32>} : memref<64x128xf32, #tpu.memory_space<vmem>>, vector<16xf32>,
              %get3A_230 = arith.index_cast %scan3A_198 : i32 to index
              %get3A_231 = arith.constant 48 : index
              %get3A_232 = tpu.vector_load %arg17[%get3A_230, %get3A_231] {strides = array<i32>} : memref<64x128xf32, #tpu.memory_space<vmem>>, vector<16xf32>,
              %mul3A_233 = arith.mulf %get3A_229, %get3A_232 : vector<16xf32>
              %swap3A_234 = arith.index_cast %scan3A_198 : i32 to index
              %swap3A_235 = arith.constant 48 : index
              %swap3A_236 = tpu.vector_load %arg15[%swap3A_234, %swap3A_235] {strides = array<i32>} : memref<64x128xf32, #tpu.memory_space<vmem>>, vector<16xf32>,
              tpu.vector_store %arg15[%swap3A_234, %swap3A_235], %mul3A_233 {strides = array<i32>} : memref<64x128xf32, #tpu.memory_space<vmem>>, vector<16xf32>,
              %get3A_237 = arith.index_cast %scan3A_198 : i32 to index
              %get3A_238 = arith.constant 64 : index
              %get3A_239 = tpu.vector_load %arg15[%get3A_237, %get3A_238] {strides = array<i32>} : memref<64x128xf32, #tpu.memory_space<vmem>>, vector<16xf32>,
              %get3A_240 = arith.index_cast %scan3A_198 : i32 to index
              %get3A_241 = arith.constant 64 : index
              %get3A_242 = tpu.vector_load %arg17[%get3A_240, %get3A_241] {strides = array<i32>} : memref<64x128xf32, #tpu.memory_space<vmem>>, vector<16xf32>,
              %mul3A_243 = arith.mulf %get3A_239, %get3A_242 : vector<16xf32>
              %swap3A_244 = arith.index_cast %scan3A_198 : i32 to index
              %swap3A_245 = arith.constant 64 : index
              %swap3A_246 = tpu.vector_load %arg15[%swap3A_244, %swap3A_245] {strides = array<i32>} : memref<64x128xf32, #tpu.memory_space<vmem>>, vector<16xf32>,
              tpu.vector_store %arg15[%swap3A_244, %swap3A_245], %mul3A_243 {strides = array<i32>} : memref<64x128xf32, #tpu.memory_space<vmem>>, vector<16xf32>,
              %get3A_247 = arith.index_cast %scan3A_198 : i32 to index
              %get3A_248 = arith.constant 80 : index
              %get3A_249 = tpu.vector_load %arg15[%get3A_247, %get3A_248] {strides = array<i32>} : memref<64x128xf32, #tpu.memory_space<vmem>>, vector<16xf32>,
              %get3A_250 = arith.index_cast %scan3A_198 : i32 to index
              %get3A_251 = arith.constant 80 : index
              %get3A_252 = tpu.vector_load %arg17[%get3A_250, %get3A_251] {strides = array<i32>} : memref<64x128xf32, #tpu.memory_space<vmem>>, vector<16xf32>,
              %mul3A_253 = arith.mulf %get3A_249, %get3A_252 : vector<16xf32>
              %swap3A_254 = arith.index_cast %scan3A_198 : i32 to index
              %swap3A_255 = arith.constant 80 : index
              %swap3A_256 = tpu.vector_load %arg15[%swap3A_254, %swap3A_255] {strides = array<i32>} : memref<64x128xf32, #tpu.memory_space<vmem>>, vector<16xf32>,
              tpu.vector_store %arg15[%swap3A_254, %swap3A_255], %mul3A_253 {strides = array<i32>} : memref<64x128xf32, #tpu.memory_space<vmem>>, vector<16xf32>,
              %get3A_257 = arith.index_cast %scan3A_198 : i32 to index
              %get3A_258 = arith.constant 96 : index
              %get3A_259 = tpu.vector_load %arg15[%get3A_257, %get3A_258] {strides = array<i32>} : memref<64x128xf32, #tpu.memory_space<vmem>>, vector<16xf32>,
              %get3A_260 = arith.index_cast %scan3A_198 : i32 to index
              %get3A_261 = arith.constant 96 : index
              %get3A_262 = tpu.vector_load %arg17[%get3A_260, %get3A_261] {strides = array<i32>} : memref<64x128xf32, #tpu.memory_space<vmem>>, vector<16xf32>,
              %mul3A_263 = arith.mulf %get3A_259, %get3A_262 : vector<16xf32>
              %swap3A_264 = arith.index_cast %scan3A_198 : i32 to index
              %swap3A_265 = arith.constant 96 : index
              %swap3A_266 = tpu.vector_load %arg15[%swap3A_264, %swap3A_265] {strides = array<i32>} : memref<64x128xf32, #tpu.memory_space<vmem>>, vector<16xf32>,
              tpu.vector_store %arg15[%swap3A_264, %swap3A_265], %mul3A_263 {strides = array<i32>} : memref<64x128xf32, #tpu.memory_space<vmem>>, vector<16xf32>,
              %get3A_267 = arith.index_cast %scan3A_198 : i32 to index
              %get3A_268 = arith.constant 112 : index
              %get3A_269 = tpu.vector_load %arg15[%get3A_267, %get3A_268] {strides = array<i32>} : memref<64x128xf32, #tpu.memory_space<vmem>>, vector<16xf32>,
              %get3A_270 = arith.index_cast %scan3A_198 : i32 to index
              %get3A_271 = arith.constant 112 : index
              %get3A_272 = tpu.vector_load %arg17[%get3A_270, %get3A_271] {strides = array<i32>} : memref<64x128xf32, #tpu.memory_space<vmem>>, vector<16xf32>,
              %mul3A_273 = arith.mulf %get3A_269, %get3A_272 : vector<16xf32>
              %swap3A_274 = arith.index_cast %scan3A_198 : i32 to index
              %swap3A_275 = arith.constant 112 : index
              %swap3A_276 = tpu.vector_load %arg15[%swap3A_274, %swap3A_275] {strides = array<i32>} : memref<64x128xf32, #tpu.memory_space<vmem>>, vector<16xf32>,
              tpu.vector_store %arg15[%swap3A_274, %swap3A_275], %mul3A_273 {strides = array<i32>} : memref<64x128xf32, #tpu.memory_space<vmem>>, vector<16xf32>,
            }
            %scan3A_187 = arith.constant 64 : i32
            %mul3A_188 = arith.constant 2 : i32
            %mul3A_189 = arith.muli %scan3A_80, %mul3A_188 : i32
            %add3A_190 = arith.constant 1 : i32
            %add3A_191 = arith.addi %mul3A_189, %add3A_190 : i32
            %dma_start3A_192 = arith.constant 0 : i32
            %dma_start3A_193 = tpu.memref_slice %arg13[%add3A_191, %dma_start3A_192] : memref<16x64xi32, #tpu.memory_space<vmem>> -> memref<1x64xi32, #tpu.memory_space<vmem>>
            %dma_start3A_194 = tpu.memref_squeeze %dma_start3A_193 : memref<1x64xi32, #tpu.memory_space<vmem>> -> memref<64xi32, #tpu.memory_space<vmem>>
            %dma_start3A_195 = arith.constant 0 : i32
            %dma_start3A_196 = arith.constant 0 : i32
            %dma_start3A_197 = tpu.memref_slice %arg11[%dma_start3A_195, %dma_start3A_196] : memref<10240x128xf32, #tpu.memory_space<vmem_shared>> -> memref<10240x128xf32, #tpu.memory_space<vmem_shared>>
            tpu.enqueue_indirect_dma source(%arg15 : memref<64x128xf32, #tpu.memory_space<vmem>>) target(%dma_start3A_197 : memref<10240x128xf32, #tpu.memory_space<vmem_shared>>) offsets(%dma_start3A_194 : memref<64xi32, #tpu.memory_space<vmem>>) semaphore(%arg23 : memref<!tpu.dma_semaphore, #tpu.memory_space<semaphore_mem>>) {add = true}
          }
          %scan3A_79 = arith.constant 8 : i32
        }
        %scan3A_66 = arith.constant 5 : i32
      }
      %scan3A_23 = arith.constant 2 : i32
      %dma_wait3A = arith.constant 0 : i32
      %dma_wait3A_24 = arith.constant 0 : i32
      %dma_wait3A_25 = tpu.memref_slice %arg13[%dma_wait3A, %dma_wait3A_24] : memref<16x64xi32, #tpu.memory_space<vmem>> -> memref<1x64xi32, #tpu.memory_space<vmem>>
      %dma_wait3A_26 = tpu.memref_squeeze %dma_wait3A_25 : memref<1x64xi32, #tpu.memory_space<vmem>> -> memref<64xi32, #tpu.memory_space<vmem>>
      %dma_wait3A_27 = arith.constant 0 : i32
      %dma_wait3A_28 = arith.constant 0 : i32
      %dma_wait3A_29 = tpu.memref_slice %arg11[%dma_wait3A_27, %dma_wait3A_28] : memref<10240x128xf32, #tpu.memory_space<vmem_shared>> -> memref<10240x128xf32, #tpu.memory_space<vmem_shared>>
      tpu.wait_indirect_dma semaphore(%arg22 : memref<!tpu.dma_semaphore, #tpu.memory_space<semaphore_mem>>) src(%arg14 : memref<64x128xf32, #tpu.memory_space<vmem>>) dst(%dma_wait3A_29 : memref<10240x128xf32, #tpu.memory_space<vmem_shared>>)
      %dma_wait3A_30 = arith.constant 0 : i32
      %dma_wait3A_31 = arith.constant 0 : i32
      %dma_wait3A_32 = tpu.memref_slice %arg13[%dma_wait3A_30, %dma_wait3A_31] : memref<16x64xi32, #tpu.memory_space<vmem>> -> memref<1x64xi32, #tpu.memory_space<vmem>>
      %dma_wait3A_33 = tpu.memref_squeeze %dma_wait3A_32 : memref<1x64xi32, #tpu.memory_space<vmem>> -> memref<64xi32, #tpu.memory_space<vmem>>
      %dma_wait3A_34 = arith.constant 0 : i32
      %dma_wait3A_35 = arith.constant 0 : i32
      %dma_wait3A_36 = tpu.memref_slice %arg11[%dma_wait3A_34, %dma_wait3A_35] : memref<10240x128xf32, #tpu.memory_space<vmem_shared>> -> memref<10240x128xf32, #tpu.memory_space<vmem_shared>>
      tpu.wait_indirect_dma semaphore(%arg23 : memref<!tpu.dma_semaphore, #tpu.memory_space<semaphore_mem>>) src(%arg15 : memref<64x128xf32, #tpu.memory_space<vmem>>) dst(%dma_wait3A_36 : memref<10240x128xf32, #tpu.memory_space<vmem_shared>>)
    } else {
    }
    %eq3A_3 = arith.constant 1 : i32
    %eq3A_4 = arith.cmpi eq, %arg0, %eq3A_3 : i32
    %convert_element_type3A_5 = arith.extui %eq3A_4 : i1 to i32
    %cond3A_6 = arith.constant 0 : i32
    %cond3A_7 = arith.cmpi ne, %convert_element_type3A_5, %cond3A_6 : i32
    scf.if %cond3A_7 {
      %scan3A = arith.constant 0 : i32
      %scan3A_19 = arith.constant 0 : i32
      %scan3A_20 = arith.constant 2 : i32
      %scan3A_21 = arith.addi %scan3A_19, %scan3A_20 : i32
      %scan3A_22 = arith.constant 1 : i32
      scf.for %scan3A_37 = %scan3A_19 to %scan3A_21 step %scan3A_22  : i32 {
        %mul3A_38 = arith.constant 2 : i32
        %mul3A_39 = arith.muli %arg1, %mul3A_38 : i32
        %add3A = arith.addi %mul3A_39, %scan3A_37 : i32
        "tpu.region"() ({
          %run_scoped3A = tpu.sem_alloc : memref<!tpu.dma_semaphore, #tpu.memory_space<semaphore_mem>>
          %dma_start3A_67 = arith.constant 0 : i32
          %dma_start3A_68 = arith.constant 0 : i32
          %dma_start3A_69 = tpu.memref_slice %arg7[%add3A, %dma_start3A_67, %dma_start3A_68] : memref<32x80x64xi32, #tpu.memory_space<hbm>> -> memref<1x80x64xi32, #tpu.memory_space<hbm>>
          %dma_start3A_70 = tpu.memref_squeeze %dma_start3A_69 : memref<1x80x64xi32, #tpu.memory_space<hbm>> -> memref<80x64xi32, #tpu.memory_space<hbm>>
          %dma_start3A_71 = arith.constant 0 : i32
          %dma_start3A_72 = arith.constant 0 : i32
          %dma_start3A_73 = tpu.memref_slice %arg7[%add3A, %dma_start3A_71, %dma_start3A_72] : memref<32x80x64xi32, #tpu.memory_space<hbm>> -> memref<1x80x64xi32, #tpu.memory_space<hbm>>
          %dma_start3A_74 = tpu.memref_squeeze %dma_start3A_73 : memref<1x80x64xi32, #tpu.memory_space<hbm>> -> memref<80x64xi32, #tpu.memory_space<hbm>>
          tpu.enqueue_dma source(%dma_start3A_74 : memref<80x64xi32, #tpu.memory_space<hbm>>) target(%arg12 : memref<80x64xi32, #tpu.memory_space<vmem>>) target_semaphore(%run_scoped3A : memref<!tpu.dma_semaphore, #tpu.memory_space<semaphore_mem>>)
          %dma_wait3A_75 = arith.constant 0 : i32
          %dma_wait3A_76 = arith.constant 0 : i32
          %dma_wait3A_77 = tpu.memref_slice %arg7[%add3A, %dma_wait3A_75, %dma_wait3A_76] : memref<32x80x64xi32, #tpu.memory_space<hbm>> -> memref<1x80x64xi32, #tpu.memory_space<hbm>>
          %dma_wait3A_78 = tpu.memref_squeeze %dma_wait3A_77 : memref<1x80x64xi32, #tpu.memory_space<hbm>> -> memref<80x64xi32, #tpu.memory_space<hbm>>
          %dma_wait3A_79 = arith.constant 0 : i32
          %dma_wait3A_80 = arith.constant 0 : i32
          %dma_wait3A_81 = tpu.memref_slice %arg7[%add3A, %dma_wait3A_79, %dma_wait3A_80] : memref<32x80x64xi32, #tpu.memory_space<hbm>> -> memref<1x80x64xi32, #tpu.memory_space<hbm>>
          %dma_wait3A_82 = tpu.memref_squeeze %dma_wait3A_81 : memref<1x80x64xi32, #tpu.memory_space<hbm>> -> memref<80x64xi32, #tpu.memory_space<hbm>>
          tpu.wait_dma2 semaphore(%run_scoped3A : memref<!tpu.dma_semaphore, #tpu.memory_space<semaphore_mem>>) src(%dma_wait3A_82 : memref<80x64xi32, #tpu.memory_space<hbm>>) dst(%arg12 : memref<80x64xi32, #tpu.memory_space<vmem>>)
          tpu.yield
        }) : () -> ()
        %gt3A = arith.constant 0 : i32
        %gt3A_40 = arith.cmpi sgt, %scan3A_37, %gt3A : i32
        %convert_element_type3A_41 = arith.extui %gt3A_40 : i1 to i32
        %cond3A_42 = arith.constant 0 : i32
        %cond3A_43 = arith.cmpi ne, %convert_element_type3A_41, %cond3A_42 : i32
        scf.if %cond3A_43 {
          %dma_wait3A_67 = arith.constant 0 : i32
          %dma_wait3A_68 = arith.constant 0 : i32
          %dma_wait3A_69 = tpu.memref_slice %arg13[%dma_wait3A_67, %dma_wait3A_68] : memref<16x64xi32, #tpu.memory_space<vmem>> -> memref<1x64xi32, #tpu.memory_space<vmem>>
          %dma_wait3A_70 = tpu.memref_squeeze %dma_wait3A_69 : memref<1x64xi32, #tpu.memory_space<vmem>> -> memref<64xi32, #tpu.memory_space<vmem>>
          %dma_wait3A_71 = arith.constant 0 : i32
          %dma_wait3A_72 = arith.constant 0 : i32
          %dma_wait3A_73 = tpu.memref_slice %arg11[%dma_wait3A_71, %dma_wait3A_72] : memref<10240x128xf32, #tpu.memory_space<vmem_shared>> -> memref<10240x128xf32, #tpu.memory_space<vmem_shared>>
          tpu.wait_indirect_dma semaphore(%arg22 : memref<!tpu.dma_semaphore, #tpu.memory_space<semaphore_mem>>) src(%arg14 : memref<64x128xf32, #tpu.memory_space<vmem>>) dst(%dma_wait3A_73 : memref<10240x128xf32, #tpu.memory_space<vmem_shared>>)
        } else {
        }
        %mul3A_44 = arith.constant 80 : i32
        %mul3A_45 = arith.muli %scan3A_37, %mul3A_44 : i32
        %dma_start3A = arith.constant 0 : i32
        %dma_start3A_46 = arith.constant 0 : i32
        %dma_start3A_47 = tpu.memref_slice %arg12[%dma_start3A, %dma_start3A_46] : memref<80x64xi32, #tpu.memory_space<vmem>> -> memref<1x64xi32, #tpu.memory_space<vmem>>
        %dma_start3A_48 = tpu.memref_squeeze %dma_start3A_47 : memref<1x64xi32, #tpu.memory_space<vmem>> -> memref<64xi32, #tpu.memory_space<vmem>>
        %dma_start3A_49 = arith.constant 0 : i32
        %dma_start3A_50 = arith.constant 0 : i32
        %dma_start3A_51 = tpu.memref_slice %arg5[%dma_start3A_49, %dma_start3A_50] : memref<10000x128xf32, #tpu.memory_space<hbm>> -> memref<10000x128xf32, #tpu.memory_space<hbm>>
        tpu.enqueue_indirect_dma source(%dma_start3A_51 : memref<10000x128xf32, #tpu.memory_space<hbm>>) target(%arg14 : memref<64x128xf32, #tpu.memory_space<vmem>>) offsets(%dma_start3A_48 : memref<64xi32, #tpu.memory_space<vmem>>) semaphore(%arg18 : memref<!tpu.dma_semaphore, #tpu.memory_space<semaphore_mem>>)
        %mul3A_52 = arith.constant 10240 : i32
        %mul3A_53 = arith.muli %arg1, %mul3A_52 : i32
        %mul3A_54 = arith.constant 64 : i32
        %mul3A_55 = arith.muli %mul3A_45, %mul3A_54 : i32
        %add3A_56 = arith.addi %mul3A_53, %mul3A_55 : i32
        %dma_start3A_57 = arith.constant 0 : i32
        %dma_start3A_58 = tpu.memref_slice %arg3[%add3A_56, %dma_start3A_57] : memref<163840x128xf32, #tpu.memory_space<hbm>> -> memref<64x128xf32, #tpu.memory_space<hbm>>
        %dma_start3A_59 = arith.constant 0 : i32
        %dma_start3A_60 = tpu.memref_slice %arg3[%add3A_56, %dma_start3A_59] : memref<163840x128xf32, #tpu.memory_space<hbm>> -> memref<64x128xf32, #tpu.memory_space<hbm>>
        tpu.enqueue_dma source(%dma_start3A_60 : memref<64x128xf32, #tpu.memory_space<hbm>>) target(%arg16 : memref<64x128xf32, #tpu.memory_space<vmem>>) target_semaphore(%arg20 : memref<!tpu.dma_semaphore, #tpu.memory_space<semaphore_mem>>)
        %scan3A_61 = arith.constant 0 : i32
        %scan3A_62 = arith.constant 0 : i32
        %scan3A_63 = arith.constant 5 : i32
        %scan3A_64 = arith.addi %scan3A_62, %scan3A_63 : i32
        %scan3A_65 = arith.constant 1 : i32
        scf.for %scan3A_67 = %scan3A_62 to %scan3A_64 step %scan3A_65  : i32 {
          %mul3A_68 = arith.constant 10 : i32
          %mul3A_69 = arith.muli %arg1, %mul3A_68 : i32
          %mul3A_70 = arith.constant 5 : i32
          %mul3A_71 = arith.muli %scan3A_37, %mul3A_70 : i32
          %add3A_72 = arith.addi %mul3A_69, %mul3A_71 : i32
          %add3A_73 = arith.addi %add3A_72, %scan3A_67 : i32
          "tpu.region"() ({
            %run_scoped3A = tpu.sem_alloc : memref<!tpu.dma_semaphore, #tpu.memory_space<semaphore_mem>>
            %dma_start3A_80 = arith.constant 0 : i32
            %dma_start3A_81 = arith.constant 0 : i32
            %dma_start3A_82 = tpu.memref_slice %arg6[%add3A_73, %dma_start3A_80, %dma_start3A_81] : memref<160x16x64xi32, #tpu.memory_space<hbm>> -> memref<1x16x64xi32, #tpu.memory_space<hbm>>
            %dma_start3A_83 = tpu.memref_squeeze %dma_start3A_82 : memref<1x16x64xi32, #tpu.memory_space<hbm>> -> memref<16x64xi32, #tpu.memory_space<hbm>>
            %dma_start3A_84 = arith.constant 0 : i32
            %dma_start3A_85 = arith.constant 0 : i32
            %dma_start3A_86 = tpu.memref_slice %arg6[%add3A_73, %dma_start3A_84, %dma_start3A_85] : memref<160x16x64xi32, #tpu.memory_space<hbm>> -> memref<1x16x64xi32, #tpu.memory_space<hbm>>
            %dma_start3A_87 = tpu.memref_squeeze %dma_start3A_86 : memref<1x16x64xi32, #tpu.memory_space<hbm>> -> memref<16x64xi32, #tpu.memory_space<hbm>>
            tpu.enqueue_dma source(%dma_start3A_87 : memref<16x64xi32, #tpu.memory_space<hbm>>) target(%arg13 : memref<16x64xi32, #tpu.memory_space<vmem>>) target_semaphore(%run_scoped3A : memref<!tpu.dma_semaphore, #tpu.memory_space<semaphore_mem>>)
            %dma_wait3A_88 = arith.constant 0 : i32
            %dma_wait3A_89 = arith.constant 0 : i32
            %dma_wait3A_90 = tpu.memref_slice %arg6[%add3A_73, %dma_wait3A_88, %dma_wait3A_89] : memref<160x16x64xi32, #tpu.memory_space<hbm>> -> memref<1x16x64xi32, #tpu.memory_space<hbm>>
            %dma_wait3A_91 = tpu.memref_squeeze %dma_wait3A_90 : memref<1x16x64xi32, #tpu.memory_space<hbm>> -> memref<16x64xi32, #tpu.memory_space<hbm>>
            %dma_wait3A_92 = arith.constant 0 : i32
            %dma_wait3A_93 = arith.constant 0 : i32
            %dma_wait3A_94 = tpu.memref_slice %arg6[%add3A_73, %dma_wait3A_92, %dma_wait3A_93] : memref<160x16x64xi32, #tpu.memory_space<hbm>> -> memref<1x16x64xi32, #tpu.memory_space<hbm>>
            %dma_wait3A_95 = tpu.memref_squeeze %dma_wait3A_94 : memref<1x16x64xi32, #tpu.memory_space<hbm>> -> memref<16x64xi32, #tpu.memory_space<hbm>>
            tpu.wait_dma2 semaphore(%run_scoped3A : memref<!tpu.dma_semaphore, #tpu.memory_space<semaphore_mem>>) src(%dma_wait3A_95 : memref<16x64xi32, #tpu.memory_space<hbm>>) dst(%arg13 : memref<16x64xi32, #tpu.memory_space<vmem>>)
            tpu.yield
          }) : () -> ()
          %scan3A_74 = arith.constant 0 : i32
          %scan3A_75 = arith.constant 0 : i32
          %scan3A_76 = arith.constant 8 : i32
          %scan3A_77 = arith.addi %scan3A_75, %scan3A_76 : i32
          %scan3A_78 = arith.constant 1 : i32
          scf.for %scan3A_80 = %scan3A_75 to %scan3A_77 step %scan3A_78  : i32 {
            %mul3A_81 = arith.constant 16 : i32
            %mul3A_82 = arith.muli %scan3A_67, %mul3A_81 : i32
            %mul3A_83 = arith.constant 2 : i32
            %mul3A_84 = arith.muli %scan3A_80, %mul3A_83 : i32
            %add3A_85 = arith.addi %mul3A_82, %mul3A_84 : i32
            %add3A_86 = arith.constant 0 : i32
            %add3A_87 = arith.addi %add3A_85, %add3A_86 : i32
            %mul3A_88 = arith.constant 80 : i32
            %mul3A_89 = arith.muli %scan3A_37, %mul3A_88 : i32
            %add3A_90 = arith.addi %mul3A_89, %add3A_87 : i32
            %add3A_91 = arith.addi %scan3A_37, %scan3A_67 : i32
            %add3A_92 = arith.addi %add3A_91, %scan3A_80 : i32
            %gt3A_93 = arith.constant 0 : i32
            %gt3A_94 = arith.cmpi sgt, %add3A_92, %gt3A_93 : i32
            %convert_element_type3A_95 = arith.extui %gt3A_94 : i1 to i32
            %cond3A_96 = arith.constant 0 : i32
            %cond3A_97 = arith.cmpi ne, %convert_element_type3A_95, %cond3A_96 : i32
            scf.if %cond3A_97 {
              %dma_wait3A_198 = arith.constant 0 : i32
              %dma_wait3A_199 = arith.constant 0 : i32
              %dma_wait3A_200 = tpu.memref_slice %arg13[%dma_wait3A_198, %dma_wait3A_199] : memref<16x64xi32, #tpu.memory_space<vmem>> -> memref<1x64xi32, #tpu.memory_space<vmem>>
              %dma_wait3A_201 = tpu.memref_squeeze %dma_wait3A_200 : memref<1x64xi32, #tpu.memory_space<vmem>> -> memref<64xi32, #tpu.memory_space<vmem>>
              %dma_wait3A_202 = arith.constant 0 : i32
              %dma_wait3A_203 = arith.constant 0 : i32
              %dma_wait3A_204 = tpu.memref_slice %arg11[%dma_wait3A_202, %dma_wait3A_203] : memref<10240x128xf32, #tpu.memory_space<vmem_shared>> -> memref<10240x128xf32, #tpu.memory_space<vmem_shared>>
              tpu.wait_indirect_dma semaphore(%arg23 : memref<!tpu.dma_semaphore, #tpu.memory_space<semaphore_mem>>) src(%arg15 : memref<64x128xf32, #tpu.memory_space<vmem>>) dst(%dma_wait3A_204 : memref<10240x128xf32, #tpu.memory_space<vmem_shared>>)
            } else {
            }
            %add3A_98 = arith.constant 1 : i32
            %add3A_99 = arith.addi %add3A_87, %add3A_98 : i32
            %lt3A = arith.constant 80 : i32
            %lt3A_100 = arith.cmpi slt, %add3A_99, %lt3A : i32
            %add3A_101 = arith.constant 1 : i32
            %add3A_102 = arith.addi %add3A_90, %add3A_101 : i32
            %add3A_103 = arith.constant 1 : i32
            %add3A_104 = arith.addi %add3A_87, %add3A_103 : i32
            %convert_element_type3A_105 = arith.extui %lt3A_100 : i1 to i32
            %cond3A_106 = arith.constant 0 : i32
            %cond3A_107 = arith.cmpi ne, %convert_element_type3A_105, %cond3A_106 : i32
            scf.if %cond3A_107 {
              %dma_start3A_198 = arith.constant 0 : i32
              %dma_start3A_199 = tpu.memref_slice %arg12[%add3A_104, %dma_start3A_198] : memref<80x64xi32, #tpu.memory_space<vmem>> -> memref<1x64xi32, #tpu.memory_space<vmem>>
              %dma_start3A_200 = tpu.memref_squeeze %dma_start3A_199 : memref<1x64xi32, #tpu.memory_space<vmem>> -> memref<64xi32, #tpu.memory_space<vmem>>
              %dma_start3A_201 = arith.constant 0 : i32
              %dma_start3A_202 = arith.constant 0 : i32
              %dma_start3A_203 = tpu.memref_slice %arg5[%dma_start3A_201, %dma_start3A_202] : memref<10000x128xf32, #tpu.memory_space<hbm>> -> memref<10000x128xf32, #tpu.memory_space<hbm>>
              tpu.enqueue_indirect_dma source(%dma_start3A_203 : memref<10000x128xf32, #tpu.memory_space<hbm>>) target(%arg15 : memref<64x128xf32, #tpu.memory_space<vmem>>) offsets(%dma_start3A_200 : memref<64xi32, #tpu.memory_space<vmem>>) semaphore(%arg19 : memref<!tpu.dma_semaphore, #tpu.memory_space<semaphore_mem>>)
              %mul3A_204 = arith.constant 10240 : i32
              %mul3A_205 = arith.muli %arg1, %mul3A_204 : i32
              %mul3A_206 = arith.constant 64 : i32
              %mul3A_207 = arith.muli %add3A_102, %mul3A_206 : i32
              %add3A_208 = arith.addi %mul3A_205, %mul3A_207 : i32
              %dma_start3A_209 = arith.constant 0 : i32
              %dma_start3A_210 = tpu.memref_slice %arg3[%add3A_208, %dma_start3A_209] : memref<163840x128xf32, #tpu.memory_space<hbm>> -> memref<64x128xf32, #tpu.memory_space<hbm>>
              %dma_start3A_211 = arith.constant 0 : i32
              %dma_start3A_212 = tpu.memref_slice %arg3[%add3A_208, %dma_start3A_211] : memref<163840x128xf32, #tpu.memory_space<hbm>> -> memref<64x128xf32, #tpu.memory_space<hbm>>
              tpu.enqueue_dma source(%dma_start3A_212 : memref<64x128xf32, #tpu.memory_space<hbm>>) target(%arg17 : memref<64x128xf32, #tpu.memory_space<vmem>>) target_semaphore(%arg21 : memref<!tpu.dma_semaphore, #tpu.memory_space<semaphore_mem>>)
            } else {
            }
            %dma_wait3A_108 = arith.constant 0 : i32
            %dma_wait3A_109 = tpu.memref_slice %arg12[%add3A_87, %dma_wait3A_108] : memref<80x64xi32, #tpu.memory_space<vmem>> -> memref<1x64xi32, #tpu.memory_space<vmem>>
            %dma_wait3A_110 = tpu.memref_squeeze %dma_wait3A_109 : memref<1x64xi32, #tpu.memory_space<vmem>> -> memref<64xi32, #tpu.memory_space<vmem>>
            %dma_wait3A_111 = arith.constant 0 : i32
            %dma_wait3A_112 = arith.constant 0 : i32
            %dma_wait3A_113 = tpu.memref_slice %arg5[%dma_wait3A_111, %dma_wait3A_112] : memref<10000x128xf32, #tpu.memory_space<hbm>> -> memref<10000x128xf32, #tpu.memory_space<hbm>>
            tpu.wait_indirect_dma semaphore(%arg18 : memref<!tpu.dma_semaphore, #tpu.memory_space<semaphore_mem>>) src(%dma_wait3A_113 : memref<10000x128xf32, #tpu.memory_space<hbm>>) dst(%arg14 : memref<64x128xf32, #tpu.memory_space<vmem>>)
            %mul3A_114 = arith.constant 10240 : i32
            %mul3A_115 = arith.muli %arg1, %mul3A_114 : i32
            %mul3A_116 = arith.constant 64 : i32
            %mul3A_117 = arith.muli %add3A_90, %mul3A_116 : i32
            %add3A_118 = arith.addi %mul3A_115, %mul3A_117 : i32
            %dma_wait3A_119 = arith.constant 0 : i32
            %dma_wait3A_120 = tpu.memref_slice %arg3[%add3A_118, %dma_wait3A_119] : memref<163840x128xf32, #tpu.memory_space<hbm>> -> memref<64x128xf32, #tpu.memory_space<hbm>>
            %dma_wait3A_121 = arith.constant 0 : i32
            %dma_wait3A_122 = tpu.memref_slice %arg3[%add3A_118, %dma_wait3A_121] : memref<163840x128xf32, #tpu.memory_space<hbm>> -> memref<64x128xf32, #tpu.memory_space<hbm>>
            tpu.wait_dma2 semaphore(%arg20 : memref<!tpu.dma_semaphore, #tpu.memory_space<semaphore_mem>>) src(%dma_wait3A_122 : memref<64x128xf32, #tpu.memory_space<hbm>>) dst(%arg16 : memref<64x128xf32, #tpu.memory_space<vmem>>)
            %scan3A_123 = arith.constant 0 : i32
            %scan3A_124 = arith.constant 0 : i32
            %scan3A_125 = arith.constant 64 : i32
            %scan3A_126 = arith.addi %scan3A_124, %scan3A_125 : i32
            %scan3A_127 = arith.constant 1 : i32
            scf.for %scan3A_198 = %scan3A_124 to %scan3A_126 step %scan3A_127  : i32 {
              %get3A = arith.index_cast %scan3A_198 : i32 to index
              %get3A_199 = arith.constant 0 : index
              %get3A_200 = tpu.vector_load %arg14[%get3A, %get3A_199] {strides = array<i32>} : memref<64x128xf32, #tpu.memory_space<vmem>>, vector<16xf32>,
              %get3A_201 = arith.index_cast %scan3A_198 : i32 to index
              %get3A_202 = arith.constant 0 : index
              %get3A_203 = tpu.vector_load %arg16[%get3A_201, %get3A_202] {strides = array<i32>} : memref<64x128xf32, #tpu.memory_space<vmem>>, vector<16xf32>,
              %mul3A_204 = arith.mulf %get3A_200, %get3A_203 : vector<16xf32>
              %swap3A = arith.index_cast %scan3A_198 : i32 to index
              %swap3A_205 = arith.constant 0 : index
              %swap3A_206 = tpu.vector_load %arg14[%swap3A, %swap3A_205] {strides = array<i32>} : memref<64x128xf32, #tpu.memory_space<vmem>>, vector<16xf32>,
              tpu.vector_store %arg14[%swap3A, %swap3A_205], %mul3A_204 {strides = array<i32>} : memref<64x128xf32, #tpu.memory_space<vmem>>, vector<16xf32>,
              %get3A_207 = arith.index_cast %scan3A_198 : i32 to index
              %get3A_208 = arith.constant 16 : index
              %get3A_209 = tpu.vector_load %arg14[%get3A_207, %get3A_208] {strides = array<i32>} : memref<64x128xf32, #tpu.memory_space<vmem>>, vector<16xf32>,
              %get3A_210 = arith.index_cast %scan3A_198 : i32 to index
              %get3A_211 = arith.constant 16 : index
              %get3A_212 = tpu.vector_load %arg16[%get3A_210, %get3A_211] {strides = array<i32>} : memref<64x128xf32, #tpu.memory_space<vmem>>, vector<16xf32>,
              %mul3A_213 = arith.mulf %get3A_209, %get3A_212 : vector<16xf32>
              %swap3A_214 = arith.index_cast %scan3A_198 : i32 to index
              %swap3A_215 = arith.constant 16 : index
              %swap3A_216 = tpu.vector_load %arg14[%swap3A_214, %swap3A_215] {strides = array<i32>} : memref<64x128xf32, #tpu.memory_space<vmem>>, vector<16xf32>,
              tpu.vector_store %arg14[%swap3A_214, %swap3A_215], %mul3A_213 {strides = array<i32>} : memref<64x128xf32, #tpu.memory_space<vmem>>, vector<16xf32>,
              %get3A_217 = arith.index_cast %scan3A_198 : i32 to index
              %get3A_218 = arith.constant 32 : index
              %get3A_219 = tpu.vector_load %arg14[%get3A_217, %get3A_218] {strides = array<i32>} : memref<64x128xf32, #tpu.memory_space<vmem>>, vector<16xf32>,
              %get3A_220 = arith.index_cast %scan3A_198 : i32 to index
              %get3A_221 = arith.constant 32 : index
              %get3A_222 = tpu.vector_load %arg16[%get3A_220, %get3A_221] {strides = array<i32>} : memref<64x128xf32, #tpu.memory_space<vmem>>, vector<16xf32>,
              %mul3A_223 = arith.mulf %get3A_219, %get3A_222 : vector<16xf32>
              %swap3A_224 = arith.index_cast %scan3A_198 : i32 to index
              %swap3A_225 = arith.constant 32 : index
              %swap3A_226 = tpu.vector_load %arg14[%swap3A_224, %swap3A_225] {strides = array<i32>} : memref<64x128xf32, #tpu.memory_space<vmem>>, vector<16xf32>,
              tpu.vector_store %arg14[%swap3A_224, %swap3A_225], %mul3A_223 {strides = array<i32>} : memref<64x128xf32, #tpu.memory_space<vmem>>, vector<16xf32>,
              %get3A_227 = arith.index_cast %scan3A_198 : i32 to index
              %get3A_228 = arith.constant 48 : index
              %get3A_229 = tpu.vector_load %arg14[%get3A_227, %get3A_228] {strides = array<i32>} : memref<64x128xf32, #tpu.memory_space<vmem>>, vector<16xf32>,
              %get3A_230 = arith.index_cast %scan3A_198 : i32 to index
              %get3A_231 = arith.constant 48 : index
              %get3A_232 = tpu.vector_load %arg16[%get3A_230, %get3A_231] {strides = array<i32>} : memref<64x128xf32, #tpu.memory_space<vmem>>, vector<16xf32>,
              %mul3A_233 = arith.mulf %get3A_229, %get3A_232 : vector<16xf32>
              %swap3A_234 = arith.index_cast %scan3A_198 : i32 to index
              %swap3A_235 = arith.constant 48 : index
              %swap3A_236 = tpu.vector_load %arg14[%swap3A_234, %swap3A_235] {strides = array<i32>} : memref<64x128xf32, #tpu.memory_space<vmem>>, vector<16xf32>,
              tpu.vector_store %arg14[%swap3A_234, %swap3A_235], %mul3A_233 {strides = array<i32>} : memref<64x128xf32, #tpu.memory_space<vmem>>, vector<16xf32>,
              %get3A_237 = arith.index_cast %scan3A_198 : i32 to index
              %get3A_238 = arith.constant 64 : index
              %get3A_239 = tpu.vector_load %arg14[%get3A_237, %get3A_238] {strides = array<i32>} : memref<64x128xf32, #tpu.memory_space<vmem>>, vector<16xf32>,
              %get3A_240 = arith.index_cast %scan3A_198 : i32 to index
              %get3A_241 = arith.constant 64 : index
              %get3A_242 = tpu.vector_load %arg16[%get3A_240, %get3A_241] {strides = array<i32>} : memref<64x128xf32, #tpu.memory_space<vmem>>, vector<16xf32>,
              %mul3A_243 = arith.mulf %get3A_239, %get3A_242 : vector<16xf32>
              %swap3A_244 = arith.index_cast %scan3A_198 : i32 to index
              %swap3A_245 = arith.constant 64 : index
              %swap3A_246 = tpu.vector_load %arg14[%swap3A_244, %swap3A_245] {strides = array<i32>} : memref<64x128xf32, #tpu.memory_space<vmem>>, vector<16xf32>,
              tpu.vector_store %arg14[%swap3A_244, %swap3A_245], %mul3A_243 {strides = array<i32>} : memref<64x128xf32, #tpu.memory_space<vmem>>, vector<16xf32>,
              %get3A_247 = arith.index_cast %scan3A_198 : i32 to index
              %get3A_248 = arith.constant 80 : index
              %get3A_249 = tpu.vector_load %arg14[%get3A_247, %get3A_248] {strides = array<i32>} : memref<64x128xf32, #tpu.memory_space<vmem>>, vector<16xf32>,
              %get3A_250 = arith.index_cast %scan3A_198 : i32 to index
              %get3A_251 = arith.constant 80 : index
              %get3A_252 = tpu.vector_load %arg16[%get3A_250, %get3A_251] {strides = array<i32>} : memref<64x128xf32, #tpu.memory_space<vmem>>, vector<16xf32>,
              %mul3A_253 = arith.mulf %get3A_249, %get3A_252 : vector<16xf32>
              %swap3A_254 = arith.index_cast %scan3A_198 : i32 to index
              %swap3A_255 = arith.constant 80 : index
              %swap3A_256 = tpu.vector_load %arg14[%swap3A_254, %swap3A_255] {strides = array<i32>} : memref<64x128xf32, #tpu.memory_space<vmem>>, vector<16xf32>,
              tpu.vector_store %arg14[%swap3A_254, %swap3A_255], %mul3A_253 {strides = array<i32>} : memref<64x128xf32, #tpu.memory_space<vmem>>, vector<16xf32>,
              %get3A_257 = arith.index_cast %scan3A_198 : i32 to index
              %get3A_258 = arith.constant 96 : index
              %get3A_259 = tpu.vector_load %arg14[%get3A_257, %get3A_258] {strides = array<i32>} : memref<64x128xf32, #tpu.memory_space<vmem>>, vector<16xf32>,
              %get3A_260 = arith.index_cast %scan3A_198 : i32 to index
              %get3A_261 = arith.constant 96 : index
              %get3A_262 = tpu.vector_load %arg16[%get3A_260, %get3A_261] {strides = array<i32>} : memref<64x128xf32, #tpu.memory_space<vmem>>, vector<16xf32>,
              %mul3A_263 = arith.mulf %get3A_259, %get3A_262 : vector<16xf32>
              %swap3A_264 = arith.index_cast %scan3A_198 : i32 to index
              %swap3A_265 = arith.constant 96 : index
              %swap3A_266 = tpu.vector_load %arg14[%swap3A_264, %swap3A_265] {strides = array<i32>} : memref<64x128xf32, #tpu.memory_space<vmem>>, vector<16xf32>,
              tpu.vector_store %arg14[%swap3A_264, %swap3A_265], %mul3A_263 {strides = array<i32>} : memref<64x128xf32, #tpu.memory_space<vmem>>, vector<16xf32>,
              %get3A_267 = arith.index_cast %scan3A_198 : i32 to index
              %get3A_268 = arith.constant 112 : index
              %get3A_269 = tpu.vector_load %arg14[%get3A_267, %get3A_268] {strides = array<i32>} : memref<64x128xf32, #tpu.memory_space<vmem>>, vector<16xf32>,
              %get3A_270 = arith.index_cast %scan3A_198 : i32 to index
              %get3A_271 = arith.constant 112 : index
              %get3A_272 = tpu.vector_load %arg16[%get3A_270, %get3A_271] {strides = array<i32>} : memref<64x128xf32, #tpu.memory_space<vmem>>, vector<16xf32>,
              %mul3A_273 = arith.mulf %get3A_269, %get3A_272 : vector<16xf32>
              %swap3A_274 = arith.index_cast %scan3A_198 : i32 to index
              %swap3A_275 = arith.constant 112 : index
              %swap3A_276 = tpu.vector_load %arg14[%swap3A_274, %swap3A_275] {strides = array<i32>} : memref<64x128xf32, #tpu.memory_space<vmem>>, vector<16xf32>,
              tpu.vector_store %arg14[%swap3A_274, %swap3A_275], %mul3A_273 {strides = array<i32>} : memref<64x128xf32, #tpu.memory_space<vmem>>, vector<16xf32>,
            }
            %scan3A_128 = arith.constant 64 : i32
            %mul3A_129 = arith.constant 2 : i32
            %mul3A_130 = arith.muli %scan3A_80, %mul3A_129 : i32
            %add3A_131 = arith.constant 0 : i32
            %add3A_132 = arith.addi %mul3A_130, %add3A_131 : i32
            %dma_start3A_133 = arith.constant 0 : i32
            %dma_start3A_134 = tpu.memref_slice %arg13[%add3A_132, %dma_start3A_133] : memref<16x64xi32, #tpu.memory_space<vmem>> -> memref<1x64xi32, #tpu.memory_space<vmem>>
            %dma_start3A_135 = tpu.memref_squeeze %dma_start3A_134 : memref<1x64xi32, #tpu.memory_space<vmem>> -> memref<64xi32, #tpu.memory_space<vmem>>
            %dma_start3A_136 = arith.constant 0 : i32
            %dma_start3A_137 = arith.constant 0 : i32
            %dma_start3A_138 = tpu.memref_slice %arg11[%dma_start3A_136, %dma_start3A_137] : memref<10240x128xf32, #tpu.memory_space<vmem_shared>> -> memref<10240x128xf32, #tpu.memory_space<vmem_shared>>
            tpu.enqueue_indirect_dma source(%arg14 : memref<64x128xf32, #tpu.memory_space<vmem>>) target(%dma_start3A_138 : memref<10240x128xf32, #tpu.memory_space<vmem_shared>>) offsets(%dma_start3A_135 : memref<64xi32, #tpu.memory_space<vmem>>) semaphore(%arg22 : memref<!tpu.dma_semaphore, #tpu.memory_space<semaphore_mem>>) {add = true}
            %mul3A_139 = arith.constant 16 : i32
            %mul3A_140 = arith.muli %scan3A_67, %mul3A_139 : i32
            %mul3A_141 = arith.constant 2 : i32
            %mul3A_142 = arith.muli %scan3A_80, %mul3A_141 : i32
            %add3A_143 = arith.addi %mul3A_140, %mul3A_142 : i32
            %add3A_144 = arith.constant 1 : i32
            %add3A_145 = arith.addi %add3A_143, %add3A_144 : i32
            %mul3A_146 = arith.constant 80 : i32
            %mul3A_147 = arith.muli %scan3A_37, %mul3A_146 : i32
            %add3A_148 = arith.addi %mul3A_147, %add3A_145 : i32
            %add3A_149 = arith.constant 1 : i32
            %add3A_150 = arith.addi %add3A_145, %add3A_149 : i32
            %lt3A_151 = arith.constant 80 : i32
            %lt3A_152 = arith.cmpi slt, %add3A_150, %lt3A_151 : i32
            %convert_element_type3A_153 = arith.extui %lt3A_152 : i1 to i32
            %cond3A_154 = arith.constant 0 : i32
            %cond3A_155 = arith.cmpi ne, %convert_element_type3A_153, %cond3A_154 : i32
            scf.if %cond3A_155 {
              %dma_wait3A_198 = arith.constant 0 : i32
              %dma_wait3A_199 = arith.constant 0 : i32
              %dma_wait3A_200 = tpu.memref_slice %arg13[%dma_wait3A_198, %dma_wait3A_199] : memref<16x64xi32, #tpu.memory_space<vmem>> -> memref<1x64xi32, #tpu.memory_space<vmem>>
              %dma_wait3A_201 = tpu.memref_squeeze %dma_wait3A_200 : memref<1x64xi32, #tpu.memory_space<vmem>> -> memref<64xi32, #tpu.memory_space<vmem>>
              %dma_wait3A_202 = arith.constant 0 : i32
              %dma_wait3A_203 = arith.constant 0 : i32
              %dma_wait3A_204 = tpu.memref_slice %arg11[%dma_wait3A_202, %dma_wait3A_203] : memref<10240x128xf32, #tpu.memory_space<vmem_shared>> -> memref<10240x128xf32, #tpu.memory_space<vmem_shared>>
              tpu.wait_indirect_dma semaphore(%arg22 : memref<!tpu.dma_semaphore, #tpu.memory_space<semaphore_mem>>) src(%arg14 : memref<64x128xf32, #tpu.memory_space<vmem>>) dst(%dma_wait3A_204 : memref<10240x128xf32, #tpu.memory_space<vmem_shared>>)
            } else {
            }
            %add3A_156 = arith.constant 1 : i32
            %add3A_157 = arith.addi %add3A_145, %add3A_156 : i32
            %lt3A_158 = arith.constant 80 : i32
            %lt3A_159 = arith.cmpi slt, %add3A_157, %lt3A_158 : i32
            %add3A_160 = arith.constant 1 : i32
            %add3A_161 = arith.addi %add3A_148, %add3A_160 : i32
            %add3A_162 = arith.constant 1 : i32
            %add3A_163 = arith.addi %add3A_145, %add3A_162 : i32
            %convert_element_type3A_164 = arith.extui %lt3A_159 : i1 to i32
            %cond3A_165 = arith.constant 0 : i32
            %cond3A_166 = arith.cmpi ne, %convert_element_type3A_164, %cond3A_165 : i32
            scf.if %cond3A_166 {
              %dma_start3A_198 = arith.constant 0 : i32
              %dma_start3A_199 = tpu.memref_slice %arg12[%add3A_163, %dma_start3A_198] : memref<80x64xi32, #tpu.memory_space<vmem>> -> memref<1x64xi32, #tpu.memory_space<vmem>>
              %dma_start3A_200 = tpu.memref_squeeze %dma_start3A_199 : memref<1x64xi32, #tpu.memory_space<vmem>> -> memref<64xi32, #tpu.memory_space<vmem>>
              %dma_start3A_201 = arith.constant 0 : i32
              %dma_start3A_202 = arith.constant 0 : i32
              %dma_start3A_203 = tpu.memref_slice %arg5[%dma_start3A_201, %dma_start3A_202] : memref<10000x128xf32, #tpu.memory_space<hbm>> -> memref<10000x128xf32, #tpu.memory_space<hbm>>
              tpu.enqueue_indirect_dma source(%dma_start3A_203 : memref<10000x128xf32, #tpu.memory_space<hbm>>) target(%arg14 : memref<64x128xf32, #tpu.memory_space<vmem>>) offsets(%dma_start3A_200 : memref<64xi32, #tpu.memory_space<vmem>>) semaphore(%arg18 : memref<!tpu.dma_semaphore, #tpu.memory_space<semaphore_mem>>)
              %mul3A_204 = arith.constant 10240 : i32
              %mul3A_205 = arith.muli %arg1, %mul3A_204 : i32
              %mul3A_206 = arith.constant 64 : i32
              %mul3A_207 = arith.muli %add3A_161, %mul3A_206 : i32
              %add3A_208 = arith.addi %mul3A_205, %mul3A_207 : i32
              %dma_start3A_209 = arith.constant 0 : i32
              %dma_start3A_210 = tpu.memref_slice %arg3[%add3A_208, %dma_start3A_209] : memref<163840x128xf32, #tpu.memory_space<hbm>> -> memref<64x128xf32, #tpu.memory_space<hbm>>
              %dma_start3A_211 = arith.constant 0 : i32
              %dma_start3A_212 = tpu.memref_slice %arg3[%add3A_208, %dma_start3A_211] : memref<163840x128xf32, #tpu.memory_space<hbm>> -> memref<64x128xf32, #tpu.memory_space<hbm>>
              tpu.enqueue_dma source(%dma_start3A_212 : memref<64x128xf32, #tpu.memory_space<hbm>>) target(%arg16 : memref<64x128xf32, #tpu.memory_space<vmem>>) target_semaphore(%arg20 : memref<!tpu.dma_semaphore, #tpu.memory_space<semaphore_mem>>)
            } else {
            }
            %dma_wait3A_167 = arith.constant 0 : i32
            %dma_wait3A_168 = tpu.memref_slice %arg12[%add3A_145, %dma_wait3A_167] : memref<80x64xi32, #tpu.memory_space<vmem>> -> memref<1x64xi32, #tpu.memory_space<vmem>>
            %dma_wait3A_169 = tpu.memref_squeeze %dma_wait3A_168 : memref<1x64xi32, #tpu.memory_space<vmem>> -> memref<64xi32, #tpu.memory_space<vmem>>
            %dma_wait3A_170 = arith.constant 0 : i32
            %dma_wait3A_171 = arith.constant 0 : i32
            %dma_wait3A_172 = tpu.memref_slice %arg5[%dma_wait3A_170, %dma_wait3A_171] : memref<10000x128xf32, #tpu.memory_space<hbm>> -> memref<10000x128xf32, #tpu.memory_space<hbm>>
            tpu.wait_indirect_dma semaphore(%arg19 : memref<!tpu.dma_semaphore, #tpu.memory_space<semaphore_mem>>) src(%dma_wait3A_172 : memref<10000x128xf32, #tpu.memory_space<hbm>>) dst(%arg15 : memref<64x128xf32, #tpu.memory_space<vmem>>)
            %mul3A_173 = arith.constant 10240 : i32
            %mul3A_174 = arith.muli %arg1, %mul3A_173 : i32
            %mul3A_175 = arith.constant 64 : i32
            %mul3A_176 = arith.muli %add3A_148, %mul3A_175 : i32
            %add3A_177 = arith.addi %mul3A_174, %mul3A_176 : i32
            %dma_wait3A_178 = arith.constant 0 : i32
            %dma_wait3A_179 = tpu.memref_slice %arg3[%add3A_177, %dma_wait3A_178] : memref<163840x128xf32, #tpu.memory_space<hbm>> -> memref<64x128xf32, #tpu.memory_space<hbm>>
            %dma_wait3A_180 = arith.constant 0 : i32
            %dma_wait3A_181 = tpu.memref_slice %arg3[%add3A_177, %dma_wait3A_180] : memref<163840x128xf32, #tpu.memory_space<hbm>> -> memref<64x128xf32, #tpu.memory_space<hbm>>
            tpu.wait_dma2 semaphore(%arg21 : memref<!tpu.dma_semaphore, #tpu.memory_space<semaphore_mem>>) src(%dma_wait3A_181 : memref<64x128xf32, #tpu.memory_space<hbm>>) dst(%arg17 : memref<64x128xf32, #tpu.memory_space<vmem>>)
            %scan3A_182 = arith.constant 0 : i32
            %scan3A_183 = arith.constant 0 : i32
            %scan3A_184 = arith.constant 64 : i32
            %scan3A_185 = arith.addi %scan3A_183, %scan3A_184 : i32
            %scan3A_186 = arith.constant 1 : i32
            scf.for %scan3A_198 = %scan3A_183 to %scan3A_185 step %scan3A_186  : i32 {
              %get3A = arith.index_cast %scan3A_198 : i32 to index
              %get3A_199 = arith.constant 0 : index
              %get3A_200 = tpu.vector_load %arg15[%get3A, %get3A_199] {strides = array<i32>} : memref<64x128xf32, #tpu.memory_space<vmem>>, vector<16xf32>,
              %get3A_201 = arith.index_cast %scan3A_198 : i32 to index
              %get3A_202 = arith.constant 0 : index
              %get3A_203 = tpu.vector_load %arg17[%get3A_201, %get3A_202] {strides = array<i32>} : memref<64x128xf32, #tpu.memory_space<vmem>>, vector<16xf32>,
              %mul3A_204 = arith.mulf %get3A_200, %get3A_203 : vector<16xf32>
              %swap3A = arith.index_cast %scan3A_198 : i32 to index
              %swap3A_205 = arith.constant 0 : index
              %swap3A_206 = tpu.vector_load %arg15[%swap3A, %swap3A_205] {strides = array<i32>} : memref<64x128xf32, #tpu.memory_space<vmem>>, vector<16xf32>,
              tpu.vector_store %arg15[%swap3A, %swap3A_205], %mul3A_204 {strides = array<i32>} : memref<64x128xf32, #tpu.memory_space<vmem>>, vector<16xf32>,
              %get3A_207 = arith.index_cast %scan3A_198 : i32 to index
              %get3A_208 = arith.constant 16 : index
              %get3A_209 = tpu.vector_load %arg15[%get3A_207, %get3A_208] {strides = array<i32>} : memref<64x128xf32, #tpu.memory_space<vmem>>, vector<16xf32>,
              %get3A_210 = arith.index_cast %scan3A_198 : i32 to index
              %get3A_211 = arith.constant 16 : index
              %get3A_212 = tpu.vector_load %arg17[%get3A_210, %get3A_211] {strides = array<i32>} : memref<64x128xf32, #tpu.memory_space<vmem>>, vector<16xf32>,
              %mul3A_213 = arith.mulf %get3A_209, %get3A_212 : vector<16xf32>
              %swap3A_214 = arith.index_cast %scan3A_198 : i32 to index
              %swap3A_215 = arith.constant 16 : index
              %swap3A_216 = tpu.vector_load %arg15[%swap3A_214, %swap3A_215] {strides = array<i32>} : memref<64x128xf32, #tpu.memory_space<vmem>>, vector<16xf32>,
              tpu.vector_store %arg15[%swap3A_214, %swap3A_215], %mul3A_213 {strides = array<i32>} : memref<64x128xf32, #tpu.memory_space<vmem>>, vector<16xf32>,
              %get3A_217 = arith.index_cast %scan3A_198 : i32 to index
              %get3A_218 = arith.constant 32 : index
              %get3A_219 = tpu.vector_load %arg15[%get3A_217, %get3A_218] {strides = array<i32>} : memref<64x128xf32, #tpu.memory_space<vmem>>, vector<16xf32>,
              %get3A_220 = arith.index_cast %scan3A_198 : i32 to index
              %get3A_221 = arith.constant 32 : index
              %get3A_222 = tpu.vector_load %arg17[%get3A_220, %get3A_221] {strides = array<i32>} : memref<64x128xf32, #tpu.memory_space<vmem>>, vector<16xf32>,
              %mul3A_223 = arith.mulf %get3A_219, %get3A_222 : vector<16xf32>
              %swap3A_224 = arith.index_cast %scan3A_198 : i32 to index
              %swap3A_225 = arith.constant 32 : index
              %swap3A_226 = tpu.vector_load %arg15[%swap3A_224, %swap3A_225] {strides = array<i32>} : memref<64x128xf32, #tpu.memory_space<vmem>>, vector<16xf32>,
              tpu.vector_store %arg15[%swap3A_224, %swap3A_225], %mul3A_223 {strides = array<i32>} : memref<64x128xf32, #tpu.memory_space<vmem>>, vector<16xf32>,
              %get3A_227 = arith.index_cast %scan3A_198 : i32 to index
              %get3A_228 = arith.constant 48 : index
              %get3A_229 = tpu.vector_load %arg15[%get3A_227, %get3A_228] {strides = array<i32>} : memref<64x128xf32, #tpu.memory_space<vmem>>, vector<16xf32>,
              %get3A_230 = arith.index_cast %scan3A_198 : i32 to index
              %get3A_231 = arith.constant 48 : index
              %get3A_232 = tpu.vector_load %arg17[%get3A_230, %get3A_231] {strides = array<i32>} : memref<64x128xf32, #tpu.memory_space<vmem>>, vector<16xf32>,
              %mul3A_233 = arith.mulf %get3A_229, %get3A_232 : vector<16xf32>
              %swap3A_234 = arith.index_cast %scan3A_198 : i32 to index
              %swap3A_235 = arith.constant 48 : index
              %swap3A_236 = tpu.vector_load %arg15[%swap3A_234, %swap3A_235] {strides = array<i32>} : memref<64x128xf32, #tpu.memory_space<vmem>>, vector<16xf32>,
              tpu.vector_store %arg15[%swap3A_234, %swap3A_235], %mul3A_233 {strides = array<i32>} : memref<64x128xf32, #tpu.memory_space<vmem>>, vector<16xf32>,
              %get3A_237 = arith.index_cast %scan3A_198 : i32 to index
              %get3A_238 = arith.constant 64 : index
              %get3A_239 = tpu.vector_load %arg15[%get3A_237, %get3A_238] {strides = array<i32>} : memref<64x128xf32, #tpu.memory_space<vmem>>, vector<16xf32>,
              %get3A_240 = arith.index_cast %scan3A_198 : i32 to index
              %get3A_241 = arith.constant 64 : index
              %get3A_242 = tpu.vector_load %arg17[%get3A_240, %get3A_241] {strides = array<i32>} : memref<64x128xf32, #tpu.memory_space<vmem>>, vector<16xf32>,
              %mul3A_243 = arith.mulf %get3A_239, %get3A_242 : vector<16xf32>
              %swap3A_244 = arith.index_cast %scan3A_198 : i32 to index
              %swap3A_245 = arith.constant 64 : index
              %swap3A_246 = tpu.vector_load %arg15[%swap3A_244, %swap3A_245] {strides = array<i32>} : memref<64x128xf32, #tpu.memory_space<vmem>>, vector<16xf32>,
              tpu.vector_store %arg15[%swap3A_244, %swap3A_245], %mul3A_243 {strides = array<i32>} : memref<64x128xf32, #tpu.memory_space<vmem>>, vector<16xf32>,
              %get3A_247 = arith.index_cast %scan3A_198 : i32 to index
              %get3A_248 = arith.constant 80 : index
              %get3A_249 = tpu.vector_load %arg15[%get3A_247, %get3A_248] {strides = array<i32>} : memref<64x128xf32, #tpu.memory_space<vmem>>, vector<16xf32>,
              %get3A_250 = arith.index_cast %scan3A_198 : i32 to index
              %get3A_251 = arith.constant 80 : index
              %get3A_252 = tpu.vector_load %arg17[%get3A_250, %get3A_251] {strides = array<i32>} : memref<64x128xf32, #tpu.memory_space<vmem>>, vector<16xf32>,
              %mul3A_253 = arith.mulf %get3A_249, %get3A_252 : vector<16xf32>
              %swap3A_254 = arith.index_cast %scan3A_198 : i32 to index
              %swap3A_255 = arith.constant 80 : index
              %swap3A_256 = tpu.vector_load %arg15[%swap3A_254, %swap3A_255] {strides = array<i32>} : memref<64x128xf32, #tpu.memory_space<vmem>>, vector<16xf32>,
              tpu.vector_store %arg15[%swap3A_254, %swap3A_255], %mul3A_253 {strides = array<i32>} : memref<64x128xf32, #tpu.memory_space<vmem>>, vector<16xf32>,
              %get3A_257 = arith.index_cast %scan3A_198 : i32 to index
              %get3A_258 = arith.constant 96 : index
              %get3A_259 = tpu.vector_load %arg15[%get3A_257, %get3A_258] {strides = array<i32>} : memref<64x128xf32, #tpu.memory_space<vmem>>, vector<16xf32>,
              %get3A_260 = arith.index_cast %scan3A_198 : i32 to index
              %get3A_261 = arith.constant 96 : index
              %get3A_262 = tpu.vector_load %arg17[%get3A_260, %get3A_261] {strides = array<i32>} : memref<64x128xf32, #tpu.memory_space<vmem>>, vector<16xf32>,
              %mul3A_263 = arith.mulf %get3A_259, %get3A_262 : vector<16xf32>
              %swap3A_264 = arith.index_cast %scan3A_198 : i32 to index
              %swap3A_265 = arith.constant 96 : index
              %swap3A_266 = tpu.vector_load %arg15[%swap3A_264, %swap3A_265] {strides = array<i32>} : memref<64x128xf32, #tpu.memory_space<vmem>>, vector<16xf32>,
              tpu.vector_store %arg15[%swap3A_264, %swap3A_265], %mul3A_263 {strides = array<i32>} : memref<64x128xf32, #tpu.memory_space<vmem>>, vector<16xf32>,
              %get3A_267 = arith.index_cast %scan3A_198 : i32 to index
              %get3A_268 = arith.constant 112 : index
              %get3A_269 = tpu.vector_load %arg15[%get3A_267, %get3A_268] {strides = array<i32>} : memref<64x128xf32, #tpu.memory_space<vmem>>, vector<16xf32>,
              %get3A_270 = arith.index_cast %scan3A_198 : i32 to index
              %get3A_271 = arith.constant 112 : index
              %get3A_272 = tpu.vector_load %arg17[%get3A_270, %get3A_271] {strides = array<i32>} : memref<64x128xf32, #tpu.memory_space<vmem>>, vector<16xf32>,
              %mul3A_273 = arith.mulf %get3A_269, %get3A_272 : vector<16xf32>
              %swap3A_274 = arith.index_cast %scan3A_198 : i32 to index
              %swap3A_275 = arith.constant 112 : index
              %swap3A_276 = tpu.vector_load %arg15[%swap3A_274, %swap3A_275] {strides = array<i32>} : memref<64x128xf32, #tpu.memory_space<vmem>>, vector<16xf32>,
              tpu.vector_store %arg15[%swap3A_274, %swap3A_275], %mul3A_273 {strides = array<i32>} : memref<64x128xf32, #tpu.memory_space<vmem>>, vector<16xf32>,
            }
            %scan3A_187 = arith.constant 64 : i32
            %mul3A_188 = arith.constant 2 : i32
            %mul3A_189 = arith.muli %scan3A_80, %mul3A_188 : i32
            %add3A_190 = arith.constant 1 : i32
            %add3A_191 = arith.addi %mul3A_189, %add3A_190 : i32
            %dma_start3A_192 = arith.constant 0 : i32
            %dma_start3A_193 = tpu.memref_slice %arg13[%add3A_191, %dma_start3A_192] : memref<16x64xi32, #tpu.memory_space<vmem>> -> memref<1x64xi32, #tpu.memory_space<vmem>>
            %dma_start3A_194 = tpu.memref_squeeze %dma_start3A_193 : memref<1x64xi32, #tpu.memory_space<vmem>> -> memref<64xi32, #tpu.memory_space<vmem>>
            %dma_start3A_195 = arith.constant 0 : i32
            %dma_start3A_196 = arith.constant 0 : i32
            %dma_start3A_197 = tpu.memref_slice %arg11[%dma_start3A_195, %dma_start3A_196] : memref<10240x128xf32, #tpu.memory_space<vmem_shared>> -> memref<10240x128xf32, #tpu.memory_space<vmem_shared>>
            tpu.enqueue_indirect_dma source(%arg15 : memref<64x128xf32, #tpu.memory_space<vmem>>) target(%dma_start3A_197 : memref<10240x128xf32, #tpu.memory_space<vmem_shared>>) offsets(%dma_start3A_194 : memref<64xi32, #tpu.memory_space<vmem>>) semaphore(%arg23 : memref<!tpu.dma_semaphore, #tpu.memory_space<semaphore_mem>>) {add = true}
          }
          %scan3A_79 = arith.constant 8 : i32
        }
        %scan3A_66 = arith.constant 5 : i32
      }
      %scan3A_23 = arith.constant 2 : i32
      %dma_wait3A = arith.constant 0 : i32
      %dma_wait3A_24 = arith.constant 0 : i32
      %dma_wait3A_25 = tpu.memref_slice %arg13[%dma_wait3A, %dma_wait3A_24] : memref<16x64xi32, #tpu.memory_space<vmem>> -> memref<1x64xi32, #tpu.memory_space<vmem>>
      %dma_wait3A_26 = tpu.memref_squeeze %dma_wait3A_25 : memref<1x64xi32, #tpu.memory_space<vmem>> -> memref<64xi32, #tpu.memory_space<vmem>>
      %dma_wait3A_27 = arith.constant 0 : i32
      %dma_wait3A_28 = arith.constant 0 : i32
      %dma_wait3A_29 = tpu.memref_slice %arg11[%dma_wait3A_27, %dma_wait3A_28] : memref<10240x128xf32, #tpu.memory_space<vmem_shared>> -> memref<10240x128xf32, #tpu.memory_space<vmem_shared>>
      tpu.wait_indirect_dma semaphore(%arg22 : memref<!tpu.dma_semaphore, #tpu.memory_space<semaphore_mem>>) src(%arg14 : memref<64x128xf32, #tpu.memory_space<vmem>>) dst(%dma_wait3A_29 : memref<10240x128xf32, #tpu.memory_space<vmem_shared>>)
      %dma_wait3A_30 = arith.constant 0 : i32
      %dma_wait3A_31 = arith.constant 0 : i32
      %dma_wait3A_32 = tpu.memref_slice %arg13[%dma_wait3A_30, %dma_wait3A_31] : memref<16x64xi32, #tpu.memory_space<vmem>> -> memref<1x64xi32, #tpu.memory_space<vmem>>
      %dma_wait3A_33 = tpu.memref_squeeze %dma_wait3A_32 : memref<1x64xi32, #tpu.memory_space<vmem>> -> memref<64xi32, #tpu.memory_space<vmem>>
      %dma_wait3A_34 = arith.constant 0 : i32
      %dma_wait3A_35 = arith.constant 0 : i32
      %dma_wait3A_36 = tpu.memref_slice %arg11[%dma_wait3A_34, %dma_wait3A_35] : memref<10240x128xf32, #tpu.memory_space<vmem_shared>> -> memref<10240x128xf32, #tpu.memory_space<vmem_shared>>
      tpu.wait_indirect_dma semaphore(%arg23 : memref<!tpu.dma_semaphore, #tpu.memory_space<semaphore_mem>>) src(%arg15 : memref<64x128xf32, #tpu.memory_space<vmem>>) dst(%dma_wait3A_36 : memref<10240x128xf32, #tpu.memory_space<vmem_shared>>)
    } else {
    }
    %barrier3A_8 = arith.constant 0 : index
    tpu.barrier barrier_id(%barrier3A_8)
    %eq3A_9 = arith.constant 0 : i32
    %eq3A_10 = arith.cmpi eq, %arg0, %eq3A_9 : i32
    %convert_element_type3A_11 = arith.extui %eq3A_10 : i1 to i32
    %cond3A_12 = arith.constant 0 : i32
    %cond3A_13 = arith.cmpi ne, %convert_element_type3A_11, %cond3A_12 : i32
    scf.if %cond3A_13 {
      "tpu.region"() ({
        %run_scoped3A = tpu.sem_alloc : memref<!tpu.dma_semaphore, #tpu.memory_space<semaphore_mem>>
        %dma_start3A = arith.constant 0 : i32
        %dma_start3A_19 = tpu.memref_slice %arg9[%mul3A_0, %dma_start3A] : memref<10240x128xf32, #tpu.memory_space<hbm>> -> memref<640x128xf32, #tpu.memory_space<hbm>>
        %dma_start3A_20 = arith.constant 0 : i32
        %dma_start3A_21 = tpu.memref_slice %arg11[%mul3A_0, %dma_start3A_20] : memref<10240x128xf32, #tpu.memory_space<vmem_shared>> -> memref<640x128xf32, #tpu.memory_space<vmem_shared>>
        tpu.enqueue_dma source(%dma_start3A_21 : memref<640x128xf32, #tpu.memory_space<vmem_shared>>) target(%dma_start3A_19 : memref<640x128xf32, #tpu.memory_space<hbm>>) target_semaphore(%run_scoped3A : memref<!tpu.dma_semaphore, #tpu.memory_space<semaphore_mem>>)
        %dma_wait3A = arith.constant 0 : i32
        %dma_wait3A_22 = tpu.memref_slice %arg9[%mul3A_0, %dma_wait3A] : memref<10240x128xf32, #tpu.memory_space<hbm>> -> memref<640x128xf32, #tpu.memory_space<hbm>>
        %dma_wait3A_23 = arith.constant 0 : i32
        %dma_wait3A_24 = tpu.memref_slice %arg11[%mul3A_0, %dma_wait3A_23] : memref<10240x128xf32, #tpu.memory_space<vmem_shared>> -> memref<640x128xf32, #tpu.memory_space<vmem_shared>>
        tpu.wait_dma2 semaphore(%run_scoped3A : memref<!tpu.dma_semaphore, #tpu.memory_space<semaphore_mem>>) src(%dma_wait3A_24 : memref<640x128xf32, #tpu.memory_space<vmem_shared>>) dst(%dma_wait3A_22 : memref<640x128xf32, #tpu.memory_space<hbm>>)
        tpu.yield
      }) : () -> ()
    } else {
    }
    %eq3A_14 = arith.constant 1 : i32
    %eq3A_15 = arith.cmpi eq, %arg0, %eq3A_14 : i32
    %convert_element_type3A_16 = arith.extui %eq3A_15 : i1 to i32
    %cond3A_17 = arith.constant 0 : i32
    %cond3A_18 = arith.cmpi ne, %convert_element_type3A_16, %cond3A_17 : i32
    scf.if %cond3A_18 {
      "tpu.region"() ({
        %run_scoped3A = tpu.sem_alloc : memref<!tpu.dma_semaphore, #tpu.memory_space<semaphore_mem>>
        %dma_start3A = arith.constant 0 : i32
        %dma_start3A_19 = tpu.memref_slice %arg10[%mul3A_0, %dma_start3A] : memref<10240x128xf32, #tpu.memory_space<hbm>> -> memref<640x128xf32, #tpu.memory_space<hbm>>
        %dma_start3A_20 = arith.constant 0 : i32
        %dma_start3A_21 = tpu.memref_slice %arg11[%mul3A_0, %dma_start3A_20] : memref<10240x128xf32, #tpu.memory_space<vmem_shared>> -> memref<640x128xf32, #tpu.memory_space<vmem_shared>>
        tpu.enqueue_dma source(%dma_start3A_21 : memref<640x128xf32, #tpu.memory_space<vmem_shared>>) target(%dma_start3A_19 : memref<640x128xf32, #tpu.memory_space<hbm>>) target_semaphore(%run_scoped3A : memref<!tpu.dma_semaphore, #tpu.memory_space<semaphore_mem>>)
        %dma_wait3A = arith.constant 0 : i32
        %dma_wait3A_22 = tpu.memref_slice %arg10[%mul3A_0, %dma_wait3A] : memref<10240x128xf32, #tpu.memory_space<hbm>> -> memref<640x128xf32, #tpu.memory_space<hbm>>
        %dma_wait3A_23 = arith.constant 0 : i32
        %dma_wait3A_24 = tpu.memref_slice %arg11[%mul3A_0, %dma_wait3A_23] : memref<10240x128xf32, #tpu.memory_space<vmem_shared>> -> memref<640x128xf32, #tpu.memory_space<vmem_shared>>
        tpu.wait_dma2 semaphore(%run_scoped3A : memref<!tpu.dma_semaphore, #tpu.memory_space<semaphore_mem>>) src(%dma_wait3A_24 : memref<640x128xf32, #tpu.memory_space<vmem_shared>>) dst(%dma_wait3A_22 : memref<640x128xf32, #tpu.memory_space<hbm>>)
        tpu.yield
      }) : () -> ()
    } else {
    }
    return
  }
}

#map = affine_map<(d0, d1) -> (0, 0)>
#map1 = affine_map<(d0, d1) -> (0, 0, 0)>
module attributes {stable_mosaic.version = 14 : i64} {
  func.func @_msg_body(%arg0: i32, %arg1: i32, %arg2: memref<163840x128xf32, #tpu.memory_space<hbm>>, %arg3: memref<163840x128xf32, #tpu.memory_space<hbm>>, %arg4: memref<10000x128xf32, #tpu.memory_space<hbm>>, %arg5: memref<10000x128xf32, #tpu.memory_space<hbm>>, %arg6: memref<160x16x64xi32, #tpu.memory_space<hbm>>, %arg7: memref<32x80x64xi32, #tpu.memory_space<hbm>>, %arg8: memref<640x128xf32, #tpu.memory_space<hbm>>, %arg9: memref<10240x128xf32, #tpu.memory_space<hbm>>, %arg10: memref<10240x128xf32, #tpu.memory_space<hbm>>, %arg11: memref<10240x128xf32, #tpu.memory_space<vmem_shared>>, %arg12: memref<80x64xi32, #tpu.memory_space<vmem>>, %arg13: memref<16x64xi32, #tpu.memory_space<vmem>>, %arg14: memref<64x128xf32, #tpu.memory_space<vmem>>, %arg15: memref<64x128xf32, #tpu.memory_space<vmem>>, %arg16: memref<64x128xf32, #tpu.memory_space<vmem>>, %arg17: memref<64x128xf32, #tpu.memory_space<vmem>>, %arg18: memref<!tpu.dma_semaphore, #tpu.memory_space<semaphore_mem>>, %arg19: memref<!tpu.dma_semaphore, #tpu.memory_space<semaphore_mem>>, %arg20: memref<!tpu.dma_semaphore, #tpu.memory_space<semaphore_mem>>, %arg21: memref<!tpu.dma_semaphore, #tpu.memory_space<semaphore_mem>>, %arg22: memref<!tpu.dma_semaphore, #tpu.memory_space<semaphore_mem>>, %arg23: memref<!tpu.dma_semaphore, #tpu.memory_space<semaphore_mem>>) attributes {dimension_semantics = [#tpu.dimension_semantics<core_parallel>, #tpu.dimension_semantics<subcore_parallel>], iteration_bounds = array<i64: 2, 16>, scalar_prefetch = 0 : i64, scratch_operands = 13 : i64, tpu.core_type = #tpu.core_type<sc_vector_subcore>, window_params = [{transform_indices = #map}, {transform_indices = #map}, {transform_indices = #map}, {transform_indices = #map}, {transform_indices = #map1}, {transform_indices = #map1}, {transform_indices = #map}, {transform_indices = #map}, {transform_indices = #map}]} {
    %mul3A = arith.constant 640 : i32
    %mul3A_0 = arith.muli %arg1, %mul3A : i32
    "tpu.region"() ({
      %run_scoped3A = tpu.sem_alloc : memref<!tpu.dma_semaphore, #tpu.memory_space<semaphore_mem>>
      %dma_start3A = arith.constant 0 : i32
      %dma_start3A_19 = tpu.memref_slice %arg11[%mul3A_0, %dma_start3A] : memref<10240x128xf32, #tpu.memory_space<vmem_shared>> -> memref<640x128xf32, #tpu.memory_space<vmem_shared>>
      tpu.enqueue_dma source(%arg8 : memref<640x128xf32, #tpu.memory_space<hbm>>) target(%dma_start3A_19 : memref<640x128xf32, #tpu.memory_space<vmem_shared>>) target_semaphore(%run_scoped3A : memref<!tpu.dma_semaphore, #tpu.memory_space<semaphore_mem>>)
      %dma_wait3A = arith.constant 0 : i32
      %dma_wait3A_20 = tpu.memref_slice %arg11[%mul3A_0, %dma_wait3A] : memref<10240x128xf32, #tpu.memory_space<vmem_shared>> -> memref<640x128xf32, #tpu.memory_space<vmem_shared>>
      tpu.wait_dma2 semaphore(%run_scoped3A : memref<!tpu.dma_semaphore, #tpu.memory_space<semaphore_mem>>) src(%arg8 : memref<640x128xf32, #tpu.memory_space<hbm>>) dst(%dma_wait3A_20 : memref<640x128xf32, #tpu.memory_space<vmem_shared>>)
      tpu.yield
    }) : () -> ()
    "tpu.region"() ({
      %run_scoped3A = tpu.sem_alloc : memref<!tpu.dma_semaphore, #tpu.memory_space<semaphore_mem>>
      %dma_start3A = arith.constant 0 : i32
      %dma_start3A_19 = arith.constant 0 : i32
      %dma_start3A_20 = tpu.memref_slice %arg7[%arg1, %dma_start3A, %dma_start3A_19] : memref<32x80x64xi32, #tpu.memory_space<hbm>> -> memref<1x80x64xi32, #tpu.memory_space<hbm>>
      %dma_start3A_21 = tpu.memref_squeeze %dma_start3A_20 : memref<1x80x64xi32, #tpu.memory_space<hbm>> -> memref<80x64xi32, #tpu.memory_space<hbm>>
      %dma_start3A_22 = arith.constant 0 : i32
      %dma_start3A_23 = arith.constant 0 : i32
      %dma_start3A_24 = tpu.memref_slice %arg7[%arg1, %dma_start3A_22, %dma_start3A_23] : memref<32x80x64xi32, #tpu.memory_space<hbm>> -> memref<1x80x64xi32, #tpu.memory_space<hbm>>
      %dma_start3A_25 = tpu.memref_squeeze %dma_start3A_24 : memref<1x80x64xi32, #tpu.memory_space<hbm>> -> memref<80x64xi32, #tpu.memory_space<hbm>>
      tpu.enqueue_dma source(%dma_start3A_25 : memref<80x64xi32, #tpu.memory_space<hbm>>) target(%arg12 : memref<80x64xi32, #tpu.memory_space<vmem>>) target_semaphore(%run_scoped3A : memref<!tpu.dma_semaphore, #tpu.memory_space<semaphore_mem>>)
      %dma_wait3A = arith.constant 0 : i32
      %dma_wait3A_26 = arith.constant 0 : i32
      %dma_wait3A_27 = tpu.memref_slice %arg7[%arg1, %dma_wait3A, %dma_wait3A_26] : memref<32x80x64xi32, #tpu.memory_space<hbm>> -> memref<1x80x64xi32, #tpu.memory_space<hbm>>
      %dma_wait3A_28 = tpu.memref_squeeze %dma_wait3A_27 : memref<1x80x64xi32, #tpu.memory_space<hbm>> -> memref<80x64xi32, #tpu.memory_space<hbm>>
      %dma_wait3A_29 = arith.constant 0 : i32
      %dma_wait3A_30 = arith.constant 0 : i32
      %dma_wait3A_31 = tpu.memref_slice %arg7[%arg1, %dma_wait3A_29, %dma_wait3A_30] : memref<32x80x64xi32, #tpu.memory_space<hbm>> -> memref<1x80x64xi32, #tpu.memory_space<hbm>>
      %dma_wait3A_32 = tpu.memref_squeeze %dma_wait3A_31 : memref<1x80x64xi32, #tpu.memory_space<hbm>> -> memref<80x64xi32, #tpu.memory_space<hbm>>
      tpu.wait_dma2 semaphore(%run_scoped3A : memref<!tpu.dma_semaphore, #tpu.memory_space<semaphore_mem>>) src(%dma_wait3A_32 : memref<80x64xi32, #tpu.memory_space<hbm>>) dst(%arg12 : memref<80x64xi32, #tpu.memory_space<vmem>>)
      tpu.yield
    }) : () -> ()
    %barrier3A = arith.constant 0 : index
    tpu.barrier barrier_id(%barrier3A)
    %eq3A = arith.constant 0 : i32
    %eq3A_1 = arith.cmpi eq, %arg0, %eq3A : i32
    %convert_element_type3A = arith.extui %eq3A_1 : i1 to i32
    %cond3A = arith.constant 0 : i32
    %cond3A_2 = arith.cmpi ne, %convert_element_type3A, %cond3A : i32
    scf.if %cond3A_2 {
      %scan3A = arith.constant 0 : i32
      %scan3A_19 = arith.constant 0 : i32
      %scan3A_20 = arith.constant 2 : i32
      %scan3A_21 = arith.addi %scan3A_19, %scan3A_20 : i32
      %scan3A_22 = arith.constant 1 : i32
      scf.for %scan3A_37 = %scan3A_19 to %scan3A_21 step %scan3A_22  : i32 {
        %mul3A_38 = arith.constant 2 : i32
        %mul3A_39 = arith.muli %arg1, %mul3A_38 : i32
        %add3A = arith.addi %mul3A_39, %scan3A_37 : i32
        "tpu.region"() ({
          %run_scoped3A = tpu.sem_alloc : memref<!tpu.dma_semaphore, #tpu.memory_space<semaphore_mem>>
          %dma_start3A_67 = arith.constant 0 : i32
          %dma_start3A_68 = arith.constant 0 : i32
          %dma_start3A_69 = tpu.memref_slice %arg7[%add3A, %dma_start3A_67, %dma_start3A_68] : memref<32x80x64xi32, #tpu.memory_space<hbm>> -> memref<1x80x64xi32, #tpu.memory_space<hbm>>
          %dma_start3A_70 = tpu.memref_squeeze %dma_start3A_69 : memref<1x80x64xi32, #tpu.memory_space<hbm>> -> memref<80x64xi32, #tpu.memory_space<hbm>>
          %dma_start3A_71 = arith.constant 0 : i32
          %dma_start3A_72 = arith.constant 0 : i32
          %dma_start3A_73 = tpu.memref_slice %arg7[%add3A, %dma_start3A_71, %dma_start3A_72] : memref<32x80x64xi32, #tpu.memory_space<hbm>> -> memref<1x80x64xi32, #tpu.memory_space<hbm>>
          %dma_start3A_74 = tpu.memref_squeeze %dma_start3A_73 : memref<1x80x64xi32, #tpu.memory_space<hbm>> -> memref<80x64xi32, #tpu.memory_space<hbm>>
          tpu.enqueue_dma source(%dma_start3A_74 : memref<80x64xi32, #tpu.memory_space<hbm>>) target(%arg12 : memref<80x64xi32, #tpu.memory_space<vmem>>) target_semaphore(%run_scoped3A : memref<!tpu.dma_semaphore, #tpu.memory_space<semaphore_mem>>)
          %dma_wait3A_75 = arith.constant 0 : i32
          %dma_wait3A_76 = arith.constant 0 : i32
          %dma_wait3A_77 = tpu.memref_slice %arg7[%add3A, %dma_wait3A_75, %dma_wait3A_76] : memref<32x80x64xi32, #tpu.memory_space<hbm>> -> memref<1x80x64xi32, #tpu.memory_space<hbm>>
          %dma_wait3A_78 = tpu.memref_squeeze %dma_wait3A_77 : memref<1x80x64xi32, #tpu.memory_space<hbm>> -> memref<80x64xi32, #tpu.memory_space<hbm>>
          %dma_wait3A_79 = arith.constant 0 : i32
          %dma_wait3A_80 = arith.constant 0 : i32
          %dma_wait3A_81 = tpu.memref_slice %arg7[%add3A, %dma_wait3A_79, %dma_wait3A_80] : memref<32x80x64xi32, #tpu.memory_space<hbm>> -> memref<1x80x64xi32, #tpu.memory_space<hbm>>
          %dma_wait3A_82 = tpu.memref_squeeze %dma_wait3A_81 : memref<1x80x64xi32, #tpu.memory_space<hbm>> -> memref<80x64xi32, #tpu.memory_space<hbm>>
          tpu.wait_dma2 semaphore(%run_scoped3A : memref<!tpu.dma_semaphore, #tpu.memory_space<semaphore_mem>>) src(%dma_wait3A_82 : memref<80x64xi32, #tpu.memory_space<hbm>>) dst(%arg12 : memref<80x64xi32, #tpu.memory_space<vmem>>)
          tpu.yield
        }) : () -> ()
        %gt3A = arith.constant 0 : i32
        %gt3A_40 = arith.cmpi sgt, %scan3A_37, %gt3A : i32
        %convert_element_type3A_41 = arith.extui %gt3A_40 : i1 to i32
        %cond3A_42 = arith.constant 0 : i32
        %cond3A_43 = arith.cmpi ne, %convert_element_type3A_41, %cond3A_42 : i32
        scf.if %cond3A_43 {
          %dma_wait3A_67 = arith.constant 0 : i32
          %dma_wait3A_68 = arith.constant 0 : i32
          %dma_wait3A_69 = tpu.memref_slice %arg13[%dma_wait3A_67, %dma_wait3A_68] : memref<16x64xi32, #tpu.memory_space<vmem>> -> memref<1x64xi32, #tpu.memory_space<vmem>>
          %dma_wait3A_70 = tpu.memref_squeeze %dma_wait3A_69 : memref<1x64xi32, #tpu.memory_space<vmem>> -> memref<64xi32, #tpu.memory_space<vmem>>
          %dma_wait3A_71 = arith.constant 0 : i32
          %dma_wait3A_72 = arith.constant 0 : i32
          %dma_wait3A_73 = tpu.memref_slice %arg11[%dma_wait3A_71, %dma_wait3A_72] : memref<10240x128xf32, #tpu.memory_space<vmem_shared>> -> memref<10240x128xf32, #tpu.memory_space<vmem_shared>>
          tpu.wait_indirect_dma semaphore(%arg22 : memref<!tpu.dma_semaphore, #tpu.memory_space<semaphore_mem>>) src(%arg14 : memref<64x128xf32, #tpu.memory_space<vmem>>) dst(%dma_wait3A_73 : memref<10240x128xf32, #tpu.memory_space<vmem_shared>>)
        } else {
        }
        %mul3A_44 = arith.constant 80 : i32
        %mul3A_45 = arith.muli %scan3A_37, %mul3A_44 : i32
        %dma_start3A = arith.constant 0 : i32
        %dma_start3A_46 = arith.constant 0 : i32
        %dma_start3A_47 = tpu.memref_slice %arg12[%dma_start3A, %dma_start3A_46] : memref<80x64xi32, #tpu.memory_space<vmem>> -> memref<1x64xi32, #tpu.memory_space<vmem>>
        %dma_start3A_48 = tpu.memref_squeeze %dma_start3A_47 : memref<1x64xi32, #tpu.memory_space<vmem>> -> memref<64xi32, #tpu.memory_space<vmem>>
        %dma_start3A_49 = arith.constant 0 : i32
        %dma_start3A_50 = arith.constant 0 : i32
        %dma_start3A_51 = tpu.memref_slice %arg4[%dma_start3A_49, %dma_start3A_50] : memref<10000x128xf32, #tpu.memory_space<hbm>> -> memref<10000x128xf32, #tpu.memory_space<hbm>>
        tpu.enqueue_indirect_dma source(%dma_start3A_51 : memref<10000x128xf32, #tpu.memory_space<hbm>>) target(%arg14 : memref<64x128xf32, #tpu.memory_space<vmem>>) offsets(%dma_start3A_48 : memref<64xi32, #tpu.memory_space<vmem>>) semaphore(%arg18 : memref<!tpu.dma_semaphore, #tpu.memory_space<semaphore_mem>>)
        %mul3A_52 = arith.constant 10240 : i32
        %mul3A_53 = arith.muli %arg1, %mul3A_52 : i32
        %mul3A_54 = arith.constant 64 : i32
        %mul3A_55 = arith.muli %mul3A_45, %mul3A_54 : i32
        %add3A_56 = arith.addi %mul3A_53, %mul3A_55 : i32
        %dma_start3A_57 = arith.constant 0 : i32
        %dma_start3A_58 = tpu.memref_slice %arg2[%add3A_56, %dma_start3A_57] : memref<163840x128xf32, #tpu.memory_space<hbm>> -> memref<64x128xf32, #tpu.memory_space<hbm>>
        %dma_start3A_59 = arith.constant 0 : i32
        %dma_start3A_60 = tpu.memref_slice %arg2[%add3A_56, %dma_start3A_59] : memref<163840x128xf32, #tpu.memory_space<hbm>> -> memref<64x128xf32, #tpu.memory_space<hbm>>
        tpu.enqueue_dma source(%dma_start3A_60 : memref<64x128xf32, #tpu.memory_space<hbm>>) target(%arg16 : memref<64x128xf32, #tpu.memory_space<vmem>>) target_semaphore(%arg20 : memref<!tpu.dma_semaphore, #tpu.memory_space<semaphore_mem>>)
        %scan3A_61 = arith.constant 0 : i32
        %scan3A_62 = arith.constant 0 : i32
        %scan3A_63 = arith.constant 5 : i32
        %scan3A_64 = arith.addi %scan3A_62, %scan3A_63 : i32
        %scan3A_65 = arith.constant 1 : i32
        scf.for %scan3A_67 = %scan3A_62 to %scan3A_64 step %scan3A_65  : i32 {
          %mul3A_68 = arith.constant 10 : i32
          %mul3A_69 = arith.muli %arg1, %mul3A_68 : i32
          %mul3A_70 = arith.constant 5 : i32
          %mul3A_71 = arith.muli %scan3A_37, %mul3A_70 : i32
          %add3A_72 = arith.addi %mul3A_69, %mul3A_71 : i32
          %add3A_73 = arith.addi %add3A_72, %scan3A_67 : i32
          "tpu.region"() ({
            %run_scoped3A = tpu.sem_alloc : memref<!tpu.dma_semaphore, #tpu.memory_space<semaphore_mem>>
            %dma_start3A_80 = arith.constant 0 : i32
            %dma_start3A_81 = arith.constant 0 : i32
            %dma_start3A_82 = tpu.memref_slice %arg6[%add3A_73, %dma_start3A_80, %dma_start3A_81] : memref<160x16x64xi32, #tpu.memory_space<hbm>> -> memref<1x16x64xi32, #tpu.memory_space<hbm>>
            %dma_start3A_83 = tpu.memref_squeeze %dma_start3A_82 : memref<1x16x64xi32, #tpu.memory_space<hbm>> -> memref<16x64xi32, #tpu.memory_space<hbm>>
            %dma_start3A_84 = arith.constant 0 : i32
            %dma_start3A_85 = arith.constant 0 : i32
            %dma_start3A_86 = tpu.memref_slice %arg6[%add3A_73, %dma_start3A_84, %dma_start3A_85] : memref<160x16x64xi32, #tpu.memory_space<hbm>> -> memref<1x16x64xi32, #tpu.memory_space<hbm>>
            %dma_start3A_87 = tpu.memref_squeeze %dma_start3A_86 : memref<1x16x64xi32, #tpu.memory_space<hbm>> -> memref<16x64xi32, #tpu.memory_space<hbm>>
            tpu.enqueue_dma source(%dma_start3A_87 : memref<16x64xi32, #tpu.memory_space<hbm>>) target(%arg13 : memref<16x64xi32, #tpu.memory_space<vmem>>) target_semaphore(%run_scoped3A : memref<!tpu.dma_semaphore, #tpu.memory_space<semaphore_mem>>)
            %dma_wait3A_88 = arith.constant 0 : i32
            %dma_wait3A_89 = arith.constant 0 : i32
            %dma_wait3A_90 = tpu.memref_slice %arg6[%add3A_73, %dma_wait3A_88, %dma_wait3A_89] : memref<160x16x64xi32, #tpu.memory_space<hbm>> -> memref<1x16x64xi32, #tpu.memory_space<hbm>>
            %dma_wait3A_91 = tpu.memref_squeeze %dma_wait3A_90 : memref<1x16x64xi32, #tpu.memory_space<hbm>> -> memref<16x64xi32, #tpu.memory_space<hbm>>
            %dma_wait3A_92 = arith.constant 0 : i32
            %dma_wait3A_93 = arith.constant 0 : i32
            %dma_wait3A_94 = tpu.memref_slice %arg6[%add3A_73, %dma_wait3A_92, %dma_wait3A_93] : memref<160x16x64xi32, #tpu.memory_space<hbm>> -> memref<1x16x64xi32, #tpu.memory_space<hbm>>
            %dma_wait3A_95 = tpu.memref_squeeze %dma_wait3A_94 : memref<1x16x64xi32, #tpu.memory_space<hbm>> -> memref<16x64xi32, #tpu.memory_space<hbm>>
            tpu.wait_dma2 semaphore(%run_scoped3A : memref<!tpu.dma_semaphore, #tpu.memory_space<semaphore_mem>>) src(%dma_wait3A_95 : memref<16x64xi32, #tpu.memory_space<hbm>>) dst(%arg13 : memref<16x64xi32, #tpu.memory_space<vmem>>)
            tpu.yield
          }) : () -> ()
          %scan3A_74 = arith.constant 0 : i32
          %scan3A_75 = arith.constant 0 : i32
          %scan3A_76 = arith.constant 8 : i32
          %scan3A_77 = arith.addi %scan3A_75, %scan3A_76 : i32
          %scan3A_78 = arith.constant 1 : i32
          scf.for %scan3A_80 = %scan3A_75 to %scan3A_77 step %scan3A_78  : i32 {
            %mul3A_81 = arith.constant 16 : i32
            %mul3A_82 = arith.muli %scan3A_67, %mul3A_81 : i32
            %mul3A_83 = arith.constant 2 : i32
            %mul3A_84 = arith.muli %scan3A_80, %mul3A_83 : i32
            %add3A_85 = arith.addi %mul3A_82, %mul3A_84 : i32
            %add3A_86 = arith.constant 0 : i32
            %add3A_87 = arith.addi %add3A_85, %add3A_86 : i32
            %mul3A_88 = arith.constant 80 : i32
            %mul3A_89 = arith.muli %scan3A_37, %mul3A_88 : i32
            %add3A_90 = arith.addi %mul3A_89, %add3A_87 : i32
            %add3A_91 = arith.addi %scan3A_37, %scan3A_67 : i32
            %add3A_92 = arith.addi %add3A_91, %scan3A_80 : i32
            %gt3A_93 = arith.constant 0 : i32
            %gt3A_94 = arith.cmpi sgt, %add3A_92, %gt3A_93 : i32
            %convert_element_type3A_95 = arith.extui %gt3A_94 : i1 to i32
            %cond3A_96 = arith.constant 0 : i32
            %cond3A_97 = arith.cmpi ne, %convert_element_type3A_95, %cond3A_96 : i32
            scf.if %cond3A_97 {
              %dma_wait3A_198 = arith.constant 0 : i32
              %dma_wait3A_199 = arith.constant 0 : i32
              %dma_wait3A_200 = tpu.memref_slice %arg13[%dma_wait3A_198, %dma_wait3A_199] : memref<16x64xi32, #tpu.memory_space<vmem>> -> memref<1x64xi32, #tpu.memory_space<vmem>>
              %dma_wait3A_201 = tpu.memref_squeeze %dma_wait3A_200 : memref<1x64xi32, #tpu.memory_space<vmem>> -> memref<64xi32, #tpu.memory_space<vmem>>
              %dma_wait3A_202 = arith.constant 0 : i32
              %dma_wait3A_203 = arith.constant 0 : i32
              %dma_wait3A_204 = tpu.memref_slice %arg11[%dma_wait3A_202, %dma_wait3A_203] : memref<10240x128xf32, #tpu.memory_space<vmem_shared>> -> memref<10240x128xf32, #tpu.memory_space<vmem_shared>>
              tpu.wait_indirect_dma semaphore(%arg23 : memref<!tpu.dma_semaphore, #tpu.memory_space<semaphore_mem>>) src(%arg15 : memref<64x128xf32, #tpu.memory_space<vmem>>) dst(%dma_wait3A_204 : memref<10240x128xf32, #tpu.memory_space<vmem_shared>>)
            } else {
            }
            %add3A_98 = arith.constant 1 : i32
            %add3A_99 = arith.addi %add3A_87, %add3A_98 : i32
            %lt3A = arith.constant 80 : i32
            %lt3A_100 = arith.cmpi slt, %add3A_99, %lt3A : i32
            %add3A_101 = arith.constant 1 : i32
            %add3A_102 = arith.addi %add3A_90, %add3A_101 : i32
            %add3A_103 = arith.constant 1 : i32
            %add3A_104 = arith.addi %add3A_87, %add3A_103 : i32
            %convert_element_type3A_105 = arith.extui %lt3A_100 : i1 to i32
            %cond3A_106 = arith.constant 0 : i32
            %cond3A_107 = arith.cmpi ne, %convert_element_type3A_105, %cond3A_106 : i32
            scf.if %cond3A_107 {
              %dma_start3A_198 = arith.constant 0 : i32
              %dma_start3A_199 = tpu.memref_slice %arg12[%add3A_104, %dma_start3A_198] : memref<80x64xi32, #tpu.memory_space<vmem>> -> memref<1x64xi32, #tpu.memory_space<vmem>>
              %dma_start3A_200 = tpu.memref_squeeze %dma_start3A_199 : memref<1x64xi32, #tpu.memory_space<vmem>> -> memref<64xi32, #tpu.memory_space<vmem>>
              %dma_start3A_201 = arith.constant 0 : i32
              %dma_start3A_202 = arith.constant 0 : i32
              %dma_start3A_203 = tpu.memref_slice %arg4[%dma_start3A_201, %dma_start3A_202] : memref<10000x128xf32, #tpu.memory_space<hbm>> -> memref<10000x128xf32, #tpu.memory_space<hbm>>
              tpu.enqueue_indirect_dma source(%dma_start3A_203 : memref<10000x128xf32, #tpu.memory_space<hbm>>) target(%arg15 : memref<64x128xf32, #tpu.memory_space<vmem>>) offsets(%dma_start3A_200 : memref<64xi32, #tpu.memory_space<vmem>>) semaphore(%arg19 : memref<!tpu.dma_semaphore, #tpu.memory_space<semaphore_mem>>)
              %mul3A_204 = arith.constant 10240 : i32
              %mul3A_205 = arith.muli %arg1, %mul3A_204 : i32
              %mul3A_206 = arith.constant 64 : i32
              %mul3A_207 = arith.muli %add3A_102, %mul3A_206 : i32
              %add3A_208 = arith.addi %mul3A_205, %mul3A_207 : i32
              %dma_start3A_209 = arith.constant 0 : i32
              %dma_start3A_210 = tpu.memref_slice %arg2[%add3A_208, %dma_start3A_209] : memref<163840x128xf32, #tpu.memory_space<hbm>> -> memref<64x128xf32, #tpu.memory_space<hbm>>
              %dma_start3A_211 = arith.constant 0 : i32
              %dma_start3A_212 = tpu.memref_slice %arg2[%add3A_208, %dma_start3A_211] : memref<163840x128xf32, #tpu.memory_space<hbm>> -> memref<64x128xf32, #tpu.memory_space<hbm>>
              tpu.enqueue_dma source(%dma_start3A_212 : memref<64x128xf32, #tpu.memory_space<hbm>>) target(%arg17 : memref<64x128xf32, #tpu.memory_space<vmem>>) target_semaphore(%arg21 : memref<!tpu.dma_semaphore, #tpu.memory_space<semaphore_mem>>)
            } else {
            }
            %dma_wait3A_108 = arith.constant 0 : i32
            %dma_wait3A_109 = tpu.memref_slice %arg12[%add3A_87, %dma_wait3A_108] : memref<80x64xi32, #tpu.memory_space<vmem>> -> memref<1x64xi32, #tpu.memory_space<vmem>>
            %dma_wait3A_110 = tpu.memref_squeeze %dma_wait3A_109 : memref<1x64xi32, #tpu.memory_space<vmem>> -> memref<64xi32, #tpu.memory_space<vmem>>
            %dma_wait3A_111 = arith.constant 0 : i32
            %dma_wait3A_112 = arith.constant 0 : i32
            %dma_wait3A_113 = tpu.memref_slice %arg4[%dma_wait3A_111, %dma_wait3A_112] : memref<10000x128xf32, #tpu.memory_space<hbm>> -> memref<10000x128xf32, #tpu.memory_space<hbm>>
            tpu.wait_indirect_dma semaphore(%arg18 : memref<!tpu.dma_semaphore, #tpu.memory_space<semaphore_mem>>) src(%dma_wait3A_113 : memref<10000x128xf32, #tpu.memory_space<hbm>>) dst(%arg14 : memref<64x128xf32, #tpu.memory_space<vmem>>)
            %mul3A_114 = arith.constant 10240 : i32
            %mul3A_115 = arith.muli %arg1, %mul3A_114 : i32
            %mul3A_116 = arith.constant 64 : i32
            %mul3A_117 = arith.muli %add3A_90, %mul3A_116 : i32
            %add3A_118 = arith.addi %mul3A_115, %mul3A_117 : i32
            %dma_wait3A_119 = arith.constant 0 : i32
            %dma_wait3A_120 = tpu.memref_slice %arg2[%add3A_118, %dma_wait3A_119] : memref<163840x128xf32, #tpu.memory_space<hbm>> -> memref<64x128xf32, #tpu.memory_space<hbm>>
            %dma_wait3A_121 = arith.constant 0 : i32
            %dma_wait3A_122 = tpu.memref_slice %arg2[%add3A_118, %dma_wait3A_121] : memref<163840x128xf32, #tpu.memory_space<hbm>> -> memref<64x128xf32, #tpu.memory_space<hbm>>
            tpu.wait_dma2 semaphore(%arg20 : memref<!tpu.dma_semaphore, #tpu.memory_space<semaphore_mem>>) src(%dma_wait3A_122 : memref<64x128xf32, #tpu.memory_space<hbm>>) dst(%arg16 : memref<64x128xf32, #tpu.memory_space<vmem>>)
            %scan3A_123 = arith.constant 0 : i32
            %scan3A_124 = arith.constant 0 : i32
            %scan3A_125 = arith.constant 64 : i32
            %scan3A_126 = arith.addi %scan3A_124, %scan3A_125 : i32
            %scan3A_127 = arith.constant 1 : i32
            scf.for %scan3A_198 = %scan3A_124 to %scan3A_126 step %scan3A_127  : i32 {
              %get3A = arith.index_cast %scan3A_198 : i32 to index
              %get3A_199 = arith.constant 0 : index
              %get3A_200 = tpu.vector_load %arg14[%get3A, %get3A_199] {strides = array<i32>} : memref<64x128xf32, #tpu.memory_space<vmem>>, vector<16xf32>,
              %get3A_201 = arith.index_cast %scan3A_198 : i32 to index
              %get3A_202 = arith.constant 0 : index
              %get3A_203 = tpu.vector_load %arg16[%get3A_201, %get3A_202] {strides = array<i32>} : memref<64x128xf32, #tpu.memory_space<vmem>>, vector<16xf32>,
              %mul3A_204 = arith.mulf %get3A_200, %get3A_203 : vector<16xf32>
              %swap3A = arith.index_cast %scan3A_198 : i32 to index
              %swap3A_205 = arith.constant 0 : index
              %swap3A_206 = tpu.vector_load %arg14[%swap3A, %swap3A_205] {strides = array<i32>} : memref<64x128xf32, #tpu.memory_space<vmem>>, vector<16xf32>,
              tpu.vector_store %arg14[%swap3A, %swap3A_205], %mul3A_204 {strides = array<i32>} : memref<64x128xf32, #tpu.memory_space<vmem>>, vector<16xf32>,
              %get3A_207 = arith.index_cast %scan3A_198 : i32 to index
              %get3A_208 = arith.constant 16 : index
              %get3A_209 = tpu.vector_load %arg14[%get3A_207, %get3A_208] {strides = array<i32>} : memref<64x128xf32, #tpu.memory_space<vmem>>, vector<16xf32>,
              %get3A_210 = arith.index_cast %scan3A_198 : i32 to index
              %get3A_211 = arith.constant 16 : index
              %get3A_212 = tpu.vector_load %arg16[%get3A_210, %get3A_211] {strides = array<i32>} : memref<64x128xf32, #tpu.memory_space<vmem>>, vector<16xf32>,
              %mul3A_213 = arith.mulf %get3A_209, %get3A_212 : vector<16xf32>
              %swap3A_214 = arith.index_cast %scan3A_198 : i32 to index
              %swap3A_215 = arith.constant 16 : index
              %swap3A_216 = tpu.vector_load %arg14[%swap3A_214, %swap3A_215] {strides = array<i32>} : memref<64x128xf32, #tpu.memory_space<vmem>>, vector<16xf32>,
              tpu.vector_store %arg14[%swap3A_214, %swap3A_215], %mul3A_213 {strides = array<i32>} : memref<64x128xf32, #tpu.memory_space<vmem>>, vector<16xf32>,
              %get3A_217 = arith.index_cast %scan3A_198 : i32 to index
              %get3A_218 = arith.constant 32 : index
              %get3A_219 = tpu.vector_load %arg14[%get3A_217, %get3A_218] {strides = array<i32>} : memref<64x128xf32, #tpu.memory_space<vmem>>, vector<16xf32>,
              %get3A_220 = arith.index_cast %scan3A_198 : i32 to index
              %get3A_221 = arith.constant 32 : index
              %get3A_222 = tpu.vector_load %arg16[%get3A_220, %get3A_221] {strides = array<i32>} : memref<64x128xf32, #tpu.memory_space<vmem>>, vector<16xf32>,
              %mul3A_223 = arith.mulf %get3A_219, %get3A_222 : vector<16xf32>
              %swap3A_224 = arith.index_cast %scan3A_198 : i32 to index
              %swap3A_225 = arith.constant 32 : index
              %swap3A_226 = tpu.vector_load %arg14[%swap3A_224, %swap3A_225] {strides = array<i32>} : memref<64x128xf32, #tpu.memory_space<vmem>>, vector<16xf32>,
              tpu.vector_store %arg14[%swap3A_224, %swap3A_225], %mul3A_223 {strides = array<i32>} : memref<64x128xf32, #tpu.memory_space<vmem>>, vector<16xf32>,
              %get3A_227 = arith.index_cast %scan3A_198 : i32 to index
              %get3A_228 = arith.constant 48 : index
              %get3A_229 = tpu.vector_load %arg14[%get3A_227, %get3A_228] {strides = array<i32>} : memref<64x128xf32, #tpu.memory_space<vmem>>, vector<16xf32>,
              %get3A_230 = arith.index_cast %scan3A_198 : i32 to index
              %get3A_231 = arith.constant 48 : index
              %get3A_232 = tpu.vector_load %arg16[%get3A_230, %get3A_231] {strides = array<i32>} : memref<64x128xf32, #tpu.memory_space<vmem>>, vector<16xf32>,
              %mul3A_233 = arith.mulf %get3A_229, %get3A_232 : vector<16xf32>
              %swap3A_234 = arith.index_cast %scan3A_198 : i32 to index
              %swap3A_235 = arith.constant 48 : index
              %swap3A_236 = tpu.vector_load %arg14[%swap3A_234, %swap3A_235] {strides = array<i32>} : memref<64x128xf32, #tpu.memory_space<vmem>>, vector<16xf32>,
              tpu.vector_store %arg14[%swap3A_234, %swap3A_235], %mul3A_233 {strides = array<i32>} : memref<64x128xf32, #tpu.memory_space<vmem>>, vector<16xf32>,
              %get3A_237 = arith.index_cast %scan3A_198 : i32 to index
              %get3A_238 = arith.constant 64 : index
              %get3A_239 = tpu.vector_load %arg14[%get3A_237, %get3A_238] {strides = array<i32>} : memref<64x128xf32, #tpu.memory_space<vmem>>, vector<16xf32>,
              %get3A_240 = arith.index_cast %scan3A_198 : i32 to index
              %get3A_241 = arith.constant 64 : index
              %get3A_242 = tpu.vector_load %arg16[%get3A_240, %get3A_241] {strides = array<i32>} : memref<64x128xf32, #tpu.memory_space<vmem>>, vector<16xf32>,
              %mul3A_243 = arith.mulf %get3A_239, %get3A_242 : vector<16xf32>
              %swap3A_244 = arith.index_cast %scan3A_198 : i32 to index
              %swap3A_245 = arith.constant 64 : index
              %swap3A_246 = tpu.vector_load %arg14[%swap3A_244, %swap3A_245] {strides = array<i32>} : memref<64x128xf32, #tpu.memory_space<vmem>>, vector<16xf32>,
              tpu.vector_store %arg14[%swap3A_244, %swap3A_245], %mul3A_243 {strides = array<i32>} : memref<64x128xf32, #tpu.memory_space<vmem>>, vector<16xf32>,
              %get3A_247 = arith.index_cast %scan3A_198 : i32 to index
              %get3A_248 = arith.constant 80 : index
              %get3A_249 = tpu.vector_load %arg14[%get3A_247, %get3A_248] {strides = array<i32>} : memref<64x128xf32, #tpu.memory_space<vmem>>, vector<16xf32>,
              %get3A_250 = arith.index_cast %scan3A_198 : i32 to index
              %get3A_251 = arith.constant 80 : index
              %get3A_252 = tpu.vector_load %arg16[%get3A_250, %get3A_251] {strides = array<i32>} : memref<64x128xf32, #tpu.memory_space<vmem>>, vector<16xf32>,
              %mul3A_253 = arith.mulf %get3A_249, %get3A_252 : vector<16xf32>
              %swap3A_254 = arith.index_cast %scan3A_198 : i32 to index
              %swap3A_255 = arith.constant 80 : index
              %swap3A_256 = tpu.vector_load %arg14[%swap3A_254, %swap3A_255] {strides = array<i32>} : memref<64x128xf32, #tpu.memory_space<vmem>>, vector<16xf32>,
              tpu.vector_store %arg14[%swap3A_254, %swap3A_255], %mul3A_253 {strides = array<i32>} : memref<64x128xf32, #tpu.memory_space<vmem>>, vector<16xf32>,
              %get3A_257 = arith.index_cast %scan3A_198 : i32 to index
              %get3A_258 = arith.constant 96 : index
              %get3A_259 = tpu.vector_load %arg14[%get3A_257, %get3A_258] {strides = array<i32>} : memref<64x128xf32, #tpu.memory_space<vmem>>, vector<16xf32>,
              %get3A_260 = arith.index_cast %scan3A_198 : i32 to index
              %get3A_261 = arith.constant 96 : index
              %get3A_262 = tpu.vector_load %arg16[%get3A_260, %get3A_261] {strides = array<i32>} : memref<64x128xf32, #tpu.memory_space<vmem>>, vector<16xf32>,
              %mul3A_263 = arith.mulf %get3A_259, %get3A_262 : vector<16xf32>
              %swap3A_264 = arith.index_cast %scan3A_198 : i32 to index
              %swap3A_265 = arith.constant 96 : index
              %swap3A_266 = tpu.vector_load %arg14[%swap3A_264, %swap3A_265] {strides = array<i32>} : memref<64x128xf32, #tpu.memory_space<vmem>>, vector<16xf32>,
              tpu.vector_store %arg14[%swap3A_264, %swap3A_265], %mul3A_263 {strides = array<i32>} : memref<64x128xf32, #tpu.memory_space<vmem>>, vector<16xf32>,
              %get3A_267 = arith.index_cast %scan3A_198 : i32 to index
              %get3A_268 = arith.constant 112 : index
              %get3A_269 = tpu.vector_load %arg14[%get3A_267, %get3A_268] {strides = array<i32>} : memref<64x128xf32, #tpu.memory_space<vmem>>, vector<16xf32>,
              %get3A_270 = arith.index_cast %scan3A_198 : i32 to index
              %get3A_271 = arith.constant 112 : index
              %get3A_272 = tpu.vector_load %arg16[%get3A_270, %get3A_271] {strides = array<i32>} : memref<64x128xf32, #tpu.memory_space<vmem>>, vector<16xf32>,
              %mul3A_273 = arith.mulf %get3A_269, %get3A_272 : vector<16xf32>
              %swap3A_274 = arith.index_cast %scan3A_198 : i32 to index
              %swap3A_275 = arith.constant 112 : index
              %swap3A_276 = tpu.vector_load %arg14[%swap3A_274, %swap3A_275] {strides = array<i32>} : memref<64x128xf32, #tpu.memory_space<vmem>>, vector<16xf32>,
              tpu.vector_store %arg14[%swap3A_274, %swap3A_275], %mul3A_273 {strides = array<i32>} : memref<64x128xf32, #tpu.memory_space<vmem>>, vector<16xf32>,
            }
            %scan3A_128 = arith.constant 64 : i32
            %mul3A_129 = arith.constant 2 : i32
            %mul3A_130 = arith.muli %scan3A_80, %mul3A_129 : i32
            %add3A_131 = arith.constant 0 : i32
            %add3A_132 = arith.addi %mul3A_130, %add3A_131 : i32
            %dma_start3A_133 = arith.constant 0 : i32
            %dma_start3A_134 = tpu.memref_slice %arg13[%add3A_132, %dma_start3A_133] : memref<16x64xi32, #tpu.memory_space<vmem>> -> memref<1x64xi32, #tpu.memory_space<vmem>>
            %dma_start3A_135 = tpu.memref_squeeze %dma_start3A_134 : memref<1x64xi32, #tpu.memory_space<vmem>> -> memref<64xi32, #tpu.memory_space<vmem>>
            %dma_start3A_136 = arith.constant 0 : i32
            %dma_start3A_137 = arith.constant 0 : i32
            %dma_start3A_138 = tpu.memref_slice %arg11[%dma_start3A_136, %dma_start3A_137] : memref<10240x128xf32, #tpu.memory_space<vmem_shared>> -> memref<10240x128xf32, #tpu.memory_space<vmem_shared>>
            tpu.enqueue_indirect_dma source(%arg14 : memref<64x128xf32, #tpu.memory_space<vmem>>) target(%dma_start3A_138 : memref<10240x128xf32, #tpu.memory_space<vmem_shared>>) offsets(%dma_start3A_135 : memref<64xi32, #tpu.memory_space<vmem>>) semaphore(%arg22 : memref<!tpu.dma_semaphore, #tpu.memory_space<semaphore_mem>>) {add = true}
            %mul3A_139 = arith.constant 16 : i32
            %mul3A_140 = arith.muli %scan3A_67, %mul3A_139 : i32
            %mul3A_141 = arith.constant 2 : i32
            %mul3A_142 = arith.muli %scan3A_80, %mul3A_141 : i32
            %add3A_143 = arith.addi %mul3A_140, %mul3A_142 : i32
            %add3A_144 = arith.constant 1 : i32
            %add3A_145 = arith.addi %add3A_143, %add3A_144 : i32
            %mul3A_146 = arith.constant 80 : i32
            %mul3A_147 = arith.muli %scan3A_37, %mul3A_146 : i32
            %add3A_148 = arith.addi %mul3A_147, %add3A_145 : i32
            %add3A_149 = arith.constant 1 : i32
            %add3A_150 = arith.addi %add3A_145, %add3A_149 : i32
            %lt3A_151 = arith.constant 80 : i32
            %lt3A_152 = arith.cmpi slt, %add3A_150, %lt3A_151 : i32
            %convert_element_type3A_153 = arith.extui %lt3A_152 : i1 to i32
            %cond3A_154 = arith.constant 0 : i32
            %cond3A_155 = arith.cmpi ne, %convert_element_type3A_153, %cond3A_154 : i32
            scf.if %cond3A_155 {
              %dma_wait3A_198 = arith.constant 0 : i32
              %dma_wait3A_199 = arith.constant 0 : i32
              %dma_wait3A_200 = tpu.memref_slice %arg13[%dma_wait3A_198, %dma_wait3A_199] : memref<16x64xi32, #tpu.memory_space<vmem>> -> memref<1x64xi32, #tpu.memory_space<vmem>>
              %dma_wait3A_201 = tpu.memref_squeeze %dma_wait3A_200 : memref<1x64xi32, #tpu.memory_space<vmem>> -> memref<64xi32, #tpu.memory_space<vmem>>
              %dma_wait3A_202 = arith.constant 0 : i32
              %dma_wait3A_203 = arith.constant 0 : i32
              %dma_wait3A_204 = tpu.memref_slice %arg11[%dma_wait3A_202, %dma_wait3A_203] : memref<10240x128xf32, #tpu.memory_space<vmem_shared>> -> memref<10240x128xf32, #tpu.memory_space<vmem_shared>>
              tpu.wait_indirect_dma semaphore(%arg22 : memref<!tpu.dma_semaphore, #tpu.memory_space<semaphore_mem>>) src(%arg14 : memref<64x128xf32, #tpu.memory_space<vmem>>) dst(%dma_wait3A_204 : memref<10240x128xf32, #tpu.memory_space<vmem_shared>>)
            } else {
            }
            %add3A_156 = arith.constant 1 : i32
            %add3A_157 = arith.addi %add3A_145, %add3A_156 : i32
            %lt3A_158 = arith.constant 80 : i32
            %lt3A_159 = arith.cmpi slt, %add3A_157, %lt3A_158 : i32
            %add3A_160 = arith.constant 1 : i32
            %add3A_161 = arith.addi %add3A_148, %add3A_160 : i32
            %add3A_162 = arith.constant 1 : i32
            %add3A_163 = arith.addi %add3A_145, %add3A_162 : i32
            %convert_element_type3A_164 = arith.extui %lt3A_159 : i1 to i32
            %cond3A_165 = arith.constant 0 : i32
            %cond3A_166 = arith.cmpi ne, %convert_element_type3A_164, %cond3A_165 : i32
            scf.if %cond3A_166 {
              %dma_start3A_198 = arith.constant 0 : i32
              %dma_start3A_199 = tpu.memref_slice %arg12[%add3A_163, %dma_start3A_198] : memref<80x64xi32, #tpu.memory_space<vmem>> -> memref<1x64xi32, #tpu.memory_space<vmem>>
              %dma_start3A_200 = tpu.memref_squeeze %dma_start3A_199 : memref<1x64xi32, #tpu.memory_space<vmem>> -> memref<64xi32, #tpu.memory_space<vmem>>
              %dma_start3A_201 = arith.constant 0 : i32
              %dma_start3A_202 = arith.constant 0 : i32
              %dma_start3A_203 = tpu.memref_slice %arg4[%dma_start3A_201, %dma_start3A_202] : memref<10000x128xf32, #tpu.memory_space<hbm>> -> memref<10000x128xf32, #tpu.memory_space<hbm>>
              tpu.enqueue_indirect_dma source(%dma_start3A_203 : memref<10000x128xf32, #tpu.memory_space<hbm>>) target(%arg14 : memref<64x128xf32, #tpu.memory_space<vmem>>) offsets(%dma_start3A_200 : memref<64xi32, #tpu.memory_space<vmem>>) semaphore(%arg18 : memref<!tpu.dma_semaphore, #tpu.memory_space<semaphore_mem>>)
              %mul3A_204 = arith.constant 10240 : i32
              %mul3A_205 = arith.muli %arg1, %mul3A_204 : i32
              %mul3A_206 = arith.constant 64 : i32
              %mul3A_207 = arith.muli %add3A_161, %mul3A_206 : i32
              %add3A_208 = arith.addi %mul3A_205, %mul3A_207 : i32
              %dma_start3A_209 = arith.constant 0 : i32
              %dma_start3A_210 = tpu.memref_slice %arg2[%add3A_208, %dma_start3A_209] : memref<163840x128xf32, #tpu.memory_space<hbm>> -> memref<64x128xf32, #tpu.memory_space<hbm>>
              %dma_start3A_211 = arith.constant 0 : i32
              %dma_start3A_212 = tpu.memref_slice %arg2[%add3A_208, %dma_start3A_211] : memref<163840x128xf32, #tpu.memory_space<hbm>> -> memref<64x128xf32, #tpu.memory_space<hbm>>
              tpu.enqueue_dma source(%dma_start3A_212 : memref<64x128xf32, #tpu.memory_space<hbm>>) target(%arg16 : memref<64x128xf32, #tpu.memory_space<vmem>>) target_semaphore(%arg20 : memref<!tpu.dma_semaphore, #tpu.memory_space<semaphore_mem>>)
            } else {
            }
            %dma_wait3A_167 = arith.constant 0 : i32
            %dma_wait3A_168 = tpu.memref_slice %arg12[%add3A_145, %dma_wait3A_167] : memref<80x64xi32, #tpu.memory_space<vmem>> -> memref<1x64xi32, #tpu.memory_space<vmem>>
            %dma_wait3A_169 = tpu.memref_squeeze %dma_wait3A_168 : memref<1x64xi32, #tpu.memory_space<vmem>> -> memref<64xi32, #tpu.memory_space<vmem>>
            %dma_wait3A_170 = arith.constant 0 : i32
            %dma_wait3A_171 = arith.constant 0 : i32
            %dma_wait3A_172 = tpu.memref_slice %arg4[%dma_wait3A_170, %dma_wait3A_171] : memref<10000x128xf32, #tpu.memory_space<hbm>> -> memref<10000x128xf32, #tpu.memory_space<hbm>>
            tpu.wait_indirect_dma semaphore(%arg19 : memref<!tpu.dma_semaphore, #tpu.memory_space<semaphore_mem>>) src(%dma_wait3A_172 : memref<10000x128xf32, #tpu.memory_space<hbm>>) dst(%arg15 : memref<64x128xf32, #tpu.memory_space<vmem>>)
            %mul3A_173 = arith.constant 10240 : i32
            %mul3A_174 = arith.muli %arg1, %mul3A_173 : i32
            %mul3A_175 = arith.constant 64 : i32
            %mul3A_176 = arith.muli %add3A_148, %mul3A_175 : i32
            %add3A_177 = arith.addi %mul3A_174, %mul3A_176 : i32
            %dma_wait3A_178 = arith.constant 0 : i32
            %dma_wait3A_179 = tpu.memref_slice %arg2[%add3A_177, %dma_wait3A_178] : memref<163840x128xf32, #tpu.memory_space<hbm>> -> memref<64x128xf32, #tpu.memory_space<hbm>>
            %dma_wait3A_180 = arith.constant 0 : i32
            %dma_wait3A_181 = tpu.memref_slice %arg2[%add3A_177, %dma_wait3A_180] : memref<163840x128xf32, #tpu.memory_space<hbm>> -> memref<64x128xf32, #tpu.memory_space<hbm>>
            tpu.wait_dma2 semaphore(%arg21 : memref<!tpu.dma_semaphore, #tpu.memory_space<semaphore_mem>>) src(%dma_wait3A_181 : memref<64x128xf32, #tpu.memory_space<hbm>>) dst(%arg17 : memref<64x128xf32, #tpu.memory_space<vmem>>)
            %scan3A_182 = arith.constant 0 : i32
            %scan3A_183 = arith.constant 0 : i32
            %scan3A_184 = arith.constant 64 : i32
            %scan3A_185 = arith.addi %scan3A_183, %scan3A_184 : i32
            %scan3A_186 = arith.constant 1 : i32
            scf.for %scan3A_198 = %scan3A_183 to %scan3A_185 step %scan3A_186  : i32 {
              %get3A = arith.index_cast %scan3A_198 : i32 to index
              %get3A_199 = arith.constant 0 : index
              %get3A_200 = tpu.vector_load %arg15[%get3A, %get3A_199] {strides = array<i32>} : memref<64x128xf32, #tpu.memory_space<vmem>>, vector<16xf32>,
              %get3A_201 = arith.index_cast %scan3A_198 : i32 to index
              %get3A_202 = arith.constant 0 : index
              %get3A_203 = tpu.vector_load %arg17[%get3A_201, %get3A_202] {strides = array<i32>} : memref<64x128xf32, #tpu.memory_space<vmem>>, vector<16xf32>,
              %mul3A_204 = arith.mulf %get3A_200, %get3A_203 : vector<16xf32>
              %swap3A = arith.index_cast %scan3A_198 : i32 to index
              %swap3A_205 = arith.constant 0 : index
              %swap3A_206 = tpu.vector_load %arg15[%swap3A, %swap3A_205] {strides = array<i32>} : memref<64x128xf32, #tpu.memory_space<vmem>>, vector<16xf32>,
              tpu.vector_store %arg15[%swap3A, %swap3A_205], %mul3A_204 {strides = array<i32>} : memref<64x128xf32, #tpu.memory_space<vmem>>, vector<16xf32>,
              %get3A_207 = arith.index_cast %scan3A_198 : i32 to index
              %get3A_208 = arith.constant 16 : index
              %get3A_209 = tpu.vector_load %arg15[%get3A_207, %get3A_208] {strides = array<i32>} : memref<64x128xf32, #tpu.memory_space<vmem>>, vector<16xf32>,
              %get3A_210 = arith.index_cast %scan3A_198 : i32 to index
              %get3A_211 = arith.constant 16 : index
              %get3A_212 = tpu.vector_load %arg17[%get3A_210, %get3A_211] {strides = array<i32>} : memref<64x128xf32, #tpu.memory_space<vmem>>, vector<16xf32>,
              %mul3A_213 = arith.mulf %get3A_209, %get3A_212 : vector<16xf32>
              %swap3A_214 = arith.index_cast %scan3A_198 : i32 to index
              %swap3A_215 = arith.constant 16 : index
              %swap3A_216 = tpu.vector_load %arg15[%swap3A_214, %swap3A_215] {strides = array<i32>} : memref<64x128xf32, #tpu.memory_space<vmem>>, vector<16xf32>,
              tpu.vector_store %arg15[%swap3A_214, %swap3A_215], %mul3A_213 {strides = array<i32>} : memref<64x128xf32, #tpu.memory_space<vmem>>, vector<16xf32>,
              %get3A_217 = arith.index_cast %scan3A_198 : i32 to index
              %get3A_218 = arith.constant 32 : index
              %get3A_219 = tpu.vector_load %arg15[%get3A_217, %get3A_218] {strides = array<i32>} : memref<64x128xf32, #tpu.memory_space<vmem>>, vector<16xf32>,
              %get3A_220 = arith.index_cast %scan3A_198 : i32 to index
              %get3A_221 = arith.constant 32 : index
              %get3A_222 = tpu.vector_load %arg17[%get3A_220, %get3A_221] {strides = array<i32>} : memref<64x128xf32, #tpu.memory_space<vmem>>, vector<16xf32>,
              %mul3A_223 = arith.mulf %get3A_219, %get3A_222 : vector<16xf32>
              %swap3A_224 = arith.index_cast %scan3A_198 : i32 to index
              %swap3A_225 = arith.constant 32 : index
              %swap3A_226 = tpu.vector_load %arg15[%swap3A_224, %swap3A_225] {strides = array<i32>} : memref<64x128xf32, #tpu.memory_space<vmem>>, vector<16xf32>,
              tpu.vector_store %arg15[%swap3A_224, %swap3A_225], %mul3A_223 {strides = array<i32>} : memref<64x128xf32, #tpu.memory_space<vmem>>, vector<16xf32>,
              %get3A_227 = arith.index_cast %scan3A_198 : i32 to index
              %get3A_228 = arith.constant 48 : index
              %get3A_229 = tpu.vector_load %arg15[%get3A_227, %get3A_228] {strides = array<i32>} : memref<64x128xf32, #tpu.memory_space<vmem>>, vector<16xf32>,
              %get3A_230 = arith.index_cast %scan3A_198 : i32 to index
              %get3A_231 = arith.constant 48 : index
              %get3A_232 = tpu.vector_load %arg17[%get3A_230, %get3A_231] {strides = array<i32>} : memref<64x128xf32, #tpu.memory_space<vmem>>, vector<16xf32>,
              %mul3A_233 = arith.mulf %get3A_229, %get3A_232 : vector<16xf32>
              %swap3A_234 = arith.index_cast %scan3A_198 : i32 to index
              %swap3A_235 = arith.constant 48 : index
              %swap3A_236 = tpu.vector_load %arg15[%swap3A_234, %swap3A_235] {strides = array<i32>} : memref<64x128xf32, #tpu.memory_space<vmem>>, vector<16xf32>,
              tpu.vector_store %arg15[%swap3A_234, %swap3A_235], %mul3A_233 {strides = array<i32>} : memref<64x128xf32, #tpu.memory_space<vmem>>, vector<16xf32>,
              %get3A_237 = arith.index_cast %scan3A_198 : i32 to index
              %get3A_238 = arith.constant 64 : index
              %get3A_239 = tpu.vector_load %arg15[%get3A_237, %get3A_238] {strides = array<i32>} : memref<64x128xf32, #tpu.memory_space<vmem>>, vector<16xf32>,
              %get3A_240 = arith.index_cast %scan3A_198 : i32 to index
              %get3A_241 = arith.constant 64 : index
              %get3A_242 = tpu.vector_load %arg17[%get3A_240, %get3A_241] {strides = array<i32>} : memref<64x128xf32, #tpu.memory_space<vmem>>, vector<16xf32>,
              %mul3A_243 = arith.mulf %get3A_239, %get3A_242 : vector<16xf32>
              %swap3A_244 = arith.index_cast %scan3A_198 : i32 to index
              %swap3A_245 = arith.constant 64 : index
              %swap3A_246 = tpu.vector_load %arg15[%swap3A_244, %swap3A_245] {strides = array<i32>} : memref<64x128xf32, #tpu.memory_space<vmem>>, vector<16xf32>,
              tpu.vector_store %arg15[%swap3A_244, %swap3A_245], %mul3A_243 {strides = array<i32>} : memref<64x128xf32, #tpu.memory_space<vmem>>, vector<16xf32>,
              %get3A_247 = arith.index_cast %scan3A_198 : i32 to index
              %get3A_248 = arith.constant 80 : index
              %get3A_249 = tpu.vector_load %arg15[%get3A_247, %get3A_248] {strides = array<i32>} : memref<64x128xf32, #tpu.memory_space<vmem>>, vector<16xf32>,
              %get3A_250 = arith.index_cast %scan3A_198 : i32 to index
              %get3A_251 = arith.constant 80 : index
              %get3A_252 = tpu.vector_load %arg17[%get3A_250, %get3A_251] {strides = array<i32>} : memref<64x128xf32, #tpu.memory_space<vmem>>, vector<16xf32>,
              %mul3A_253 = arith.mulf %get3A_249, %get3A_252 : vector<16xf32>
              %swap3A_254 = arith.index_cast %scan3A_198 : i32 to index
              %swap3A_255 = arith.constant 80 : index
              %swap3A_256 = tpu.vector_load %arg15[%swap3A_254, %swap3A_255] {strides = array<i32>} : memref<64x128xf32, #tpu.memory_space<vmem>>, vector<16xf32>,
              tpu.vector_store %arg15[%swap3A_254, %swap3A_255], %mul3A_253 {strides = array<i32>} : memref<64x128xf32, #tpu.memory_space<vmem>>, vector<16xf32>,
              %get3A_257 = arith.index_cast %scan3A_198 : i32 to index
              %get3A_258 = arith.constant 96 : index
              %get3A_259 = tpu.vector_load %arg15[%get3A_257, %get3A_258] {strides = array<i32>} : memref<64x128xf32, #tpu.memory_space<vmem>>, vector<16xf32>,
              %get3A_260 = arith.index_cast %scan3A_198 : i32 to index
              %get3A_261 = arith.constant 96 : index
              %get3A_262 = tpu.vector_load %arg17[%get3A_260, %get3A_261] {strides = array<i32>} : memref<64x128xf32, #tpu.memory_space<vmem>>, vector<16xf32>,
              %mul3A_263 = arith.mulf %get3A_259, %get3A_262 : vector<16xf32>
              %swap3A_264 = arith.index_cast %scan3A_198 : i32 to index
              %swap3A_265 = arith.constant 96 : index
              %swap3A_266 = tpu.vector_load %arg15[%swap3A_264, %swap3A_265] {strides = array<i32>} : memref<64x128xf32, #tpu.memory_space<vmem>>, vector<16xf32>,
              tpu.vector_store %arg15[%swap3A_264, %swap3A_265], %mul3A_263 {strides = array<i32>} : memref<64x128xf32, #tpu.memory_space<vmem>>, vector<16xf32>,
              %get3A_267 = arith.index_cast %scan3A_198 : i32 to index
              %get3A_268 = arith.constant 112 : index
              %get3A_269 = tpu.vector_load %arg15[%get3A_267, %get3A_268] {strides = array<i32>} : memref<64x128xf32, #tpu.memory_space<vmem>>, vector<16xf32>,
              %get3A_270 = arith.index_cast %scan3A_198 : i32 to index
              %get3A_271 = arith.constant 112 : index
              %get3A_272 = tpu.vector_load %arg17[%get3A_270, %get3A_271] {strides = array<i32>} : memref<64x128xf32, #tpu.memory_space<vmem>>, vector<16xf32>,
              %mul3A_273 = arith.mulf %get3A_269, %get3A_272 : vector<16xf32>
              %swap3A_274 = arith.index_cast %scan3A_198 : i32 to index
              %swap3A_275 = arith.constant 112 : index
              %swap3A_276 = tpu.vector_load %arg15[%swap3A_274, %swap3A_275] {strides = array<i32>} : memref<64x128xf32, #tpu.memory_space<vmem>>, vector<16xf32>,
              tpu.vector_store %arg15[%swap3A_274, %swap3A_275], %mul3A_273 {strides = array<i32>} : memref<64x128xf32, #tpu.memory_space<vmem>>, vector<16xf32>,
            }
            %scan3A_187 = arith.constant 64 : i32
            %mul3A_188 = arith.constant 2 : i32
            %mul3A_189 = arith.muli %scan3A_80, %mul3A_188 : i32
            %add3A_190 = arith.constant 1 : i32
            %add3A_191 = arith.addi %mul3A_189, %add3A_190 : i32
            %dma_start3A_192 = arith.constant 0 : i32
            %dma_start3A_193 = tpu.memref_slice %arg13[%add3A_191, %dma_start3A_192] : memref<16x64xi32, #tpu.memory_space<vmem>> -> memref<1x64xi32, #tpu.memory_space<vmem>>
            %dma_start3A_194 = tpu.memref_squeeze %dma_start3A_193 : memref<1x64xi32, #tpu.memory_space<vmem>> -> memref<64xi32, #tpu.memory_space<vmem>>
            %dma_start3A_195 = arith.constant 0 : i32
            %dma_start3A_196 = arith.constant 0 : i32
            %dma_start3A_197 = tpu.memref_slice %arg11[%dma_start3A_195, %dma_start3A_196] : memref<10240x128xf32, #tpu.memory_space<vmem_shared>> -> memref<10240x128xf32, #tpu.memory_space<vmem_shared>>
            tpu.enqueue_indirect_dma source(%arg15 : memref<64x128xf32, #tpu.memory_space<vmem>>) target(%dma_start3A_197 : memref<10240x128xf32, #tpu.memory_space<vmem_shared>>) offsets(%dma_start3A_194 : memref<64xi32, #tpu.memory_space<vmem>>) semaphore(%arg23 : memref<!tpu.dma_semaphore, #tpu.memory_space<semaphore_mem>>) {add = true}
          }
          %scan3A_79 = arith.constant 8 : i32
        }
        %scan3A_66 = arith.constant 5 : i32
      }
      %scan3A_23 = arith.constant 2 : i32
      %dma_wait3A = arith.constant 0 : i32
      %dma_wait3A_24 = arith.constant 0 : i32
      %dma_wait3A_25 = tpu.memref_slice %arg13[%dma_wait3A, %dma_wait3A_24] : memref<16x64xi32, #tpu.memory_space<vmem>> -> memref<1x64xi32, #tpu.memory_space<vmem>>
      %dma_wait3A_26 = tpu.memref_squeeze %dma_wait3A_25 : memref<1x64xi32, #tpu.memory_space<vmem>> -> memref<64xi32, #tpu.memory_space<vmem>>
      %dma_wait3A_27 = arith.constant 0 : i32
      %dma_wait3A_28 = arith.constant 0 : i32
      %dma_wait3A_29 = tpu.memref_slice %arg11[%dma_wait3A_27, %dma_wait3A_28] : memref<10240x128xf32, #tpu.memory_space<vmem_shared>> -> memref<10240x128xf32, #tpu.memory_space<vmem_shared>>
      tpu.wait_indirect_dma semaphore(%arg22 : memref<!tpu.dma_semaphore, #tpu.memory_space<semaphore_mem>>) src(%arg14 : memref<64x128xf32, #tpu.memory_space<vmem>>) dst(%dma_wait3A_29 : memref<10240x128xf32, #tpu.memory_space<vmem_shared>>)
      %dma_wait3A_30 = arith.constant 0 : i32
      %dma_wait3A_31 = arith.constant 0 : i32
      %dma_wait3A_32 = tpu.memref_slice %arg13[%dma_wait3A_30, %dma_wait3A_31] : memref<16x64xi32, #tpu.memory_space<vmem>> -> memref<1x64xi32, #tpu.memory_space<vmem>>
      %dma_wait3A_33 = tpu.memref_squeeze %dma_wait3A_32 : memref<1x64xi32, #tpu.memory_space<vmem>> -> memref<64xi32, #tpu.memory_space<vmem>>
      %dma_wait3A_34 = arith.constant 0 : i32
      %dma_wait3A_35 = arith.constant 0 : i32
      %dma_wait3A_36 = tpu.memref_slice %arg11[%dma_wait3A_34, %dma_wait3A_35] : memref<10240x128xf32, #tpu.memory_space<vmem_shared>> -> memref<10240x128xf32, #tpu.memory_space<vmem_shared>>
      tpu.wait_indirect_dma semaphore(%arg23 : memref<!tpu.dma_semaphore, #tpu.memory_space<semaphore_mem>>) src(%arg15 : memref<64x128xf32, #tpu.memory_space<vmem>>) dst(%dma_wait3A_36 : memref<10240x128xf32, #tpu.memory_space<vmem_shared>>)
    } else {
    }
    %eq3A_3 = arith.constant 1 : i32
    %eq3A_4 = arith.cmpi eq, %arg0, %eq3A_3 : i32
    %convert_element_type3A_5 = arith.extui %eq3A_4 : i1 to i32
    %cond3A_6 = arith.constant 0 : i32
    %cond3A_7 = arith.cmpi ne, %convert_element_type3A_5, %cond3A_6 : i32
    scf.if %cond3A_7 {
      %scan3A = arith.constant 0 : i32
      %scan3A_19 = arith.constant 0 : i32
      %scan3A_20 = arith.constant 2 : i32
      %scan3A_21 = arith.addi %scan3A_19, %scan3A_20 : i32
      %scan3A_22 = arith.constant 1 : i32
      scf.for %scan3A_37 = %scan3A_19 to %scan3A_21 step %scan3A_22  : i32 {
        %mul3A_38 = arith.constant 2 : i32
        %mul3A_39 = arith.muli %arg1, %mul3A_38 : i32
        %add3A = arith.addi %mul3A_39, %scan3A_37 : i32
        "tpu.region"() ({
          %run_scoped3A = tpu.sem_alloc : memref<!tpu.dma_semaphore, #tpu.memory_space<semaphore_mem>>
          %dma_start3A_67 = arith.constant 0 : i32
          %dma_start3A_68 = arith.constant 0 : i32
          %dma_start3A_69 = tpu.memref_slice %arg7[%add3A, %dma_start3A_67, %dma_start3A_68] : memref<32x80x64xi32, #tpu.memory_space<hbm>> -> memref<1x80x64xi32, #tpu.memory_space<hbm>>
          %dma_start3A_70 = tpu.memref_squeeze %dma_start3A_69 : memref<1x80x64xi32, #tpu.memory_space<hbm>> -> memref<80x64xi32, #tpu.memory_space<hbm>>
          %dma_start3A_71 = arith.constant 0 : i32
          %dma_start3A_72 = arith.constant 0 : i32
          %dma_start3A_73 = tpu.memref_slice %arg7[%add3A, %dma_start3A_71, %dma_start3A_72] : memref<32x80x64xi32, #tpu.memory_space<hbm>> -> memref<1x80x64xi32, #tpu.memory_space<hbm>>
          %dma_start3A_74 = tpu.memref_squeeze %dma_start3A_73 : memref<1x80x64xi32, #tpu.memory_space<hbm>> -> memref<80x64xi32, #tpu.memory_space<hbm>>
          tpu.enqueue_dma source(%dma_start3A_74 : memref<80x64xi32, #tpu.memory_space<hbm>>) target(%arg12 : memref<80x64xi32, #tpu.memory_space<vmem>>) target_semaphore(%run_scoped3A : memref<!tpu.dma_semaphore, #tpu.memory_space<semaphore_mem>>)
          %dma_wait3A_75 = arith.constant 0 : i32
          %dma_wait3A_76 = arith.constant 0 : i32
          %dma_wait3A_77 = tpu.memref_slice %arg7[%add3A, %dma_wait3A_75, %dma_wait3A_76] : memref<32x80x64xi32, #tpu.memory_space<hbm>> -> memref<1x80x64xi32, #tpu.memory_space<hbm>>
          %dma_wait3A_78 = tpu.memref_squeeze %dma_wait3A_77 : memref<1x80x64xi32, #tpu.memory_space<hbm>> -> memref<80x64xi32, #tpu.memory_space<hbm>>
          %dma_wait3A_79 = arith.constant 0 : i32
          %dma_wait3A_80 = arith.constant 0 : i32
          %dma_wait3A_81 = tpu.memref_slice %arg7[%add3A, %dma_wait3A_79, %dma_wait3A_80] : memref<32x80x64xi32, #tpu.memory_space<hbm>> -> memref<1x80x64xi32, #tpu.memory_space<hbm>>
          %dma_wait3A_82 = tpu.memref_squeeze %dma_wait3A_81 : memref<1x80x64xi32, #tpu.memory_space<hbm>> -> memref<80x64xi32, #tpu.memory_space<hbm>>
          tpu.wait_dma2 semaphore(%run_scoped3A : memref<!tpu.dma_semaphore, #tpu.memory_space<semaphore_mem>>) src(%dma_wait3A_82 : memref<80x64xi32, #tpu.memory_space<hbm>>) dst(%arg12 : memref<80x64xi32, #tpu.memory_space<vmem>>)
          tpu.yield
        }) : () -> ()
        %gt3A = arith.constant 0 : i32
        %gt3A_40 = arith.cmpi sgt, %scan3A_37, %gt3A : i32
        %convert_element_type3A_41 = arith.extui %gt3A_40 : i1 to i32
        %cond3A_42 = arith.constant 0 : i32
        %cond3A_43 = arith.cmpi ne, %convert_element_type3A_41, %cond3A_42 : i32
        scf.if %cond3A_43 {
          %dma_wait3A_67 = arith.constant 0 : i32
          %dma_wait3A_68 = arith.constant 0 : i32
          %dma_wait3A_69 = tpu.memref_slice %arg13[%dma_wait3A_67, %dma_wait3A_68] : memref<16x64xi32, #tpu.memory_space<vmem>> -> memref<1x64xi32, #tpu.memory_space<vmem>>
          %dma_wait3A_70 = tpu.memref_squeeze %dma_wait3A_69 : memref<1x64xi32, #tpu.memory_space<vmem>> -> memref<64xi32, #tpu.memory_space<vmem>>
          %dma_wait3A_71 = arith.constant 0 : i32
          %dma_wait3A_72 = arith.constant 0 : i32
          %dma_wait3A_73 = tpu.memref_slice %arg11[%dma_wait3A_71, %dma_wait3A_72] : memref<10240x128xf32, #tpu.memory_space<vmem_shared>> -> memref<10240x128xf32, #tpu.memory_space<vmem_shared>>
          tpu.wait_indirect_dma semaphore(%arg22 : memref<!tpu.dma_semaphore, #tpu.memory_space<semaphore_mem>>) src(%arg14 : memref<64x128xf32, #tpu.memory_space<vmem>>) dst(%dma_wait3A_73 : memref<10240x128xf32, #tpu.memory_space<vmem_shared>>)
        } else {
        }
        %mul3A_44 = arith.constant 80 : i32
        %mul3A_45 = arith.muli %scan3A_37, %mul3A_44 : i32
        %dma_start3A = arith.constant 0 : i32
        %dma_start3A_46 = arith.constant 0 : i32
        %dma_start3A_47 = tpu.memref_slice %arg12[%dma_start3A, %dma_start3A_46] : memref<80x64xi32, #tpu.memory_space<vmem>> -> memref<1x64xi32, #tpu.memory_space<vmem>>
        %dma_start3A_48 = tpu.memref_squeeze %dma_start3A_47 : memref<1x64xi32, #tpu.memory_space<vmem>> -> memref<64xi32, #tpu.memory_space<vmem>>
        %dma_start3A_49 = arith.constant 0 : i32
        %dma_start3A_50 = arith.constant 0 : i32
        %dma_start3A_51 = tpu.memref_slice %arg5[%dma_start3A_49, %dma_start3A_50] : memref<10000x128xf32, #tpu.memory_space<hbm>> -> memref<10000x128xf32, #tpu.memory_space<hbm>>
        tpu.enqueue_indirect_dma source(%dma_start3A_51 : memref<10000x128xf32, #tpu.memory_space<hbm>>) target(%arg14 : memref<64x128xf32, #tpu.memory_space<vmem>>) offsets(%dma_start3A_48 : memref<64xi32, #tpu.memory_space<vmem>>) semaphore(%arg18 : memref<!tpu.dma_semaphore, #tpu.memory_space<semaphore_mem>>)
        %mul3A_52 = arith.constant 10240 : i32
        %mul3A_53 = arith.muli %arg1, %mul3A_52 : i32
        %mul3A_54 = arith.constant 64 : i32
        %mul3A_55 = arith.muli %mul3A_45, %mul3A_54 : i32
        %add3A_56 = arith.addi %mul3A_53, %mul3A_55 : i32
        %dma_start3A_57 = arith.constant 0 : i32
        %dma_start3A_58 = tpu.memref_slice %arg3[%add3A_56, %dma_start3A_57] : memref<163840x128xf32, #tpu.memory_space<hbm>> -> memref<64x128xf32, #tpu.memory_space<hbm>>
        %dma_start3A_59 = arith.constant 0 : i32
        %dma_start3A_60 = tpu.memref_slice %arg3[%add3A_56, %dma_start3A_59] : memref<163840x128xf32, #tpu.memory_space<hbm>> -> memref<64x128xf32, #tpu.memory_space<hbm>>
        tpu.enqueue_dma source(%dma_start3A_60 : memref<64x128xf32, #tpu.memory_space<hbm>>) target(%arg16 : memref<64x128xf32, #tpu.memory_space<vmem>>) target_semaphore(%arg20 : memref<!tpu.dma_semaphore, #tpu.memory_space<semaphore_mem>>)
        %scan3A_61 = arith.constant 0 : i32
        %scan3A_62 = arith.constant 0 : i32
        %scan3A_63 = arith.constant 5 : i32
        %scan3A_64 = arith.addi %scan3A_62, %scan3A_63 : i32
        %scan3A_65 = arith.constant 1 : i32
        scf.for %scan3A_67 = %scan3A_62 to %scan3A_64 step %scan3A_65  : i32 {
          %mul3A_68 = arith.constant 10 : i32
          %mul3A_69 = arith.muli %arg1, %mul3A_68 : i32
          %mul3A_70 = arith.constant 5 : i32
          %mul3A_71 = arith.muli %scan3A_37, %mul3A_70 : i32
          %add3A_72 = arith.addi %mul3A_69, %mul3A_71 : i32
          %add3A_73 = arith.addi %add3A_72, %scan3A_67 : i32
          "tpu.region"() ({
            %run_scoped3A = tpu.sem_alloc : memref<!tpu.dma_semaphore, #tpu.memory_space<semaphore_mem>>
            %dma_start3A_80 = arith.constant 0 : i32
            %dma_start3A_81 = arith.constant 0 : i32
            %dma_start3A_82 = tpu.memref_slice %arg6[%add3A_73, %dma_start3A_80, %dma_start3A_81] : memref<160x16x64xi32, #tpu.memory_space<hbm>> -> memref<1x16x64xi32, #tpu.memory_space<hbm>>
            %dma_start3A_83 = tpu.memref_squeeze %dma_start3A_82 : memref<1x16x64xi32, #tpu.memory_space<hbm>> -> memref<16x64xi32, #tpu.memory_space<hbm>>
            %dma_start3A_84 = arith.constant 0 : i32
            %dma_start3A_85 = arith.constant 0 : i32
            %dma_start3A_86 = tpu.memref_slice %arg6[%add3A_73, %dma_start3A_84, %dma_start3A_85] : memref<160x16x64xi32, #tpu.memory_space<hbm>> -> memref<1x16x64xi32, #tpu.memory_space<hbm>>
            %dma_start3A_87 = tpu.memref_squeeze %dma_start3A_86 : memref<1x16x64xi32, #tpu.memory_space<hbm>> -> memref<16x64xi32, #tpu.memory_space<hbm>>
            tpu.enqueue_dma source(%dma_start3A_87 : memref<16x64xi32, #tpu.memory_space<hbm>>) target(%arg13 : memref<16x64xi32, #tpu.memory_space<vmem>>) target_semaphore(%run_scoped3A : memref<!tpu.dma_semaphore, #tpu.memory_space<semaphore_mem>>)
            %dma_wait3A_88 = arith.constant 0 : i32
            %dma_wait3A_89 = arith.constant 0 : i32
            %dma_wait3A_90 = tpu.memref_slice %arg6[%add3A_73, %dma_wait3A_88, %dma_wait3A_89] : memref<160x16x64xi32, #tpu.memory_space<hbm>> -> memref<1x16x64xi32, #tpu.memory_space<hbm>>
            %dma_wait3A_91 = tpu.memref_squeeze %dma_wait3A_90 : memref<1x16x64xi32, #tpu.memory_space<hbm>> -> memref<16x64xi32, #tpu.memory_space<hbm>>
            %dma_wait3A_92 = arith.constant 0 : i32
            %dma_wait3A_93 = arith.constant 0 : i32
            %dma_wait3A_94 = tpu.memref_slice %arg6[%add3A_73, %dma_wait3A_92, %dma_wait3A_93] : memref<160x16x64xi32, #tpu.memory_space<hbm>> -> memref<1x16x64xi32, #tpu.memory_space<hbm>>
            %dma_wait3A_95 = tpu.memref_squeeze %dma_wait3A_94 : memref<1x16x64xi32, #tpu.memory_space<hbm>> -> memref<16x64xi32, #tpu.memory_space<hbm>>
            tpu.wait_dma2 semaphore(%run_scoped3A : memref<!tpu.dma_semaphore, #tpu.memory_space<semaphore_mem>>) src(%dma_wait3A_95 : memref<16x64xi32, #tpu.memory_space<hbm>>) dst(%arg13 : memref<16x64xi32, #tpu.memory_space<vmem>>)
            tpu.yield
          }) : () -> ()
          %scan3A_74 = arith.constant 0 : i32
          %scan3A_75 = arith.constant 0 : i32
          %scan3A_76 = arith.constant 8 : i32
          %scan3A_77 = arith.addi %scan3A_75, %scan3A_76 : i32
          %scan3A_78 = arith.constant 1 : i32
          scf.for %scan3A_80 = %scan3A_75 to %scan3A_77 step %scan3A_78  : i32 {
            %mul3A_81 = arith.constant 16 : i32
            %mul3A_82 = arith.muli %scan3A_67, %mul3A_81 : i32
            %mul3A_83 = arith.constant 2 : i32
            %mul3A_84 = arith.muli %scan3A_80, %mul3A_83 : i32
            %add3A_85 = arith.addi %mul3A_82, %mul3A_84 : i32
            %add3A_86 = arith.constant 0 : i32
            %add3A_87 = arith.addi %add3A_85, %add3A_86 : i32
            %mul3A_88 = arith.constant 80 : i32
            %mul3A_89 = arith.muli %scan3A_37, %mul3A_88 : i32
            %add3A_90 = arith.addi %mul3A_89, %add3A_87 : i32
            %add3A_91 = arith.addi %scan3A_37, %scan3A_67 : i32
            %add3A_92 = arith.addi %add3A_91, %scan3A_80 : i32
            %gt3A_93 = arith.constant 0 : i32
            %gt3A_94 = arith.cmpi sgt, %add3A_92, %gt3A_93 : i32
            %convert_element_type3A_95 = arith.extui %gt3A_94 : i1 to i32
            %cond3A_96 = arith.constant 0 : i32
            %cond3A_97 = arith.cmpi ne, %convert_element_type3A_95, %cond3A_96 : i32
            scf.if %cond3A_97 {
              %dma_wait3A_198 = arith.constant 0 : i32
              %dma_wait3A_199 = arith.constant 0 : i32
              %dma_wait3A_200 = tpu.memref_slice %arg13[%dma_wait3A_198, %dma_wait3A_199] : memref<16x64xi32, #tpu.memory_space<vmem>> -> memref<1x64xi32, #tpu.memory_space<vmem>>
              %dma_wait3A_201 = tpu.memref_squeeze %dma_wait3A_200 : memref<1x64xi32, #tpu.memory_space<vmem>> -> memref<64xi32, #tpu.memory_space<vmem>>
              %dma_wait3A_202 = arith.constant 0 : i32
              %dma_wait3A_203 = arith.constant 0 : i32
              %dma_wait3A_204 = tpu.memref_slice %arg11[%dma_wait3A_202, %dma_wait3A_203] : memref<10240x128xf32, #tpu.memory_space<vmem_shared>> -> memref<10240x128xf32, #tpu.memory_space<vmem_shared>>
              tpu.wait_indirect_dma semaphore(%arg23 : memref<!tpu.dma_semaphore, #tpu.memory_space<semaphore_mem>>) src(%arg15 : memref<64x128xf32, #tpu.memory_space<vmem>>) dst(%dma_wait3A_204 : memref<10240x128xf32, #tpu.memory_space<vmem_shared>>)
            } else {
            }
            %add3A_98 = arith.constant 1 : i32
            %add3A_99 = arith.addi %add3A_87, %add3A_98 : i32
            %lt3A = arith.constant 80 : i32
            %lt3A_100 = arith.cmpi slt, %add3A_99, %lt3A : i32
            %add3A_101 = arith.constant 1 : i32
            %add3A_102 = arith.addi %add3A_90, %add3A_101 : i32
            %add3A_103 = arith.constant 1 : i32
            %add3A_104 = arith.addi %add3A_87, %add3A_103 : i32
            %convert_element_type3A_105 = arith.extui %lt3A_100 : i1 to i32
            %cond3A_106 = arith.constant 0 : i32
            %cond3A_107 = arith.cmpi ne, %convert_element_type3A_105, %cond3A_106 : i32
            scf.if %cond3A_107 {
              %dma_start3A_198 = arith.constant 0 : i32
              %dma_start3A_199 = tpu.memref_slice %arg12[%add3A_104, %dma_start3A_198] : memref<80x64xi32, #tpu.memory_space<vmem>> -> memref<1x64xi32, #tpu.memory_space<vmem>>
              %dma_start3A_200 = tpu.memref_squeeze %dma_start3A_199 : memref<1x64xi32, #tpu.memory_space<vmem>> -> memref<64xi32, #tpu.memory_space<vmem>>
              %dma_start3A_201 = arith.constant 0 : i32
              %dma_start3A_202 = arith.constant 0 : i32
              %dma_start3A_203 = tpu.memref_slice %arg5[%dma_start3A_201, %dma_start3A_202] : memref<10000x128xf32, #tpu.memory_space<hbm>> -> memref<10000x128xf32, #tpu.memory_space<hbm>>
              tpu.enqueue_indirect_dma source(%dma_start3A_203 : memref<10000x128xf32, #tpu.memory_space<hbm>>) target(%arg15 : memref<64x128xf32, #tpu.memory_space<vmem>>) offsets(%dma_start3A_200 : memref<64xi32, #tpu.memory_space<vmem>>) semaphore(%arg19 : memref<!tpu.dma_semaphore, #tpu.memory_space<semaphore_mem>>)
              %mul3A_204 = arith.constant 10240 : i32
              %mul3A_205 = arith.muli %arg1, %mul3A_204 : i32
              %mul3A_206 = arith.constant 64 : i32
              %mul3A_207 = arith.muli %add3A_102, %mul3A_206 : i32
              %add3A_208 = arith.addi %mul3A_205, %mul3A_207 : i32
              %dma_start3A_209 = arith.constant 0 : i32
              %dma_start3A_210 = tpu.memref_slice %arg3[%add3A_208, %dma_start3A_209] : memref<163840x128xf32, #tpu.memory_space<hbm>> -> memref<64x128xf32, #tpu.memory_space<hbm>>
              %dma_start3A_211 = arith.constant 0 : i32
              %dma_start3A_212 = tpu.memref_slice %arg3[%add3A_208, %dma_start3A_211] : memref<163840x128xf32, #tpu.memory_space<hbm>> -> memref<64x128xf32, #tpu.memory_space<hbm>>
              tpu.enqueue_dma source(%dma_start3A_212 : memref<64x128xf32, #tpu.memory_space<hbm>>) target(%arg17 : memref<64x128xf32, #tpu.memory_space<vmem>>) target_semaphore(%arg21 : memref<!tpu.dma_semaphore, #tpu.memory_space<semaphore_mem>>)
            } else {
            }
            %dma_wait3A_108 = arith.constant 0 : i32
            %dma_wait3A_109 = tpu.memref_slice %arg12[%add3A_87, %dma_wait3A_108] : memref<80x64xi32, #tpu.memory_space<vmem>> -> memref<1x64xi32, #tpu.memory_space<vmem>>
            %dma_wait3A_110 = tpu.memref_squeeze %dma_wait3A_109 : memref<1x64xi32, #tpu.memory_space<vmem>> -> memref<64xi32, #tpu.memory_space<vmem>>
            %dma_wait3A_111 = arith.constant 0 : i32
            %dma_wait3A_112 = arith.constant 0 : i32
            %dma_wait3A_113 = tpu.memref_slice %arg5[%dma_wait3A_111, %dma_wait3A_112] : memref<10000x128xf32, #tpu.memory_space<hbm>> -> memref<10000x128xf32, #tpu.memory_space<hbm>>
            tpu.wait_indirect_dma semaphore(%arg18 : memref<!tpu.dma_semaphore, #tpu.memory_space<semaphore_mem>>) src(%dma_wait3A_113 : memref<10000x128xf32, #tpu.memory_space<hbm>>) dst(%arg14 : memref<64x128xf32, #tpu.memory_space<vmem>>)
            %mul3A_114 = arith.constant 10240 : i32
            %mul3A_115 = arith.muli %arg1, %mul3A_114 : i32
            %mul3A_116 = arith.constant 64 : i32
            %mul3A_117 = arith.muli %add3A_90, %mul3A_116 : i32
            %add3A_118 = arith.addi %mul3A_115, %mul3A_117 : i32
            %dma_wait3A_119 = arith.constant 0 : i32
            %dma_wait3A_120 = tpu.memref_slice %arg3[%add3A_118, %dma_wait3A_119] : memref<163840x128xf32, #tpu.memory_space<hbm>> -> memref<64x128xf32, #tpu.memory_space<hbm>>
            %dma_wait3A_121 = arith.constant 0 : i32
            %dma_wait3A_122 = tpu.memref_slice %arg3[%add3A_118, %dma_wait3A_121] : memref<163840x128xf32, #tpu.memory_space<hbm>> -> memref<64x128xf32, #tpu.memory_space<hbm>>
            tpu.wait_dma2 semaphore(%arg20 : memref<!tpu.dma_semaphore, #tpu.memory_space<semaphore_mem>>) src(%dma_wait3A_122 : memref<64x128xf32, #tpu.memory_space<hbm>>) dst(%arg16 : memref<64x128xf32, #tpu.memory_space<vmem>>)
            %scan3A_123 = arith.constant 0 : i32
            %scan3A_124 = arith.constant 0 : i32
            %scan3A_125 = arith.constant 64 : i32
            %scan3A_126 = arith.addi %scan3A_124, %scan3A_125 : i32
            %scan3A_127 = arith.constant 1 : i32
            scf.for %scan3A_198 = %scan3A_124 to %scan3A_126 step %scan3A_127  : i32 {
              %get3A = arith.index_cast %scan3A_198 : i32 to index
              %get3A_199 = arith.constant 0 : index
              %get3A_200 = tpu.vector_load %arg14[%get3A, %get3A_199] {strides = array<i32>} : memref<64x128xf32, #tpu.memory_space<vmem>>, vector<16xf32>,
              %get3A_201 = arith.index_cast %scan3A_198 : i32 to index
              %get3A_202 = arith.constant 0 : index
              %get3A_203 = tpu.vector_load %arg16[%get3A_201, %get3A_202] {strides = array<i32>} : memref<64x128xf32, #tpu.memory_space<vmem>>, vector<16xf32>,
              %mul3A_204 = arith.mulf %get3A_200, %get3A_203 : vector<16xf32>
              %swap3A = arith.index_cast %scan3A_198 : i32 to index
              %swap3A_205 = arith.constant 0 : index
              %swap3A_206 = tpu.vector_load %arg14[%swap3A, %swap3A_205] {strides = array<i32>} : memref<64x128xf32, #tpu.memory_space<vmem>>, vector<16xf32>,
              tpu.vector_store %arg14[%swap3A, %swap3A_205], %mul3A_204 {strides = array<i32>} : memref<64x128xf32, #tpu.memory_space<vmem>>, vector<16xf32>,
              %get3A_207 = arith.index_cast %scan3A_198 : i32 to index
              %get3A_208 = arith.constant 16 : index
              %get3A_209 = tpu.vector_load %arg14[%get3A_207, %get3A_208] {strides = array<i32>} : memref<64x128xf32, #tpu.memory_space<vmem>>, vector<16xf32>,
              %get3A_210 = arith.index_cast %scan3A_198 : i32 to index
              %get3A_211 = arith.constant 16 : index
              %get3A_212 = tpu.vector_load %arg16[%get3A_210, %get3A_211] {strides = array<i32>} : memref<64x128xf32, #tpu.memory_space<vmem>>, vector<16xf32>,
              %mul3A_213 = arith.mulf %get3A_209, %get3A_212 : vector<16xf32>
              %swap3A_214 = arith.index_cast %scan3A_198 : i32 to index
              %swap3A_215 = arith.constant 16 : index
              %swap3A_216 = tpu.vector_load %arg14[%swap3A_214, %swap3A_215] {strides = array<i32>} : memref<64x128xf32, #tpu.memory_space<vmem>>, vector<16xf32>,
              tpu.vector_store %arg14[%swap3A_214, %swap3A_215], %mul3A_213 {strides = array<i32>} : memref<64x128xf32, #tpu.memory_space<vmem>>, vector<16xf32>,
              %get3A_217 = arith.index_cast %scan3A_198 : i32 to index
              %get3A_218 = arith.constant 32 : index
              %get3A_219 = tpu.vector_load %arg14[%get3A_217, %get3A_218] {strides = array<i32>} : memref<64x128xf32, #tpu.memory_space<vmem>>, vector<16xf32>,
              %get3A_220 = arith.index_cast %scan3A_198 : i32 to index
              %get3A_221 = arith.constant 32 : index
              %get3A_222 = tpu.vector_load %arg16[%get3A_220, %get3A_221] {strides = array<i32>} : memref<64x128xf32, #tpu.memory_space<vmem>>, vector<16xf32>,
              %mul3A_223 = arith.mulf %get3A_219, %get3A_222 : vector<16xf32>
              %swap3A_224 = arith.index_cast %scan3A_198 : i32 to index
              %swap3A_225 = arith.constant 32 : index
              %swap3A_226 = tpu.vector_load %arg14[%swap3A_224, %swap3A_225] {strides = array<i32>} : memref<64x128xf32, #tpu.memory_space<vmem>>, vector<16xf32>,
              tpu.vector_store %arg14[%swap3A_224, %swap3A_225], %mul3A_223 {strides = array<i32>} : memref<64x128xf32, #tpu.memory_space<vmem>>, vector<16xf32>,
              %get3A_227 = arith.index_cast %scan3A_198 : i32 to index
              %get3A_228 = arith.constant 48 : index
              %get3A_229 = tpu.vector_load %arg14[%get3A_227, %get3A_228] {strides = array<i32>} : memref<64x128xf32, #tpu.memory_space<vmem>>, vector<16xf32>,
              %get3A_230 = arith.index_cast %scan3A_198 : i32 to index
              %get3A_231 = arith.constant 48 : index
              %get3A_232 = tpu.vector_load %arg16[%get3A_230, %get3A_231] {strides = array<i32>} : memref<64x128xf32, #tpu.memory_space<vmem>>, vector<16xf32>,
              %mul3A_233 = arith.mulf %get3A_229, %get3A_232 : vector<16xf32>
              %swap3A_234 = arith.index_cast %scan3A_198 : i32 to index
              %swap3A_235 = arith.constant 48 : index
              %swap3A_236 = tpu.vector_load %arg14[%swap3A_234, %swap3A_235] {strides = array<i32>} : memref<64x128xf32, #tpu.memory_space<vmem>>, vector<16xf32>,
              tpu.vector_store %arg14[%swap3A_234, %swap3A_235], %mul3A_233 {strides = array<i32>} : memref<64x128xf32, #tpu.memory_space<vmem>>, vector<16xf32>,
              %get3A_237 = arith.index_cast %scan3A_198 : i32 to index
              %get3A_238 = arith.constant 64 : index
              %get3A_239 = tpu.vector_load %arg14[%get3A_237, %get3A_238] {strides = array<i32>} : memref<64x128xf32, #tpu.memory_space<vmem>>, vector<16xf32>,
              %get3A_240 = arith.index_cast %scan3A_198 : i32 to index
              %get3A_241 = arith.constant 64 : index
              %get3A_242 = tpu.vector_load %arg16[%get3A_240, %get3A_241] {strides = array<i32>} : memref<64x128xf32, #tpu.memory_space<vmem>>, vector<16xf32>,
              %mul3A_243 = arith.mulf %get3A_239, %get3A_242 : vector<16xf32>
              %swap3A_244 = arith.index_cast %scan3A_198 : i32 to index
              %swap3A_245 = arith.constant 64 : index
              %swap3A_246 = tpu.vector_load %arg14[%swap3A_244, %swap3A_245] {strides = array<i32>} : memref<64x128xf32, #tpu.memory_space<vmem>>, vector<16xf32>,
              tpu.vector_store %arg14[%swap3A_244, %swap3A_245], %mul3A_243 {strides = array<i32>} : memref<64x128xf32, #tpu.memory_space<vmem>>, vector<16xf32>,
              %get3A_247 = arith.index_cast %scan3A_198 : i32 to index
              %get3A_248 = arith.constant 80 : index
              %get3A_249 = tpu.vector_load %arg14[%get3A_247, %get3A_248] {strides = array<i32>} : memref<64x128xf32, #tpu.memory_space<vmem>>, vector<16xf32>,
              %get3A_250 = arith.index_cast %scan3A_198 : i32 to index
              %get3A_251 = arith.constant 80 : index
              %get3A_252 = tpu.vector_load %arg16[%get3A_250, %get3A_251] {strides = array<i32>} : memref<64x128xf32, #tpu.memory_space<vmem>>, vector<16xf32>,
              %mul3A_253 = arith.mulf %get3A_249, %get3A_252 : vector<16xf32>
              %swap3A_254 = arith.index_cast %scan3A_198 : i32 to index
              %swap3A_255 = arith.constant 80 : index
              %swap3A_256 = tpu.vector_load %arg14[%swap3A_254, %swap3A_255] {strides = array<i32>} : memref<64x128xf32, #tpu.memory_space<vmem>>, vector<16xf32>,
              tpu.vector_store %arg14[%swap3A_254, %swap3A_255], %mul3A_253 {strides = array<i32>} : memref<64x128xf32, #tpu.memory_space<vmem>>, vector<16xf32>,
              %get3A_257 = arith.index_cast %scan3A_198 : i32 to index
              %get3A_258 = arith.constant 96 : index
              %get3A_259 = tpu.vector_load %arg14[%get3A_257, %get3A_258] {strides = array<i32>} : memref<64x128xf32, #tpu.memory_space<vmem>>, vector<16xf32>,
              %get3A_260 = arith.index_cast %scan3A_198 : i32 to index
              %get3A_261 = arith.constant 96 : index
              %get3A_262 = tpu.vector_load %arg16[%get3A_260, %get3A_261] {strides = array<i32>} : memref<64x128xf32, #tpu.memory_space<vmem>>, vector<16xf32>,
              %mul3A_263 = arith.mulf %get3A_259, %get3A_262 : vector<16xf32>
              %swap3A_264 = arith.index_cast %scan3A_198 : i32 to index
              %swap3A_265 = arith.constant 96 : index
              %swap3A_266 = tpu.vector_load %arg14[%swap3A_264, %swap3A_265] {strides = array<i32>} : memref<64x128xf32, #tpu.memory_space<vmem>>, vector<16xf32>,
              tpu.vector_store %arg14[%swap3A_264, %swap3A_265], %mul3A_263 {strides = array<i32>} : memref<64x128xf32, #tpu.memory_space<vmem>>, vector<16xf32>,
              %get3A_267 = arith.index_cast %scan3A_198 : i32 to index
              %get3A_268 = arith.constant 112 : index
              %get3A_269 = tpu.vector_load %arg14[%get3A_267, %get3A_268] {strides = array<i32>} : memref<64x128xf32, #tpu.memory_space<vmem>>, vector<16xf32>,
              %get3A_270 = arith.index_cast %scan3A_198 : i32 to index
              %get3A_271 = arith.constant 112 : index
              %get3A_272 = tpu.vector_load %arg16[%get3A_270, %get3A_271] {strides = array<i32>} : memref<64x128xf32, #tpu.memory_space<vmem>>, vector<16xf32>,
              %mul3A_273 = arith.mulf %get3A_269, %get3A_272 : vector<16xf32>
              %swap3A_274 = arith.index_cast %scan3A_198 : i32 to index
              %swap3A_275 = arith.constant 112 : index
              %swap3A_276 = tpu.vector_load %arg14[%swap3A_274, %swap3A_275] {strides = array<i32>} : memref<64x128xf32, #tpu.memory_space<vmem>>, vector<16xf32>,
              tpu.vector_store %arg14[%swap3A_274, %swap3A_275], %mul3A_273 {strides = array<i32>} : memref<64x128xf32, #tpu.memory_space<vmem>>, vector<16xf32>,
            }
            %scan3A_128 = arith.constant 64 : i32
            %mul3A_129 = arith.constant 2 : i32
            %mul3A_130 = arith.muli %scan3A_80, %mul3A_129 : i32
            %add3A_131 = arith.constant 0 : i32
            %add3A_132 = arith.addi %mul3A_130, %add3A_131 : i32
            %dma_start3A_133 = arith.constant 0 : i32
            %dma_start3A_134 = tpu.memref_slice %arg13[%add3A_132, %dma_start3A_133] : memref<16x64xi32, #tpu.memory_space<vmem>> -> memref<1x64xi32, #tpu.memory_space<vmem>>
            %dma_start3A_135 = tpu.memref_squeeze %dma_start3A_134 : memref<1x64xi32, #tpu.memory_space<vmem>> -> memref<64xi32, #tpu.memory_space<vmem>>
            %dma_start3A_136 = arith.constant 0 : i32
            %dma_start3A_137 = arith.constant 0 : i32
            %dma_start3A_138 = tpu.memref_slice %arg11[%dma_start3A_136, %dma_start3A_137] : memref<10240x128xf32, #tpu.memory_space<vmem_shared>> -> memref<10240x128xf32, #tpu.memory_space<vmem_shared>>
            tpu.enqueue_indirect_dma source(%arg14 : memref<64x128xf32, #tpu.memory_space<vmem>>) target(%dma_start3A_138 : memref<10240x128xf32, #tpu.memory_space<vmem_shared>>) offsets(%dma_start3A_135 : memref<64xi32, #tpu.memory_space<vmem>>) semaphore(%arg22 : memref<!tpu.dma_semaphore, #tpu.memory_space<semaphore_mem>>) {add = true}
            %mul3A_139 = arith.constant 16 : i32
            %mul3A_140 = arith.muli %scan3A_67, %mul3A_139 : i32
            %mul3A_141 = arith.constant 2 : i32
            %mul3A_142 = arith.muli %scan3A_80, %mul3A_141 : i32
            %add3A_143 = arith.addi %mul3A_140, %mul3A_142 : i32
            %add3A_144 = arith.constant 1 : i32
            %add3A_145 = arith.addi %add3A_143, %add3A_144 : i32
            %mul3A_146 = arith.constant 80 : i32
            %mul3A_147 = arith.muli %scan3A_37, %mul3A_146 : i32
            %add3A_148 = arith.addi %mul3A_147, %add3A_145 : i32
            %add3A_149 = arith.constant 1 : i32
            %add3A_150 = arith.addi %add3A_145, %add3A_149 : i32
            %lt3A_151 = arith.constant 80 : i32
            %lt3A_152 = arith.cmpi slt, %add3A_150, %lt3A_151 : i32
            %convert_element_type3A_153 = arith.extui %lt3A_152 : i1 to i32
            %cond3A_154 = arith.constant 0 : i32
            %cond3A_155 = arith.cmpi ne, %convert_element_type3A_153, %cond3A_154 : i32
            scf.if %cond3A_155 {
              %dma_wait3A_198 = arith.constant 0 : i32
              %dma_wait3A_199 = arith.constant 0 : i32
              %dma_wait3A_200 = tpu.memref_slice %arg13[%dma_wait3A_198, %dma_wait3A_199] : memref<16x64xi32, #tpu.memory_space<vmem>> -> memref<1x64xi32, #tpu.memory_space<vmem>>
              %dma_wait3A_201 = tpu.memref_squeeze %dma_wait3A_200 : memref<1x64xi32, #tpu.memory_space<vmem>> -> memref<64xi32, #tpu.memory_space<vmem>>
              %dma_wait3A_202 = arith.constant 0 : i32
              %dma_wait3A_203 = arith.constant 0 : i32
              %dma_wait3A_204 = tpu.memref_slice %arg11[%dma_wait3A_202, %dma_wait3A_203] : memref<10240x128xf32, #tpu.memory_space<vmem_shared>> -> memref<10240x128xf32, #tpu.memory_space<vmem_shared>>
              tpu.wait_indirect_dma semaphore(%arg22 : memref<!tpu.dma_semaphore, #tpu.memory_space<semaphore_mem>>) src(%arg14 : memref<64x128xf32, #tpu.memory_space<vmem>>) dst(%dma_wait3A_204 : memref<10240x128xf32, #tpu.memory_space<vmem_shared>>)
            } else {
            }
            %add3A_156 = arith.constant 1 : i32
            %add3A_157 = arith.addi %add3A_145, %add3A_156 : i32
            %lt3A_158 = arith.constant 80 : i32
            %lt3A_159 = arith.cmpi slt, %add3A_157, %lt3A_158 : i32
            %add3A_160 = arith.constant 1 : i32
            %add3A_161 = arith.addi %add3A_148, %add3A_160 : i32
            %add3A_162 = arith.constant 1 : i32
            %add3A_163 = arith.addi %add3A_145, %add3A_162 : i32
            %convert_element_type3A_164 = arith.extui %lt3A_159 : i1 to i32
            %cond3A_165 = arith.constant 0 : i32
            %cond3A_166 = arith.cmpi ne, %convert_element_type3A_164, %cond3A_165 : i32
            scf.if %cond3A_166 {
              %dma_start3A_198 = arith.constant 0 : i32
              %dma_start3A_199 = tpu.memref_slice %arg12[%add3A_163, %dma_start3A_198] : memref<80x64xi32, #tpu.memory_space<vmem>> -> memref<1x64xi32, #tpu.memory_space<vmem>>
              %dma_start3A_200 = tpu.memref_squeeze %dma_start3A_199 : memref<1x64xi32, #tpu.memory_space<vmem>> -> memref<64xi32, #tpu.memory_space<vmem>>
              %dma_start3A_201 = arith.constant 0 : i32
              %dma_start3A_202 = arith.constant 0 : i32
              %dma_start3A_203 = tpu.memref_slice %arg5[%dma_start3A_201, %dma_start3A_202] : memref<10000x128xf32, #tpu.memory_space<hbm>> -> memref<10000x128xf32, #tpu.memory_space<hbm>>
              tpu.enqueue_indirect_dma source(%dma_start3A_203 : memref<10000x128xf32, #tpu.memory_space<hbm>>) target(%arg14 : memref<64x128xf32, #tpu.memory_space<vmem>>) offsets(%dma_start3A_200 : memref<64xi32, #tpu.memory_space<vmem>>) semaphore(%arg18 : memref<!tpu.dma_semaphore, #tpu.memory_space<semaphore_mem>>)
              %mul3A_204 = arith.constant 10240 : i32
              %mul3A_205 = arith.muli %arg1, %mul3A_204 : i32
              %mul3A_206 = arith.constant 64 : i32
              %mul3A_207 = arith.muli %add3A_161, %mul3A_206 : i32
              %add3A_208 = arith.addi %mul3A_205, %mul3A_207 : i32
              %dma_start3A_209 = arith.constant 0 : i32
              %dma_start3A_210 = tpu.memref_slice %arg3[%add3A_208, %dma_start3A_209] : memref<163840x128xf32, #tpu.memory_space<hbm>> -> memref<64x128xf32, #tpu.memory_space<hbm>>
              %dma_start3A_211 = arith.constant 0 : i32
              %dma_start3A_212 = tpu.memref_slice %arg3[%add3A_208, %dma_start3A_211] : memref<163840x128xf32, #tpu.memory_space<hbm>> -> memref<64x128xf32, #tpu.memory_space<hbm>>
              tpu.enqueue_dma source(%dma_start3A_212 : memref<64x128xf32, #tpu.memory_space<hbm>>) target(%arg16 : memref<64x128xf32, #tpu.memory_space<vmem>>) target_semaphore(%arg20 : memref<!tpu.dma_semaphore, #tpu.memory_space<semaphore_mem>>)
            } else {
            }
            %dma_wait3A_167 = arith.constant 0 : i32
            %dma_wait3A_168 = tpu.memref_slice %arg12[%add3A_145, %dma_wait3A_167] : memref<80x64xi32, #tpu.memory_space<vmem>> -> memref<1x64xi32, #tpu.memory_space<vmem>>
            %dma_wait3A_169 = tpu.memref_squeeze %dma_wait3A_168 : memref<1x64xi32, #tpu.memory_space<vmem>> -> memref<64xi32, #tpu.memory_space<vmem>>
            %dma_wait3A_170 = arith.constant 0 : i32
            %dma_wait3A_171 = arith.constant 0 : i32
            %dma_wait3A_172 = tpu.memref_slice %arg5[%dma_wait3A_170, %dma_wait3A_171] : memref<10000x128xf32, #tpu.memory_space<hbm>> -> memref<10000x128xf32, #tpu.memory_space<hbm>>
            tpu.wait_indirect_dma semaphore(%arg19 : memref<!tpu.dma_semaphore, #tpu.memory_space<semaphore_mem>>) src(%dma_wait3A_172 : memref<10000x128xf32, #tpu.memory_space<hbm>>) dst(%arg15 : memref<64x128xf32, #tpu.memory_space<vmem>>)
            %mul3A_173 = arith.constant 10240 : i32
            %mul3A_174 = arith.muli %arg1, %mul3A_173 : i32
            %mul3A_175 = arith.constant 64 : i32
            %mul3A_176 = arith.muli %add3A_148, %mul3A_175 : i32
            %add3A_177 = arith.addi %mul3A_174, %mul3A_176 : i32
            %dma_wait3A_178 = arith.constant 0 : i32
            %dma_wait3A_179 = tpu.memref_slice %arg3[%add3A_177, %dma_wait3A_178] : memref<163840x128xf32, #tpu.memory_space<hbm>> -> memref<64x128xf32, #tpu.memory_space<hbm>>
            %dma_wait3A_180 = arith.constant 0 : i32
            %dma_wait3A_181 = tpu.memref_slice %arg3[%add3A_177, %dma_wait3A_180] : memref<163840x128xf32, #tpu.memory_space<hbm>> -> memref<64x128xf32, #tpu.memory_space<hbm>>
            tpu.wait_dma2 semaphore(%arg21 : memref<!tpu.dma_semaphore, #tpu.memory_space<semaphore_mem>>) src(%dma_wait3A_181 : memref<64x128xf32, #tpu.memory_space<hbm>>) dst(%arg17 : memref<64x128xf32, #tpu.memory_space<vmem>>)
            %scan3A_182 = arith.constant 0 : i32
            %scan3A_183 = arith.constant 0 : i32
            %scan3A_184 = arith.constant 64 : i32
            %scan3A_185 = arith.addi %scan3A_183, %scan3A_184 : i32
            %scan3A_186 = arith.constant 1 : i32
            scf.for %scan3A_198 = %scan3A_183 to %scan3A_185 step %scan3A_186  : i32 {
              %get3A = arith.index_cast %scan3A_198 : i32 to index
              %get3A_199 = arith.constant 0 : index
              %get3A_200 = tpu.vector_load %arg15[%get3A, %get3A_199] {strides = array<i32>} : memref<64x128xf32, #tpu.memory_space<vmem>>, vector<16xf32>,
              %get3A_201 = arith.index_cast %scan3A_198 : i32 to index
              %get3A_202 = arith.constant 0 : index
              %get3A_203 = tpu.vector_load %arg17[%get3A_201, %get3A_202] {strides = array<i32>} : memref<64x128xf32, #tpu.memory_space<vmem>>, vector<16xf32>,
              %mul3A_204 = arith.mulf %get3A_200, %get3A_203 : vector<16xf32>
              %swap3A = arith.index_cast %scan3A_198 : i32 to index
              %swap3A_205 = arith.constant 0 : index
              %swap3A_206 = tpu.vector_load %arg15[%swap3A, %swap3A_205] {strides = array<i32>} : memref<64x128xf32, #tpu.memory_space<vmem>>, vector<16xf32>,
              tpu.vector_store %arg15[%swap3A, %swap3A_205], %mul3A_204 {strides = array<i32>} : memref<64x128xf32, #tpu.memory_space<vmem>>, vector<16xf32>,
              %get3A_207 = arith.index_cast %scan3A_198 : i32 to index
              %get3A_208 = arith.constant 16 : index
              %get3A_209 = tpu.vector_load %arg15[%get3A_207, %get3A_208] {strides = array<i32>} : memref<64x128xf32, #tpu.memory_space<vmem>>, vector<16xf32>,
              %get3A_210 = arith.index_cast %scan3A_198 : i32 to index
              %get3A_211 = arith.constant 16 : index
              %get3A_212 = tpu.vector_load %arg17[%get3A_210, %get3A_211] {strides = array<i32>} : memref<64x128xf32, #tpu.memory_space<vmem>>, vector<16xf32>,
              %mul3A_213 = arith.mulf %get3A_209, %get3A_212 : vector<16xf32>
              %swap3A_214 = arith.index_cast %scan3A_198 : i32 to index
              %swap3A_215 = arith.constant 16 : index
              %swap3A_216 = tpu.vector_load %arg15[%swap3A_214, %swap3A_215] {strides = array<i32>} : memref<64x128xf32, #tpu.memory_space<vmem>>, vector<16xf32>,
              tpu.vector_store %arg15[%swap3A_214, %swap3A_215], %mul3A_213 {strides = array<i32>} : memref<64x128xf32, #tpu.memory_space<vmem>>, vector<16xf32>,
              %get3A_217 = arith.index_cast %scan3A_198 : i32 to index
              %get3A_218 = arith.constant 32 : index
              %get3A_219 = tpu.vector_load %arg15[%get3A_217, %get3A_218] {strides = array<i32>} : memref<64x128xf32, #tpu.memory_space<vmem>>, vector<16xf32>,
              %get3A_220 = arith.index_cast %scan3A_198 : i32 to index
              %get3A_221 = arith.constant 32 : index
              %get3A_222 = tpu.vector_load %arg17[%get3A_220, %get3A_221] {strides = array<i32>} : memref<64x128xf32, #tpu.memory_space<vmem>>, vector<16xf32>,
              %mul3A_223 = arith.mulf %get3A_219, %get3A_222 : vector<16xf32>
              %swap3A_224 = arith.index_cast %scan3A_198 : i32 to index
              %swap3A_225 = arith.constant 32 : index
              %swap3A_226 = tpu.vector_load %arg15[%swap3A_224, %swap3A_225] {strides = array<i32>} : memref<64x128xf32, #tpu.memory_space<vmem>>, vector<16xf32>,
              tpu.vector_store %arg15[%swap3A_224, %swap3A_225], %mul3A_223 {strides = array<i32>} : memref<64x128xf32, #tpu.memory_space<vmem>>, vector<16xf32>,
              %get3A_227 = arith.index_cast %scan3A_198 : i32 to index
              %get3A_228 = arith.constant 48 : index
              %get3A_229 = tpu.vector_load %arg15[%get3A_227, %get3A_228] {strides = array<i32>} : memref<64x128xf32, #tpu.memory_space<vmem>>, vector<16xf32>,
              %get3A_230 = arith.index_cast %scan3A_198 : i32 to index
              %get3A_231 = arith.constant 48 : index
              %get3A_232 = tpu.vector_load %arg17[%get3A_230, %get3A_231] {strides = array<i32>} : memref<64x128xf32, #tpu.memory_space<vmem>>, vector<16xf32>,
              %mul3A_233 = arith.mulf %get3A_229, %get3A_232 : vector<16xf32>
              %swap3A_234 = arith.index_cast %scan3A_198 : i32 to index
              %swap3A_235 = arith.constant 48 : index
              %swap3A_236 = tpu.vector_load %arg15[%swap3A_234, %swap3A_235] {strides = array<i32>} : memref<64x128xf32, #tpu.memory_space<vmem>>, vector<16xf32>,
              tpu.vector_store %arg15[%swap3A_234, %swap3A_235], %mul3A_233 {strides = array<i32>} : memref<64x128xf32, #tpu.memory_space<vmem>>, vector<16xf32>,
              %get3A_237 = arith.index_cast %scan3A_198 : i32 to index
              %get3A_238 = arith.constant 64 : index
              %get3A_239 = tpu.vector_load %arg15[%get3A_237, %get3A_238] {strides = array<i32>} : memref<64x128xf32, #tpu.memory_space<vmem>>, vector<16xf32>,
              %get3A_240 = arith.index_cast %scan3A_198 : i32 to index
              %get3A_241 = arith.constant 64 : index
              %get3A_242 = tpu.vector_load %arg17[%get3A_240, %get3A_241] {strides = array<i32>} : memref<64x128xf32, #tpu.memory_space<vmem>>, vector<16xf32>,
              %mul3A_243 = arith.mulf %get3A_239, %get3A_242 : vector<16xf32>
              %swap3A_244 = arith.index_cast %scan3A_198 : i32 to index
              %swap3A_245 = arith.constant 64 : index
              %swap3A_246 = tpu.vector_load %arg15[%swap3A_244, %swap3A_245] {strides = array<i32>} : memref<64x128xf32, #tpu.memory_space<vmem>>, vector<16xf32>,
              tpu.vector_store %arg15[%swap3A_244, %swap3A_245], %mul3A_243 {strides = array<i32>} : memref<64x128xf32, #tpu.memory_space<vmem>>, vector<16xf32>,
              %get3A_247 = arith.index_cast %scan3A_198 : i32 to index
              %get3A_248 = arith.constant 80 : index
              %get3A_249 = tpu.vector_load %arg15[%get3A_247, %get3A_248] {strides = array<i32>} : memref<64x128xf32, #tpu.memory_space<vmem>>, vector<16xf32>,
              %get3A_250 = arith.index_cast %scan3A_198 : i32 to index
              %get3A_251 = arith.constant 80 : index
              %get3A_252 = tpu.vector_load %arg17[%get3A_250, %get3A_251] {strides = array<i32>} : memref<64x128xf32, #tpu.memory_space<vmem>>, vector<16xf32>,
              %mul3A_253 = arith.mulf %get3A_249, %get3A_252 : vector<16xf32>
              %swap3A_254 = arith.index_cast %scan3A_198 : i32 to index
              %swap3A_255 = arith.constant 80 : index
              %swap3A_256 = tpu.vector_load %arg15[%swap3A_254, %swap3A_255] {strides = array<i32>} : memref<64x128xf32, #tpu.memory_space<vmem>>, vector<16xf32>,
              tpu.vector_store %arg15[%swap3A_254, %swap3A_255], %mul3A_253 {strides = array<i32>} : memref<64x128xf32, #tpu.memory_space<vmem>>, vector<16xf32>,
              %get3A_257 = arith.index_cast %scan3A_198 : i32 to index
              %get3A_258 = arith.constant 96 : index
              %get3A_259 = tpu.vector_load %arg15[%get3A_257, %get3A_258] {strides = array<i32>} : memref<64x128xf32, #tpu.memory_space<vmem>>, vector<16xf32>,
              %get3A_260 = arith.index_cast %scan3A_198 : i32 to index
              %get3A_261 = arith.constant 96 : index
              %get3A_262 = tpu.vector_load %arg17[%get3A_260, %get3A_261] {strides = array<i32>} : memref<64x128xf32, #tpu.memory_space<vmem>>, vector<16xf32>,
              %mul3A_263 = arith.mulf %get3A_259, %get3A_262 : vector<16xf32>
              %swap3A_264 = arith.index_cast %scan3A_198 : i32 to index
              %swap3A_265 = arith.constant 96 : index
              %swap3A_266 = tpu.vector_load %arg15[%swap3A_264, %swap3A_265] {strides = array<i32>} : memref<64x128xf32, #tpu.memory_space<vmem>>, vector<16xf32>,
              tpu.vector_store %arg15[%swap3A_264, %swap3A_265], %mul3A_263 {strides = array<i32>} : memref<64x128xf32, #tpu.memory_space<vmem>>, vector<16xf32>,
              %get3A_267 = arith.index_cast %scan3A_198 : i32 to index
              %get3A_268 = arith.constant 112 : index
              %get3A_269 = tpu.vector_load %arg15[%get3A_267, %get3A_268] {strides = array<i32>} : memref<64x128xf32, #tpu.memory_space<vmem>>, vector<16xf32>,
              %get3A_270 = arith.index_cast %scan3A_198 : i32 to index
              %get3A_271 = arith.constant 112 : index
              %get3A_272 = tpu.vector_load %arg17[%get3A_270, %get3A_271] {strides = array<i32>} : memref<64x128xf32, #tpu.memory_space<vmem>>, vector<16xf32>,
              %mul3A_273 = arith.mulf %get3A_269, %get3A_272 : vector<16xf32>
              %swap3A_274 = arith.index_cast %scan3A_198 : i32 to index
              %swap3A_275 = arith.constant 112 : index
              %swap3A_276 = tpu.vector_load %arg15[%swap3A_274, %swap3A_275] {strides = array<i32>} : memref<64x128xf32, #tpu.memory_space<vmem>>, vector<16xf32>,
              tpu.vector_store %arg15[%swap3A_274, %swap3A_275], %mul3A_273 {strides = array<i32>} : memref<64x128xf32, #tpu.memory_space<vmem>>, vector<16xf32>,
            }
            %scan3A_187 = arith.constant 64 : i32
            %mul3A_188 = arith.constant 2 : i32
            %mul3A_189 = arith.muli %scan3A_80, %mul3A_188 : i32
            %add3A_190 = arith.constant 1 : i32
            %add3A_191 = arith.addi %mul3A_189, %add3A_190 : i32
            %dma_start3A_192 = arith.constant 0 : i32
            %dma_start3A_193 = tpu.memref_slice %arg13[%add3A_191, %dma_start3A_192] : memref<16x64xi32, #tpu.memory_space<vmem>> -> memref<1x64xi32, #tpu.memory_space<vmem>>
            %dma_start3A_194 = tpu.memref_squeeze %dma_start3A_193 : memref<1x64xi32, #tpu.memory_space<vmem>> -> memref<64xi32, #tpu.memory_space<vmem>>
            %dma_start3A_195 = arith.constant 0 : i32
            %dma_start3A_196 = arith.constant 0 : i32
            %dma_start3A_197 = tpu.memref_slice %arg11[%dma_start3A_195, %dma_start3A_196] : memref<10240x128xf32, #tpu.memory_space<vmem_shared>> -> memref<10240x128xf32, #tpu.memory_space<vmem_shared>>
            tpu.enqueue_indirect_dma source(%arg15 : memref<64x128xf32, #tpu.memory_space<vmem>>) target(%dma_start3A_197 : memref<10240x128xf32, #tpu.memory_space<vmem_shared>>) offsets(%dma_start3A_194 : memref<64xi32, #tpu.memory_space<vmem>>) semaphore(%arg23 : memref<!tpu.dma_semaphore, #tpu.memory_space<semaphore_mem>>) {add = true}
          }
          %scan3A_79 = arith.constant 8 : i32
        }
        %scan3A_66 = arith.constant 5 : i32
      }
      %scan3A_23 = arith.constant 2 : i32
      %dma_wait3A = arith.constant 0 : i32
      %dma_wait3A_24 = arith.constant 0 : i32
      %dma_wait3A_25 = tpu.memref_slice %arg13[%dma_wait3A, %dma_wait3A_24] : memref<16x64xi32, #tpu.memory_space<vmem>> -> memref<1x64xi32, #tpu.memory_space<vmem>>
      %dma_wait3A_26 = tpu.memref_squeeze %dma_wait3A_25 : memref<1x64xi32, #tpu.memory_space<vmem>> -> memref<64xi32, #tpu.memory_space<vmem>>
      %dma_wait3A_27 = arith.constant 0 : i32
      %dma_wait3A_28 = arith.constant 0 : i32
      %dma_wait3A_29 = tpu.memref_slice %arg11[%dma_wait3A_27, %dma_wait3A_28] : memref<10240x128xf32, #tpu.memory_space<vmem_shared>> -> memref<10240x128xf32, #tpu.memory_space<vmem_shared>>
      tpu.wait_indirect_dma semaphore(%arg22 : memref<!tpu.dma_semaphore, #tpu.memory_space<semaphore_mem>>) src(%arg14 : memref<64x128xf32, #tpu.memory_space<vmem>>) dst(%dma_wait3A_29 : memref<10240x128xf32, #tpu.memory_space<vmem_shared>>)
      %dma_wait3A_30 = arith.constant 0 : i32
      %dma_wait3A_31 = arith.constant 0 : i32
      %dma_wait3A_32 = tpu.memref_slice %arg13[%dma_wait3A_30, %dma_wait3A_31] : memref<16x64xi32, #tpu.memory_space<vmem>> -> memref<1x64xi32, #tpu.memory_space<vmem>>
      %dma_wait3A_33 = tpu.memref_squeeze %dma_wait3A_32 : memref<1x64xi32, #tpu.memory_space<vmem>> -> memref<64xi32, #tpu.memory_space<vmem>>
      %dma_wait3A_34 = arith.constant 0 : i32
      %dma_wait3A_35 = arith.constant 0 : i32
      %dma_wait3A_36 = tpu.memref_slice %arg11[%dma_wait3A_34, %dma_wait3A_35] : memref<10240x128xf32, #tpu.memory_space<vmem_shared>> -> memref<10240x128xf32, #tpu.memory_space<vmem_shared>>
      tpu.wait_indirect_dma semaphore(%arg23 : memref<!tpu.dma_semaphore, #tpu.memory_space<semaphore_mem>>) src(%arg15 : memref<64x128xf32, #tpu.memory_space<vmem>>) dst(%dma_wait3A_36 : memref<10240x128xf32, #tpu.memory_space<vmem_shared>>)
    } else {
    }
    %barrier3A_8 = arith.constant 0 : index
    tpu.barrier barrier_id(%barrier3A_8)
    %eq3A_9 = arith.constant 0 : i32
    %eq3A_10 = arith.cmpi eq, %arg0, %eq3A_9 : i32
    %convert_element_type3A_11 = arith.extui %eq3A_10 : i1 to i32
    %cond3A_12 = arith.constant 0 : i32
    %cond3A_13 = arith.cmpi ne, %convert_element_type3A_11, %cond3A_12 : i32
    scf.if %cond3A_13 {
      "tpu.region"() ({
        %run_scoped3A = tpu.sem_alloc : memref<!tpu.dma_semaphore, #tpu.memory_space<semaphore_mem>>
        %dma_start3A = arith.constant 0 : i32
        %dma_start3A_19 = tpu.memref_slice %arg9[%mul3A_0, %dma_start3A] : memref<10240x128xf32, #tpu.memory_space<hbm>> -> memref<640x128xf32, #tpu.memory_space<hbm>>
        %dma_start3A_20 = arith.constant 0 : i32
        %dma_start3A_21 = tpu.memref_slice %arg11[%mul3A_0, %dma_start3A_20] : memref<10240x128xf32, #tpu.memory_space<vmem_shared>> -> memref<640x128xf32, #tpu.memory_space<vmem_shared>>
        tpu.enqueue_dma source(%dma_start3A_21 : memref<640x128xf32, #tpu.memory_space<vmem_shared>>) target(%dma_start3A_19 : memref<640x128xf32, #tpu.memory_space<hbm>>) target_semaphore(%run_scoped3A : memref<!tpu.dma_semaphore, #tpu.memory_space<semaphore_mem>>)
        %dma_wait3A = arith.constant 0 : i32
        %dma_wait3A_22 = tpu.memref_slice %arg9[%mul3A_0, %dma_wait3A] : memref<10240x128xf32, #tpu.memory_space<hbm>> -> memref<640x128xf32, #tpu.memory_space<hbm>>
        %dma_wait3A_23 = arith.constant 0 : i32
        %dma_wait3A_24 = tpu.memref_slice %arg11[%mul3A_0, %dma_wait3A_23] : memref<10240x128xf32, #tpu.memory_space<vmem_shared>> -> memref<640x128xf32, #tpu.memory_space<vmem_shared>>
        tpu.wait_dma2 semaphore(%run_scoped3A : memref<!tpu.dma_semaphore, #tpu.memory_space<semaphore_mem>>) src(%dma_wait3A_24 : memref<640x128xf32, #tpu.memory_space<vmem_shared>>) dst(%dma_wait3A_22 : memref<640x128xf32, #tpu.memory_space<hbm>>)
        tpu.yield
      }) : () -> ()
    } else {
    }
    %eq3A_14 = arith.constant 1 : i32
    %eq3A_15 = arith.cmpi eq, %arg0, %eq3A_14 : i32
    %convert_element_type3A_16 = arith.extui %eq3A_15 : i1 to i32
    %cond3A_17 = arith.constant 0 : i32
    %cond3A_18 = arith.cmpi ne, %convert_element_type3A_16, %cond3A_17 : i32
    scf.if %cond3A_18 {
      "tpu.region"() ({
        %run_scoped3A = tpu.sem_alloc : memref<!tpu.dma_semaphore, #tpu.memory_space<semaphore_mem>>
        %dma_start3A = arith.constant 0 : i32
        %dma_start3A_19 = tpu.memref_slice %arg10[%mul3A_0, %dma_start3A] : memref<10240x128xf32, #tpu.memory_space<hbm>> -> memref<640x128xf32, #tpu.memory_space<hbm>>
        %dma_start3A_20 = arith.constant 0 : i32
        %dma_start3A_21 = tpu.memref_slice %arg11[%mul3A_0, %dma_start3A_20] : memref<10240x128xf32, #tpu.memory_space<vmem_shared>> -> memref<640x128xf32, #tpu.memory_space<vmem_shared>>
        tpu.enqueue_dma source(%dma_start3A_21 : memref<640x128xf32, #tpu.memory_space<vmem_shared>>) target(%dma_start3A_19 : memref<640x128xf32, #tpu.memory_space<hbm>>) target_semaphore(%run_scoped3A : memref<!tpu.dma_semaphore, #tpu.memory_space<semaphore_mem>>)
        %dma_wait3A = arith.constant 0 : i32
        %dma_wait3A_22 = tpu.memref_slice %arg10[%mul3A_0, %dma_wait3A] : memref<10240x128xf32, #tpu.memory_space<hbm>> -> memref<640x128xf32, #tpu.memory_space<hbm>>
        %dma_wait3A_23 = arith.constant 0 : i32
        %dma_wait3A_24 = tpu.memref_slice %arg11[%mul3A_0, %dma_wait3A_23] : memref<10240x128xf32, #tpu.memory_space<vmem_shared>> -> memref<640x128xf32, #tpu.memory_space<vmem_shared>>
        tpu.wait_dma2 semaphore(%run_scoped3A : memref<!tpu.dma_semaphore, #tpu.memory_space<semaphore_mem>>) src(%dma_wait3A_24 : memref<640x128xf32, #tpu.memory_space<vmem_shared>>) dst(%dma_wait3A_22 : memref<640x128xf32, #tpu.memory_space<hbm>>)
        tpu.yield
      }) : () -> ()
    } else {
    }
    return
  }
}

#map = affine_map<(d0, d1) -> (0, 0)>
#map1 = affine_map<(d0, d1) -> (0, 0, 0)>
module attributes {stable_mosaic.version = 14 : i64} {
  func.func @_msg_body(%arg0: i32, %arg1: i32, %arg2: memref<163840x128xf32, #tpu.memory_space<hbm>>, %arg3: memref<163840x128xf32, #tpu.memory_space<hbm>>, %arg4: memref<10000x128xf32, #tpu.memory_space<hbm>>, %arg5: memref<10000x128xf32, #tpu.memory_space<hbm>>, %arg6: memref<160x16x64xi32, #tpu.memory_space<hbm>>, %arg7: memref<32x80x64xi32, #tpu.memory_space<hbm>>, %arg8: memref<640x128xf32, #tpu.memory_space<hbm>>, %arg9: memref<10240x128xf32, #tpu.memory_space<hbm>>, %arg10: memref<10240x128xf32, #tpu.memory_space<hbm>>, %arg11: memref<10240x128xf32, #tpu.memory_space<vmem_shared>>, %arg12: memref<80x64xi32, #tpu.memory_space<vmem>>, %arg13: memref<16x64xi32, #tpu.memory_space<vmem>>, %arg14: memref<64x128xf32, #tpu.memory_space<vmem>>, %arg15: memref<64x128xf32, #tpu.memory_space<vmem>>, %arg16: memref<64x128xf32, #tpu.memory_space<vmem>>, %arg17: memref<64x128xf32, #tpu.memory_space<vmem>>, %arg18: memref<!tpu.dma_semaphore, #tpu.memory_space<semaphore_mem>>, %arg19: memref<!tpu.dma_semaphore, #tpu.memory_space<semaphore_mem>>, %arg20: memref<!tpu.dma_semaphore, #tpu.memory_space<semaphore_mem>>, %arg21: memref<!tpu.dma_semaphore, #tpu.memory_space<semaphore_mem>>, %arg22: memref<!tpu.dma_semaphore, #tpu.memory_space<semaphore_mem>>, %arg23: memref<!tpu.dma_semaphore, #tpu.memory_space<semaphore_mem>>) attributes {dimension_semantics = [#tpu.dimension_semantics<core_parallel>, #tpu.dimension_semantics<subcore_parallel>], iteration_bounds = array<i64: 2, 16>, scalar_prefetch = 0 : i64, scratch_operands = 13 : i64, tpu.core_type = #tpu.core_type<sc_vector_subcore>, window_params = [{transform_indices = #map}, {transform_indices = #map}, {transform_indices = #map}, {transform_indices = #map}, {transform_indices = #map1}, {transform_indices = #map1}, {transform_indices = #map}, {transform_indices = #map}, {transform_indices = #map}]} {
    %mul3A = arith.constant 640 : i32
    %mul3A_0 = arith.muli %arg1, %mul3A : i32
    "tpu.region"() ({
      %run_scoped3A = tpu.sem_alloc : memref<!tpu.dma_semaphore, #tpu.memory_space<semaphore_mem>>
      %dma_start3A = arith.constant 0 : i32
      %dma_start3A_19 = tpu.memref_slice %arg11[%mul3A_0, %dma_start3A] : memref<10240x128xf32, #tpu.memory_space<vmem_shared>> -> memref<640x128xf32, #tpu.memory_space<vmem_shared>>
      tpu.enqueue_dma source(%arg8 : memref<640x128xf32, #tpu.memory_space<hbm>>) target(%dma_start3A_19 : memref<640x128xf32, #tpu.memory_space<vmem_shared>>) target_semaphore(%run_scoped3A : memref<!tpu.dma_semaphore, #tpu.memory_space<semaphore_mem>>)
      %dma_wait3A = arith.constant 0 : i32
      %dma_wait3A_20 = tpu.memref_slice %arg11[%mul3A_0, %dma_wait3A] : memref<10240x128xf32, #tpu.memory_space<vmem_shared>> -> memref<640x128xf32, #tpu.memory_space<vmem_shared>>
      tpu.wait_dma2 semaphore(%run_scoped3A : memref<!tpu.dma_semaphore, #tpu.memory_space<semaphore_mem>>) src(%arg8 : memref<640x128xf32, #tpu.memory_space<hbm>>) dst(%dma_wait3A_20 : memref<640x128xf32, #tpu.memory_space<vmem_shared>>)
      tpu.yield
    }) : () -> ()
    "tpu.region"() ({
      %run_scoped3A = tpu.sem_alloc : memref<!tpu.dma_semaphore, #tpu.memory_space<semaphore_mem>>
      %dma_start3A = arith.constant 0 : i32
      %dma_start3A_19 = arith.constant 0 : i32
      %dma_start3A_20 = tpu.memref_slice %arg7[%arg1, %dma_start3A, %dma_start3A_19] : memref<32x80x64xi32, #tpu.memory_space<hbm>> -> memref<1x80x64xi32, #tpu.memory_space<hbm>>
      %dma_start3A_21 = tpu.memref_squeeze %dma_start3A_20 : memref<1x80x64xi32, #tpu.memory_space<hbm>> -> memref<80x64xi32, #tpu.memory_space<hbm>>
      %dma_start3A_22 = arith.constant 0 : i32
      %dma_start3A_23 = arith.constant 0 : i32
      %dma_start3A_24 = tpu.memref_slice %arg7[%arg1, %dma_start3A_22, %dma_start3A_23] : memref<32x80x64xi32, #tpu.memory_space<hbm>> -> memref<1x80x64xi32, #tpu.memory_space<hbm>>
      %dma_start3A_25 = tpu.memref_squeeze %dma_start3A_24 : memref<1x80x64xi32, #tpu.memory_space<hbm>> -> memref<80x64xi32, #tpu.memory_space<hbm>>
      tpu.enqueue_dma source(%dma_start3A_25 : memref<80x64xi32, #tpu.memory_space<hbm>>) target(%arg12 : memref<80x64xi32, #tpu.memory_space<vmem>>) target_semaphore(%run_scoped3A : memref<!tpu.dma_semaphore, #tpu.memory_space<semaphore_mem>>)
      %dma_wait3A = arith.constant 0 : i32
      %dma_wait3A_26 = arith.constant 0 : i32
      %dma_wait3A_27 = tpu.memref_slice %arg7[%arg1, %dma_wait3A, %dma_wait3A_26] : memref<32x80x64xi32, #tpu.memory_space<hbm>> -> memref<1x80x64xi32, #tpu.memory_space<hbm>>
      %dma_wait3A_28 = tpu.memref_squeeze %dma_wait3A_27 : memref<1x80x64xi32, #tpu.memory_space<hbm>> -> memref<80x64xi32, #tpu.memory_space<hbm>>
      %dma_wait3A_29 = arith.constant 0 : i32
      %dma_wait3A_30 = arith.constant 0 : i32
      %dma_wait3A_31 = tpu.memref_slice %arg7[%arg1, %dma_wait3A_29, %dma_wait3A_30] : memref<32x80x64xi32, #tpu.memory_space<hbm>> -> memref<1x80x64xi32, #tpu.memory_space<hbm>>
      %dma_wait3A_32 = tpu.memref_squeeze %dma_wait3A_31 : memref<1x80x64xi32, #tpu.memory_space<hbm>> -> memref<80x64xi32, #tpu.memory_space<hbm>>
      tpu.wait_dma2 semaphore(%run_scoped3A : memref<!tpu.dma_semaphore, #tpu.memory_space<semaphore_mem>>) src(%dma_wait3A_32 : memref<80x64xi32, #tpu.memory_space<hbm>>) dst(%arg12 : memref<80x64xi32, #tpu.memory_space<vmem>>)
      tpu.yield
    }) : () -> ()
    %barrier3A = arith.constant 0 : index
    tpu.barrier barrier_id(%barrier3A)
    %eq3A = arith.constant 0 : i32
    %eq3A_1 = arith.cmpi eq, %arg0, %eq3A : i32
    %convert_element_type3A = arith.extui %eq3A_1 : i1 to i32
    %cond3A = arith.constant 0 : i32
    %cond3A_2 = arith.cmpi ne, %convert_element_type3A, %cond3A : i32
    scf.if %cond3A_2 {
      %scan3A = arith.constant 0 : i32
      %scan3A_19 = arith.constant 0 : i32
      %scan3A_20 = arith.constant 2 : i32
      %scan3A_21 = arith.addi %scan3A_19, %scan3A_20 : i32
      %scan3A_22 = arith.constant 1 : i32
      scf.for %scan3A_37 = %scan3A_19 to %scan3A_21 step %scan3A_22  : i32 {
        %mul3A_38 = arith.constant 2 : i32
        %mul3A_39 = arith.muli %arg1, %mul3A_38 : i32
        %add3A = arith.addi %mul3A_39, %scan3A_37 : i32
        "tpu.region"() ({
          %run_scoped3A = tpu.sem_alloc : memref<!tpu.dma_semaphore, #tpu.memory_space<semaphore_mem>>
          %dma_start3A_67 = arith.constant 0 : i32
          %dma_start3A_68 = arith.constant 0 : i32
          %dma_start3A_69 = tpu.memref_slice %arg7[%add3A, %dma_start3A_67, %dma_start3A_68] : memref<32x80x64xi32, #tpu.memory_space<hbm>> -> memref<1x80x64xi32, #tpu.memory_space<hbm>>
          %dma_start3A_70 = tpu.memref_squeeze %dma_start3A_69 : memref<1x80x64xi32, #tpu.memory_space<hbm>> -> memref<80x64xi32, #tpu.memory_space<hbm>>
          %dma_start3A_71 = arith.constant 0 : i32
          %dma_start3A_72 = arith.constant 0 : i32
          %dma_start3A_73 = tpu.memref_slice %arg7[%add3A, %dma_start3A_71, %dma_start3A_72] : memref<32x80x64xi32, #tpu.memory_space<hbm>> -> memref<1x80x64xi32, #tpu.memory_space<hbm>>
          %dma_start3A_74 = tpu.memref_squeeze %dma_start3A_73 : memref<1x80x64xi32, #tpu.memory_space<hbm>> -> memref<80x64xi32, #tpu.memory_space<hbm>>
          tpu.enqueue_dma source(%dma_start3A_74 : memref<80x64xi32, #tpu.memory_space<hbm>>) target(%arg12 : memref<80x64xi32, #tpu.memory_space<vmem>>) target_semaphore(%run_scoped3A : memref<!tpu.dma_semaphore, #tpu.memory_space<semaphore_mem>>)
          %dma_wait3A_75 = arith.constant 0 : i32
          %dma_wait3A_76 = arith.constant 0 : i32
          %dma_wait3A_77 = tpu.memref_slice %arg7[%add3A, %dma_wait3A_75, %dma_wait3A_76] : memref<32x80x64xi32, #tpu.memory_space<hbm>> -> memref<1x80x64xi32, #tpu.memory_space<hbm>>
          %dma_wait3A_78 = tpu.memref_squeeze %dma_wait3A_77 : memref<1x80x64xi32, #tpu.memory_space<hbm>> -> memref<80x64xi32, #tpu.memory_space<hbm>>
          %dma_wait3A_79 = arith.constant 0 : i32
          %dma_wait3A_80 = arith.constant 0 : i32
          %dma_wait3A_81 = tpu.memref_slice %arg7[%add3A, %dma_wait3A_79, %dma_wait3A_80] : memref<32x80x64xi32, #tpu.memory_space<hbm>> -> memref<1x80x64xi32, #tpu.memory_space<hbm>>
          %dma_wait3A_82 = tpu.memref_squeeze %dma_wait3A_81 : memref<1x80x64xi32, #tpu.memory_space<hbm>> -> memref<80x64xi32, #tpu.memory_space<hbm>>
          tpu.wait_dma2 semaphore(%run_scoped3A : memref<!tpu.dma_semaphore, #tpu.memory_space<semaphore_mem>>) src(%dma_wait3A_82 : memref<80x64xi32, #tpu.memory_space<hbm>>) dst(%arg12 : memref<80x64xi32, #tpu.memory_space<vmem>>)
          tpu.yield
        }) : () -> ()
        %gt3A = arith.constant 0 : i32
        %gt3A_40 = arith.cmpi sgt, %scan3A_37, %gt3A : i32
        %convert_element_type3A_41 = arith.extui %gt3A_40 : i1 to i32
        %cond3A_42 = arith.constant 0 : i32
        %cond3A_43 = arith.cmpi ne, %convert_element_type3A_41, %cond3A_42 : i32
        scf.if %cond3A_43 {
          %dma_wait3A_67 = arith.constant 0 : i32
          %dma_wait3A_68 = arith.constant 0 : i32
          %dma_wait3A_69 = tpu.memref_slice %arg13[%dma_wait3A_67, %dma_wait3A_68] : memref<16x64xi32, #tpu.memory_space<vmem>> -> memref<1x64xi32, #tpu.memory_space<vmem>>
          %dma_wait3A_70 = tpu.memref_squeeze %dma_wait3A_69 : memref<1x64xi32, #tpu.memory_space<vmem>> -> memref<64xi32, #tpu.memory_space<vmem>>
          %dma_wait3A_71 = arith.constant 0 : i32
          %dma_wait3A_72 = arith.constant 0 : i32
          %dma_wait3A_73 = tpu.memref_slice %arg11[%dma_wait3A_71, %dma_wait3A_72] : memref<10240x128xf32, #tpu.memory_space<vmem_shared>> -> memref<10240x128xf32, #tpu.memory_space<vmem_shared>>
          tpu.wait_indirect_dma semaphore(%arg22 : memref<!tpu.dma_semaphore, #tpu.memory_space<semaphore_mem>>) src(%arg14 : memref<64x128xf32, #tpu.memory_space<vmem>>) dst(%dma_wait3A_73 : memref<10240x128xf32, #tpu.memory_space<vmem_shared>>)
        } else {
        }
        %mul3A_44 = arith.constant 80 : i32
        %mul3A_45 = arith.muli %scan3A_37, %mul3A_44 : i32
        %dma_start3A = arith.constant 0 : i32
        %dma_start3A_46 = arith.constant 0 : i32
        %dma_start3A_47 = tpu.memref_slice %arg12[%dma_start3A, %dma_start3A_46] : memref<80x64xi32, #tpu.memory_space<vmem>> -> memref<1x64xi32, #tpu.memory_space<vmem>>
        %dma_start3A_48 = tpu.memref_squeeze %dma_start3A_47 : memref<1x64xi32, #tpu.memory_space<vmem>> -> memref<64xi32, #tpu.memory_space<vmem>>
        %dma_start3A_49 = arith.constant 0 : i32
        %dma_start3A_50 = arith.constant 0 : i32
        %dma_start3A_51 = tpu.memref_slice %arg4[%dma_start3A_49, %dma_start3A_50] : memref<10000x128xf32, #tpu.memory_space<hbm>> -> memref<10000x128xf32, #tpu.memory_space<hbm>>
        tpu.enqueue_indirect_dma source(%dma_start3A_51 : memref<10000x128xf32, #tpu.memory_space<hbm>>) target(%arg14 : memref<64x128xf32, #tpu.memory_space<vmem>>) offsets(%dma_start3A_48 : memref<64xi32, #tpu.memory_space<vmem>>) semaphore(%arg18 : memref<!tpu.dma_semaphore, #tpu.memory_space<semaphore_mem>>)
        %mul3A_52 = arith.constant 10240 : i32
        %mul3A_53 = arith.muli %arg1, %mul3A_52 : i32
        %mul3A_54 = arith.constant 64 : i32
        %mul3A_55 = arith.muli %mul3A_45, %mul3A_54 : i32
        %add3A_56 = arith.addi %mul3A_53, %mul3A_55 : i32
        %dma_start3A_57 = arith.constant 0 : i32
        %dma_start3A_58 = tpu.memref_slice %arg2[%add3A_56, %dma_start3A_57] : memref<163840x128xf32, #tpu.memory_space<hbm>> -> memref<64x128xf32, #tpu.memory_space<hbm>>
        %dma_start3A_59 = arith.constant 0 : i32
        %dma_start3A_60 = tpu.memref_slice %arg2[%add3A_56, %dma_start3A_59] : memref<163840x128xf32, #tpu.memory_space<hbm>> -> memref<64x128xf32, #tpu.memory_space<hbm>>
        tpu.enqueue_dma source(%dma_start3A_60 : memref<64x128xf32, #tpu.memory_space<hbm>>) target(%arg16 : memref<64x128xf32, #tpu.memory_space<vmem>>) target_semaphore(%arg20 : memref<!tpu.dma_semaphore, #tpu.memory_space<semaphore_mem>>)
        %scan3A_61 = arith.constant 0 : i32
        %scan3A_62 = arith.constant 0 : i32
        %scan3A_63 = arith.constant 5 : i32
        %scan3A_64 = arith.addi %scan3A_62, %scan3A_63 : i32
        %scan3A_65 = arith.constant 1 : i32
        scf.for %scan3A_67 = %scan3A_62 to %scan3A_64 step %scan3A_65  : i32 {
          %mul3A_68 = arith.constant 10 : i32
          %mul3A_69 = arith.muli %arg1, %mul3A_68 : i32
          %mul3A_70 = arith.constant 5 : i32
          %mul3A_71 = arith.muli %scan3A_37, %mul3A_70 : i32
          %add3A_72 = arith.addi %mul3A_69, %mul3A_71 : i32
          %add3A_73 = arith.addi %add3A_72, %scan3A_67 : i32
          "tpu.region"() ({
            %run_scoped3A = tpu.sem_alloc : memref<!tpu.dma_semaphore, #tpu.memory_space<semaphore_mem>>
            %dma_start3A_80 = arith.constant 0 : i32
            %dma_start3A_81 = arith.constant 0 : i32
            %dma_start3A_82 = tpu.memref_slice %arg6[%add3A_73, %dma_start3A_80, %dma_start3A_81] : memref<160x16x64xi32, #tpu.memory_space<hbm>> -> memref<1x16x64xi32, #tpu.memory_space<hbm>>
            %dma_start3A_83 = tpu.memref_squeeze %dma_start3A_82 : memref<1x16x64xi32, #tpu.memory_space<hbm>> -> memref<16x64xi32, #tpu.memory_space<hbm>>
            %dma_start3A_84 = arith.constant 0 : i32
            %dma_start3A_85 = arith.constant 0 : i32
            %dma_start3A_86 = tpu.memref_slice %arg6[%add3A_73, %dma_start3A_84, %dma_start3A_85] : memref<160x16x64xi32, #tpu.memory_space<hbm>> -> memref<1x16x64xi32, #tpu.memory_space<hbm>>
            %dma_start3A_87 = tpu.memref_squeeze %dma_start3A_86 : memref<1x16x64xi32, #tpu.memory_space<hbm>> -> memref<16x64xi32, #tpu.memory_space<hbm>>
            tpu.enqueue_dma source(%dma_start3A_87 : memref<16x64xi32, #tpu.memory_space<hbm>>) target(%arg13 : memref<16x64xi32, #tpu.memory_space<vmem>>) target_semaphore(%run_scoped3A : memref<!tpu.dma_semaphore, #tpu.memory_space<semaphore_mem>>)
            %dma_wait3A_88 = arith.constant 0 : i32
            %dma_wait3A_89 = arith.constant 0 : i32
            %dma_wait3A_90 = tpu.memref_slice %arg6[%add3A_73, %dma_wait3A_88, %dma_wait3A_89] : memref<160x16x64xi32, #tpu.memory_space<hbm>> -> memref<1x16x64xi32, #tpu.memory_space<hbm>>
            %dma_wait3A_91 = tpu.memref_squeeze %dma_wait3A_90 : memref<1x16x64xi32, #tpu.memory_space<hbm>> -> memref<16x64xi32, #tpu.memory_space<hbm>>
            %dma_wait3A_92 = arith.constant 0 : i32
            %dma_wait3A_93 = arith.constant 0 : i32
            %dma_wait3A_94 = tpu.memref_slice %arg6[%add3A_73, %dma_wait3A_92, %dma_wait3A_93] : memref<160x16x64xi32, #tpu.memory_space<hbm>> -> memref<1x16x64xi32, #tpu.memory_space<hbm>>
            %dma_wait3A_95 = tpu.memref_squeeze %dma_wait3A_94 : memref<1x16x64xi32, #tpu.memory_space<hbm>> -> memref<16x64xi32, #tpu.memory_space<hbm>>
            tpu.wait_dma2 semaphore(%run_scoped3A : memref<!tpu.dma_semaphore, #tpu.memory_space<semaphore_mem>>) src(%dma_wait3A_95 : memref<16x64xi32, #tpu.memory_space<hbm>>) dst(%arg13 : memref<16x64xi32, #tpu.memory_space<vmem>>)
            tpu.yield
          }) : () -> ()
          %scan3A_74 = arith.constant 0 : i32
          %scan3A_75 = arith.constant 0 : i32
          %scan3A_76 = arith.constant 8 : i32
          %scan3A_77 = arith.addi %scan3A_75, %scan3A_76 : i32
          %scan3A_78 = arith.constant 1 : i32
          scf.for %scan3A_80 = %scan3A_75 to %scan3A_77 step %scan3A_78  : i32 {
            %mul3A_81 = arith.constant 16 : i32
            %mul3A_82 = arith.muli %scan3A_67, %mul3A_81 : i32
            %mul3A_83 = arith.constant 2 : i32
            %mul3A_84 = arith.muli %scan3A_80, %mul3A_83 : i32
            %add3A_85 = arith.addi %mul3A_82, %mul3A_84 : i32
            %add3A_86 = arith.constant 0 : i32
            %add3A_87 = arith.addi %add3A_85, %add3A_86 : i32
            %mul3A_88 = arith.constant 80 : i32
            %mul3A_89 = arith.muli %scan3A_37, %mul3A_88 : i32
            %add3A_90 = arith.addi %mul3A_89, %add3A_87 : i32
            %add3A_91 = arith.addi %scan3A_37, %scan3A_67 : i32
            %add3A_92 = arith.addi %add3A_91, %scan3A_80 : i32
            %gt3A_93 = arith.constant 0 : i32
            %gt3A_94 = arith.cmpi sgt, %add3A_92, %gt3A_93 : i32
            %convert_element_type3A_95 = arith.extui %gt3A_94 : i1 to i32
            %cond3A_96 = arith.constant 0 : i32
            %cond3A_97 = arith.cmpi ne, %convert_element_type3A_95, %cond3A_96 : i32
            scf.if %cond3A_97 {
              %dma_wait3A_198 = arith.constant 0 : i32
              %dma_wait3A_199 = arith.constant 0 : i32
              %dma_wait3A_200 = tpu.memref_slice %arg13[%dma_wait3A_198, %dma_wait3A_199] : memref<16x64xi32, #tpu.memory_space<vmem>> -> memref<1x64xi32, #tpu.memory_space<vmem>>
              %dma_wait3A_201 = tpu.memref_squeeze %dma_wait3A_200 : memref<1x64xi32, #tpu.memory_space<vmem>> -> memref<64xi32, #tpu.memory_space<vmem>>
              %dma_wait3A_202 = arith.constant 0 : i32
              %dma_wait3A_203 = arith.constant 0 : i32
              %dma_wait3A_204 = tpu.memref_slice %arg11[%dma_wait3A_202, %dma_wait3A_203] : memref<10240x128xf32, #tpu.memory_space<vmem_shared>> -> memref<10240x128xf32, #tpu.memory_space<vmem_shared>>
              tpu.wait_indirect_dma semaphore(%arg23 : memref<!tpu.dma_semaphore, #tpu.memory_space<semaphore_mem>>) src(%arg15 : memref<64x128xf32, #tpu.memory_space<vmem>>) dst(%dma_wait3A_204 : memref<10240x128xf32, #tpu.memory_space<vmem_shared>>)
            } else {
            }
            %add3A_98 = arith.constant 1 : i32
            %add3A_99 = arith.addi %add3A_87, %add3A_98 : i32
            %lt3A = arith.constant 80 : i32
            %lt3A_100 = arith.cmpi slt, %add3A_99, %lt3A : i32
            %add3A_101 = arith.constant 1 : i32
            %add3A_102 = arith.addi %add3A_90, %add3A_101 : i32
            %add3A_103 = arith.constant 1 : i32
            %add3A_104 = arith.addi %add3A_87, %add3A_103 : i32
            %convert_element_type3A_105 = arith.extui %lt3A_100 : i1 to i32
            %cond3A_106 = arith.constant 0 : i32
            %cond3A_107 = arith.cmpi ne, %convert_element_type3A_105, %cond3A_106 : i32
            scf.if %cond3A_107 {
              %dma_start3A_198 = arith.constant 0 : i32
              %dma_start3A_199 = tpu.memref_slice %arg12[%add3A_104, %dma_start3A_198] : memref<80x64xi32, #tpu.memory_space<vmem>> -> memref<1x64xi32, #tpu.memory_space<vmem>>
              %dma_start3A_200 = tpu.memref_squeeze %dma_start3A_199 : memref<1x64xi32, #tpu.memory_space<vmem>> -> memref<64xi32, #tpu.memory_space<vmem>>
              %dma_start3A_201 = arith.constant 0 : i32
              %dma_start3A_202 = arith.constant 0 : i32
              %dma_start3A_203 = tpu.memref_slice %arg4[%dma_start3A_201, %dma_start3A_202] : memref<10000x128xf32, #tpu.memory_space<hbm>> -> memref<10000x128xf32, #tpu.memory_space<hbm>>
              tpu.enqueue_indirect_dma source(%dma_start3A_203 : memref<10000x128xf32, #tpu.memory_space<hbm>>) target(%arg15 : memref<64x128xf32, #tpu.memory_space<vmem>>) offsets(%dma_start3A_200 : memref<64xi32, #tpu.memory_space<vmem>>) semaphore(%arg19 : memref<!tpu.dma_semaphore, #tpu.memory_space<semaphore_mem>>)
              %mul3A_204 = arith.constant 10240 : i32
              %mul3A_205 = arith.muli %arg1, %mul3A_204 : i32
              %mul3A_206 = arith.constant 64 : i32
              %mul3A_207 = arith.muli %add3A_102, %mul3A_206 : i32
              %add3A_208 = arith.addi %mul3A_205, %mul3A_207 : i32
              %dma_start3A_209 = arith.constant 0 : i32
              %dma_start3A_210 = tpu.memref_slice %arg2[%add3A_208, %dma_start3A_209] : memref<163840x128xf32, #tpu.memory_space<hbm>> -> memref<64x128xf32, #tpu.memory_space<hbm>>
              %dma_start3A_211 = arith.constant 0 : i32
              %dma_start3A_212 = tpu.memref_slice %arg2[%add3A_208, %dma_start3A_211] : memref<163840x128xf32, #tpu.memory_space<hbm>> -> memref<64x128xf32, #tpu.memory_space<hbm>>
              tpu.enqueue_dma source(%dma_start3A_212 : memref<64x128xf32, #tpu.memory_space<hbm>>) target(%arg17 : memref<64x128xf32, #tpu.memory_space<vmem>>) target_semaphore(%arg21 : memref<!tpu.dma_semaphore, #tpu.memory_space<semaphore_mem>>)
            } else {
            }
            %dma_wait3A_108 = arith.constant 0 : i32
            %dma_wait3A_109 = tpu.memref_slice %arg12[%add3A_87, %dma_wait3A_108] : memref<80x64xi32, #tpu.memory_space<vmem>> -> memref<1x64xi32, #tpu.memory_space<vmem>>
            %dma_wait3A_110 = tpu.memref_squeeze %dma_wait3A_109 : memref<1x64xi32, #tpu.memory_space<vmem>> -> memref<64xi32, #tpu.memory_space<vmem>>
            %dma_wait3A_111 = arith.constant 0 : i32
            %dma_wait3A_112 = arith.constant 0 : i32
            %dma_wait3A_113 = tpu.memref_slice %arg4[%dma_wait3A_111, %dma_wait3A_112] : memref<10000x128xf32, #tpu.memory_space<hbm>> -> memref<10000x128xf32, #tpu.memory_space<hbm>>
            tpu.wait_indirect_dma semaphore(%arg18 : memref<!tpu.dma_semaphore, #tpu.memory_space<semaphore_mem>>) src(%dma_wait3A_113 : memref<10000x128xf32, #tpu.memory_space<hbm>>) dst(%arg14 : memref<64x128xf32, #tpu.memory_space<vmem>>)
            %mul3A_114 = arith.constant 10240 : i32
            %mul3A_115 = arith.muli %arg1, %mul3A_114 : i32
            %mul3A_116 = arith.constant 64 : i32
            %mul3A_117 = arith.muli %add3A_90, %mul3A_116 : i32
            %add3A_118 = arith.addi %mul3A_115, %mul3A_117 : i32
            %dma_wait3A_119 = arith.constant 0 : i32
            %dma_wait3A_120 = tpu.memref_slice %arg2[%add3A_118, %dma_wait3A_119] : memref<163840x128xf32, #tpu.memory_space<hbm>> -> memref<64x128xf32, #tpu.memory_space<hbm>>
            %dma_wait3A_121 = arith.constant 0 : i32
            %dma_wait3A_122 = tpu.memref_slice %arg2[%add3A_118, %dma_wait3A_121] : memref<163840x128xf32, #tpu.memory_space<hbm>> -> memref<64x128xf32, #tpu.memory_space<hbm>>
            tpu.wait_dma2 semaphore(%arg20 : memref<!tpu.dma_semaphore, #tpu.memory_space<semaphore_mem>>) src(%dma_wait3A_122 : memref<64x128xf32, #tpu.memory_space<hbm>>) dst(%arg16 : memref<64x128xf32, #tpu.memory_space<vmem>>)
            %scan3A_123 = arith.constant 0 : i32
            %scan3A_124 = arith.constant 0 : i32
            %scan3A_125 = arith.constant 64 : i32
            %scan3A_126 = arith.addi %scan3A_124, %scan3A_125 : i32
            %scan3A_127 = arith.constant 1 : i32
            scf.for %scan3A_198 = %scan3A_124 to %scan3A_126 step %scan3A_127  : i32 {
              %get3A = arith.index_cast %scan3A_198 : i32 to index
              %get3A_199 = arith.constant 0 : index
              %get3A_200 = tpu.vector_load %arg14[%get3A, %get3A_199] {strides = array<i32>} : memref<64x128xf32, #tpu.memory_space<vmem>>, vector<16xf32>,
              %get3A_201 = arith.index_cast %scan3A_198 : i32 to index
              %get3A_202 = arith.constant 0 : index
              %get3A_203 = tpu.vector_load %arg16[%get3A_201, %get3A_202] {strides = array<i32>} : memref<64x128xf32, #tpu.memory_space<vmem>>, vector<16xf32>,
              %mul3A_204 = arith.mulf %get3A_200, %get3A_203 : vector<16xf32>
              %swap3A = arith.index_cast %scan3A_198 : i32 to index
              %swap3A_205 = arith.constant 0 : index
              %swap3A_206 = tpu.vector_load %arg14[%swap3A, %swap3A_205] {strides = array<i32>} : memref<64x128xf32, #tpu.memory_space<vmem>>, vector<16xf32>,
              tpu.vector_store %arg14[%swap3A, %swap3A_205], %mul3A_204 {strides = array<i32>} : memref<64x128xf32, #tpu.memory_space<vmem>>, vector<16xf32>,
              %get3A_207 = arith.index_cast %scan3A_198 : i32 to index
              %get3A_208 = arith.constant 16 : index
              %get3A_209 = tpu.vector_load %arg14[%get3A_207, %get3A_208] {strides = array<i32>} : memref<64x128xf32, #tpu.memory_space<vmem>>, vector<16xf32>,
              %get3A_210 = arith.index_cast %scan3A_198 : i32 to index
              %get3A_211 = arith.constant 16 : index
              %get3A_212 = tpu.vector_load %arg16[%get3A_210, %get3A_211] {strides = array<i32>} : memref<64x128xf32, #tpu.memory_space<vmem>>, vector<16xf32>,
              %mul3A_213 = arith.mulf %get3A_209, %get3A_212 : vector<16xf32>
              %swap3A_214 = arith.index_cast %scan3A_198 : i32 to index
              %swap3A_215 = arith.constant 16 : index
              %swap3A_216 = tpu.vector_load %arg14[%swap3A_214, %swap3A_215] {strides = array<i32>} : memref<64x128xf32, #tpu.memory_space<vmem>>, vector<16xf32>,
              tpu.vector_store %arg14[%swap3A_214, %swap3A_215], %mul3A_213 {strides = array<i32>} : memref<64x128xf32, #tpu.memory_space<vmem>>, vector<16xf32>,
              %get3A_217 = arith.index_cast %scan3A_198 : i32 to index
              %get3A_218 = arith.constant 32 : index
              %get3A_219 = tpu.vector_load %arg14[%get3A_217, %get3A_218] {strides = array<i32>} : memref<64x128xf32, #tpu.memory_space<vmem>>, vector<16xf32>,
              %get3A_220 = arith.index_cast %scan3A_198 : i32 to index
              %get3A_221 = arith.constant 32 : index
              %get3A_222 = tpu.vector_load %arg16[%get3A_220, %get3A_221] {strides = array<i32>} : memref<64x128xf32, #tpu.memory_space<vmem>>, vector<16xf32>,
              %mul3A_223 = arith.mulf %get3A_219, %get3A_222 : vector<16xf32>
              %swap3A_224 = arith.index_cast %scan3A_198 : i32 to index
              %swap3A_225 = arith.constant 32 : index
              %swap3A_226 = tpu.vector_load %arg14[%swap3A_224, %swap3A_225] {strides = array<i32>} : memref<64x128xf32, #tpu.memory_space<vmem>>, vector<16xf32>,
              tpu.vector_store %arg14[%swap3A_224, %swap3A_225], %mul3A_223 {strides = array<i32>} : memref<64x128xf32, #tpu.memory_space<vmem>>, vector<16xf32>,
              %get3A_227 = arith.index_cast %scan3A_198 : i32 to index
              %get3A_228 = arith.constant 48 : index
              %get3A_229 = tpu.vector_load %arg14[%get3A_227, %get3A_228] {strides = array<i32>} : memref<64x128xf32, #tpu.memory_space<vmem>>, vector<16xf32>,
              %get3A_230 = arith.index_cast %scan3A_198 : i32 to index
              %get3A_231 = arith.constant 48 : index
              %get3A_232 = tpu.vector_load %arg16[%get3A_230, %get3A_231] {strides = array<i32>} : memref<64x128xf32, #tpu.memory_space<vmem>>, vector<16xf32>,
              %mul3A_233 = arith.mulf %get3A_229, %get3A_232 : vector<16xf32>
              %swap3A_234 = arith.index_cast %scan3A_198 : i32 to index
              %swap3A_235 = arith.constant 48 : index
              %swap3A_236 = tpu.vector_load %arg14[%swap3A_234, %swap3A_235] {strides = array<i32>} : memref<64x128xf32, #tpu.memory_space<vmem>>, vector<16xf32>,
              tpu.vector_store %arg14[%swap3A_234, %swap3A_235], %mul3A_233 {strides = array<i32>} : memref<64x128xf32, #tpu.memory_space<vmem>>, vector<16xf32>,
              %get3A_237 = arith.index_cast %scan3A_198 : i32 to index
              %get3A_238 = arith.constant 64 : index
              %get3A_239 = tpu.vector_load %arg14[%get3A_237, %get3A_238] {strides = array<i32>} : memref<64x128xf32, #tpu.memory_space<vmem>>, vector<16xf32>,
              %get3A_240 = arith.index_cast %scan3A_198 : i32 to index
              %get3A_241 = arith.constant 64 : index
              %get3A_242 = tpu.vector_load %arg16[%get3A_240, %get3A_241] {strides = array<i32>} : memref<64x128xf32, #tpu.memory_space<vmem>>, vector<16xf32>,
              %mul3A_243 = arith.mulf %get3A_239, %get3A_242 : vector<16xf32>
              %swap3A_244 = arith.index_cast %scan3A_198 : i32 to index
              %swap3A_245 = arith.constant 64 : index
              %swap3A_246 = tpu.vector_load %arg14[%swap3A_244, %swap3A_245] {strides = array<i32>} : memref<64x128xf32, #tpu.memory_space<vmem>>, vector<16xf32>,
              tpu.vector_store %arg14[%swap3A_244, %swap3A_245], %mul3A_243 {strides = array<i32>} : memref<64x128xf32, #tpu.memory_space<vmem>>, vector<16xf32>,
              %get3A_247 = arith.index_cast %scan3A_198 : i32 to index
              %get3A_248 = arith.constant 80 : index
              %get3A_249 = tpu.vector_load %arg14[%get3A_247, %get3A_248] {strides = array<i32>} : memref<64x128xf32, #tpu.memory_space<vmem>>, vector<16xf32>,
              %get3A_250 = arith.index_cast %scan3A_198 : i32 to index
              %get3A_251 = arith.constant 80 : index
              %get3A_252 = tpu.vector_load %arg16[%get3A_250, %get3A_251] {strides = array<i32>} : memref<64x128xf32, #tpu.memory_space<vmem>>, vector<16xf32>,
              %mul3A_253 = arith.mulf %get3A_249, %get3A_252 : vector<16xf32>
              %swap3A_254 = arith.index_cast %scan3A_198 : i32 to index
              %swap3A_255 = arith.constant 80 : index
              %swap3A_256 = tpu.vector_load %arg14[%swap3A_254, %swap3A_255] {strides = array<i32>} : memref<64x128xf32, #tpu.memory_space<vmem>>, vector<16xf32>,
              tpu.vector_store %arg14[%swap3A_254, %swap3A_255], %mul3A_253 {strides = array<i32>} : memref<64x128xf32, #tpu.memory_space<vmem>>, vector<16xf32>,
              %get3A_257 = arith.index_cast %scan3A_198 : i32 to index
              %get3A_258 = arith.constant 96 : index
              %get3A_259 = tpu.vector_load %arg14[%get3A_257, %get3A_258] {strides = array<i32>} : memref<64x128xf32, #tpu.memory_space<vmem>>, vector<16xf32>,
              %get3A_260 = arith.index_cast %scan3A_198 : i32 to index
              %get3A_261 = arith.constant 96 : index
              %get3A_262 = tpu.vector_load %arg16[%get3A_260, %get3A_261] {strides = array<i32>} : memref<64x128xf32, #tpu.memory_space<vmem>>, vector<16xf32>,
              %mul3A_263 = arith.mulf %get3A_259, %get3A_262 : vector<16xf32>
              %swap3A_264 = arith.index_cast %scan3A_198 : i32 to index
              %swap3A_265 = arith.constant 96 : index
              %swap3A_266 = tpu.vector_load %arg14[%swap3A_264, %swap3A_265] {strides = array<i32>} : memref<64x128xf32, #tpu.memory_space<vmem>>, vector<16xf32>,
              tpu.vector_store %arg14[%swap3A_264, %swap3A_265], %mul3A_263 {strides = array<i32>} : memref<64x128xf32, #tpu.memory_space<vmem>>, vector<16xf32>,
              %get3A_267 = arith.index_cast %scan3A_198 : i32 to index
              %get3A_268 = arith.constant 112 : index
              %get3A_269 = tpu.vector_load %arg14[%get3A_267, %get3A_268] {strides = array<i32>} : memref<64x128xf32, #tpu.memory_space<vmem>>, vector<16xf32>,
              %get3A_270 = arith.index_cast %scan3A_198 : i32 to index
              %get3A_271 = arith.constant 112 : index
              %get3A_272 = tpu.vector_load %arg16[%get3A_270, %get3A_271] {strides = array<i32>} : memref<64x128xf32, #tpu.memory_space<vmem>>, vector<16xf32>,
              %mul3A_273 = arith.mulf %get3A_269, %get3A_272 : vector<16xf32>
              %swap3A_274 = arith.index_cast %scan3A_198 : i32 to index
              %swap3A_275 = arith.constant 112 : index
              %swap3A_276 = tpu.vector_load %arg14[%swap3A_274, %swap3A_275] {strides = array<i32>} : memref<64x128xf32, #tpu.memory_space<vmem>>, vector<16xf32>,
              tpu.vector_store %arg14[%swap3A_274, %swap3A_275], %mul3A_273 {strides = array<i32>} : memref<64x128xf32, #tpu.memory_space<vmem>>, vector<16xf32>,
            }
            %scan3A_128 = arith.constant 64 : i32
            %mul3A_129 = arith.constant 2 : i32
            %mul3A_130 = arith.muli %scan3A_80, %mul3A_129 : i32
            %add3A_131 = arith.constant 0 : i32
            %add3A_132 = arith.addi %mul3A_130, %add3A_131 : i32
            %dma_start3A_133 = arith.constant 0 : i32
            %dma_start3A_134 = tpu.memref_slice %arg13[%add3A_132, %dma_start3A_133] : memref<16x64xi32, #tpu.memory_space<vmem>> -> memref<1x64xi32, #tpu.memory_space<vmem>>
            %dma_start3A_135 = tpu.memref_squeeze %dma_start3A_134 : memref<1x64xi32, #tpu.memory_space<vmem>> -> memref<64xi32, #tpu.memory_space<vmem>>
            %dma_start3A_136 = arith.constant 0 : i32
            %dma_start3A_137 = arith.constant 0 : i32
            %dma_start3A_138 = tpu.memref_slice %arg11[%dma_start3A_136, %dma_start3A_137] : memref<10240x128xf32, #tpu.memory_space<vmem_shared>> -> memref<10240x128xf32, #tpu.memory_space<vmem_shared>>
            tpu.enqueue_indirect_dma source(%arg14 : memref<64x128xf32, #tpu.memory_space<vmem>>) target(%dma_start3A_138 : memref<10240x128xf32, #tpu.memory_space<vmem_shared>>) offsets(%dma_start3A_135 : memref<64xi32, #tpu.memory_space<vmem>>) semaphore(%arg22 : memref<!tpu.dma_semaphore, #tpu.memory_space<semaphore_mem>>) {add = true}
            %mul3A_139 = arith.constant 16 : i32
            %mul3A_140 = arith.muli %scan3A_67, %mul3A_139 : i32
            %mul3A_141 = arith.constant 2 : i32
            %mul3A_142 = arith.muli %scan3A_80, %mul3A_141 : i32
            %add3A_143 = arith.addi %mul3A_140, %mul3A_142 : i32
            %add3A_144 = arith.constant 1 : i32
            %add3A_145 = arith.addi %add3A_143, %add3A_144 : i32
            %mul3A_146 = arith.constant 80 : i32
            %mul3A_147 = arith.muli %scan3A_37, %mul3A_146 : i32
            %add3A_148 = arith.addi %mul3A_147, %add3A_145 : i32
            %add3A_149 = arith.constant 1 : i32
            %add3A_150 = arith.addi %add3A_145, %add3A_149 : i32
            %lt3A_151 = arith.constant 80 : i32
            %lt3A_152 = arith.cmpi slt, %add3A_150, %lt3A_151 : i32
            %convert_element_type3A_153 = arith.extui %lt3A_152 : i1 to i32
            %cond3A_154 = arith.constant 0 : i32
            %cond3A_155 = arith.cmpi ne, %convert_element_type3A_153, %cond3A_154 : i32
            scf.if %cond3A_155 {
              %dma_wait3A_198 = arith.constant 0 : i32
              %dma_wait3A_199 = arith.constant 0 : i32
              %dma_wait3A_200 = tpu.memref_slice %arg13[%dma_wait3A_198, %dma_wait3A_199] : memref<16x64xi32, #tpu.memory_space<vmem>> -> memref<1x64xi32, #tpu.memory_space<vmem>>
              %dma_wait3A_201 = tpu.memref_squeeze %dma_wait3A_200 : memref<1x64xi32, #tpu.memory_space<vmem>> -> memref<64xi32, #tpu.memory_space<vmem>>
              %dma_wait3A_202 = arith.constant 0 : i32
              %dma_wait3A_203 = arith.constant 0 : i32
              %dma_wait3A_204 = tpu.memref_slice %arg11[%dma_wait3A_202, %dma_wait3A_203] : memref<10240x128xf32, #tpu.memory_space<vmem_shared>> -> memref<10240x128xf32, #tpu.memory_space<vmem_shared>>
              tpu.wait_indirect_dma semaphore(%arg22 : memref<!tpu.dma_semaphore, #tpu.memory_space<semaphore_mem>>) src(%arg14 : memref<64x128xf32, #tpu.memory_space<vmem>>) dst(%dma_wait3A_204 : memref<10240x128xf32, #tpu.memory_space<vmem_shared>>)
            } else {
            }
            %add3A_156 = arith.constant 1 : i32
            %add3A_157 = arith.addi %add3A_145, %add3A_156 : i32
            %lt3A_158 = arith.constant 80 : i32
            %lt3A_159 = arith.cmpi slt, %add3A_157, %lt3A_158 : i32
            %add3A_160 = arith.constant 1 : i32
            %add3A_161 = arith.addi %add3A_148, %add3A_160 : i32
            %add3A_162 = arith.constant 1 : i32
            %add3A_163 = arith.addi %add3A_145, %add3A_162 : i32
            %convert_element_type3A_164 = arith.extui %lt3A_159 : i1 to i32
            %cond3A_165 = arith.constant 0 : i32
            %cond3A_166 = arith.cmpi ne, %convert_element_type3A_164, %cond3A_165 : i32
            scf.if %cond3A_166 {
              %dma_start3A_198 = arith.constant 0 : i32
              %dma_start3A_199 = tpu.memref_slice %arg12[%add3A_163, %dma_start3A_198] : memref<80x64xi32, #tpu.memory_space<vmem>> -> memref<1x64xi32, #tpu.memory_space<vmem>>
              %dma_start3A_200 = tpu.memref_squeeze %dma_start3A_199 : memref<1x64xi32, #tpu.memory_space<vmem>> -> memref<64xi32, #tpu.memory_space<vmem>>
              %dma_start3A_201 = arith.constant 0 : i32
              %dma_start3A_202 = arith.constant 0 : i32
              %dma_start3A_203 = tpu.memref_slice %arg4[%dma_start3A_201, %dma_start3A_202] : memref<10000x128xf32, #tpu.memory_space<hbm>> -> memref<10000x128xf32, #tpu.memory_space<hbm>>
              tpu.enqueue_indirect_dma source(%dma_start3A_203 : memref<10000x128xf32, #tpu.memory_space<hbm>>) target(%arg14 : memref<64x128xf32, #tpu.memory_space<vmem>>) offsets(%dma_start3A_200 : memref<64xi32, #tpu.memory_space<vmem>>) semaphore(%arg18 : memref<!tpu.dma_semaphore, #tpu.memory_space<semaphore_mem>>)
              %mul3A_204 = arith.constant 10240 : i32
              %mul3A_205 = arith.muli %arg1, %mul3A_204 : i32
              %mul3A_206 = arith.constant 64 : i32
              %mul3A_207 = arith.muli %add3A_161, %mul3A_206 : i32
              %add3A_208 = arith.addi %mul3A_205, %mul3A_207 : i32
              %dma_start3A_209 = arith.constant 0 : i32
              %dma_start3A_210 = tpu.memref_slice %arg2[%add3A_208, %dma_start3A_209] : memref<163840x128xf32, #tpu.memory_space<hbm>> -> memref<64x128xf32, #tpu.memory_space<hbm>>
              %dma_start3A_211 = arith.constant 0 : i32
              %dma_start3A_212 = tpu.memref_slice %arg2[%add3A_208, %dma_start3A_211] : memref<163840x128xf32, #tpu.memory_space<hbm>> -> memref<64x128xf32, #tpu.memory_space<hbm>>
              tpu.enqueue_dma source(%dma_start3A_212 : memref<64x128xf32, #tpu.memory_space<hbm>>) target(%arg16 : memref<64x128xf32, #tpu.memory_space<vmem>>) target_semaphore(%arg20 : memref<!tpu.dma_semaphore, #tpu.memory_space<semaphore_mem>>)
            } else {
            }
            %dma_wait3A_167 = arith.constant 0 : i32
            %dma_wait3A_168 = tpu.memref_slice %arg12[%add3A_145, %dma_wait3A_167] : memref<80x64xi32, #tpu.memory_space<vmem>> -> memref<1x64xi32, #tpu.memory_space<vmem>>
            %dma_wait3A_169 = tpu.memref_squeeze %dma_wait3A_168 : memref<1x64xi32, #tpu.memory_space<vmem>> -> memref<64xi32, #tpu.memory_space<vmem>>
            %dma_wait3A_170 = arith.constant 0 : i32
            %dma_wait3A_171 = arith.constant 0 : i32
            %dma_wait3A_172 = tpu.memref_slice %arg4[%dma_wait3A_170, %dma_wait3A_171] : memref<10000x128xf32, #tpu.memory_space<hbm>> -> memref<10000x128xf32, #tpu.memory_space<hbm>>
            tpu.wait_indirect_dma semaphore(%arg19 : memref<!tpu.dma_semaphore, #tpu.memory_space<semaphore_mem>>) src(%dma_wait3A_172 : memref<10000x128xf32, #tpu.memory_space<hbm>>) dst(%arg15 : memref<64x128xf32, #tpu.memory_space<vmem>>)
            %mul3A_173 = arith.constant 10240 : i32
            %mul3A_174 = arith.muli %arg1, %mul3A_173 : i32
            %mul3A_175 = arith.constant 64 : i32
            %mul3A_176 = arith.muli %add3A_148, %mul3A_175 : i32
            %add3A_177 = arith.addi %mul3A_174, %mul3A_176 : i32
            %dma_wait3A_178 = arith.constant 0 : i32
            %dma_wait3A_179 = tpu.memref_slice %arg2[%add3A_177, %dma_wait3A_178] : memref<163840x128xf32, #tpu.memory_space<hbm>> -> memref<64x128xf32, #tpu.memory_space<hbm>>
            %dma_wait3A_180 = arith.constant 0 : i32
            %dma_wait3A_181 = tpu.memref_slice %arg2[%add3A_177, %dma_wait3A_180] : memref<163840x128xf32, #tpu.memory_space<hbm>> -> memref<64x128xf32, #tpu.memory_space<hbm>>
            tpu.wait_dma2 semaphore(%arg21 : memref<!tpu.dma_semaphore, #tpu.memory_space<semaphore_mem>>) src(%dma_wait3A_181 : memref<64x128xf32, #tpu.memory_space<hbm>>) dst(%arg17 : memref<64x128xf32, #tpu.memory_space<vmem>>)
            %scan3A_182 = arith.constant 0 : i32
            %scan3A_183 = arith.constant 0 : i32
            %scan3A_184 = arith.constant 64 : i32
            %scan3A_185 = arith.addi %scan3A_183, %scan3A_184 : i32
            %scan3A_186 = arith.constant 1 : i32
            scf.for %scan3A_198 = %scan3A_183 to %scan3A_185 step %scan3A_186  : i32 {
              %get3A = arith.index_cast %scan3A_198 : i32 to index
              %get3A_199 = arith.constant 0 : index
              %get3A_200 = tpu.vector_load %arg15[%get3A, %get3A_199] {strides = array<i32>} : memref<64x128xf32, #tpu.memory_space<vmem>>, vector<16xf32>,
              %get3A_201 = arith.index_cast %scan3A_198 : i32 to index
              %get3A_202 = arith.constant 0 : index
              %get3A_203 = tpu.vector_load %arg17[%get3A_201, %get3A_202] {strides = array<i32>} : memref<64x128xf32, #tpu.memory_space<vmem>>, vector<16xf32>,
              %mul3A_204 = arith.mulf %get3A_200, %get3A_203 : vector<16xf32>
              %swap3A = arith.index_cast %scan3A_198 : i32 to index
              %swap3A_205 = arith.constant 0 : index
              %swap3A_206 = tpu.vector_load %arg15[%swap3A, %swap3A_205] {strides = array<i32>} : memref<64x128xf32, #tpu.memory_space<vmem>>, vector<16xf32>,
              tpu.vector_store %arg15[%swap3A, %swap3A_205], %mul3A_204 {strides = array<i32>} : memref<64x128xf32, #tpu.memory_space<vmem>>, vector<16xf32>,
              %get3A_207 = arith.index_cast %scan3A_198 : i32 to index
              %get3A_208 = arith.constant 16 : index
              %get3A_209 = tpu.vector_load %arg15[%get3A_207, %get3A_208] {strides = array<i32>} : memref<64x128xf32, #tpu.memory_space<vmem>>, vector<16xf32>,
              %get3A_210 = arith.index_cast %scan3A_198 : i32 to index
              %get3A_211 = arith.constant 16 : index
              %get3A_212 = tpu.vector_load %arg17[%get3A_210, %get3A_211] {strides = array<i32>} : memref<64x128xf32, #tpu.memory_space<vmem>>, vector<16xf32>,
              %mul3A_213 = arith.mulf %get3A_209, %get3A_212 : vector<16xf32>
              %swap3A_214 = arith.index_cast %scan3A_198 : i32 to index
              %swap3A_215 = arith.constant 16 : index
              %swap3A_216 = tpu.vector_load %arg15[%swap3A_214, %swap3A_215] {strides = array<i32>} : memref<64x128xf32, #tpu.memory_space<vmem>>, vector<16xf32>,
              tpu.vector_store %arg15[%swap3A_214, %swap3A_215], %mul3A_213 {strides = array<i32>} : memref<64x128xf32, #tpu.memory_space<vmem>>, vector<16xf32>,
              %get3A_217 = arith.index_cast %scan3A_198 : i32 to index
              %get3A_218 = arith.constant 32 : index
              %get3A_219 = tpu.vector_load %arg15[%get3A_217, %get3A_218] {strides = array<i32>} : memref<64x128xf32, #tpu.memory_space<vmem>>, vector<16xf32>,
              %get3A_220 = arith.index_cast %scan3A_198 : i32 to index
              %get3A_221 = arith.constant 32 : index
              %get3A_222 = tpu.vector_load %arg17[%get3A_220, %get3A_221] {strides = array<i32>} : memref<64x128xf32, #tpu.memory_space<vmem>>, vector<16xf32>,
              %mul3A_223 = arith.mulf %get3A_219, %get3A_222 : vector<16xf32>
              %swap3A_224 = arith.index_cast %scan3A_198 : i32 to index
              %swap3A_225 = arith.constant 32 : index
              %swap3A_226 = tpu.vector_load %arg15[%swap3A_224, %swap3A_225] {strides = array<i32>} : memref<64x128xf32, #tpu.memory_space<vmem>>, vector<16xf32>,
              tpu.vector_store %arg15[%swap3A_224, %swap3A_225], %mul3A_223 {strides = array<i32>} : memref<64x128xf32, #tpu.memory_space<vmem>>, vector<16xf32>,
              %get3A_227 = arith.index_cast %scan3A_198 : i32 to index
              %get3A_228 = arith.constant 48 : index
              %get3A_229 = tpu.vector_load %arg15[%get3A_227, %get3A_228] {strides = array<i32>} : memref<64x128xf32, #tpu.memory_space<vmem>>, vector<16xf32>,
              %get3A_230 = arith.index_cast %scan3A_198 : i32 to index
              %get3A_231 = arith.constant 48 : index
              %get3A_232 = tpu.vector_load %arg17[%get3A_230, %get3A_231] {strides = array<i32>} : memref<64x128xf32, #tpu.memory_space<vmem>>, vector<16xf32>,
              %mul3A_233 = arith.mulf %get3A_229, %get3A_232 : vector<16xf32>
              %swap3A_234 = arith.index_cast %scan3A_198 : i32 to index
              %swap3A_235 = arith.constant 48 : index
              %swap3A_236 = tpu.vector_load %arg15[%swap3A_234, %swap3A_235] {strides = array<i32>} : memref<64x128xf32, #tpu.memory_space<vmem>>, vector<16xf32>,
              tpu.vector_store %arg15[%swap3A_234, %swap3A_235], %mul3A_233 {strides = array<i32>} : memref<64x128xf32, #tpu.memory_space<vmem>>, vector<16xf32>,
              %get3A_237 = arith.index_cast %scan3A_198 : i32 to index
              %get3A_238 = arith.constant 64 : index
              %get3A_239 = tpu.vector_load %arg15[%get3A_237, %get3A_238] {strides = array<i32>} : memref<64x128xf32, #tpu.memory_space<vmem>>, vector<16xf32>,
              %get3A_240 = arith.index_cast %scan3A_198 : i32 to index
              %get3A_241 = arith.constant 64 : index
              %get3A_242 = tpu.vector_load %arg17[%get3A_240, %get3A_241] {strides = array<i32>} : memref<64x128xf32, #tpu.memory_space<vmem>>, vector<16xf32>,
              %mul3A_243 = arith.mulf %get3A_239, %get3A_242 : vector<16xf32>
              %swap3A_244 = arith.index_cast %scan3A_198 : i32 to index
              %swap3A_245 = arith.constant 64 : index
              %swap3A_246 = tpu.vector_load %arg15[%swap3A_244, %swap3A_245] {strides = array<i32>} : memref<64x128xf32, #tpu.memory_space<vmem>>, vector<16xf32>,
              tpu.vector_store %arg15[%swap3A_244, %swap3A_245], %mul3A_243 {strides = array<i32>} : memref<64x128xf32, #tpu.memory_space<vmem>>, vector<16xf32>,
              %get3A_247 = arith.index_cast %scan3A_198 : i32 to index
              %get3A_248 = arith.constant 80 : index
              %get3A_249 = tpu.vector_load %arg15[%get3A_247, %get3A_248] {strides = array<i32>} : memref<64x128xf32, #tpu.memory_space<vmem>>, vector<16xf32>,
              %get3A_250 = arith.index_cast %scan3A_198 : i32 to index
              %get3A_251 = arith.constant 80 : index
              %get3A_252 = tpu.vector_load %arg17[%get3A_250, %get3A_251] {strides = array<i32>} : memref<64x128xf32, #tpu.memory_space<vmem>>, vector<16xf32>,
              %mul3A_253 = arith.mulf %get3A_249, %get3A_252 : vector<16xf32>
              %swap3A_254 = arith.index_cast %scan3A_198 : i32 to index
              %swap3A_255 = arith.constant 80 : index
              %swap3A_256 = tpu.vector_load %arg15[%swap3A_254, %swap3A_255] {strides = array<i32>} : memref<64x128xf32, #tpu.memory_space<vmem>>, vector<16xf32>,
              tpu.vector_store %arg15[%swap3A_254, %swap3A_255], %mul3A_253 {strides = array<i32>} : memref<64x128xf32, #tpu.memory_space<vmem>>, vector<16xf32>,
              %get3A_257 = arith.index_cast %scan3A_198 : i32 to index
              %get3A_258 = arith.constant 96 : index
              %get3A_259 = tpu.vector_load %arg15[%get3A_257, %get3A_258] {strides = array<i32>} : memref<64x128xf32, #tpu.memory_space<vmem>>, vector<16xf32>,
              %get3A_260 = arith.index_cast %scan3A_198 : i32 to index
              %get3A_261 = arith.constant 96 : index
              %get3A_262 = tpu.vector_load %arg17[%get3A_260, %get3A_261] {strides = array<i32>} : memref<64x128xf32, #tpu.memory_space<vmem>>, vector<16xf32>,
              %mul3A_263 = arith.mulf %get3A_259, %get3A_262 : vector<16xf32>
              %swap3A_264 = arith.index_cast %scan3A_198 : i32 to index
              %swap3A_265 = arith.constant 96 : index
              %swap3A_266 = tpu.vector_load %arg15[%swap3A_264, %swap3A_265] {strides = array<i32>} : memref<64x128xf32, #tpu.memory_space<vmem>>, vector<16xf32>,
              tpu.vector_store %arg15[%swap3A_264, %swap3A_265], %mul3A_263 {strides = array<i32>} : memref<64x128xf32, #tpu.memory_space<vmem>>, vector<16xf32>,
              %get3A_267 = arith.index_cast %scan3A_198 : i32 to index
              %get3A_268 = arith.constant 112 : index
              %get3A_269 = tpu.vector_load %arg15[%get3A_267, %get3A_268] {strides = array<i32>} : memref<64x128xf32, #tpu.memory_space<vmem>>, vector<16xf32>,
              %get3A_270 = arith.index_cast %scan3A_198 : i32 to index
              %get3A_271 = arith.constant 112 : index
              %get3A_272 = tpu.vector_load %arg17[%get3A_270, %get3A_271] {strides = array<i32>} : memref<64x128xf32, #tpu.memory_space<vmem>>, vector<16xf32>,
              %mul3A_273 = arith.mulf %get3A_269, %get3A_272 : vector<16xf32>
              %swap3A_274 = arith.index_cast %scan3A_198 : i32 to index
              %swap3A_275 = arith.constant 112 : index
              %swap3A_276 = tpu.vector_load %arg15[%swap3A_274, %swap3A_275] {strides = array<i32>} : memref<64x128xf32, #tpu.memory_space<vmem>>, vector<16xf32>,
              tpu.vector_store %arg15[%swap3A_274, %swap3A_275], %mul3A_273 {strides = array<i32>} : memref<64x128xf32, #tpu.memory_space<vmem>>, vector<16xf32>,
            }
            %scan3A_187 = arith.constant 64 : i32
            %mul3A_188 = arith.constant 2 : i32
            %mul3A_189 = arith.muli %scan3A_80, %mul3A_188 : i32
            %add3A_190 = arith.constant 1 : i32
            %add3A_191 = arith.addi %mul3A_189, %add3A_190 : i32
            %dma_start3A_192 = arith.constant 0 : i32
            %dma_start3A_193 = tpu.memref_slice %arg13[%add3A_191, %dma_start3A_192] : memref<16x64xi32, #tpu.memory_space<vmem>> -> memref<1x64xi32, #tpu.memory_space<vmem>>
            %dma_start3A_194 = tpu.memref_squeeze %dma_start3A_193 : memref<1x64xi32, #tpu.memory_space<vmem>> -> memref<64xi32, #tpu.memory_space<vmem>>
            %dma_start3A_195 = arith.constant 0 : i32
            %dma_start3A_196 = arith.constant 0 : i32
            %dma_start3A_197 = tpu.memref_slice %arg11[%dma_start3A_195, %dma_start3A_196] : memref<10240x128xf32, #tpu.memory_space<vmem_shared>> -> memref<10240x128xf32, #tpu.memory_space<vmem_shared>>
            tpu.enqueue_indirect_dma source(%arg15 : memref<64x128xf32, #tpu.memory_space<vmem>>) target(%dma_start3A_197 : memref<10240x128xf32, #tpu.memory_space<vmem_shared>>) offsets(%dma_start3A_194 : memref<64xi32, #tpu.memory_space<vmem>>) semaphore(%arg23 : memref<!tpu.dma_semaphore, #tpu.memory_space<semaphore_mem>>) {add = true}
          }
          %scan3A_79 = arith.constant 8 : i32
        }
        %scan3A_66 = arith.constant 5 : i32
      }
      %scan3A_23 = arith.constant 2 : i32
      %dma_wait3A = arith.constant 0 : i32
      %dma_wait3A_24 = arith.constant 0 : i32
      %dma_wait3A_25 = tpu.memref_slice %arg13[%dma_wait3A, %dma_wait3A_24] : memref<16x64xi32, #tpu.memory_space<vmem>> -> memref<1x64xi32, #tpu.memory_space<vmem>>
      %dma_wait3A_26 = tpu.memref_squeeze %dma_wait3A_25 : memref<1x64xi32, #tpu.memory_space<vmem>> -> memref<64xi32, #tpu.memory_space<vmem>>
      %dma_wait3A_27 = arith.constant 0 : i32
      %dma_wait3A_28 = arith.constant 0 : i32
      %dma_wait3A_29 = tpu.memref_slice %arg11[%dma_wait3A_27, %dma_wait3A_28] : memref<10240x128xf32, #tpu.memory_space<vmem_shared>> -> memref<10240x128xf32, #tpu.memory_space<vmem_shared>>
      tpu.wait_indirect_dma semaphore(%arg22 : memref<!tpu.dma_semaphore, #tpu.memory_space<semaphore_mem>>) src(%arg14 : memref<64x128xf32, #tpu.memory_space<vmem>>) dst(%dma_wait3A_29 : memref<10240x128xf32, #tpu.memory_space<vmem_shared>>)
      %dma_wait3A_30 = arith.constant 0 : i32
      %dma_wait3A_31 = arith.constant 0 : i32
      %dma_wait3A_32 = tpu.memref_slice %arg13[%dma_wait3A_30, %dma_wait3A_31] : memref<16x64xi32, #tpu.memory_space<vmem>> -> memref<1x64xi32, #tpu.memory_space<vmem>>
      %dma_wait3A_33 = tpu.memref_squeeze %dma_wait3A_32 : memref<1x64xi32, #tpu.memory_space<vmem>> -> memref<64xi32, #tpu.memory_space<vmem>>
      %dma_wait3A_34 = arith.constant 0 : i32
      %dma_wait3A_35 = arith.constant 0 : i32
      %dma_wait3A_36 = tpu.memref_slice %arg11[%dma_wait3A_34, %dma_wait3A_35] : memref<10240x128xf32, #tpu.memory_space<vmem_shared>> -> memref<10240x128xf32, #tpu.memory_space<vmem_shared>>
      tpu.wait_indirect_dma semaphore(%arg23 : memref<!tpu.dma_semaphore, #tpu.memory_space<semaphore_mem>>) src(%arg15 : memref<64x128xf32, #tpu.memory_space<vmem>>) dst(%dma_wait3A_36 : memref<10240x128xf32, #tpu.memory_space<vmem_shared>>)
    } else {
    }
    %eq3A_3 = arith.constant 1 : i32
    %eq3A_4 = arith.cmpi eq, %arg0, %eq3A_3 : i32
    %convert_element_type3A_5 = arith.extui %eq3A_4 : i1 to i32
    %cond3A_6 = arith.constant 0 : i32
    %cond3A_7 = arith.cmpi ne, %convert_element_type3A_5, %cond3A_6 : i32
    scf.if %cond3A_7 {
      %scan3A = arith.constant 0 : i32
      %scan3A_19 = arith.constant 0 : i32
      %scan3A_20 = arith.constant 2 : i32
      %scan3A_21 = arith.addi %scan3A_19, %scan3A_20 : i32
      %scan3A_22 = arith.constant 1 : i32
      scf.for %scan3A_37 = %scan3A_19 to %scan3A_21 step %scan3A_22  : i32 {
        %mul3A_38 = arith.constant 2 : i32
        %mul3A_39 = arith.muli %arg1, %mul3A_38 : i32
        %add3A = arith.addi %mul3A_39, %scan3A_37 : i32
        "tpu.region"() ({
          %run_scoped3A = tpu.sem_alloc : memref<!tpu.dma_semaphore, #tpu.memory_space<semaphore_mem>>
          %dma_start3A_67 = arith.constant 0 : i32
          %dma_start3A_68 = arith.constant 0 : i32
          %dma_start3A_69 = tpu.memref_slice %arg7[%add3A, %dma_start3A_67, %dma_start3A_68] : memref<32x80x64xi32, #tpu.memory_space<hbm>> -> memref<1x80x64xi32, #tpu.memory_space<hbm>>
          %dma_start3A_70 = tpu.memref_squeeze %dma_start3A_69 : memref<1x80x64xi32, #tpu.memory_space<hbm>> -> memref<80x64xi32, #tpu.memory_space<hbm>>
          %dma_start3A_71 = arith.constant 0 : i32
          %dma_start3A_72 = arith.constant 0 : i32
          %dma_start3A_73 = tpu.memref_slice %arg7[%add3A, %dma_start3A_71, %dma_start3A_72] : memref<32x80x64xi32, #tpu.memory_space<hbm>> -> memref<1x80x64xi32, #tpu.memory_space<hbm>>
          %dma_start3A_74 = tpu.memref_squeeze %dma_start3A_73 : memref<1x80x64xi32, #tpu.memory_space<hbm>> -> memref<80x64xi32, #tpu.memory_space<hbm>>
          tpu.enqueue_dma source(%dma_start3A_74 : memref<80x64xi32, #tpu.memory_space<hbm>>) target(%arg12 : memref<80x64xi32, #tpu.memory_space<vmem>>) target_semaphore(%run_scoped3A : memref<!tpu.dma_semaphore, #tpu.memory_space<semaphore_mem>>)
          %dma_wait3A_75 = arith.constant 0 : i32
          %dma_wait3A_76 = arith.constant 0 : i32
          %dma_wait3A_77 = tpu.memref_slice %arg7[%add3A, %dma_wait3A_75, %dma_wait3A_76] : memref<32x80x64xi32, #tpu.memory_space<hbm>> -> memref<1x80x64xi32, #tpu.memory_space<hbm>>
          %dma_wait3A_78 = tpu.memref_squeeze %dma_wait3A_77 : memref<1x80x64xi32, #tpu.memory_space<hbm>> -> memref<80x64xi32, #tpu.memory_space<hbm>>
          %dma_wait3A_79 = arith.constant 0 : i32
          %dma_wait3A_80 = arith.constant 0 : i32
          %dma_wait3A_81 = tpu.memref_slice %arg7[%add3A, %dma_wait3A_79, %dma_wait3A_80] : memref<32x80x64xi32, #tpu.memory_space<hbm>> -> memref<1x80x64xi32, #tpu.memory_space<hbm>>
          %dma_wait3A_82 = tpu.memref_squeeze %dma_wait3A_81 : memref<1x80x64xi32, #tpu.memory_space<hbm>> -> memref<80x64xi32, #tpu.memory_space<hbm>>
          tpu.wait_dma2 semaphore(%run_scoped3A : memref<!tpu.dma_semaphore, #tpu.memory_space<semaphore_mem>>) src(%dma_wait3A_82 : memref<80x64xi32, #tpu.memory_space<hbm>>) dst(%arg12 : memref<80x64xi32, #tpu.memory_space<vmem>>)
          tpu.yield
        }) : () -> ()
        %gt3A = arith.constant 0 : i32
        %gt3A_40 = arith.cmpi sgt, %scan3A_37, %gt3A : i32
        %convert_element_type3A_41 = arith.extui %gt3A_40 : i1 to i32
        %cond3A_42 = arith.constant 0 : i32
        %cond3A_43 = arith.cmpi ne, %convert_element_type3A_41, %cond3A_42 : i32
        scf.if %cond3A_43 {
          %dma_wait3A_67 = arith.constant 0 : i32
          %dma_wait3A_68 = arith.constant 0 : i32
          %dma_wait3A_69 = tpu.memref_slice %arg13[%dma_wait3A_67, %dma_wait3A_68] : memref<16x64xi32, #tpu.memory_space<vmem>> -> memref<1x64xi32, #tpu.memory_space<vmem>>
          %dma_wait3A_70 = tpu.memref_squeeze %dma_wait3A_69 : memref<1x64xi32, #tpu.memory_space<vmem>> -> memref<64xi32, #tpu.memory_space<vmem>>
          %dma_wait3A_71 = arith.constant 0 : i32
          %dma_wait3A_72 = arith.constant 0 : i32
          %dma_wait3A_73 = tpu.memref_slice %arg11[%dma_wait3A_71, %dma_wait3A_72] : memref<10240x128xf32, #tpu.memory_space<vmem_shared>> -> memref<10240x128xf32, #tpu.memory_space<vmem_shared>>
          tpu.wait_indirect_dma semaphore(%arg22 : memref<!tpu.dma_semaphore, #tpu.memory_space<semaphore_mem>>) src(%arg14 : memref<64x128xf32, #tpu.memory_space<vmem>>) dst(%dma_wait3A_73 : memref<10240x128xf32, #tpu.memory_space<vmem_shared>>)
        } else {
        }
        %mul3A_44 = arith.constant 80 : i32
        %mul3A_45 = arith.muli %scan3A_37, %mul3A_44 : i32
        %dma_start3A = arith.constant 0 : i32
        %dma_start3A_46 = arith.constant 0 : i32
        %dma_start3A_47 = tpu.memref_slice %arg12[%dma_start3A, %dma_start3A_46] : memref<80x64xi32, #tpu.memory_space<vmem>> -> memref<1x64xi32, #tpu.memory_space<vmem>>
        %dma_start3A_48 = tpu.memref_squeeze %dma_start3A_47 : memref<1x64xi32, #tpu.memory_space<vmem>> -> memref<64xi32, #tpu.memory_space<vmem>>
        %dma_start3A_49 = arith.constant 0 : i32
        %dma_start3A_50 = arith.constant 0 : i32
        %dma_start3A_51 = tpu.memref_slice %arg5[%dma_start3A_49, %dma_start3A_50] : memref<10000x128xf32, #tpu.memory_space<hbm>> -> memref<10000x128xf32, #tpu.memory_space<hbm>>
        tpu.enqueue_indirect_dma source(%dma_start3A_51 : memref<10000x128xf32, #tpu.memory_space<hbm>>) target(%arg14 : memref<64x128xf32, #tpu.memory_space<vmem>>) offsets(%dma_start3A_48 : memref<64xi32, #tpu.memory_space<vmem>>) semaphore(%arg18 : memref<!tpu.dma_semaphore, #tpu.memory_space<semaphore_mem>>)
        %mul3A_52 = arith.constant 10240 : i32
        %mul3A_53 = arith.muli %arg1, %mul3A_52 : i32
        %mul3A_54 = arith.constant 64 : i32
        %mul3A_55 = arith.muli %mul3A_45, %mul3A_54 : i32
        %add3A_56 = arith.addi %mul3A_53, %mul3A_55 : i32
        %dma_start3A_57 = arith.constant 0 : i32
        %dma_start3A_58 = tpu.memref_slice %arg3[%add3A_56, %dma_start3A_57] : memref<163840x128xf32, #tpu.memory_space<hbm>> -> memref<64x128xf32, #tpu.memory_space<hbm>>
        %dma_start3A_59 = arith.constant 0 : i32
        %dma_start3A_60 = tpu.memref_slice %arg3[%add3A_56, %dma_start3A_59] : memref<163840x128xf32, #tpu.memory_space<hbm>> -> memref<64x128xf32, #tpu.memory_space<hbm>>
        tpu.enqueue_dma source(%dma_start3A_60 : memref<64x128xf32, #tpu.memory_space<hbm>>) target(%arg16 : memref<64x128xf32, #tpu.memory_space<vmem>>) target_semaphore(%arg20 : memref<!tpu.dma_semaphore, #tpu.memory_space<semaphore_mem>>)
        %scan3A_61 = arith.constant 0 : i32
        %scan3A_62 = arith.constant 0 : i32
        %scan3A_63 = arith.constant 5 : i32
        %scan3A_64 = arith.addi %scan3A_62, %scan3A_63 : i32
        %scan3A_65 = arith.constant 1 : i32
        scf.for %scan3A_67 = %scan3A_62 to %scan3A_64 step %scan3A_65  : i32 {
          %mul3A_68 = arith.constant 10 : i32
          %mul3A_69 = arith.muli %arg1, %mul3A_68 : i32
          %mul3A_70 = arith.constant 5 : i32
          %mul3A_71 = arith.muli %scan3A_37, %mul3A_70 : i32
          %add3A_72 = arith.addi %mul3A_69, %mul3A_71 : i32
          %add3A_73 = arith.addi %add3A_72, %scan3A_67 : i32
          "tpu.region"() ({
            %run_scoped3A = tpu.sem_alloc : memref<!tpu.dma_semaphore, #tpu.memory_space<semaphore_mem>>
            %dma_start3A_80 = arith.constant 0 : i32
            %dma_start3A_81 = arith.constant 0 : i32
            %dma_start3A_82 = tpu.memref_slice %arg6[%add3A_73, %dma_start3A_80, %dma_start3A_81] : memref<160x16x64xi32, #tpu.memory_space<hbm>> -> memref<1x16x64xi32, #tpu.memory_space<hbm>>
            %dma_start3A_83 = tpu.memref_squeeze %dma_start3A_82 : memref<1x16x64xi32, #tpu.memory_space<hbm>> -> memref<16x64xi32, #tpu.memory_space<hbm>>
            %dma_start3A_84 = arith.constant 0 : i32
            %dma_start3A_85 = arith.constant 0 : i32
            %dma_start3A_86 = tpu.memref_slice %arg6[%add3A_73, %dma_start3A_84, %dma_start3A_85] : memref<160x16x64xi32, #tpu.memory_space<hbm>> -> memref<1x16x64xi32, #tpu.memory_space<hbm>>
            %dma_start3A_87 = tpu.memref_squeeze %dma_start3A_86 : memref<1x16x64xi32, #tpu.memory_space<hbm>> -> memref<16x64xi32, #tpu.memory_space<hbm>>
            tpu.enqueue_dma source(%dma_start3A_87 : memref<16x64xi32, #tpu.memory_space<hbm>>) target(%arg13 : memref<16x64xi32, #tpu.memory_space<vmem>>) target_semaphore(%run_scoped3A : memref<!tpu.dma_semaphore, #tpu.memory_space<semaphore_mem>>)
            %dma_wait3A_88 = arith.constant 0 : i32
            %dma_wait3A_89 = arith.constant 0 : i32
            %dma_wait3A_90 = tpu.memref_slice %arg6[%add3A_73, %dma_wait3A_88, %dma_wait3A_89] : memref<160x16x64xi32, #tpu.memory_space<hbm>> -> memref<1x16x64xi32, #tpu.memory_space<hbm>>
            %dma_wait3A_91 = tpu.memref_squeeze %dma_wait3A_90 : memref<1x16x64xi32, #tpu.memory_space<hbm>> -> memref<16x64xi32, #tpu.memory_space<hbm>>
            %dma_wait3A_92 = arith.constant 0 : i32
            %dma_wait3A_93 = arith.constant 0 : i32
            %dma_wait3A_94 = tpu.memref_slice %arg6[%add3A_73, %dma_wait3A_92, %dma_wait3A_93] : memref<160x16x64xi32, #tpu.memory_space<hbm>> -> memref<1x16x64xi32, #tpu.memory_space<hbm>>
            %dma_wait3A_95 = tpu.memref_squeeze %dma_wait3A_94 : memref<1x16x64xi32, #tpu.memory_space<hbm>> -> memref<16x64xi32, #tpu.memory_space<hbm>>
            tpu.wait_dma2 semaphore(%run_scoped3A : memref<!tpu.dma_semaphore, #tpu.memory_space<semaphore_mem>>) src(%dma_wait3A_95 : memref<16x64xi32, #tpu.memory_space<hbm>>) dst(%arg13 : memref<16x64xi32, #tpu.memory_space<vmem>>)
            tpu.yield
          }) : () -> ()
          %scan3A_74 = arith.constant 0 : i32
          %scan3A_75 = arith.constant 0 : i32
          %scan3A_76 = arith.constant 8 : i32
          %scan3A_77 = arith.addi %scan3A_75, %scan3A_76 : i32
          %scan3A_78 = arith.constant 1 : i32
          scf.for %scan3A_80 = %scan3A_75 to %scan3A_77 step %scan3A_78  : i32 {
            %mul3A_81 = arith.constant 16 : i32
            %mul3A_82 = arith.muli %scan3A_67, %mul3A_81 : i32
            %mul3A_83 = arith.constant 2 : i32
            %mul3A_84 = arith.muli %scan3A_80, %mul3A_83 : i32
            %add3A_85 = arith.addi %mul3A_82, %mul3A_84 : i32
            %add3A_86 = arith.constant 0 : i32
            %add3A_87 = arith.addi %add3A_85, %add3A_86 : i32
            %mul3A_88 = arith.constant 80 : i32
            %mul3A_89 = arith.muli %scan3A_37, %mul3A_88 : i32
            %add3A_90 = arith.addi %mul3A_89, %add3A_87 : i32
            %add3A_91 = arith.addi %scan3A_37, %scan3A_67 : i32
            %add3A_92 = arith.addi %add3A_91, %scan3A_80 : i32
            %gt3A_93 = arith.constant 0 : i32
            %gt3A_94 = arith.cmpi sgt, %add3A_92, %gt3A_93 : i32
            %convert_element_type3A_95 = arith.extui %gt3A_94 : i1 to i32
            %cond3A_96 = arith.constant 0 : i32
            %cond3A_97 = arith.cmpi ne, %convert_element_type3A_95, %cond3A_96 : i32
            scf.if %cond3A_97 {
              %dma_wait3A_198 = arith.constant 0 : i32
              %dma_wait3A_199 = arith.constant 0 : i32
              %dma_wait3A_200 = tpu.memref_slice %arg13[%dma_wait3A_198, %dma_wait3A_199] : memref<16x64xi32, #tpu.memory_space<vmem>> -> memref<1x64xi32, #tpu.memory_space<vmem>>
              %dma_wait3A_201 = tpu.memref_squeeze %dma_wait3A_200 : memref<1x64xi32, #tpu.memory_space<vmem>> -> memref<64xi32, #tpu.memory_space<vmem>>
              %dma_wait3A_202 = arith.constant 0 : i32
              %dma_wait3A_203 = arith.constant 0 : i32
              %dma_wait3A_204 = tpu.memref_slice %arg11[%dma_wait3A_202, %dma_wait3A_203] : memref<10240x128xf32, #tpu.memory_space<vmem_shared>> -> memref<10240x128xf32, #tpu.memory_space<vmem_shared>>
              tpu.wait_indirect_dma semaphore(%arg23 : memref<!tpu.dma_semaphore, #tpu.memory_space<semaphore_mem>>) src(%arg15 : memref<64x128xf32, #tpu.memory_space<vmem>>) dst(%dma_wait3A_204 : memref<10240x128xf32, #tpu.memory_space<vmem_shared>>)
            } else {
            }
            %add3A_98 = arith.constant 1 : i32
            %add3A_99 = arith.addi %add3A_87, %add3A_98 : i32
            %lt3A = arith.constant 80 : i32
            %lt3A_100 = arith.cmpi slt, %add3A_99, %lt3A : i32
            %add3A_101 = arith.constant 1 : i32
            %add3A_102 = arith.addi %add3A_90, %add3A_101 : i32
            %add3A_103 = arith.constant 1 : i32
            %add3A_104 = arith.addi %add3A_87, %add3A_103 : i32
            %convert_element_type3A_105 = arith.extui %lt3A_100 : i1 to i32
            %cond3A_106 = arith.constant 0 : i32
            %cond3A_107 = arith.cmpi ne, %convert_element_type3A_105, %cond3A_106 : i32
            scf.if %cond3A_107 {
              %dma_start3A_198 = arith.constant 0 : i32
              %dma_start3A_199 = tpu.memref_slice %arg12[%add3A_104, %dma_start3A_198] : memref<80x64xi32, #tpu.memory_space<vmem>> -> memref<1x64xi32, #tpu.memory_space<vmem>>
              %dma_start3A_200 = tpu.memref_squeeze %dma_start3A_199 : memref<1x64xi32, #tpu.memory_space<vmem>> -> memref<64xi32, #tpu.memory_space<vmem>>
              %dma_start3A_201 = arith.constant 0 : i32
              %dma_start3A_202 = arith.constant 0 : i32
              %dma_start3A_203 = tpu.memref_slice %arg5[%dma_start3A_201, %dma_start3A_202] : memref<10000x128xf32, #tpu.memory_space<hbm>> -> memref<10000x128xf32, #tpu.memory_space<hbm>>
              tpu.enqueue_indirect_dma source(%dma_start3A_203 : memref<10000x128xf32, #tpu.memory_space<hbm>>) target(%arg15 : memref<64x128xf32, #tpu.memory_space<vmem>>) offsets(%dma_start3A_200 : memref<64xi32, #tpu.memory_space<vmem>>) semaphore(%arg19 : memref<!tpu.dma_semaphore, #tpu.memory_space<semaphore_mem>>)
              %mul3A_204 = arith.constant 10240 : i32
              %mul3A_205 = arith.muli %arg1, %mul3A_204 : i32
              %mul3A_206 = arith.constant 64 : i32
              %mul3A_207 = arith.muli %add3A_102, %mul3A_206 : i32
              %add3A_208 = arith.addi %mul3A_205, %mul3A_207 : i32
              %dma_start3A_209 = arith.constant 0 : i32
              %dma_start3A_210 = tpu.memref_slice %arg3[%add3A_208, %dma_start3A_209] : memref<163840x128xf32, #tpu.memory_space<hbm>> -> memref<64x128xf32, #tpu.memory_space<hbm>>
              %dma_start3A_211 = arith.constant 0 : i32
              %dma_start3A_212 = tpu.memref_slice %arg3[%add3A_208, %dma_start3A_211] : memref<163840x128xf32, #tpu.memory_space<hbm>> -> memref<64x128xf32, #tpu.memory_space<hbm>>
              tpu.enqueue_dma source(%dma_start3A_212 : memref<64x128xf32, #tpu.memory_space<hbm>>) target(%arg17 : memref<64x128xf32, #tpu.memory_space<vmem>>) target_semaphore(%arg21 : memref<!tpu.dma_semaphore, #tpu.memory_space<semaphore_mem>>)
            } else {
            }
            %dma_wait3A_108 = arith.constant 0 : i32
            %dma_wait3A_109 = tpu.memref_slice %arg12[%add3A_87, %dma_wait3A_108] : memref<80x64xi32, #tpu.memory_space<vmem>> -> memref<1x64xi32, #tpu.memory_space<vmem>>
            %dma_wait3A_110 = tpu.memref_squeeze %dma_wait3A_109 : memref<1x64xi32, #tpu.memory_space<vmem>> -> memref<64xi32, #tpu.memory_space<vmem>>
            %dma_wait3A_111 = arith.constant 0 : i32
            %dma_wait3A_112 = arith.constant 0 : i32
            %dma_wait3A_113 = tpu.memref_slice %arg5[%dma_wait3A_111, %dma_wait3A_112] : memref<10000x128xf32, #tpu.memory_space<hbm>> -> memref<10000x128xf32, #tpu.memory_space<hbm>>
            tpu.wait_indirect_dma semaphore(%arg18 : memref<!tpu.dma_semaphore, #tpu.memory_space<semaphore_mem>>) src(%dma_wait3A_113 : memref<10000x128xf32, #tpu.memory_space<hbm>>) dst(%arg14 : memref<64x128xf32, #tpu.memory_space<vmem>>)
            %mul3A_114 = arith.constant 10240 : i32
            %mul3A_115 = arith.muli %arg1, %mul3A_114 : i32
            %mul3A_116 = arith.constant 64 : i32
            %mul3A_117 = arith.muli %add3A_90, %mul3A_116 : i32
            %add3A_118 = arith.addi %mul3A_115, %mul3A_117 : i32
            %dma_wait3A_119 = arith.constant 0 : i32
            %dma_wait3A_120 = tpu.memref_slice %arg3[%add3A_118, %dma_wait3A_119] : memref<163840x128xf32, #tpu.memory_space<hbm>> -> memref<64x128xf32, #tpu.memory_space<hbm>>
            %dma_wait3A_121 = arith.constant 0 : i32
            %dma_wait3A_122 = tpu.memref_slice %arg3[%add3A_118, %dma_wait3A_121] : memref<163840x128xf32, #tpu.memory_space<hbm>> -> memref<64x128xf32, #tpu.memory_space<hbm>>
            tpu.wait_dma2 semaphore(%arg20 : memref<!tpu.dma_semaphore, #tpu.memory_space<semaphore_mem>>) src(%dma_wait3A_122 : memref<64x128xf32, #tpu.memory_space<hbm>>) dst(%arg16 : memref<64x128xf32, #tpu.memory_space<vmem>>)
            %scan3A_123 = arith.constant 0 : i32
            %scan3A_124 = arith.constant 0 : i32
            %scan3A_125 = arith.constant 64 : i32
            %scan3A_126 = arith.addi %scan3A_124, %scan3A_125 : i32
            %scan3A_127 = arith.constant 1 : i32
            scf.for %scan3A_198 = %scan3A_124 to %scan3A_126 step %scan3A_127  : i32 {
              %get3A = arith.index_cast %scan3A_198 : i32 to index
              %get3A_199 = arith.constant 0 : index
              %get3A_200 = tpu.vector_load %arg14[%get3A, %get3A_199] {strides = array<i32>} : memref<64x128xf32, #tpu.memory_space<vmem>>, vector<16xf32>,
              %get3A_201 = arith.index_cast %scan3A_198 : i32 to index
              %get3A_202 = arith.constant 0 : index
              %get3A_203 = tpu.vector_load %arg16[%get3A_201, %get3A_202] {strides = array<i32>} : memref<64x128xf32, #tpu.memory_space<vmem>>, vector<16xf32>,
              %mul3A_204 = arith.mulf %get3A_200, %get3A_203 : vector<16xf32>
              %swap3A = arith.index_cast %scan3A_198 : i32 to index
              %swap3A_205 = arith.constant 0 : index
              %swap3A_206 = tpu.vector_load %arg14[%swap3A, %swap3A_205] {strides = array<i32>} : memref<64x128xf32, #tpu.memory_space<vmem>>, vector<16xf32>,
              tpu.vector_store %arg14[%swap3A, %swap3A_205], %mul3A_204 {strides = array<i32>} : memref<64x128xf32, #tpu.memory_space<vmem>>, vector<16xf32>,
              %get3A_207 = arith.index_cast %scan3A_198 : i32 to index
              %get3A_208 = arith.constant 16 : index
              %get3A_209 = tpu.vector_load %arg14[%get3A_207, %get3A_208] {strides = array<i32>} : memref<64x128xf32, #tpu.memory_space<vmem>>, vector<16xf32>,
              %get3A_210 = arith.index_cast %scan3A_198 : i32 to index
              %get3A_211 = arith.constant 16 : index
              %get3A_212 = tpu.vector_load %arg16[%get3A_210, %get3A_211] {strides = array<i32>} : memref<64x128xf32, #tpu.memory_space<vmem>>, vector<16xf32>,
              %mul3A_213 = arith.mulf %get3A_209, %get3A_212 : vector<16xf32>
              %swap3A_214 = arith.index_cast %scan3A_198 : i32 to index
              %swap3A_215 = arith.constant 16 : index
              %swap3A_216 = tpu.vector_load %arg14[%swap3A_214, %swap3A_215] {strides = array<i32>} : memref<64x128xf32, #tpu.memory_space<vmem>>, vector<16xf32>,
              tpu.vector_store %arg14[%swap3A_214, %swap3A_215], %mul3A_213 {strides = array<i32>} : memref<64x128xf32, #tpu.memory_space<vmem>>, vector<16xf32>,
              %get3A_217 = arith.index_cast %scan3A_198 : i32 to index
              %get3A_218 = arith.constant 32 : index
              %get3A_219 = tpu.vector_load %arg14[%get3A_217, %get3A_218] {strides = array<i32>} : memref<64x128xf32, #tpu.memory_space<vmem>>, vector<16xf32>,
              %get3A_220 = arith.index_cast %scan3A_198 : i32 to index
              %get3A_221 = arith.constant 32 : index
              %get3A_222 = tpu.vector_load %arg16[%get3A_220, %get3A_221] {strides = array<i32>} : memref<64x128xf32, #tpu.memory_space<vmem>>, vector<16xf32>,
              %mul3A_223 = arith.mulf %get3A_219, %get3A_222 : vector<16xf32>
              %swap3A_224 = arith.index_cast %scan3A_198 : i32 to index
              %swap3A_225 = arith.constant 32 : index
              %swap3A_226 = tpu.vector_load %arg14[%swap3A_224, %swap3A_225] {strides = array<i32>} : memref<64x128xf32, #tpu.memory_space<vmem>>, vector<16xf32>,
              tpu.vector_store %arg14[%swap3A_224, %swap3A_225], %mul3A_223 {strides = array<i32>} : memref<64x128xf32, #tpu.memory_space<vmem>>, vector<16xf32>,
              %get3A_227 = arith.index_cast %scan3A_198 : i32 to index
              %get3A_228 = arith.constant 48 : index
              %get3A_229 = tpu.vector_load %arg14[%get3A_227, %get3A_228] {strides = array<i32>} : memref<64x128xf32, #tpu.memory_space<vmem>>, vector<16xf32>,
              %get3A_230 = arith.index_cast %scan3A_198 : i32 to index
              %get3A_231 = arith.constant 48 : index
              %get3A_232 = tpu.vector_load %arg16[%get3A_230, %get3A_231] {strides = array<i32>} : memref<64x128xf32, #tpu.memory_space<vmem>>, vector<16xf32>,
              %mul3A_233 = arith.mulf %get3A_229, %get3A_232 : vector<16xf32>
              %swap3A_234 = arith.index_cast %scan3A_198 : i32 to index
              %swap3A_235 = arith.constant 48 : index
              %swap3A_236 = tpu.vector_load %arg14[%swap3A_234, %swap3A_235] {strides = array<i32>} : memref<64x128xf32, #tpu.memory_space<vmem>>, vector<16xf32>,
              tpu.vector_store %arg14[%swap3A_234, %swap3A_235], %mul3A_233 {strides = array<i32>} : memref<64x128xf32, #tpu.memory_space<vmem>>, vector<16xf32>,
              %get3A_237 = arith.index_cast %scan3A_198 : i32 to index
              %get3A_238 = arith.constant 64 : index
              %get3A_239 = tpu.vector_load %arg14[%get3A_237, %get3A_238] {strides = array<i32>} : memref<64x128xf32, #tpu.memory_space<vmem>>, vector<16xf32>,
              %get3A_240 = arith.index_cast %scan3A_198 : i32 to index
              %get3A_241 = arith.constant 64 : index
              %get3A_242 = tpu.vector_load %arg16[%get3A_240, %get3A_241] {strides = array<i32>} : memref<64x128xf32, #tpu.memory_space<vmem>>, vector<16xf32>,
              %mul3A_243 = arith.mulf %get3A_239, %get3A_242 : vector<16xf32>
              %swap3A_244 = arith.index_cast %scan3A_198 : i32 to index
              %swap3A_245 = arith.constant 64 : index
              %swap3A_246 = tpu.vector_load %arg14[%swap3A_244, %swap3A_245] {strides = array<i32>} : memref<64x128xf32, #tpu.memory_space<vmem>>, vector<16xf32>,
              tpu.vector_store %arg14[%swap3A_244, %swap3A_245], %mul3A_243 {strides = array<i32>} : memref<64x128xf32, #tpu.memory_space<vmem>>, vector<16xf32>,
              %get3A_247 = arith.index_cast %scan3A_198 : i32 to index
              %get3A_248 = arith.constant 80 : index
              %get3A_249 = tpu.vector_load %arg14[%get3A_247, %get3A_248] {strides = array<i32>} : memref<64x128xf32, #tpu.memory_space<vmem>>, vector<16xf32>,
              %get3A_250 = arith.index_cast %scan3A_198 : i32 to index
              %get3A_251 = arith.constant 80 : index
              %get3A_252 = tpu.vector_load %arg16[%get3A_250, %get3A_251] {strides = array<i32>} : memref<64x128xf32, #tpu.memory_space<vmem>>, vector<16xf32>,
              %mul3A_253 = arith.mulf %get3A_249, %get3A_252 : vector<16xf32>
              %swap3A_254 = arith.index_cast %scan3A_198 : i32 to index
              %swap3A_255 = arith.constant 80 : index
              %swap3A_256 = tpu.vector_load %arg14[%swap3A_254, %swap3A_255] {strides = array<i32>} : memref<64x128xf32, #tpu.memory_space<vmem>>, vector<16xf32>,
              tpu.vector_store %arg14[%swap3A_254, %swap3A_255], %mul3A_253 {strides = array<i32>} : memref<64x128xf32, #tpu.memory_space<vmem>>, vector<16xf32>,
              %get3A_257 = arith.index_cast %scan3A_198 : i32 to index
              %get3A_258 = arith.constant 96 : index
              %get3A_259 = tpu.vector_load %arg14[%get3A_257, %get3A_258] {strides = array<i32>} : memref<64x128xf32, #tpu.memory_space<vmem>>, vector<16xf32>,
              %get3A_260 = arith.index_cast %scan3A_198 : i32 to index
              %get3A_261 = arith.constant 96 : index
              %get3A_262 = tpu.vector_load %arg16[%get3A_260, %get3A_261] {strides = array<i32>} : memref<64x128xf32, #tpu.memory_space<vmem>>, vector<16xf32>,
              %mul3A_263 = arith.mulf %get3A_259, %get3A_262 : vector<16xf32>
              %swap3A_264 = arith.index_cast %scan3A_198 : i32 to index
              %swap3A_265 = arith.constant 96 : index
              %swap3A_266 = tpu.vector_load %arg14[%swap3A_264, %swap3A_265] {strides = array<i32>} : memref<64x128xf32, #tpu.memory_space<vmem>>, vector<16xf32>,
              tpu.vector_store %arg14[%swap3A_264, %swap3A_265], %mul3A_263 {strides = array<i32>} : memref<64x128xf32, #tpu.memory_space<vmem>>, vector<16xf32>,
              %get3A_267 = arith.index_cast %scan3A_198 : i32 to index
              %get3A_268 = arith.constant 112 : index
              %get3A_269 = tpu.vector_load %arg14[%get3A_267, %get3A_268] {strides = array<i32>} : memref<64x128xf32, #tpu.memory_space<vmem>>, vector<16xf32>,
              %get3A_270 = arith.index_cast %scan3A_198 : i32 to index
              %get3A_271 = arith.constant 112 : index
              %get3A_272 = tpu.vector_load %arg16[%get3A_270, %get3A_271] {strides = array<i32>} : memref<64x128xf32, #tpu.memory_space<vmem>>, vector<16xf32>,
              %mul3A_273 = arith.mulf %get3A_269, %get3A_272 : vector<16xf32>
              %swap3A_274 = arith.index_cast %scan3A_198 : i32 to index
              %swap3A_275 = arith.constant 112 : index
              %swap3A_276 = tpu.vector_load %arg14[%swap3A_274, %swap3A_275] {strides = array<i32>} : memref<64x128xf32, #tpu.memory_space<vmem>>, vector<16xf32>,
              tpu.vector_store %arg14[%swap3A_274, %swap3A_275], %mul3A_273 {strides = array<i32>} : memref<64x128xf32, #tpu.memory_space<vmem>>, vector<16xf32>,
            }
            %scan3A_128 = arith.constant 64 : i32
            %mul3A_129 = arith.constant 2 : i32
            %mul3A_130 = arith.muli %scan3A_80, %mul3A_129 : i32
            %add3A_131 = arith.constant 0 : i32
            %add3A_132 = arith.addi %mul3A_130, %add3A_131 : i32
            %dma_start3A_133 = arith.constant 0 : i32
            %dma_start3A_134 = tpu.memref_slice %arg13[%add3A_132, %dma_start3A_133] : memref<16x64xi32, #tpu.memory_space<vmem>> -> memref<1x64xi32, #tpu.memory_space<vmem>>
            %dma_start3A_135 = tpu.memref_squeeze %dma_start3A_134 : memref<1x64xi32, #tpu.memory_space<vmem>> -> memref<64xi32, #tpu.memory_space<vmem>>
            %dma_start3A_136 = arith.constant 0 : i32
            %dma_start3A_137 = arith.constant 0 : i32
            %dma_start3A_138 = tpu.memref_slice %arg11[%dma_start3A_136, %dma_start3A_137] : memref<10240x128xf32, #tpu.memory_space<vmem_shared>> -> memref<10240x128xf32, #tpu.memory_space<vmem_shared>>
            tpu.enqueue_indirect_dma source(%arg14 : memref<64x128xf32, #tpu.memory_space<vmem>>) target(%dma_start3A_138 : memref<10240x128xf32, #tpu.memory_space<vmem_shared>>) offsets(%dma_start3A_135 : memref<64xi32, #tpu.memory_space<vmem>>) semaphore(%arg22 : memref<!tpu.dma_semaphore, #tpu.memory_space<semaphore_mem>>) {add = true}
            %mul3A_139 = arith.constant 16 : i32
            %mul3A_140 = arith.muli %scan3A_67, %mul3A_139 : i32
            %mul3A_141 = arith.constant 2 : i32
            %mul3A_142 = arith.muli %scan3A_80, %mul3A_141 : i32
            %add3A_143 = arith.addi %mul3A_140, %mul3A_142 : i32
            %add3A_144 = arith.constant 1 : i32
            %add3A_145 = arith.addi %add3A_143, %add3A_144 : i32
            %mul3A_146 = arith.constant 80 : i32
            %mul3A_147 = arith.muli %scan3A_37, %mul3A_146 : i32
            %add3A_148 = arith.addi %mul3A_147, %add3A_145 : i32
            %add3A_149 = arith.constant 1 : i32
            %add3A_150 = arith.addi %add3A_145, %add3A_149 : i32
            %lt3A_151 = arith.constant 80 : i32
            %lt3A_152 = arith.cmpi slt, %add3A_150, %lt3A_151 : i32
            %convert_element_type3A_153 = arith.extui %lt3A_152 : i1 to i32
            %cond3A_154 = arith.constant 0 : i32
            %cond3A_155 = arith.cmpi ne, %convert_element_type3A_153, %cond3A_154 : i32
            scf.if %cond3A_155 {
              %dma_wait3A_198 = arith.constant 0 : i32
              %dma_wait3A_199 = arith.constant 0 : i32
              %dma_wait3A_200 = tpu.memref_slice %arg13[%dma_wait3A_198, %dma_wait3A_199] : memref<16x64xi32, #tpu.memory_space<vmem>> -> memref<1x64xi32, #tpu.memory_space<vmem>>
              %dma_wait3A_201 = tpu.memref_squeeze %dma_wait3A_200 : memref<1x64xi32, #tpu.memory_space<vmem>> -> memref<64xi32, #tpu.memory_space<vmem>>
              %dma_wait3A_202 = arith.constant 0 : i32
              %dma_wait3A_203 = arith.constant 0 : i32
              %dma_wait3A_204 = tpu.memref_slice %arg11[%dma_wait3A_202, %dma_wait3A_203] : memref<10240x128xf32, #tpu.memory_space<vmem_shared>> -> memref<10240x128xf32, #tpu.memory_space<vmem_shared>>
              tpu.wait_indirect_dma semaphore(%arg22 : memref<!tpu.dma_semaphore, #tpu.memory_space<semaphore_mem>>) src(%arg14 : memref<64x128xf32, #tpu.memory_space<vmem>>) dst(%dma_wait3A_204 : memref<10240x128xf32, #tpu.memory_space<vmem_shared>>)
            } else {
            }
            %add3A_156 = arith.constant 1 : i32
            %add3A_157 = arith.addi %add3A_145, %add3A_156 : i32
            %lt3A_158 = arith.constant 80 : i32
            %lt3A_159 = arith.cmpi slt, %add3A_157, %lt3A_158 : i32
            %add3A_160 = arith.constant 1 : i32
            %add3A_161 = arith.addi %add3A_148, %add3A_160 : i32
            %add3A_162 = arith.constant 1 : i32
            %add3A_163 = arith.addi %add3A_145, %add3A_162 : i32
            %convert_element_type3A_164 = arith.extui %lt3A_159 : i1 to i32
            %cond3A_165 = arith.constant 0 : i32
            %cond3A_166 = arith.cmpi ne, %convert_element_type3A_164, %cond3A_165 : i32
            scf.if %cond3A_166 {
              %dma_start3A_198 = arith.constant 0 : i32
              %dma_start3A_199 = tpu.memref_slice %arg12[%add3A_163, %dma_start3A_198] : memref<80x64xi32, #tpu.memory_space<vmem>> -> memref<1x64xi32, #tpu.memory_space<vmem>>
              %dma_start3A_200 = tpu.memref_squeeze %dma_start3A_199 : memref<1x64xi32, #tpu.memory_space<vmem>> -> memref<64xi32, #tpu.memory_space<vmem>>
              %dma_start3A_201 = arith.constant 0 : i32
              %dma_start3A_202 = arith.constant 0 : i32
              %dma_start3A_203 = tpu.memref_slice %arg5[%dma_start3A_201, %dma_start3A_202] : memref<10000x128xf32, #tpu.memory_space<hbm>> -> memref<10000x128xf32, #tpu.memory_space<hbm>>
              tpu.enqueue_indirect_dma source(%dma_start3A_203 : memref<10000x128xf32, #tpu.memory_space<hbm>>) target(%arg14 : memref<64x128xf32, #tpu.memory_space<vmem>>) offsets(%dma_start3A_200 : memref<64xi32, #tpu.memory_space<vmem>>) semaphore(%arg18 : memref<!tpu.dma_semaphore, #tpu.memory_space<semaphore_mem>>)
              %mul3A_204 = arith.constant 10240 : i32
              %mul3A_205 = arith.muli %arg1, %mul3A_204 : i32
              %mul3A_206 = arith.constant 64 : i32
              %mul3A_207 = arith.muli %add3A_161, %mul3A_206 : i32
              %add3A_208 = arith.addi %mul3A_205, %mul3A_207 : i32
              %dma_start3A_209 = arith.constant 0 : i32
              %dma_start3A_210 = tpu.memref_slice %arg3[%add3A_208, %dma_start3A_209] : memref<163840x128xf32, #tpu.memory_space<hbm>> -> memref<64x128xf32, #tpu.memory_space<hbm>>
              %dma_start3A_211 = arith.constant 0 : i32
              %dma_start3A_212 = tpu.memref_slice %arg3[%add3A_208, %dma_start3A_211] : memref<163840x128xf32, #tpu.memory_space<hbm>> -> memref<64x128xf32, #tpu.memory_space<hbm>>
              tpu.enqueue_dma source(%dma_start3A_212 : memref<64x128xf32, #tpu.memory_space<hbm>>) target(%arg16 : memref<64x128xf32, #tpu.memory_space<vmem>>) target_semaphore(%arg20 : memref<!tpu.dma_semaphore, #tpu.memory_space<semaphore_mem>>)
            } else {
            }
            %dma_wait3A_167 = arith.constant 0 : i32
            %dma_wait3A_168 = tpu.memref_slice %arg12[%add3A_145, %dma_wait3A_167] : memref<80x64xi32, #tpu.memory_space<vmem>> -> memref<1x64xi32, #tpu.memory_space<vmem>>
            %dma_wait3A_169 = tpu.memref_squeeze %dma_wait3A_168 : memref<1x64xi32, #tpu.memory_space<vmem>> -> memref<64xi32, #tpu.memory_space<vmem>>
            %dma_wait3A_170 = arith.constant 0 : i32
            %dma_wait3A_171 = arith.constant 0 : i32
            %dma_wait3A_172 = tpu.memref_slice %arg5[%dma_wait3A_170, %dma_wait3A_171] : memref<10000x128xf32, #tpu.memory_space<hbm>> -> memref<10000x128xf32, #tpu.memory_space<hbm>>
            tpu.wait_indirect_dma semaphore(%arg19 : memref<!tpu.dma_semaphore, #tpu.memory_space<semaphore_mem>>) src(%dma_wait3A_172 : memref<10000x128xf32, #tpu.memory_space<hbm>>) dst(%arg15 : memref<64x128xf32, #tpu.memory_space<vmem>>)
            %mul3A_173 = arith.constant 10240 : i32
            %mul3A_174 = arith.muli %arg1, %mul3A_173 : i32
            %mul3A_175 = arith.constant 64 : i32
            %mul3A_176 = arith.muli %add3A_148, %mul3A_175 : i32
            %add3A_177 = arith.addi %mul3A_174, %mul3A_176 : i32
            %dma_wait3A_178 = arith.constant 0 : i32
            %dma_wait3A_179 = tpu.memref_slice %arg3[%add3A_177, %dma_wait3A_178] : memref<163840x128xf32, #tpu.memory_space<hbm>> -> memref<64x128xf32, #tpu.memory_space<hbm>>
            %dma_wait3A_180 = arith.constant 0 : i32
            %dma_wait3A_181 = tpu.memref_slice %arg3[%add3A_177, %dma_wait3A_180] : memref<163840x128xf32, #tpu.memory_space<hbm>> -> memref<64x128xf32, #tpu.memory_space<hbm>>
            tpu.wait_dma2 semaphore(%arg21 : memref<!tpu.dma_semaphore, #tpu.memory_space<semaphore_mem>>) src(%dma_wait3A_181 : memref<64x128xf32, #tpu.memory_space<hbm>>) dst(%arg17 : memref<64x128xf32, #tpu.memory_space<vmem>>)
            %scan3A_182 = arith.constant 0 : i32
            %scan3A_183 = arith.constant 0 : i32
            %scan3A_184 = arith.constant 64 : i32
            %scan3A_185 = arith.addi %scan3A_183, %scan3A_184 : i32
            %scan3A_186 = arith.constant 1 : i32
            scf.for %scan3A_198 = %scan3A_183 to %scan3A_185 step %scan3A_186  : i32 {
              %get3A = arith.index_cast %scan3A_198 : i32 to index
              %get3A_199 = arith.constant 0 : index
              %get3A_200 = tpu.vector_load %arg15[%get3A, %get3A_199] {strides = array<i32>} : memref<64x128xf32, #tpu.memory_space<vmem>>, vector<16xf32>,
              %get3A_201 = arith.index_cast %scan3A_198 : i32 to index
              %get3A_202 = arith.constant 0 : index
              %get3A_203 = tpu.vector_load %arg17[%get3A_201, %get3A_202] {strides = array<i32>} : memref<64x128xf32, #tpu.memory_space<vmem>>, vector<16xf32>,
              %mul3A_204 = arith.mulf %get3A_200, %get3A_203 : vector<16xf32>
              %swap3A = arith.index_cast %scan3A_198 : i32 to index
              %swap3A_205 = arith.constant 0 : index
              %swap3A_206 = tpu.vector_load %arg15[%swap3A, %swap3A_205] {strides = array<i32>} : memref<64x128xf32, #tpu.memory_space<vmem>>, vector<16xf32>,
              tpu.vector_store %arg15[%swap3A, %swap3A_205], %mul3A_204 {strides = array<i32>} : memref<64x128xf32, #tpu.memory_space<vmem>>, vector<16xf32>,
              %get3A_207 = arith.index_cast %scan3A_198 : i32 to index
              %get3A_208 = arith.constant 16 : index
              %get3A_209 = tpu.vector_load %arg15[%get3A_207, %get3A_208] {strides = array<i32>} : memref<64x128xf32, #tpu.memory_space<vmem>>, vector<16xf32>,
              %get3A_210 = arith.index_cast %scan3A_198 : i32 to index
              %get3A_211 = arith.constant 16 : index
              %get3A_212 = tpu.vector_load %arg17[%get3A_210, %get3A_211] {strides = array<i32>} : memref<64x128xf32, #tpu.memory_space<vmem>>, vector<16xf32>,
              %mul3A_213 = arith.mulf %get3A_209, %get3A_212 : vector<16xf32>
              %swap3A_214 = arith.index_cast %scan3A_198 : i32 to index
              %swap3A_215 = arith.constant 16 : index
              %swap3A_216 = tpu.vector_load %arg15[%swap3A_214, %swap3A_215] {strides = array<i32>} : memref<64x128xf32, #tpu.memory_space<vmem>>, vector<16xf32>,
              tpu.vector_store %arg15[%swap3A_214, %swap3A_215], %mul3A_213 {strides = array<i32>} : memref<64x128xf32, #tpu.memory_space<vmem>>, vector<16xf32>,
              %get3A_217 = arith.index_cast %scan3A_198 : i32 to index
              %get3A_218 = arith.constant 32 : index
              %get3A_219 = tpu.vector_load %arg15[%get3A_217, %get3A_218] {strides = array<i32>} : memref<64x128xf32, #tpu.memory_space<vmem>>, vector<16xf32>,
              %get3A_220 = arith.index_cast %scan3A_198 : i32 to index
              %get3A_221 = arith.constant 32 : index
              %get3A_222 = tpu.vector_load %arg17[%get3A_220, %get3A_221] {strides = array<i32>} : memref<64x128xf32, #tpu.memory_space<vmem>>, vector<16xf32>,
              %mul3A_223 = arith.mulf %get3A_219, %get3A_222 : vector<16xf32>
              %swap3A_224 = arith.index_cast %scan3A_198 : i32 to index
              %swap3A_225 = arith.constant 32 : index
              %swap3A_226 = tpu.vector_load %arg15[%swap3A_224, %swap3A_225] {strides = array<i32>} : memref<64x128xf32, #tpu.memory_space<vmem>>, vector<16xf32>,
              tpu.vector_store %arg15[%swap3A_224, %swap3A_225], %mul3A_223 {strides = array<i32>} : memref<64x128xf32, #tpu.memory_space<vmem>>, vector<16xf32>,
              %get3A_227 = arith.index_cast %scan3A_198 : i32 to index
              %get3A_228 = arith.constant 48 : index
              %get3A_229 = tpu.vector_load %arg15[%get3A_227, %get3A_228] {strides = array<i32>} : memref<64x128xf32, #tpu.memory_space<vmem>>, vector<16xf32>,
              %get3A_230 = arith.index_cast %scan3A_198 : i32 to index
              %get3A_231 = arith.constant 48 : index
              %get3A_232 = tpu.vector_load %arg17[%get3A_230, %get3A_231] {strides = array<i32>} : memref<64x128xf32, #tpu.memory_space<vmem>>, vector<16xf32>,
              %mul3A_233 = arith.mulf %get3A_229, %get3A_232 : vector<16xf32>
              %swap3A_234 = arith.index_cast %scan3A_198 : i32 to index
              %swap3A_235 = arith.constant 48 : index
              %swap3A_236 = tpu.vector_load %arg15[%swap3A_234, %swap3A_235] {strides = array<i32>} : memref<64x128xf32, #tpu.memory_space<vmem>>, vector<16xf32>,
              tpu.vector_store %arg15[%swap3A_234, %swap3A_235], %mul3A_233 {strides = array<i32>} : memref<64x128xf32, #tpu.memory_space<vmem>>, vector<16xf32>,
              %get3A_237 = arith.index_cast %scan3A_198 : i32 to index
              %get3A_238 = arith.constant 64 : index
              %get3A_239 = tpu.vector_load %arg15[%get3A_237, %get3A_238] {strides = array<i32>} : memref<64x128xf32, #tpu.memory_space<vmem>>, vector<16xf32>,
              %get3A_240 = arith.index_cast %scan3A_198 : i32 to index
              %get3A_241 = arith.constant 64 : index
              %get3A_242 = tpu.vector_load %arg17[%get3A_240, %get3A_241] {strides = array<i32>} : memref<64x128xf32, #tpu.memory_space<vmem>>, vector<16xf32>,
              %mul3A_243 = arith.mulf %get3A_239, %get3A_242 : vector<16xf32>
              %swap3A_244 = arith.index_cast %scan3A_198 : i32 to index
              %swap3A_245 = arith.constant 64 : index
              %swap3A_246 = tpu.vector_load %arg15[%swap3A_244, %swap3A_245] {strides = array<i32>} : memref<64x128xf32, #tpu.memory_space<vmem>>, vector<16xf32>,
              tpu.vector_store %arg15[%swap3A_244, %swap3A_245], %mul3A_243 {strides = array<i32>} : memref<64x128xf32, #tpu.memory_space<vmem>>, vector<16xf32>,
              %get3A_247 = arith.index_cast %scan3A_198 : i32 to index
              %get3A_248 = arith.constant 80 : index
              %get3A_249 = tpu.vector_load %arg15[%get3A_247, %get3A_248] {strides = array<i32>} : memref<64x128xf32, #tpu.memory_space<vmem>>, vector<16xf32>,
              %get3A_250 = arith.index_cast %scan3A_198 : i32 to index
              %get3A_251 = arith.constant 80 : index
              %get3A_252 = tpu.vector_load %arg17[%get3A_250, %get3A_251] {strides = array<i32>} : memref<64x128xf32, #tpu.memory_space<vmem>>, vector<16xf32>,
              %mul3A_253 = arith.mulf %get3A_249, %get3A_252 : vector<16xf32>
              %swap3A_254 = arith.index_cast %scan3A_198 : i32 to index
              %swap3A_255 = arith.constant 80 : index
              %swap3A_256 = tpu.vector_load %arg15[%swap3A_254, %swap3A_255] {strides = array<i32>} : memref<64x128xf32, #tpu.memory_space<vmem>>, vector<16xf32>,
              tpu.vector_store %arg15[%swap3A_254, %swap3A_255], %mul3A_253 {strides = array<i32>} : memref<64x128xf32, #tpu.memory_space<vmem>>, vector<16xf32>,
              %get3A_257 = arith.index_cast %scan3A_198 : i32 to index
              %get3A_258 = arith.constant 96 : index
              %get3A_259 = tpu.vector_load %arg15[%get3A_257, %get3A_258] {strides = array<i32>} : memref<64x128xf32, #tpu.memory_space<vmem>>, vector<16xf32>,
              %get3A_260 = arith.index_cast %scan3A_198 : i32 to index
              %get3A_261 = arith.constant 96 : index
              %get3A_262 = tpu.vector_load %arg17[%get3A_260, %get3A_261] {strides = array<i32>} : memref<64x128xf32, #tpu.memory_space<vmem>>, vector<16xf32>,
              %mul3A_263 = arith.mulf %get3A_259, %get3A_262 : vector<16xf32>
              %swap3A_264 = arith.index_cast %scan3A_198 : i32 to index
              %swap3A_265 = arith.constant 96 : index
              %swap3A_266 = tpu.vector_load %arg15[%swap3A_264, %swap3A_265] {strides = array<i32>} : memref<64x128xf32, #tpu.memory_space<vmem>>, vector<16xf32>,
              tpu.vector_store %arg15[%swap3A_264, %swap3A_265], %mul3A_263 {strides = array<i32>} : memref<64x128xf32, #tpu.memory_space<vmem>>, vector<16xf32>,
              %get3A_267 = arith.index_cast %scan3A_198 : i32 to index
              %get3A_268 = arith.constant 112 : index
              %get3A_269 = tpu.vector_load %arg15[%get3A_267, %get3A_268] {strides = array<i32>} : memref<64x128xf32, #tpu.memory_space<vmem>>, vector<16xf32>,
              %get3A_270 = arith.index_cast %scan3A_198 : i32 to index
              %get3A_271 = arith.constant 112 : index
              %get3A_272 = tpu.vector_load %arg17[%get3A_270, %get3A_271] {strides = array<i32>} : memref<64x128xf32, #tpu.memory_space<vmem>>, vector<16xf32>,
              %mul3A_273 = arith.mulf %get3A_269, %get3A_272 : vector<16xf32>
              %swap3A_274 = arith.index_cast %scan3A_198 : i32 to index
              %swap3A_275 = arith.constant 112 : index
              %swap3A_276 = tpu.vector_load %arg15[%swap3A_274, %swap3A_275] {strides = array<i32>} : memref<64x128xf32, #tpu.memory_space<vmem>>, vector<16xf32>,
              tpu.vector_store %arg15[%swap3A_274, %swap3A_275], %mul3A_273 {strides = array<i32>} : memref<64x128xf32, #tpu.memory_space<vmem>>, vector<16xf32>,
            }
            %scan3A_187 = arith.constant 64 : i32
            %mul3A_188 = arith.constant 2 : i32
            %mul3A_189 = arith.muli %scan3A_80, %mul3A_188 : i32
            %add3A_190 = arith.constant 1 : i32
            %add3A_191 = arith.addi %mul3A_189, %add3A_190 : i32
            %dma_start3A_192 = arith.constant 0 : i32
            %dma_start3A_193 = tpu.memref_slice %arg13[%add3A_191, %dma_start3A_192] : memref<16x64xi32, #tpu.memory_space<vmem>> -> memref<1x64xi32, #tpu.memory_space<vmem>>
            %dma_start3A_194 = tpu.memref_squeeze %dma_start3A_193 : memref<1x64xi32, #tpu.memory_space<vmem>> -> memref<64xi32, #tpu.memory_space<vmem>>
            %dma_start3A_195 = arith.constant 0 : i32
            %dma_start3A_196 = arith.constant 0 : i32
            %dma_start3A_197 = tpu.memref_slice %arg11[%dma_start3A_195, %dma_start3A_196] : memref<10240x128xf32, #tpu.memory_space<vmem_shared>> -> memref<10240x128xf32, #tpu.memory_space<vmem_shared>>
            tpu.enqueue_indirect_dma source(%arg15 : memref<64x128xf32, #tpu.memory_space<vmem>>) target(%dma_start3A_197 : memref<10240x128xf32, #tpu.memory_space<vmem_shared>>) offsets(%dma_start3A_194 : memref<64xi32, #tpu.memory_space<vmem>>) semaphore(%arg23 : memref<!tpu.dma_semaphore, #tpu.memory_space<semaphore_mem>>) {add = true}
          }
          %scan3A_79 = arith.constant 8 : i32
        }
        %scan3A_66 = arith.constant 5 : i32
      }
      %scan3A_23 = arith.constant 2 : i32
      %dma_wait3A = arith.constant 0 : i32
      %dma_wait3A_24 = arith.constant 0 : i32
      %dma_wait3A_25 = tpu.memref_slice %arg13[%dma_wait3A, %dma_wait3A_24] : memref<16x64xi32, #tpu.memory_space<vmem>> -> memref<1x64xi32, #tpu.memory_space<vmem>>
      %dma_wait3A_26 = tpu.memref_squeeze %dma_wait3A_25 : memref<1x64xi32, #tpu.memory_space<vmem>> -> memref<64xi32, #tpu.memory_space<vmem>>
      %dma_wait3A_27 = arith.constant 0 : i32
      %dma_wait3A_28 = arith.constant 0 : i32
      %dma_wait3A_29 = tpu.memref_slice %arg11[%dma_wait3A_27, %dma_wait3A_28] : memref<10240x128xf32, #tpu.memory_space<vmem_shared>> -> memref<10240x128xf32, #tpu.memory_space<vmem_shared>>
      tpu.wait_indirect_dma semaphore(%arg22 : memref<!tpu.dma_semaphore, #tpu.memory_space<semaphore_mem>>) src(%arg14 : memref<64x128xf32, #tpu.memory_space<vmem>>) dst(%dma_wait3A_29 : memref<10240x128xf32, #tpu.memory_space<vmem_shared>>)
      %dma_wait3A_30 = arith.constant 0 : i32
      %dma_wait3A_31 = arith.constant 0 : i32
      %dma_wait3A_32 = tpu.memref_slice %arg13[%dma_wait3A_30, %dma_wait3A_31] : memref<16x64xi32, #tpu.memory_space<vmem>> -> memref<1x64xi32, #tpu.memory_space<vmem>>
      %dma_wait3A_33 = tpu.memref_squeeze %dma_wait3A_32 : memref<1x64xi32, #tpu.memory_space<vmem>> -> memref<64xi32, #tpu.memory_space<vmem>>
      %dma_wait3A_34 = arith.constant 0 : i32
      %dma_wait3A_35 = arith.constant 0 : i32
      %dma_wait3A_36 = tpu.memref_slice %arg11[%dma_wait3A_34, %dma_wait3A_35] : memref<10240x128xf32, #tpu.memory_space<vmem_shared>> -> memref<10240x128xf32, #tpu.memory_space<vmem_shared>>
      tpu.wait_indirect_dma semaphore(%arg23 : memref<!tpu.dma_semaphore, #tpu.memory_space<semaphore_mem>>) src(%arg15 : memref<64x128xf32, #tpu.memory_space<vmem>>) dst(%dma_wait3A_36 : memref<10240x128xf32, #tpu.memory_space<vmem_shared>>)
    } else {
    }
    %barrier3A_8 = arith.constant 0 : index
    tpu.barrier barrier_id(%barrier3A_8)
    %eq3A_9 = arith.constant 0 : i32
    %eq3A_10 = arith.cmpi eq, %arg0, %eq3A_9 : i32
    %convert_element_type3A_11 = arith.extui %eq3A_10 : i1 to i32
    %cond3A_12 = arith.constant 0 : i32
    %cond3A_13 = arith.cmpi ne, %convert_element_type3A_11, %cond3A_12 : i32
    scf.if %cond3A_13 {
      "tpu.region"() ({
        %run_scoped3A = tpu.sem_alloc : memref<!tpu.dma_semaphore, #tpu.memory_space<semaphore_mem>>
        %dma_start3A = arith.constant 0 : i32
        %dma_start3A_19 = tpu.memref_slice %arg9[%mul3A_0, %dma_start3A] : memref<10240x128xf32, #tpu.memory_space<hbm>> -> memref<640x128xf32, #tpu.memory_space<hbm>>
        %dma_start3A_20 = arith.constant 0 : i32
        %dma_start3A_21 = tpu.memref_slice %arg11[%mul3A_0, %dma_start3A_20] : memref<10240x128xf32, #tpu.memory_space<vmem_shared>> -> memref<640x128xf32, #tpu.memory_space<vmem_shared>>
        tpu.enqueue_dma source(%dma_start3A_21 : memref<640x128xf32, #tpu.memory_space<vmem_shared>>) target(%dma_start3A_19 : memref<640x128xf32, #tpu.memory_space<hbm>>) target_semaphore(%run_scoped3A : memref<!tpu.dma_semaphore, #tpu.memory_space<semaphore_mem>>)
        %dma_wait3A = arith.constant 0 : i32
        %dma_wait3A_22 = tpu.memref_slice %arg9[%mul3A_0, %dma_wait3A] : memref<10240x128xf32, #tpu.memory_space<hbm>> -> memref<640x128xf32, #tpu.memory_space<hbm>>
        %dma_wait3A_23 = arith.constant 0 : i32
        %dma_wait3A_24 = tpu.memref_slice %arg11[%mul3A_0, %dma_wait3A_23] : memref<10240x128xf32, #tpu.memory_space<vmem_shared>> -> memref<640x128xf32, #tpu.memory_space<vmem_shared>>
        tpu.wait_dma2 semaphore(%run_scoped3A : memref<!tpu.dma_semaphore, #tpu.memory_space<semaphore_mem>>) src(%dma_wait3A_24 : memref<640x128xf32, #tpu.memory_space<vmem_shared>>) dst(%dma_wait3A_22 : memref<640x128xf32, #tpu.memory_space<hbm>>)
        tpu.yield
      }) : () -> ()
    } else {
    }
    %eq3A_14 = arith.constant 1 : i32
    %eq3A_15 = arith.cmpi eq, %arg0, %eq3A_14 : i32
    %convert_element_type3A_16 = arith.extui %eq3A_15 : i1 to i32
    %cond3A_17 = arith.constant 0 : i32
    %cond3A_18 = arith.cmpi ne, %convert_element_type3A_16, %cond3A_17 : i32
    scf.if %cond3A_18 {
      "tpu.region"() ({
        %run_scoped3A = tpu.sem_alloc : memref<!tpu.dma_semaphore, #tpu.memory_space<semaphore_mem>>
        %dma_start3A = arith.constant 0 : i32
        %dma_start3A_19 = tpu.memref_slice %arg10[%mul3A_0, %dma_start3A] : memref<10240x128xf32, #tpu.memory_space<hbm>> -> memref<640x128xf32, #tpu.memory_space<hbm>>
        %dma_start3A_20 = arith.constant 0 : i32
        %dma_start3A_21 = tpu.memref_slice %arg11[%mul3A_0, %dma_start3A_20] : memref<10240x128xf32, #tpu.memory_space<vmem_shared>> -> memref<640x128xf32, #tpu.memory_space<vmem_shared>>
        tpu.enqueue_dma source(%dma_start3A_21 : memref<640x128xf32, #tpu.memory_space<vmem_shared>>) target(%dma_start3A_19 : memref<640x128xf32, #tpu.memory_space<hbm>>) target_semaphore(%run_scoped3A : memref<!tpu.dma_semaphore, #tpu.memory_space<semaphore_mem>>)
        %dma_wait3A = arith.constant 0 : i32
        %dma_wait3A_22 = tpu.memref_slice %arg10[%mul3A_0, %dma_wait3A] : memref<10240x128xf32, #tpu.memory_space<hbm>> -> memref<640x128xf32, #tpu.memory_space<hbm>>
        %dma_wait3A_23 = arith.constant 0 : i32
        %dma_wait3A_24 = tpu.memref_slice %arg11[%mul3A_0, %dma_wait3A_23] : memref<10240x128xf32, #tpu.memory_space<vmem_shared>> -> memref<640x128xf32, #tpu.memory_space<vmem_shared>>
        tpu.wait_dma2 semaphore(%run_scoped3A : memref<!tpu.dma_semaphore, #tpu.memory_space<semaphore_mem>>) src(%dma_wait3A_24 : memref<640x128xf32, #tpu.memory_space<vmem_shared>>) dst(%dma_wait3A_22 : memref<640x128xf32, #tpu.memory_space<hbm>>)
        tpu.yield
      }) : () -> ()
    } else {
    }
    return
  }
}

module attributes {stable_mosaic.version = 14 : i64} {
  func.func @_emb_body(%arg0: i32, %arg1: memref<2000x1xi32, #tpu.memory_space<vmem>>, %arg2: memref<128x256xf32, #tpu.memory_space<vmem>>, %arg3: memref<2000x256xf32, #tpu.memory_space<vmem>>) attributes {dimension_semantics = [#tpu.dimension_semantics<arbitrary>], iteration_bounds = array<i64: 5>, scalar_prefetch = 0 : i64, scratch_operands = 0 : i64, tpu.core_type = #tpu.core_type<tc>, window_params = [{transform_indices = @transform_0, window_bounds = array<i64: 2000, 1>}, {pipeline_mode = #tpu.pipeline_mode<synchronous>, transform_indices = @transform_1, window_bounds = array<i64: 128, 256>}, {transform_indices = @transform_2, window_bounds = array<i64: 2000, 256>}]} {
    %get3A = arith.constant 0 : index
    %get3A_0 = arith.constant 0 : index
    %get3A_1 = vector.load %arg1[%get3A, %get3A_0] : memref<2000x1xi32, #tpu.memory_space<vmem>>, vector<2000x1xi32>
    %iota3A = tpu.iota {dimensions = array<i32: 1>} : vector<2000x128xi32>
    %eq3A = vector.broadcast %get3A_1 : vector<2000x1xi32> to vector<2000x128xi32>
    %eq3A_2 = arith.cmpi eq, %iota3A, %eq3A : vector<2000x128xi32>
    %convert_element_type3A = arith.extui %eq3A_2 : vector<2000x128xi1> to vector<2000x128xi32>
    %convert_element_type3A_3 = arith.sitofp %convert_element_type3A : vector<2000x128xi32> to vector<2000x128xf32>
    %get3A_4 = arith.constant 0 : index
    %get3A_5 = arith.constant 0 : index
    %get3A_6 = vector.load %arg2[%get3A_4, %get3A_5] : memref<128x256xf32, #tpu.memory_space<vmem>>, vector<128x256xf32>
    %dot_general3A = arith.constant dense<0.000000e+00> : vector<2000x256xf32>
    %dot_general3A_7 = tpu.matmul %convert_element_type3A_3, %get3A_6, %dot_general3A {dimension_numbers = #tpu.dot_dimension_numbers<[1], [0], [0], [1], [0, 0, 1, 1], [], []>, transpose_lhs_hint = false} : vector<2000x128xf32>, vector<128x256xf32>, vector<2000x256xf32> -> vector<2000x256xf32>
    %swap3A = arith.constant 0 : index
    %swap3A_8 = arith.constant 0 : index
    %swap3A_9 = vector.load %arg3[%swap3A, %swap3A_8] : memref<2000x256xf32, #tpu.memory_space<vmem>>, vector<2000x256xf32>
    tpu.vector_store %arg3[%swap3A, %swap3A_8], %dot_general3A_7 {strides = array<i32>} : memref<2000x256xf32, #tpu.memory_space<vmem>>, vector<2000x256xf32>,
    return
  }
  func.func @transform_0(%arg0: i32) -> (i32, i32) {
    %c0_i32 = arith.constant 0 : i32
    %c0_i32_0 = arith.constant 0 : i32
    return %arg0, %c0_i32 : i32, i32
  }
  func.func @transform_1(%arg0: i32) -> (i32, i32) {
    %c0_i32 = arith.constant 0 : i32
    %c0_i32_0 = arith.constant 0 : i32
    %c0_i32_1 = arith.constant 0 : i32
    return %c0_i32, %c0_i32_0 : i32, i32
  }
  func.func @transform_2(%arg0: i32) -> (i32, i32) {
    %c0_i32 = arith.constant 0 : i32
    %c0_i32_0 = arith.constant 0 : i32
    return %arg0, %c0_i32 : i32, i32
  }
}

module attributes {stable_mosaic.version = 14 : i64} {
  func.func @_proj_body(%arg0: i32, %arg1: memref<2000x256xf32, #tpu.memory_space<vmem>>, %arg2: memref<256x256xf32, #tpu.memory_space<vmem>>, %arg3: memref<1x256xf32, #tpu.memory_space<vmem>>, %arg4: memref<256x256xf32, #tpu.memory_space<vmem>>, %arg5: memref<1x256xf32, #tpu.memory_space<vmem>>, %arg6: memref<2000x256xf32, #tpu.memory_space<vmem>>, %arg7: memref<2000x128xf32, #tpu.memory_space<vmem>>, %arg8: memref<2000x128xf32, #tpu.memory_space<vmem>>) attributes {dimension_semantics = [#tpu.dimension_semantics<arbitrary>], iteration_bounds = array<i64: 5>, scalar_prefetch = 0 : i64, scratch_operands = 0 : i64, tpu.core_type = #tpu.core_type<tc>, window_params = [{transform_indices = @transform_0, window_bounds = array<i64: 2000, 256>}, {pipeline_mode = #tpu.pipeline_mode<synchronous>, transform_indices = @transform_1, window_bounds = array<i64: 256, 256>}, {pipeline_mode = #tpu.pipeline_mode<synchronous>, transform_indices = @transform_2, window_bounds = array<i64: 1, 256>}, {pipeline_mode = #tpu.pipeline_mode<synchronous>, transform_indices = @transform_3, window_bounds = array<i64: 256, 256>}, {pipeline_mode = #tpu.pipeline_mode<synchronous>, transform_indices = @transform_4, window_bounds = array<i64: 1, 256>}, {transform_indices = @transform_5, window_bounds = array<i64: 2000, 256>}, {transform_indices = @transform_6, window_bounds = array<i64: 2000, 128>}, {transform_indices = @transform_7, window_bounds = array<i64: 2000, 128>}]} {
    %get3A = arith.constant 0 : index
    %get3A_0 = arith.constant 0 : index
    %get3A_1 = vector.load %arg1[%get3A, %get3A_0] : memref<2000x256xf32, #tpu.memory_space<vmem>>, vector<2000x256xf32>
    %custom_jvp_call3A = arith.constant 0.000000e+00 : f32
    %max3A = vector.broadcast %custom_jvp_call3A : f32 to vector<2000x256xf32>
    %max3A_2 = arith.maximumf %get3A_1, %max3A : vector<2000x256xf32>
    %sub3A = vector.broadcast %custom_jvp_call3A : f32 to vector<2000x256xf32>
    %sub3A_3 = arith.subf %get3A_1, %sub3A : vector<2000x256xf32>
    %ne3A = arith.cmpf one, %sub3A_3, %sub3A_3 : vector<2000x256xf32>
    %add3A = vector.broadcast %custom_jvp_call3A : f32 to vector<2000x256xf32>
    %add3A_4 = arith.addf %get3A_1, %add3A : vector<2000x256xf32>
    %abs3A = math.absf %sub3A_3 : vector<2000x256xf32>
    %neg3A = arith.constant 0.000000e+00 : f32
    %neg3A_5 = vector.broadcast %neg3A : f32 to vector<2000x256xf32>
    %neg3A_6 = arith.subf %neg3A_5, %abs3A : vector<2000x256xf32>
    %exp3A = math.exp %neg3A_6 : vector<2000x256xf32>
    %log1p3A = math.log1p %exp3A : vector<2000x256xf32>
    %add3A_7 = arith.addf %max3A_2, %log1p3A : vector<2000x256xf32>
    %select_n3A = arith.select %ne3A, %add3A_4, %add3A_7 : vector<2000x256xi1>, vector<2000x256xf32>
    %log3A = arith.constant 2.000000e+00 : f32
    %log3A_8 = math.log %log3A : f32
    %sub3A_9 = vector.broadcast %log3A_8 : f32 to vector<2000x256xf32>
    %sub3A_10 = arith.subf %select_n3A, %sub3A_9 : vector<2000x256xf32>
    %get3A_11 = arith.constant 0 : index
    %get3A_12 = arith.constant 0 : index
    %get3A_13 = vector.load %arg2[%get3A_11, %get3A_12] : memref<256x256xf32, #tpu.memory_space<vmem>>, vector<256x256xf32>
    %dot_general3A = arith.constant dense<0.000000e+00> : vector<2000x256xf32>
    %dot_general3A_14 = tpu.matmul %sub3A_10, %get3A_13, %dot_general3A {dimension_numbers = #tpu.dot_dimension_numbers<[1], [0], [0], [1], [0, 0, 1, 1], [], []>, transpose_lhs_hint = false} : vector<2000x256xf32>, vector<256x256xf32>, vector<2000x256xf32> -> vector<2000x256xf32>
    %get3A_15 = arith.constant 0 : index
    %get3A_16 = arith.constant 0 : index
    %get3A_17 = vector.load %arg3[%get3A_15, %get3A_16] : memref<1x256xf32, #tpu.memory_space<vmem>>, vector<1x256xf32>
    %add3A_18 = vector.broadcast %get3A_17 : vector<1x256xf32> to vector<2000x256xf32>
    %add3A_19 = arith.addf %dot_general3A_14, %add3A_18 : vector<2000x256xf32>
    %swap3A = arith.constant 0 : index
    %swap3A_20 = arith.constant 0 : index
    %swap3A_21 = vector.load %arg6[%swap3A, %swap3A_20] : memref<2000x256xf32, #tpu.memory_space<vmem>>, vector<2000x256xf32>
    tpu.vector_store %arg6[%swap3A, %swap3A_20], %add3A_19 {strides = array<i32>} : memref<2000x256xf32, #tpu.memory_space<vmem>>, vector<2000x256xf32>,
    %get3A_22 = arith.constant 0 : index
    %get3A_23 = arith.constant 0 : index
    %get3A_24 = vector.load %arg4[%get3A_22, %get3A_23] : memref<256x256xf32, #tpu.memory_space<vmem>>, vector<256x256xf32>
    %dot_general3A_25 = arith.constant dense<0.000000e+00> : vector<2000x256xf32>
    %dot_general3A_26 = tpu.matmul %sub3A_10, %get3A_24, %dot_general3A_25 {dimension_numbers = #tpu.dot_dimension_numbers<[1], [0], [0], [1], [0, 0, 1, 1], [], []>, transpose_lhs_hint = false} : vector<2000x256xf32>, vector<256x256xf32>, vector<2000x256xf32> -> vector<2000x256xf32>
    %get3A_27 = arith.constant 0 : index
    %get3A_28 = arith.constant 0 : index
    %get3A_29 = vector.load %arg5[%get3A_27, %get3A_28] : memref<1x256xf32, #tpu.memory_space<vmem>>, vector<1x256xf32>
    %add3A_30 = vector.broadcast %get3A_29 : vector<1x256xf32> to vector<2000x256xf32>
    %add3A_31 = arith.addf %dot_general3A_26, %add3A_30 : vector<2000x256xf32>
    %slice3A = vector.extract_strided_slice %add3A_31 {offsets = [0, 0], sizes = [2000, 128], strides = [1, 1]} : vector<2000x256xf32> to vector<2000x128xf32>
    %swap3A_32 = arith.constant 0 : index
    %swap3A_33 = arith.constant 0 : index
    %swap3A_34 = vector.load %arg7[%swap3A_32, %swap3A_33] : memref<2000x128xf32, #tpu.memory_space<vmem>>, vector<2000x128xf32>
    tpu.vector_store %arg7[%swap3A_32, %swap3A_33], %slice3A {strides = array<i32>} : memref<2000x128xf32, #tpu.memory_space<vmem>>, vector<2000x128xf32>,
    %slice3A_35 = vector.extract_strided_slice %add3A_31 {offsets = [0, 128], sizes = [2000, 128], strides = [1, 1]} : vector<2000x256xf32> to vector<2000x128xf32>
    %swap3A_36 = arith.constant 0 : index
    %swap3A_37 = arith.constant 0 : index
    %swap3A_38 = vector.load %arg8[%swap3A_36, %swap3A_37] : memref<2000x128xf32, #tpu.memory_space<vmem>>, vector<2000x128xf32>
    tpu.vector_store %arg8[%swap3A_36, %swap3A_37], %slice3A_35 {strides = array<i32>} : memref<2000x128xf32, #tpu.memory_space<vmem>>, vector<2000x128xf32>,
    return
  }
  func.func @transform_0(%arg0: i32) -> (i32, i32) {
    %c0_i32 = arith.constant 0 : i32
    %c0_i32_0 = arith.constant 0 : i32
    return %arg0, %c0_i32 : i32, i32
  }
  func.func @transform_1(%arg0: i32) -> (i32, i32) {
    %c0_i32 = arith.constant 0 : i32
    %c0_i32_0 = arith.constant 0 : i32
    %c0_i32_1 = arith.constant 0 : i32
    return %c0_i32, %c0_i32_0 : i32, i32
  }
  func.func @transform_2(%arg0: i32) -> (i32, i32) {
    %c0_i32 = arith.constant 0 : i32
    %c0_i32_0 = arith.constant 0 : i32
    %c0_i32_1 = arith.constant 0 : i32
    return %c0_i32, %c0_i32_0 : i32, i32
  }
  func.func @transform_3(%arg0: i32) -> (i32, i32) {
    %c0_i32 = arith.constant 0 : i32
    %c0_i32_0 = arith.constant 0 : i32
    %c0_i32_1 = arith.constant 0 : i32
    return %c0_i32, %c0_i32_0 : i32, i32
  }
  func.func @transform_4(%arg0: i32) -> (i32, i32) {
    %c0_i32 = arith.constant 0 : i32
    %c0_i32_0 = arith.constant 0 : i32
    %c0_i32_1 = arith.constant 0 : i32
    return %c0_i32, %c0_i32_0 : i32, i32
  }
  func.func @transform_5(%arg0: i32) -> (i32, i32) {
    %c0_i32 = arith.constant 0 : i32
    %c0_i32_0 = arith.constant 0 : i32
    return %arg0, %c0_i32 : i32, i32
  }
  func.func @transform_6(%arg0: i32) -> (i32, i32) {
    %c0_i32 = arith.constant 0 : i32
    %c0_i32_0 = arith.constant 0 : i32
    return %arg0, %c0_i32 : i32, i32
  }
  func.func @transform_7(%arg0: i32) -> (i32, i32) {
    %c0_i32 = arith.constant 0 : i32
    %c0_i32_0 = arith.constant 0 : i32
    return %arg0, %c0_i32 : i32, i32
  }
}

module attributes {stable_mosaic.version = 14 : i64} {
  func.func @_rbf_g_body(%arg0: i32, %arg1: memref<2048x1xf32, #tpu.memory_space<vmem>>, %arg2: memref<3x64x256xf32, #tpu.memory_space<vmem>>, %arg3: memref<2048x128xf32, #tpu.memory_space<vmem>>, %arg4: memref<2048x128xf32, #tpu.memory_space<vmem>>, %arg5: memref<2048x128xf32, #tpu.memory_space<vmem>>, %arg6: memref<2048x128xf32, #tpu.memory_space<vmem>>, %arg7: memref<2048x128xf32, #tpu.memory_space<vmem>>, %arg8: memref<2048x128xf32, #tpu.memory_space<vmem>>) attributes {dimension_semantics = [#tpu.dimension_semantics<arbitrary>], iteration_bounds = array<i64: 80>, scalar_prefetch = 0 : i64, scratch_operands = 0 : i64, tpu.core_type = #tpu.core_type<tc>, window_params = [{transform_indices = @transform_0, window_bounds = array<i64: 2048, 1>}, {pipeline_mode = #tpu.pipeline_mode<synchronous>, transform_indices = @transform_1, window_bounds = array<i64: 3, 64, 256>}, {transform_indices = @transform_2, window_bounds = array<i64: 2048, 128>}, {transform_indices = @transform_3, window_bounds = array<i64: 2048, 128>}, {transform_indices = @transform_4, window_bounds = array<i64: 2048, 128>}, {transform_indices = @transform_5, window_bounds = array<i64: 2048, 128>}, {transform_indices = @transform_6, window_bounds = array<i64: 2048, 128>}, {transform_indices = @transform_7, window_bounds = array<i64: 2048, 128>}]} {
    %get3A = arith.constant 0 : index
    %get3A_0 = arith.constant 0 : index
    %get3A_1 = vector.load %arg1[%get3A, %get3A_0] : memref<2048x1xf32, #tpu.memory_space<vmem>>, vector<2048x1xf32>
    %max3A = arith.constant 0.000000e+00 : f32
    %max3A_2 = vector.broadcast %max3A : f32 to vector<2048x1xf32>
    %max3A_3 = arith.maximumf %get3A_1, %max3A_2 : vector<2048x1xf32>
    %sqrt3A = math.sqrt %max3A_3 : vector<2048x1xf32>
    %iota3A = tpu.iota {dimensions = array<i32: 0>} : vector<2048x1xi32>
    %mul3A = arith.constant 2048 : i32
    %mul3A_4 = arith.muli %arg0, %mul3A : i32
    %add3A = vector.broadcast %mul3A_4 : i32 to vector<2048x1xi32>
    %add3A_5 = arith.addi %iota3A, %add3A : vector<2048x1xi32>
    %mul3A_6 = arith.constant 1.000000e-01 : f32
    %mul3A_7 = vector.broadcast %mul3A_6 : f32 to vector<2048x1xf32>
    %mul3A_8 = arith.mulf %sqrt3A, %mul3A_7 : vector<2048x1xf32>
    %mul3A_9 = arith.mulf %mul3A_8, %mul3A_8 : vector<2048x1xf32>
    %mul3A_10 = arith.mulf %mul3A_9, %mul3A_8 : vector<2048x1xf32>
    %mul3A_11 = arith.mulf %mul3A_10, %mul3A_8 : vector<2048x1xf32>
    %mul3A_12 = arith.mulf %mul3A_11, %mul3A_8 : vector<2048x1xf32>
    %mul3A_13 = arith.constant 6.000000e+00 : f32
    %mul3A_14 = vector.broadcast %mul3A_13 : f32 to vector<2048x1xf32>
    %mul3A_15 = arith.mulf %mul3A_14, %mul3A_12 : vector<2048x1xf32>
    %sub3A = arith.constant 1.000000e+00 : f32
    %sub3A_16 = vector.broadcast %sub3A : f32 to vector<2048x1xf32>
    %sub3A_17 = arith.subf %sub3A_16, %mul3A_15 : vector<2048x1xf32>
    %mul3A_18 = arith.constant 1.500000e+01 : f32
    %mul3A_19 = vector.broadcast %mul3A_18 : f32 to vector<2048x1xf32>
    %mul3A_20 = arith.mulf %mul3A_19, %mul3A_11 : vector<2048x1xf32>
    %add3A_21 = arith.addf %sub3A_17, %mul3A_20 : vector<2048x1xf32>
    %mul3A_22 = arith.constant 1.000000e+01 : f32
    %mul3A_23 = vector.broadcast %mul3A_22 : f32 to vector<2048x1xf32>
    %mul3A_24 = arith.mulf %mul3A_23, %mul3A_10 : vector<2048x1xf32>
    %sub3A_25 = arith.subf %add3A_21, %mul3A_24 : vector<2048x1xf32>
    %lt3A = arith.constant 160000 : i32
    %lt3A_26 = vector.broadcast %lt3A : i32 to vector<2048x1xi32>
    %lt3A_27 = arith.cmpi slt, %add3A_5, %lt3A_26 : vector<2048x1xi32>
    %lt3A_28 = arith.constant 1.000000e+00 : f32
    %lt3A_29 = vector.broadcast %lt3A_28 : f32 to vector<2048x1xf32>
    %lt3A_30 = arith.cmpf olt, %mul3A_8, %lt3A_29 : vector<2048x1xf32>
    %and3A = arith.andi %lt3A_27, %lt3A_30 : vector<2048x1xi1>
    %jit3A = arith.constant 0.000000e+00 : f32
    %broadcast_in_dim3A = vector.broadcast %jit3A : f32 to vector<2048x1xf32>
    %select_n3A = arith.select %and3A, %sub3A_25, %broadcast_in_dim3A : vector<2048x1xi1>, vector<2048x1xf32>
    %iota3A_31 = tpu.iota {dimensions = array<i32: 1>} : vector<2048x64xi32>
    %convert_element_type3A = arith.sitofp %iota3A_31 : vector<2048x64xi32> to vector<2048x64xf32>
    %mul3A_32 = arith.constant -0.0158722959 : f32
    %mul3A_33 = vector.broadcast %mul3A_32 : f32 to vector<2048x64xf32>
    %mul3A_34 = arith.mulf %mul3A_33, %convert_element_type3A : vector<2048x64xf32>
    %add3A_35 = arith.constant 1.000000e+00 : f32
    %add3A_36 = vector.broadcast %add3A_35 : f32 to vector<2048x64xf32>
    %add3A_37 = arith.addf %add3A_36, %mul3A_34 : vector<2048x64xf32>
    %neg3A = arith.constant 0.000000e+00 : f32
    %neg3A_38 = vector.broadcast %neg3A : f32 to vector<2048x1xf32>
    %neg3A_39 = arith.subf %neg3A_38, %sqrt3A : vector<2048x1xf32>
    %exp3A = math.exp %neg3A_39 : vector<2048x1xf32>
    %sub3A_40 = vector.broadcast %exp3A : vector<2048x1xf32> to vector<2048x64xf32>
    %sub3A_41 = arith.subf %sub3A_40, %add3A_37 : vector<2048x64xf32>
    %mul3A_42 = arith.mulf %sub3A_41, %sub3A_41 : vector<2048x64xf32>
    %mul3A_43 = arith.constant -1024.09302 : f32
    %mul3A_44 = vector.broadcast %mul3A_43 : f32 to vector<2048x64xf32>
    %mul3A_45 = arith.mulf %mul3A_44, %mul3A_42 : vector<2048x64xf32>
    %exp3A_46 = math.exp %mul3A_45 : vector<2048x64xf32>
    %mul3A_47 = vector.broadcast %select_n3A : vector<2048x1xf32> to vector<2048x64xf32>
    %mul3A_48 = arith.mulf %mul3A_47, %exp3A_46 : vector<2048x64xf32>
    %get3A_49 = arith.constant 0 : index
    %get3A_50 = arith.constant 0 : index
    %get3A_51 = arith.constant 0 : index
    %get3A_52 = vector.load %arg2[%get3A_49, %get3A_50, %get3A_51] : memref<3x64x256xf32, #tpu.memory_space<vmem>>, vector<1x64x256xf32>
    %get3A_53 = vector.shape_cast %get3A_52 : vector<1x64x256xf32> to vector<64x256xf32>
    %dot_general3A = arith.constant dense<0.000000e+00> : vector<2048x256xf32>
    %dot_general3A_54 = tpu.matmul %mul3A_48, %get3A_53, %dot_general3A {dimension_numbers = #tpu.dot_dimension_numbers<[1], [0], [0], [1], [0, 0, 1, 1], [], []>, transpose_lhs_hint = false} : vector<2048x64xf32>, vector<64x256xf32>, vector<2048x256xf32> -> vector<2048x256xf32>
    %slice3A = vector.extract_strided_slice %dot_general3A_54 {offsets = [0, 0], sizes = [2048, 128], strides = [1, 1]} : vector<2048x256xf32> to vector<2048x128xf32>
    %swap3A = arith.constant 0 : index
    %swap3A_55 = arith.constant 0 : index
    %swap3A_56 = vector.load %arg3[%swap3A, %swap3A_55] : memref<2048x128xf32, #tpu.memory_space<vmem>>, vector<2048x128xf32>
    tpu.vector_store %arg3[%swap3A, %swap3A_55], %slice3A {strides = array<i32>} : memref<2048x128xf32, #tpu.memory_space<vmem>>, vector<2048x128xf32>,
    %slice3A_57 = vector.extract_strided_slice %dot_general3A_54 {offsets = [0, 128], sizes = [2048, 128], strides = [1, 1]} : vector<2048x256xf32> to vector<2048x128xf32>
    %swap3A_58 = arith.constant 0 : index
    %swap3A_59 = arith.constant 0 : index
    %swap3A_60 = vector.load %arg4[%swap3A_58, %swap3A_59] : memref<2048x128xf32, #tpu.memory_space<vmem>>, vector<2048x128xf32>
    tpu.vector_store %arg4[%swap3A_58, %swap3A_59], %slice3A_57 {strides = array<i32>} : memref<2048x128xf32, #tpu.memory_space<vmem>>, vector<2048x128xf32>,
    %get3A_61 = arith.constant 1 : index
    %get3A_62 = arith.constant 0 : index
    %get3A_63 = arith.constant 0 : index
    %get3A_64 = vector.load %arg2[%get3A_61, %get3A_62, %get3A_63] : memref<3x64x256xf32, #tpu.memory_space<vmem>>, vector<1x64x256xf32>
    %get3A_65 = vector.shape_cast %get3A_64 : vector<1x64x256xf32> to vector<64x256xf32>
    %dot_general3A_66 = arith.constant dense<0.000000e+00> : vector<2048x256xf32>
    %dot_general3A_67 = tpu.matmul %mul3A_48, %get3A_65, %dot_general3A_66 {dimension_numbers = #tpu.dot_dimension_numbers<[1], [0], [0], [1], [0, 0, 1, 1], [], []>, transpose_lhs_hint = false} : vector<2048x64xf32>, vector<64x256xf32>, vector<2048x256xf32> -> vector<2048x256xf32>
    %slice3A_68 = vector.extract_strided_slice %dot_general3A_67 {offsets = [0, 0], sizes = [2048, 128], strides = [1, 1]} : vector<2048x256xf32> to vector<2048x128xf32>
    %swap3A_69 = arith.constant 0 : index
    %swap3A_70 = arith.constant 0 : index
    %swap3A_71 = vector.load %arg5[%swap3A_69, %swap3A_70] : memref<2048x128xf32, #tpu.memory_space<vmem>>, vector<2048x128xf32>
    tpu.vector_store %arg5[%swap3A_69, %swap3A_70], %slice3A_68 {strides = array<i32>} : memref<2048x128xf32, #tpu.memory_space<vmem>>, vector<2048x128xf32>,
    %slice3A_72 = vector.extract_strided_slice %dot_general3A_67 {offsets = [0, 128], sizes = [2048, 128], strides = [1, 1]} : vector<2048x256xf32> to vector<2048x128xf32>
    %swap3A_73 = arith.constant 0 : index
    %swap3A_74 = arith.constant 0 : index
    %swap3A_75 = vector.load %arg6[%swap3A_73, %swap3A_74] : memref<2048x128xf32, #tpu.memory_space<vmem>>, vector<2048x128xf32>
    tpu.vector_store %arg6[%swap3A_73, %swap3A_74], %slice3A_72 {strides = array<i32>} : memref<2048x128xf32, #tpu.memory_space<vmem>>, vector<2048x128xf32>,
    %get3A_76 = arith.constant 2 : index
    %get3A_77 = arith.constant 0 : index
    %get3A_78 = arith.constant 0 : index
    %get3A_79 = vector.load %arg2[%get3A_76, %get3A_77, %get3A_78] : memref<3x64x256xf32, #tpu.memory_space<vmem>>, vector<1x64x256xf32>
    %get3A_80 = vector.shape_cast %get3A_79 : vector<1x64x256xf32> to vector<64x256xf32>
    %dot_general3A_81 = arith.constant dense<0.000000e+00> : vector<2048x256xf32>
    %dot_general3A_82 = tpu.matmul %mul3A_48, %get3A_80, %dot_general3A_81 {dimension_numbers = #tpu.dot_dimension_numbers<[1], [0], [0], [1], [0, 0, 1, 1], [], []>, transpose_lhs_hint = false} : vector<2048x64xf32>, vector<64x256xf32>, vector<2048x256xf32> -> vector<2048x256xf32>
    %slice3A_83 = vector.extract_strided_slice %dot_general3A_82 {offsets = [0, 0], sizes = [2048, 128], strides = [1, 1]} : vector<2048x256xf32> to vector<2048x128xf32>
    %swap3A_84 = arith.constant 0 : index
    %swap3A_85 = arith.constant 0 : index
    %swap3A_86 = vector.load %arg7[%swap3A_84, %swap3A_85] : memref<2048x128xf32, #tpu.memory_space<vmem>>, vector<2048x128xf32>
    tpu.vector_store %arg7[%swap3A_84, %swap3A_85], %slice3A_83 {strides = array<i32>} : memref<2048x128xf32, #tpu.memory_space<vmem>>, vector<2048x128xf32>,
    %slice3A_87 = vector.extract_strided_slice %dot_general3A_82 {offsets = [0, 128], sizes = [2048, 128], strides = [1, 1]} : vector<2048x256xf32> to vector<2048x128xf32>
    %swap3A_88 = arith.constant 0 : index
    %swap3A_89 = arith.constant 0 : index
    %swap3A_90 = vector.load %arg8[%swap3A_88, %swap3A_89] : memref<2048x128xf32, #tpu.memory_space<vmem>>, vector<2048x128xf32>
    tpu.vector_store %arg8[%swap3A_88, %swap3A_89], %slice3A_87 {strides = array<i32>} : memref<2048x128xf32, #tpu.memory_space<vmem>>, vector<2048x128xf32>,
    return
  }
  func.func @transform_0(%arg0: i32) -> (i32, i32) {
    %c0_i32 = arith.constant 0 : i32
    %c0_i32_0 = arith.constant 0 : i32
    return %arg0, %c0_i32 : i32, i32
  }
  func.func @transform_1(%arg0: i32) -> (i32, i32, i32) {
    %c0_i32 = arith.constant 0 : i32
    %c0_i32_0 = arith.constant 0 : i32
    %c0_i32_1 = arith.constant 0 : i32
    %c0_i32_2 = arith.constant 0 : i32
    return %c0_i32, %c0_i32_0, %c0_i32_1 : i32, i32, i32
  }
  func.func @transform_2(%arg0: i32) -> (i32, i32) {
    %c0_i32 = arith.constant 0 : i32
    %c0_i32_0 = arith.constant 0 : i32
    return %arg0, %c0_i32 : i32, i32
  }
  func.func @transform_3(%arg0: i32) -> (i32, i32) {
    %c0_i32 = arith.constant 0 : i32
    %c0_i32_0 = arith.constant 0 : i32
    return %arg0, %c0_i32 : i32, i32
  }
  func.func @transform_4(%arg0: i32) -> (i32, i32) {
    %c0_i32 = arith.constant 0 : i32
    %c0_i32_0 = arith.constant 0 : i32
    return %arg0, %c0_i32 : i32, i32
  }
  func.func @transform_5(%arg0: i32) -> (i32, i32) {
    %c0_i32 = arith.constant 0 : i32
    %c0_i32_0 = arith.constant 0 : i32
    return %arg0, %c0_i32 : i32, i32
  }
  func.func @transform_6(%arg0: i32) -> (i32, i32) {
    %c0_i32 = arith.constant 0 : i32
    %c0_i32_0 = arith.constant 0 : i32
    return %arg0, %c0_i32 : i32, i32
  }
  func.func @transform_7(%arg0: i32) -> (i32, i32) {
    %c0_i32 = arith.constant 0 : i32
    %c0_i32_0 = arith.constant 0 : i32
    return %arg0, %c0_i32 : i32, i32
  }
}

module attributes {stable_mosaic.version = 14 : i64} {
  func.func @_block_body(%arg0: i32, %arg1: memref<2000x256xf32, #tpu.memory_space<vmem>>, %arg2: memref<2000x128xf32, #tpu.memory_space<vmem>>, %arg3: memref<2000x128xf32, #tpu.memory_space<vmem>>, %arg4: memref<2000x256xf32, #tpu.memory_space<vmem>>, %arg5: memref<5x256x256xf32, #tpu.memory_space<vmem>>, %arg6: memref<5x1x256xf32, #tpu.memory_space<vmem>>, %arg7: memref<5x256x256xf32, #tpu.memory_space<vmem>>, %arg8: memref<5x1x256xf32, #tpu.memory_space<vmem>>, %arg9: memref<256x256xf32, #tpu.memory_space<vmem>>, %arg10: memref<1x256xf32, #tpu.memory_space<vmem>>, %arg11: memref<1x256xf32, #tpu.memory_space<vmem>>, %arg12: memref<256x2xf32, #tpu.memory_space<vmem>>, %arg13: memref<2000x256xf32, #tpu.memory_space<vmem>>, %arg14: memref<2000x2xf32, #tpu.memory_space<vmem>>) attributes {dimension_semantics = [#tpu.dimension_semantics<arbitrary>], iteration_bounds = array<i64: 5>, scalar_prefetch = 0 : i64, scratch_operands = 0 : i64, tpu.core_type = #tpu.core_type<tc>, window_params = [{transform_indices = @transform_0, window_bounds = array<i64: 2000, 256>}, {transform_indices = @transform_1, window_bounds = array<i64: 2000, 128>}, {transform_indices = @transform_2, window_bounds = array<i64: 2000, 128>}, {transform_indices = @transform_3, window_bounds = array<i64: 2000, 256>}, {pipeline_mode = #tpu.pipeline_mode<synchronous>, transform_indices = @transform_4, window_bounds = array<i64: 5, 256, 256>}, {pipeline_mode = #tpu.pipeline_mode<synchronous>, transform_indices = @transform_5, window_bounds = array<i64: 5, 1, 256>}, {pipeline_mode = #tpu.pipeline_mode<synchronous>, transform_indices = @transform_6, window_bounds = array<i64: 5, 256, 256>}, {pipeline_mode = #tpu.pipeline_mode<synchronous>, transform_indices = @transform_7, window_bounds = array<i64: 5, 1, 256>}, {pipeline_mode = #tpu.pipeline_mode<synchronous>, transform_indices = @transform_8, window_bounds = array<i64: 256, 256>}, {pipeline_mode = #tpu.pipeline_mode<synchronous>, transform_indices = @transform_9, window_bounds = array<i64: 1, 256>}, {pipeline_mode = #tpu.pipeline_mode<synchronous>, transform_indices = @transform_10, window_bounds = array<i64: 1, 256>}, {pipeline_mode = #tpu.pipeline_mode<synchronous>, transform_indices = @transform_11, window_bounds = array<i64: 256, 2>}, {transform_indices = @transform_12, window_bounds = array<i64: 2000, 256>}, {transform_indices = @transform_13, window_bounds = array<i64: 2000, 2>}]} {
    %get3A = arith.constant 0 : index
    %get3A_0 = arith.constant 0 : index
    %get3A_1 = vector.load %arg1[%get3A, %get3A_0] : memref<2000x256xf32, #tpu.memory_space<vmem>>, vector<2000x256xf32>
    %get3A_2 = arith.constant 0 : index
    %get3A_3 = arith.constant 0 : index
    %get3A_4 = vector.load %arg2[%get3A_2, %get3A_3] : memref<2000x128xf32, #tpu.memory_space<vmem>>, vector<2000x128xf32>
    %get3A_5 = arith.constant 0 : index
    %get3A_6 = arith.constant 0 : index
    %get3A_7 = vector.load %arg3[%get3A_5, %get3A_6] : memref<2000x128xf32, #tpu.memory_space<vmem>>, vector<2000x128xf32>
    %concatenate3A = tpu.concatenate %get3A_4, %get3A_7 in 1 : vector<2000x128xf32>, vector<2000x128xf32> -> vector<2000x256xf32>
    %add3A = arith.addf %get3A_1, %concatenate3A : vector<2000x256xf32>
    %custom_jvp_call3A = arith.constant 0.000000e+00 : f32
    %max3A = vector.broadcast %custom_jvp_call3A : f32 to vector<2000x256xf32>
    %max3A_8 = arith.maximumf %add3A, %max3A : vector<2000x256xf32>
    %sub3A = vector.broadcast %custom_jvp_call3A : f32 to vector<2000x256xf32>
    %sub3A_9 = arith.subf %add3A, %sub3A : vector<2000x256xf32>
    %ne3A = arith.cmpf one, %sub3A_9, %sub3A_9 : vector<2000x256xf32>
    %add3A_10 = vector.broadcast %custom_jvp_call3A : f32 to vector<2000x256xf32>
    %add3A_11 = arith.addf %add3A, %add3A_10 : vector<2000x256xf32>
    %abs3A = math.absf %sub3A_9 : vector<2000x256xf32>
    %neg3A = arith.constant 0.000000e+00 : f32
    %neg3A_12 = vector.broadcast %neg3A : f32 to vector<2000x256xf32>
    %neg3A_13 = arith.subf %neg3A_12, %abs3A : vector<2000x256xf32>
    %exp3A = math.exp %neg3A_13 : vector<2000x256xf32>
    %log1p3A = math.log1p %exp3A : vector<2000x256xf32>
    %add3A_14 = arith.addf %max3A_8, %log1p3A : vector<2000x256xf32>
    %select_n3A = arith.select %ne3A, %add3A_11, %add3A_14 : vector<2000x256xi1>, vector<2000x256xf32>
    %log3A = arith.constant 2.000000e+00 : f32
    %log3A_15 = math.log %log3A : f32
    %sub3A_16 = vector.broadcast %log3A_15 : f32 to vector<2000x256xf32>
    %sub3A_17 = arith.subf %select_n3A, %sub3A_16 : vector<2000x256xf32>
    %get3A_18 = arith.constant 0 : index
    %get3A_19 = arith.constant 0 : index
    %get3A_20 = arith.constant 0 : index
    %get3A_21 = vector.load %arg5[%get3A_18, %get3A_19, %get3A_20] : memref<5x256x256xf32, #tpu.memory_space<vmem>>, vector<1x256x256xf32>
    %get3A_22 = vector.shape_cast %get3A_21 : vector<1x256x256xf32> to vector<256x256xf32>
    %dot_general3A = arith.constant dense<0.000000e+00> : vector<2000x256xf32>
    %dot_general3A_23 = tpu.matmul %sub3A_17, %get3A_22, %dot_general3A {dimension_numbers = #tpu.dot_dimension_numbers<[1], [0], [0], [1], [0, 0, 1, 1], [], []>, transpose_lhs_hint = false} : vector<2000x256xf32>, vector<256x256xf32>, vector<2000x256xf32> -> vector<2000x256xf32>
    %get3A_24 = arith.constant 0 : index
    %get3A_25 = arith.constant 0 : index
    %get3A_26 = arith.constant 0 : index
    %get3A_27 = vector.load %arg6[%get3A_24, %get3A_25, %get3A_26] : memref<5x1x256xf32, #tpu.memory_space<vmem>>, vector<1x1x256xf32>
    %get3A_28 = vector.shape_cast %get3A_27 : vector<1x1x256xf32> to vector<1x256xf32>
    %add3A_29 = vector.broadcast %get3A_28 : vector<1x256xf32> to vector<2000x256xf32>
    %add3A_30 = arith.addf %dot_general3A_23, %add3A_29 : vector<2000x256xf32>
    %get3A_31 = arith.constant 0 : index
    %get3A_32 = arith.constant 0 : index
    %get3A_33 = arith.constant 0 : index
    %get3A_34 = vector.load %arg7[%get3A_31, %get3A_32, %get3A_33] : memref<5x256x256xf32, #tpu.memory_space<vmem>>, vector<1x256x256xf32>
    %get3A_35 = vector.shape_cast %get3A_34 : vector<1x256x256xf32> to vector<256x256xf32>
    %dot_general3A_36 = arith.constant dense<0.000000e+00> : vector<2000x256xf32>
    %dot_general3A_37 = tpu.matmul %add3A_30, %get3A_35, %dot_general3A_36 {dimension_numbers = #tpu.dot_dimension_numbers<[1], [0], [0], [1], [0, 0, 1, 1], [], []>, transpose_lhs_hint = false} : vector<2000x256xf32>, vector<256x256xf32>, vector<2000x256xf32> -> vector<2000x256xf32>
    %add3A_38 = arith.addf %add3A, %dot_general3A_37 : vector<2000x256xf32>
    %get3A_39 = arith.constant 0 : index
    %get3A_40 = arith.constant 0 : index
    %get3A_41 = arith.constant 0 : index
    %get3A_42 = vector.load %arg8[%get3A_39, %get3A_40, %get3A_41] : memref<5x1x256xf32, #tpu.memory_space<vmem>>, vector<1x1x256xf32>
    %get3A_43 = vector.shape_cast %get3A_42 : vector<1x1x256xf32> to vector<1x256xf32>
    %add3A_44 = vector.broadcast %get3A_43 : vector<1x256xf32> to vector<2000x256xf32>
    %add3A_45 = arith.addf %add3A_38, %add3A_44 : vector<2000x256xf32>
    %custom_jvp_call3A_46 = arith.constant 0.000000e+00 : f32
    %max3A_47 = vector.broadcast %custom_jvp_call3A_46 : f32 to vector<2000x256xf32>
    %max3A_48 = arith.maximumf %add3A_45, %max3A_47 : vector<2000x256xf32>
    %sub3A_49 = vector.broadcast %custom_jvp_call3A_46 : f32 to vector<2000x256xf32>
    %sub3A_50 = arith.subf %add3A_45, %sub3A_49 : vector<2000x256xf32>
    %ne3A_51 = arith.cmpf one, %sub3A_50, %sub3A_50 : vector<2000x256xf32>
    %add3A_52 = vector.broadcast %custom_jvp_call3A_46 : f32 to vector<2000x256xf32>
    %add3A_53 = arith.addf %add3A_45, %add3A_52 : vector<2000x256xf32>
    %abs3A_54 = math.absf %sub3A_50 : vector<2000x256xf32>
    %neg3A_55 = arith.constant 0.000000e+00 : f32
    %neg3A_56 = vector.broadcast %neg3A_55 : f32 to vector<2000x256xf32>
    %neg3A_57 = arith.subf %neg3A_56, %abs3A_54 : vector<2000x256xf32>
    %exp3A_58 = math.exp %neg3A_57 : vector<2000x256xf32>
    %log1p3A_59 = math.log1p %exp3A_58 : vector<2000x256xf32>
    %add3A_60 = arith.addf %max3A_48, %log1p3A_59 : vector<2000x256xf32>
    %select_n3A_61 = arith.select %ne3A_51, %add3A_53, %add3A_60 : vector<2000x256xi1>, vector<2000x256xf32>
    %log3A_62 = arith.constant 2.000000e+00 : f32
    %log3A_63 = math.log %log3A_62 : f32
    %sub3A_64 = vector.broadcast %log3A_63 : f32 to vector<2000x256xf32>
    %sub3A_65 = arith.subf %select_n3A_61, %sub3A_64 : vector<2000x256xf32>
    %get3A_66 = arith.constant 1 : index
    %get3A_67 = arith.constant 0 : index
    %get3A_68 = arith.constant 0 : index
    %get3A_69 = vector.load %arg5[%get3A_66, %get3A_67, %get3A_68] : memref<5x256x256xf32, #tpu.memory_space<vmem>>, vector<1x256x256xf32>
    %get3A_70 = vector.shape_cast %get3A_69 : vector<1x256x256xf32> to vector<256x256xf32>
    %dot_general3A_71 = arith.constant dense<0.000000e+00> : vector<2000x256xf32>
    %dot_general3A_72 = tpu.matmul %sub3A_65, %get3A_70, %dot_general3A_71 {dimension_numbers = #tpu.dot_dimension_numbers<[1], [0], [0], [1], [0, 0, 1, 1], [], []>, transpose_lhs_hint = false} : vector<2000x256xf32>, vector<256x256xf32>, vector<2000x256xf32> -> vector<2000x256xf32>
    %get3A_73 = arith.constant 1 : index
    %get3A_74 = arith.constant 0 : index
    %get3A_75 = arith.constant 0 : index
    %get3A_76 = vector.load %arg6[%get3A_73, %get3A_74, %get3A_75] : memref<5x1x256xf32, #tpu.memory_space<vmem>>, vector<1x1x256xf32>
    %get3A_77 = vector.shape_cast %get3A_76 : vector<1x1x256xf32> to vector<1x256xf32>
    %add3A_78 = vector.broadcast %get3A_77 : vector<1x256xf32> to vector<2000x256xf32>
    %add3A_79 = arith.addf %dot_general3A_72, %add3A_78 : vector<2000x256xf32>
    %get3A_80 = arith.constant 1 : index
    %get3A_81 = arith.constant 0 : index
    %get3A_82 = arith.constant 0 : index
    %get3A_83 = vector.load %arg7[%get3A_80, %get3A_81, %get3A_82] : memref<5x256x256xf32, #tpu.memory_space<vmem>>, vector<1x256x256xf32>
    %get3A_84 = vector.shape_cast %get3A_83 : vector<1x256x256xf32> to vector<256x256xf32>
    %dot_general3A_85 = arith.constant dense<0.000000e+00> : vector<2000x256xf32>
    %dot_general3A_86 = tpu.matmul %add3A_79, %get3A_84, %dot_general3A_85 {dimension_numbers = #tpu.dot_dimension_numbers<[1], [0], [0], [1], [0, 0, 1, 1], [], []>, transpose_lhs_hint = false} : vector<2000x256xf32>, vector<256x256xf32>, vector<2000x256xf32> -> vector<2000x256xf32>
    %add3A_87 = arith.addf %add3A_45, %dot_general3A_86 : vector<2000x256xf32>
    %get3A_88 = arith.constant 1 : index
    %get3A_89 = arith.constant 0 : index
    %get3A_90 = arith.constant 0 : index
    %get3A_91 = vector.load %arg8[%get3A_88, %get3A_89, %get3A_90] : memref<5x1x256xf32, #tpu.memory_space<vmem>>, vector<1x1x256xf32>
    %get3A_92 = vector.shape_cast %get3A_91 : vector<1x1x256xf32> to vector<1x256xf32>
    %add3A_93 = vector.broadcast %get3A_92 : vector<1x256xf32> to vector<2000x256xf32>
    %add3A_94 = arith.addf %add3A_87, %add3A_93 : vector<2000x256xf32>
    %custom_jvp_call3A_95 = arith.constant 0.000000e+00 : f32
    %max3A_96 = vector.broadcast %custom_jvp_call3A_95 : f32 to vector<2000x256xf32>
    %max3A_97 = arith.maximumf %add3A_94, %max3A_96 : vector<2000x256xf32>
    %sub3A_98 = vector.broadcast %custom_jvp_call3A_95 : f32 to vector<2000x256xf32>
    %sub3A_99 = arith.subf %add3A_94, %sub3A_98 : vector<2000x256xf32>
    %ne3A_100 = arith.cmpf one, %sub3A_99, %sub3A_99 : vector<2000x256xf32>
    %add3A_101 = vector.broadcast %custom_jvp_call3A_95 : f32 to vector<2000x256xf32>
    %add3A_102 = arith.addf %add3A_94, %add3A_101 : vector<2000x256xf32>
    %abs3A_103 = math.absf %sub3A_99 : vector<2000x256xf32>
    %neg3A_104 = arith.constant 0.000000e+00 : f32
    %neg3A_105 = vector.broadcast %neg3A_104 : f32 to vector<2000x256xf32>
    %neg3A_106 = arith.subf %neg3A_105, %abs3A_103 : vector<2000x256xf32>
    %exp3A_107 = math.exp %neg3A_106 : vector<2000x256xf32>
    %log1p3A_108 = math.log1p %exp3A_107 : vector<2000x256xf32>
    %add3A_109 = arith.addf %max3A_97, %log1p3A_108 : vector<2000x256xf32>
    %select_n3A_110 = arith.select %ne3A_100, %add3A_102, %add3A_109 : vector<2000x256xi1>, vector<2000x256xf32>
    %log3A_111 = arith.constant 2.000000e+00 : f32
    %log3A_112 = math.log %log3A_111 : f32
    %sub3A_113 = vector.broadcast %log3A_112 : f32 to vector<2000x256xf32>
    %sub3A_114 = arith.subf %select_n3A_110, %sub3A_113 : vector<2000x256xf32>
    %get3A_115 = arith.constant 0 : index
    %get3A_116 = arith.constant 0 : index
    %get3A_117 = vector.load %arg11[%get3A_115, %get3A_116] : memref<1x256xf32, #tpu.memory_space<vmem>>, vector<1x256xf32>
    %get3A_118 = arith.constant 0 : index
    %get3A_119 = arith.constant 0 : index
    %get3A_120 = vector.load %arg4[%get3A_118, %get3A_119] : memref<2000x256xf32, #tpu.memory_space<vmem>>, vector<2000x256xf32>
    %mul3A = vector.broadcast %get3A_117 : vector<1x256xf32> to vector<2000x256xf32>
    %mul3A_121 = arith.mulf %mul3A, %get3A_120 : vector<2000x256xf32>
    %get3A_122 = arith.constant 0 : index
    %get3A_123 = arith.constant 0 : index
    %get3A_124 = vector.load %arg9[%get3A_122, %get3A_123] : memref<256x256xf32, #tpu.memory_space<vmem>>, vector<256x256xf32>
    %dot_general3A_125 = arith.constant dense<0.000000e+00> : vector<2000x256xf32>
    %dot_general3A_126 = tpu.matmul %sub3A_114, %get3A_124, %dot_general3A_125 {dimension_numbers = #tpu.dot_dimension_numbers<[1], [0], [0], [1], [0, 0, 1, 1], [], []>, transpose_lhs_hint = false} : vector<2000x256xf32>, vector<256x256xf32>, vector<2000x256xf32> -> vector<2000x256xf32>
    %add3A_127 = arith.addf %mul3A_121, %dot_general3A_126 : vector<2000x256xf32>
    %get3A_128 = arith.constant 0 : index
    %get3A_129 = arith.constant 0 : index
    %get3A_130 = vector.load %arg10[%get3A_128, %get3A_129] : memref<1x256xf32, #tpu.memory_space<vmem>>, vector<1x256xf32>
    %add3A_131 = vector.broadcast %get3A_130 : vector<1x256xf32> to vector<2000x256xf32>
    %add3A_132 = arith.addf %add3A_127, %add3A_131 : vector<2000x256xf32>
    %custom_jvp_call3A_133 = arith.constant 0.000000e+00 : f32
    %max3A_134 = vector.broadcast %custom_jvp_call3A_133 : f32 to vector<2000x256xf32>
    %max3A_135 = arith.maximumf %add3A_132, %max3A_134 : vector<2000x256xf32>
    %sub3A_136 = vector.broadcast %custom_jvp_call3A_133 : f32 to vector<2000x256xf32>
    %sub3A_137 = arith.subf %add3A_132, %sub3A_136 : vector<2000x256xf32>
    %ne3A_138 = arith.cmpf one, %sub3A_137, %sub3A_137 : vector<2000x256xf32>
    %add3A_139 = vector.broadcast %custom_jvp_call3A_133 : f32 to vector<2000x256xf32>
    %add3A_140 = arith.addf %add3A_132, %add3A_139 : vector<2000x256xf32>
    %abs3A_141 = math.absf %sub3A_137 : vector<2000x256xf32>
    %neg3A_142 = arith.constant 0.000000e+00 : f32
    %neg3A_143 = vector.broadcast %neg3A_142 : f32 to vector<2000x256xf32>
    %neg3A_144 = arith.subf %neg3A_143, %abs3A_141 : vector<2000x256xf32>
    %exp3A_145 = math.exp %neg3A_144 : vector<2000x256xf32>
    %log1p3A_146 = math.log1p %exp3A_145 : vector<2000x256xf32>
    %add3A_147 = arith.addf %max3A_135, %log1p3A_146 : vector<2000x256xf32>
    %select_n3A_148 = arith.select %ne3A_138, %add3A_140, %add3A_147 : vector<2000x256xi1>, vector<2000x256xf32>
    %log3A_149 = arith.constant 2.000000e+00 : f32
    %log3A_150 = math.log %log3A_149 : f32
    %sub3A_151 = vector.broadcast %log3A_150 : f32 to vector<2000x256xf32>
    %sub3A_152 = arith.subf %select_n3A_148, %sub3A_151 : vector<2000x256xf32>
    %get3A_153 = arith.constant 2 : index
    %get3A_154 = arith.constant 0 : index
    %get3A_155 = arith.constant 0 : index
    %get3A_156 = vector.load %arg5[%get3A_153, %get3A_154, %get3A_155] : memref<5x256x256xf32, #tpu.memory_space<vmem>>, vector<1x256x256xf32>
    %get3A_157 = vector.shape_cast %get3A_156 : vector<1x256x256xf32> to vector<256x256xf32>
    %dot_general3A_158 = arith.constant dense<0.000000e+00> : vector<2000x256xf32>
    %dot_general3A_159 = tpu.matmul %sub3A_152, %get3A_157, %dot_general3A_158 {dimension_numbers = #tpu.dot_dimension_numbers<[1], [0], [0], [1], [0, 0, 1, 1], [], []>, transpose_lhs_hint = false} : vector<2000x256xf32>, vector<256x256xf32>, vector<2000x256xf32> -> vector<2000x256xf32>
    %get3A_160 = arith.constant 2 : index
    %get3A_161 = arith.constant 0 : index
    %get3A_162 = arith.constant 0 : index
    %get3A_163 = vector.load %arg6[%get3A_160, %get3A_161, %get3A_162] : memref<5x1x256xf32, #tpu.memory_space<vmem>>, vector<1x1x256xf32>
    %get3A_164 = vector.shape_cast %get3A_163 : vector<1x1x256xf32> to vector<1x256xf32>
    %add3A_165 = vector.broadcast %get3A_164 : vector<1x256xf32> to vector<2000x256xf32>
    %add3A_166 = arith.addf %dot_general3A_159, %add3A_165 : vector<2000x256xf32>
    %get3A_167 = arith.constant 2 : index
    %get3A_168 = arith.constant 0 : index
    %get3A_169 = arith.constant 0 : index
    %get3A_170 = vector.load %arg7[%get3A_167, %get3A_168, %get3A_169] : memref<5x256x256xf32, #tpu.memory_space<vmem>>, vector<1x256x256xf32>
    %get3A_171 = vector.shape_cast %get3A_170 : vector<1x256x256xf32> to vector<256x256xf32>
    %dot_general3A_172 = arith.constant dense<0.000000e+00> : vector<2000x256xf32>
    %dot_general3A_173 = tpu.matmul %add3A_166, %get3A_171, %dot_general3A_172 {dimension_numbers = #tpu.dot_dimension_numbers<[1], [0], [0], [1], [0, 0, 1, 1], [], []>, transpose_lhs_hint = false} : vector<2000x256xf32>, vector<256x256xf32>, vector<2000x256xf32> -> vector<2000x256xf32>
    %add3A_174 = arith.addf %add3A_132, %dot_general3A_173 : vector<2000x256xf32>
    %get3A_175 = arith.constant 2 : index
    %get3A_176 = arith.constant 0 : index
    %get3A_177 = arith.constant 0 : index
    %get3A_178 = vector.load %arg8[%get3A_175, %get3A_176, %get3A_177] : memref<5x1x256xf32, #tpu.memory_space<vmem>>, vector<1x1x256xf32>
    %get3A_179 = vector.shape_cast %get3A_178 : vector<1x1x256xf32> to vector<1x256xf32>
    %add3A_180 = vector.broadcast %get3A_179 : vector<1x256xf32> to vector<2000x256xf32>
    %add3A_181 = arith.addf %add3A_174, %add3A_180 : vector<2000x256xf32>
    %custom_jvp_call3A_182 = arith.constant 0.000000e+00 : f32
    %max3A_183 = vector.broadcast %custom_jvp_call3A_182 : f32 to vector<2000x256xf32>
    %max3A_184 = arith.maximumf %add3A_181, %max3A_183 : vector<2000x256xf32>
    %sub3A_185 = vector.broadcast %custom_jvp_call3A_182 : f32 to vector<2000x256xf32>
    %sub3A_186 = arith.subf %add3A_181, %sub3A_185 : vector<2000x256xf32>
    %ne3A_187 = arith.cmpf one, %sub3A_186, %sub3A_186 : vector<2000x256xf32>
    %add3A_188 = vector.broadcast %custom_jvp_call3A_182 : f32 to vector<2000x256xf32>
    %add3A_189 = arith.addf %add3A_181, %add3A_188 : vector<2000x256xf32>
    %abs3A_190 = math.absf %sub3A_186 : vector<2000x256xf32>
    %neg3A_191 = arith.constant 0.000000e+00 : f32
    %neg3A_192 = vector.broadcast %neg3A_191 : f32 to vector<2000x256xf32>
    %neg3A_193 = arith.subf %neg3A_192, %abs3A_190 : vector<2000x256xf32>
    %exp3A_194 = math.exp %neg3A_193 : vector<2000x256xf32>
    %log1p3A_195 = math.log1p %exp3A_194 : vector<2000x256xf32>
    %add3A_196 = arith.addf %max3A_184, %log1p3A_195 : vector<2000x256xf32>
    %select_n3A_197 = arith.select %ne3A_187, %add3A_189, %add3A_196 : vector<2000x256xi1>, vector<2000x256xf32>
    %log3A_198 = arith.constant 2.000000e+00 : f32
    %log3A_199 = math.log %log3A_198 : f32
    %sub3A_200 = vector.broadcast %log3A_199 : f32 to vector<2000x256xf32>
    %sub3A_201 = arith.subf %select_n3A_197, %sub3A_200 : vector<2000x256xf32>
    %get3A_202 = arith.constant 3 : index
    %get3A_203 = arith.constant 0 : index
    %get3A_204 = arith.constant 0 : index
    %get3A_205 = vector.load %arg5[%get3A_202, %get3A_203, %get3A_204] : memref<5x256x256xf32, #tpu.memory_space<vmem>>, vector<1x256x256xf32>
    %get3A_206 = vector.shape_cast %get3A_205 : vector<1x256x256xf32> to vector<256x256xf32>
    %dot_general3A_207 = arith.constant dense<0.000000e+00> : vector<2000x256xf32>
    %dot_general3A_208 = tpu.matmul %sub3A_201, %get3A_206, %dot_general3A_207 {dimension_numbers = #tpu.dot_dimension_numbers<[1], [0], [0], [1], [0, 0, 1, 1], [], []>, transpose_lhs_hint = false} : vector<2000x256xf32>, vector<256x256xf32>, vector<2000x256xf32> -> vector<2000x256xf32>
    %get3A_209 = arith.constant 3 : index
    %get3A_210 = arith.constant 0 : index
    %get3A_211 = arith.constant 0 : index
    %get3A_212 = vector.load %arg6[%get3A_209, %get3A_210, %get3A_211] : memref<5x1x256xf32, #tpu.memory_space<vmem>>, vector<1x1x256xf32>
    %get3A_213 = vector.shape_cast %get3A_212 : vector<1x1x256xf32> to vector<1x256xf32>
    %add3A_214 = vector.broadcast %get3A_213 : vector<1x256xf32> to vector<2000x256xf32>
    %add3A_215 = arith.addf %dot_general3A_208, %add3A_214 : vector<2000x256xf32>
    %get3A_216 = arith.constant 3 : index
    %get3A_217 = arith.constant 0 : index
    %get3A_218 = arith.constant 0 : index
    %get3A_219 = vector.load %arg7[%get3A_216, %get3A_217, %get3A_218] : memref<5x256x256xf32, #tpu.memory_space<vmem>>, vector<1x256x256xf32>
    %get3A_220 = vector.shape_cast %get3A_219 : vector<1x256x256xf32> to vector<256x256xf32>
    %dot_general3A_221 = arith.constant dense<0.000000e+00> : vector<2000x256xf32>
    %dot_general3A_222 = tpu.matmul %add3A_215, %get3A_220, %dot_general3A_221 {dimension_numbers = #tpu.dot_dimension_numbers<[1], [0], [0], [1], [0, 0, 1, 1], [], []>, transpose_lhs_hint = false} : vector<2000x256xf32>, vector<256x256xf32>, vector<2000x256xf32> -> vector<2000x256xf32>
    %add3A_223 = arith.addf %add3A_181, %dot_general3A_222 : vector<2000x256xf32>
    %get3A_224 = arith.constant 3 : index
    %get3A_225 = arith.constant 0 : index
    %get3A_226 = arith.constant 0 : index
    %get3A_227 = vector.load %arg8[%get3A_224, %get3A_225, %get3A_226] : memref<5x1x256xf32, #tpu.memory_space<vmem>>, vector<1x1x256xf32>
    %get3A_228 = vector.shape_cast %get3A_227 : vector<1x1x256xf32> to vector<1x256xf32>
    %add3A_229 = vector.broadcast %get3A_228 : vector<1x256xf32> to vector<2000x256xf32>
    %add3A_230 = arith.addf %add3A_223, %add3A_229 : vector<2000x256xf32>
    %swap3A = arith.constant 0 : index
    %swap3A_231 = arith.constant 0 : index
    %swap3A_232 = vector.load %arg13[%swap3A, %swap3A_231] : memref<2000x256xf32, #tpu.memory_space<vmem>>, vector<2000x256xf32>
    tpu.vector_store %arg13[%swap3A, %swap3A_231], %add3A_230 {strides = array<i32>} : memref<2000x256xf32, #tpu.memory_space<vmem>>, vector<2000x256xf32>,
    %custom_jvp_call3A_233 = arith.constant 0.000000e+00 : f32
    %max3A_234 = vector.broadcast %custom_jvp_call3A_233 : f32 to vector<2000x256xf32>
    %max3A_235 = arith.maximumf %add3A_230, %max3A_234 : vector<2000x256xf32>
    %sub3A_236 = vector.broadcast %custom_jvp_call3A_233 : f32 to vector<2000x256xf32>
    %sub3A_237 = arith.subf %add3A_230, %sub3A_236 : vector<2000x256xf32>
    %ne3A_238 = arith.cmpf one, %sub3A_237, %sub3A_237 : vector<2000x256xf32>
    %add3A_239 = vector.broadcast %custom_jvp_call3A_233 : f32 to vector<2000x256xf32>
    %add3A_240 = arith.addf %add3A_230, %add3A_239 : vector<2000x256xf32>
    %abs3A_241 = math.absf %sub3A_237 : vector<2000x256xf32>
    %neg3A_242 = arith.constant 0.000000e+00 : f32
    %neg3A_243 = vector.broadcast %neg3A_242 : f32 to vector<2000x256xf32>
    %neg3A_244 = arith.subf %neg3A_243, %abs3A_241 : vector<2000x256xf32>
    %exp3A_245 = math.exp %neg3A_244 : vector<2000x256xf32>
    %log1p3A_246 = math.log1p %exp3A_245 : vector<2000x256xf32>
    %add3A_247 = arith.addf %max3A_235, %log1p3A_246 : vector<2000x256xf32>
    %select_n3A_248 = arith.select %ne3A_238, %add3A_240, %add3A_247 : vector<2000x256xi1>, vector<2000x256xf32>
    %log3A_249 = arith.constant 2.000000e+00 : f32
    %log3A_250 = math.log %log3A_249 : f32
    %sub3A_251 = vector.broadcast %log3A_250 : f32 to vector<2000x256xf32>
    %sub3A_252 = arith.subf %select_n3A_248, %sub3A_251 : vector<2000x256xf32>
    %get3A_253 = arith.constant 4 : index
    %get3A_254 = arith.constant 0 : index
    %get3A_255 = arith.constant 0 : index
    %get3A_256 = vector.load %arg5[%get3A_253, %get3A_254, %get3A_255] : memref<5x256x256xf32, #tpu.memory_space<vmem>>, vector<1x256x256xf32>
    %get3A_257 = vector.shape_cast %get3A_256 : vector<1x256x256xf32> to vector<256x256xf32>
    %dot_general3A_258 = arith.constant dense<0.000000e+00> : vector<2000x256xf32>
    %dot_general3A_259 = tpu.matmul %sub3A_252, %get3A_257, %dot_general3A_258 {dimension_numbers = #tpu.dot_dimension_numbers<[1], [0], [0], [1], [0, 0, 1, 1], [], []>, transpose_lhs_hint = false} : vector<2000x256xf32>, vector<256x256xf32>, vector<2000x256xf32> -> vector<2000x256xf32>
    %get3A_260 = arith.constant 4 : index
    %get3A_261 = arith.constant 0 : index
    %get3A_262 = arith.constant 0 : index
    %get3A_263 = vector.load %arg6[%get3A_260, %get3A_261, %get3A_262] : memref<5x1x256xf32, #tpu.memory_space<vmem>>, vector<1x1x256xf32>
    %get3A_264 = vector.shape_cast %get3A_263 : vector<1x1x256xf32> to vector<1x256xf32>
    %add3A_265 = vector.broadcast %get3A_264 : vector<1x256xf32> to vector<2000x256xf32>
    %add3A_266 = arith.addf %dot_general3A_259, %add3A_265 : vector<2000x256xf32>
    %get3A_267 = arith.constant 4 : index
    %get3A_268 = arith.constant 0 : index
    %get3A_269 = arith.constant 0 : index
    %get3A_270 = vector.load %arg7[%get3A_267, %get3A_268, %get3A_269] : memref<5x256x256xf32, #tpu.memory_space<vmem>>, vector<1x256x256xf32>
    %get3A_271 = vector.shape_cast %get3A_270 : vector<1x256x256xf32> to vector<256x256xf32>
    %dot_general3A_272 = arith.constant dense<0.000000e+00> : vector<2000x256xf32>
    %dot_general3A_273 = tpu.matmul %add3A_266, %get3A_271, %dot_general3A_272 {dimension_numbers = #tpu.dot_dimension_numbers<[1], [0], [0], [1], [0, 0, 1, 1], [], []>, transpose_lhs_hint = false} : vector<2000x256xf32>, vector<256x256xf32>, vector<2000x256xf32> -> vector<2000x256xf32>
    %add3A_274 = arith.addf %add3A_230, %dot_general3A_273 : vector<2000x256xf32>
    %get3A_275 = arith.constant 4 : index
    %get3A_276 = arith.constant 0 : index
    %get3A_277 = arith.constant 0 : index
    %get3A_278 = vector.load %arg8[%get3A_275, %get3A_276, %get3A_277] : memref<5x1x256xf32, #tpu.memory_space<vmem>>, vector<1x1x256xf32>
    %get3A_279 = vector.shape_cast %get3A_278 : vector<1x1x256xf32> to vector<1x256xf32>
    %add3A_280 = vector.broadcast %get3A_279 : vector<1x256xf32> to vector<2000x256xf32>
    %add3A_281 = arith.addf %add3A_274, %add3A_280 : vector<2000x256xf32>
    %custom_jvp_call3A_282 = arith.constant 0.000000e+00 : f32
    %max3A_283 = vector.broadcast %custom_jvp_call3A_282 : f32 to vector<2000x256xf32>
    %max3A_284 = arith.maximumf %add3A_281, %max3A_283 : vector<2000x256xf32>
    %sub3A_285 = vector.broadcast %custom_jvp_call3A_282 : f32 to vector<2000x256xf32>
    %sub3A_286 = arith.subf %add3A_281, %sub3A_285 : vector<2000x256xf32>
    %ne3A_287 = arith.cmpf one, %sub3A_286, %sub3A_286 : vector<2000x256xf32>
    %add3A_288 = vector.broadcast %custom_jvp_call3A_282 : f32 to vector<2000x256xf32>
    %add3A_289 = arith.addf %add3A_281, %add3A_288 : vector<2000x256xf32>
    %abs3A_290 = math.absf %sub3A_286 : vector<2000x256xf32>
    %neg3A_291 = arith.constant 0.000000e+00 : f32
    %neg3A_292 = vector.broadcast %neg3A_291 : f32 to vector<2000x256xf32>
    %neg3A_293 = arith.subf %neg3A_292, %abs3A_290 : vector<2000x256xf32>
    %exp3A_294 = math.exp %neg3A_293 : vector<2000x256xf32>
    %log1p3A_295 = math.log1p %exp3A_294 : vector<2000x256xf32>
    %add3A_296 = arith.addf %max3A_284, %log1p3A_295 : vector<2000x256xf32>
    %select_n3A_297 = arith.select %ne3A_287, %add3A_289, %add3A_296 : vector<2000x256xi1>, vector<2000x256xf32>
    %log3A_298 = arith.constant 2.000000e+00 : f32
    %log3A_299 = math.log %log3A_298 : f32
    %sub3A_300 = vector.broadcast %log3A_299 : f32 to vector<2000x256xf32>
    %sub3A_301 = arith.subf %select_n3A_297, %sub3A_300 : vector<2000x256xf32>
    %get3A_302 = arith.constant 0 : index
    %get3A_303 = arith.constant 0 : index
    %get3A_304 = vector.load %arg12[%get3A_302, %get3A_303] : memref<256x2xf32, #tpu.memory_space<vmem>>, vector<256x2xf32>
    %dot_general3A_305 = arith.constant dense<0.000000e+00> : vector<2000x2xf32>
    %dot_general3A_306 = tpu.matmul %sub3A_301, %get3A_304, %dot_general3A_305 {dimension_numbers = #tpu.dot_dimension_numbers<[1], [0], [0], [1], [0, 0, 1, 1], [], []>, transpose_lhs_hint = false} : vector<2000x256xf32>, vector<256x2xf32>, vector<2000x2xf32> -> vector<2000x2xf32>
    %swap3A_307 = arith.constant 0 : index
    %swap3A_308 = arith.constant 0 : index
    %swap3A_309 = vector.load %arg14[%swap3A_307, %swap3A_308] : memref<2000x2xf32, #tpu.memory_space<vmem>>, vector<2000x2xf32>
    tpu.vector_store %arg14[%swap3A_307, %swap3A_308], %dot_general3A_306 {strides = array<i32>} : memref<2000x2xf32, #tpu.memory_space<vmem>>, vector<2000x2xf32>,
    return
  }
  func.func @transform_0(%arg0: i32) -> (i32, i32) {
    %c0_i32 = arith.constant 0 : i32
    %c0_i32_0 = arith.constant 0 : i32
    return %arg0, %c0_i32 : i32, i32
  }
  func.func @transform_1(%arg0: i32) -> (i32, i32) {
    %c0_i32 = arith.constant 0 : i32
    %c0_i32_0 = arith.constant 0 : i32
    return %arg0, %c0_i32 : i32, i32
  }
  func.func @transform_2(%arg0: i32) -> (i32, i32) {
    %c0_i32 = arith.constant 0 : i32
    %c0_i32_0 = arith.constant 0 : i32
    return %arg0, %c0_i32 : i32, i32
  }
  func.func @transform_3(%arg0: i32) -> (i32, i32) {
    %c0_i32 = arith.constant 0 : i32
    %c0_i32_0 = arith.constant 0 : i32
    return %arg0, %c0_i32 : i32, i32
  }
  func.func @transform_4(%arg0: i32) -> (i32, i32, i32) {
    %c0_i32 = arith.constant 0 : i32
    %c0_i32_0 = arith.constant 0 : i32
    %c0_i32_1 = arith.constant 0 : i32
    %c0_i32_2 = arith.constant 0 : i32
    return %c0_i32, %c0_i32_0, %c0_i32_1 : i32, i32, i32
  }
  func.func @transform_5(%arg0: i32) -> (i32, i32, i32) {
    %c0_i32 = arith.constant 0 : i32
    %c0_i32_0 = arith.constant 0 : i32
    %c0_i32_1 = arith.constant 0 : i32
    %c0_i32_2 = arith.constant 0 : i32
    return %c0_i32, %c0_i32_0, %c0_i32_1 : i32, i32, i32
  }
  func.func @transform_6(%arg0: i32) -> (i32, i32, i32) {
    %c0_i32 = arith.constant 0 : i32
    %c0_i32_0 = arith.constant 0 : i32
    %c0_i32_1 = arith.constant 0 : i32
    %c0_i32_2 = arith.constant 0 : i32
    return %c0_i32, %c0_i32_0, %c0_i32_1 : i32, i32, i32
  }
  func.func @transform_7(%arg0: i32) -> (i32, i32, i32) {
    %c0_i32 = arith.constant 0 : i32
    %c0_i32_0 = arith.constant 0 : i32
    %c0_i32_1 = arith.constant 0 : i32
    %c0_i32_2 = arith.constant 0 : i32
    return %c0_i32, %c0_i32_0, %c0_i32_1 : i32, i32, i32
  }
  func.func @transform_8(%arg0: i32) -> (i32, i32) {
    %c0_i32 = arith.constant 0 : i32
    %c0_i32_0 = arith.constant 0 : i32
    %c0_i32_1 = arith.constant 0 : i32
    return %c0_i32, %c0_i32_0 : i32, i32
  }
  func.func @transform_9(%arg0: i32) -> (i32, i32) {
    %c0_i32 = arith.constant 0 : i32
    %c0_i32_0 = arith.constant 0 : i32
    %c0_i32_1 = arith.constant 0 : i32
    return %c0_i32, %c0_i32_0 : i32, i32
  }
  func.func @transform_10(%arg0: i32) -> (i32, i32) {
    %c0_i32 = arith.constant 0 : i32
    %c0_i32_0 = arith.constant 0 : i32
    %c0_i32_1 = arith.constant 0 : i32
    return %c0_i32, %c0_i32_0 : i32, i32
  }
  func.func @transform_11(%arg0: i32) -> (i32, i32) {
    %c0_i32 = arith.constant 0 : i32
    %c0_i32_0 = arith.constant 0 : i32
    %c0_i32_1 = arith.constant 0 : i32
    return %c0_i32, %c0_i32_0 : i32, i32
  }
  func.func @transform_12(%arg0: i32) -> (i32, i32) {
    %c0_i32 = arith.constant 0 : i32
    %c0_i32_0 = arith.constant 0 : i32
    return %arg0, %c0_i32 : i32, i32
  }
  func.func @transform_13(%arg0: i32) -> (i32, i32) {
    %c0_i32 = arith.constant 0 : i32
    %c0_i32_0 = arith.constant 0 : i32
    return %arg0, %c0_i32 : i32, i32
  }
}

module attributes {stable_mosaic.version = 14 : i64} {
  func.func @_final_body(%arg0: i32, %arg1: memref<2000x2xf32, #tpu.memory_space<vmem>>, %arg2: memref<2000x2xf32, #tpu.memory_space<vmem>>, %arg3: memref<2000x2xf32, #tpu.memory_space<vmem>>, %arg4: memref<2000x1xf32, #tpu.memory_space<vmem>>, %arg5: memref<2000x1xf32, #tpu.memory_space<vmem>>, %arg6: memref<1x1xf32, #tpu.memory_space<vmem>>) attributes {dimension_semantics = [#tpu.dimension_semantics<arbitrary>], iteration_bounds = array<i64: 5>, scalar_prefetch = 0 : i64, scratch_operands = 0 : i64, tpu.core_type = #tpu.core_type<tc>, window_params = [{transform_indices = @transform_0, window_bounds = array<i64: 2000, 2>}, {transform_indices = @transform_1, window_bounds = array<i64: 2000, 2>}, {transform_indices = @transform_2, window_bounds = array<i64: 2000, 2>}, {transform_indices = @transform_3, window_bounds = array<i64: 2000, 1>}, {transform_indices = @transform_4, window_bounds = array<i64: 2000, 1>}, {pipeline_mode = #tpu.pipeline_mode<synchronous>, transform_indices = @transform_5, window_bounds = array<i64: 1, 1>}]} {
    %get3A = arith.constant 0 : index
    %get3A_0 = arith.constant 0 : index
    %get3A_1 = vector.load %arg1[%get3A, %get3A_0] : memref<2000x2xf32, #tpu.memory_space<vmem>>, vector<2000x2xf32>
    %get3A_2 = arith.constant 0 : index
    %get3A_3 = arith.constant 0 : index
    %get3A_4 = vector.load %arg2[%get3A_2, %get3A_3] : memref<2000x2xf32, #tpu.memory_space<vmem>>, vector<2000x2xf32>
    %get3A_5 = arith.constant 0 : index
    %get3A_6 = arith.constant 0 : index
    %get3A_7 = vector.load %arg3[%get3A_5, %get3A_6] : memref<2000x2xf32, #tpu.memory_space<vmem>>, vector<2000x2xf32>
    %add3A = arith.addf %get3A_1, %get3A_4 : vector<2000x2xf32>
    %add3A_8 = arith.addf %add3A, %get3A_7 : vector<2000x2xf32>
    %slice3A = vector.extract_strided_slice %add3A_8 {offsets = [0, 0], sizes = [2000, 1], strides = [1, 1]} : vector<2000x2xf32> to vector<2000x1xf32>
    %swap3A = arith.constant 0 : index
    %swap3A_9 = arith.constant 0 : index
    %swap3A_10 = vector.load %arg4[%swap3A, %swap3A_9] : memref<2000x1xf32, #tpu.memory_space<vmem>>, vector<2000x1xf32>
    tpu.vector_store %arg4[%swap3A, %swap3A_9], %slice3A {strides = array<i32>} : memref<2000x1xf32, #tpu.memory_space<vmem>>, vector<2000x1xf32>,
    %slice3A_11 = vector.extract_strided_slice %add3A_8 {offsets = [0, 1], sizes = [2000, 1], strides = [1, 1]} : vector<2000x2xf32> to vector<2000x1xf32>
    %swap3A_12 = arith.constant 0 : index
    %swap3A_13 = arith.constant 0 : index
    %swap3A_14 = vector.load %arg5[%swap3A_12, %swap3A_13] : memref<2000x1xf32, #tpu.memory_space<vmem>>, vector<2000x1xf32>
    tpu.vector_store %arg5[%swap3A_12, %swap3A_13], %slice3A_11 {strides = array<i32>} : memref<2000x1xf32, #tpu.memory_space<vmem>>, vector<2000x1xf32>,
    %mul3A = arith.mulf %get3A_1, %get3A_1 : vector<2000x2xf32>
    %mul3A_15 = arith.mulf %get3A_4, %get3A_4 : vector<2000x2xf32>
    %mul3A_16 = arith.mulf %get3A_7, %get3A_7 : vector<2000x2xf32>
    %add3A_17 = arith.addf %mul3A_15, %mul3A : vector<2000x2xf32>
    %add3A_18 = arith.constant 1.000000e-07 : f32
    %add3A_19 = vector.broadcast %add3A_18 : f32 to vector<2000x2xf32>
    %add3A_20 = arith.addf %add3A_17, %add3A_19 : vector<2000x2xf32>
    %div3A = arith.divf %mul3A_15, %add3A_20 : vector<2000x2xf32>
    %add3A_21 = arith.addf %mul3A_16, %mul3A_15 : vector<2000x2xf32>
    %add3A_22 = arith.constant 1.000000e-07 : f32
    %add3A_23 = vector.broadcast %add3A_22 : f32 to vector<2000x2xf32>
    %add3A_24 = arith.addf %add3A_21, %add3A_23 : vector<2000x2xf32>
    %div3A_25 = arith.divf %mul3A_16, %add3A_24 : vector<2000x2xf32>
    %add3A_26 = arith.addf %div3A, %div3A_25 : vector<2000x2xf32>
    %reduce_sum3A = vector.shape_cast %add3A_26 : vector<2000x2xf32> to vector<1x2000x2xf32>
    %reduce_sum3A_27 = arith.constant dense<0.000000e+00> : vector<1xf32>
    %reduce_sum3A_28 = vector.multi_reduction <add>, %reduce_sum3A, %reduce_sum3A_27 [1, 2] : vector<1x2000x2xf32> to vector<1xf32>
    %reduce_sum3A_29 = vector.shape_cast %reduce_sum3A_28 : vector<1xf32> to vector<1x1x1xf32>
    %reduce_sum3A_30 = vector.extract %reduce_sum3A_29[0, 0, 0] : f32 from vector<1x1x1xf32>
    %reshape3A = vector.broadcast %reduce_sum3A_30 : f32 to vector<1x1xf32>
    %eq3A = arith.constant 0 : i32
    %eq3A_31 = arith.cmpi eq, %arg0, %eq3A : i32
    %convert_element_type3A = arith.extui %eq3A_31 : i1 to i32
    %cond3A = arith.constant 0 : i32
    %cond3A_32 = arith.cmpi ne, %convert_element_type3A, %cond3A : i32
    scf.if %cond3A_32 {
      %broadcast_in_dim3A = arith.constant 0.000000e+00 : f32
      %broadcast_in_dim3A_45 = vector.broadcast %broadcast_in_dim3A : f32 to vector<1x1xf32>
      %swap3A_46 = arith.constant 0 : index
      %swap3A_47 = arith.constant 0 : index
      %swap3A_48 = vector.load %arg6[%swap3A_46, %swap3A_47] : memref<1x1xf32, #tpu.memory_space<vmem>>, vector<1x1xf32>
      tpu.vector_store %arg6[%swap3A_46, %swap3A_47], %broadcast_in_dim3A_45 {strides = array<i32>} : memref<1x1xf32, #tpu.memory_space<vmem>>, vector<1x1xf32>,
    } else {
    }
    %get3A_33 = arith.constant 0 : index
    %get3A_34 = arith.constant 0 : index
    %get3A_35 = vector.load %arg6[%get3A_33, %get3A_34] : memref<1x1xf32, #tpu.memory_space<vmem>>, vector<1x1xf32>
    %add3A_36 = arith.addf %get3A_35, %reshape3A : vector<1x1xf32>
    %swap3A_37 = arith.constant 0 : index
    %swap3A_38 = arith.constant 0 : index
    %swap3A_39 = vector.load %arg6[%swap3A_37, %swap3A_38] : memref<1x1xf32, #tpu.memory_space<vmem>>, vector<1x1xf32>
    tpu.vector_store %arg6[%swap3A_37, %swap3A_38], %add3A_36 {strides = array<i32>} : memref<1x1xf32, #tpu.memory_space<vmem>>, vector<1x1xf32>,
    %eq3A_40 = arith.constant 4 : i32
    %eq3A_41 = arith.cmpi eq, %arg0, %eq3A_40 : i32
    %convert_element_type3A_42 = arith.extui %eq3A_41 : i1 to i32
    %cond3A_43 = arith.constant 0 : i32
    %cond3A_44 = arith.cmpi ne, %convert_element_type3A_42, %cond3A_43 : i32
    scf.if %cond3A_44 {
      %get3A_45 = arith.constant 0 : index
      %get3A_46 = arith.constant 0 : index
      %get3A_47 = vector.load %arg6[%get3A_45, %get3A_46] : memref<1x1xf32, #tpu.memory_space<vmem>>, vector<1x1xf32>
      %mul3A_48 = arith.constant 5.000000e-05 : f32
      %mul3A_49 = vector.broadcast %mul3A_48 : f32 to vector<1x1xf32>
      %mul3A_50 = arith.mulf %get3A_47, %mul3A_49 : vector<1x1xf32>
      %swap3A_51 = arith.constant 0 : index
      %swap3A_52 = arith.constant 0 : index
      %swap3A_53 = vector.load %arg6[%swap3A_51, %swap3A_52] : memref<1x1xf32, #tpu.memory_space<vmem>>, vector<1x1xf32>
      tpu.vector_store %arg6[%swap3A_51, %swap3A_52], %mul3A_50 {strides = array<i32>} : memref<1x1xf32, #tpu.memory_space<vmem>>, vector<1x1xf32>,
    } else {
    }
    return
  }
  func.func @transform_0(%arg0: i32) -> (i32, i32) {
    %c0_i32 = arith.constant 0 : i32
    %c0_i32_0 = arith.constant 0 : i32
    return %arg0, %c0_i32 : i32, i32
  }
  func.func @transform_1(%arg0: i32) -> (i32, i32) {
    %c0_i32 = arith.constant 0 : i32
    %c0_i32_0 = arith.constant 0 : i32
    return %arg0, %c0_i32 : i32, i32
  }
  func.func @transform_2(%arg0: i32) -> (i32, i32) {
    %c0_i32 = arith.constant 0 : i32
    %c0_i32_0 = arith.constant 0 : i32
    return %arg0, %c0_i32 : i32, i32
  }
  func.func @transform_3(%arg0: i32) -> (i32, i32) {
    %c0_i32 = arith.constant 0 : i32
    %c0_i32_0 = arith.constant 0 : i32
    return %arg0, %c0_i32 : i32, i32
  }
  func.func @transform_4(%arg0: i32) -> (i32, i32) {
    %c0_i32 = arith.constant 0 : i32
    %c0_i32_0 = arith.constant 0 : i32
    return %arg0, %c0_i32 : i32, i32
  }
  func.func @transform_5(%arg0: i32) -> (i32, i32) {
    %c0_i32 = arith.constant 0 : i32
    %c0_i32_0 = arith.constant 0 : i32
    %c0_i32_1 = arith.constant 0 : i32
    return %c0_i32, %c0_i32_0 : i32, i32
  }
}

</mosaic_0001>

<sc_bundles>
// kernel: _run.15.cloned.1.call-start
scs
__scs_entry_jumppad:
0x0: {  	(pc) =	sbr.rel $0x88, $3  }
0x1: {  	(tag) =	ssettag $0x0;
	lr =	simm.s32 $0x1  }
0x2: {  	[smem:$0x3F45] =	sst lr;
	_ =	strace $0xD0000000  }
0x3: {  	_ = 	snop  }
0x4: {  	_ = 	snop  }
0x5: {  	_ = 	snop  }
0x6: {  	_ = 	snop  }
0x7: {  	_ = 	snop  }
__scs_overlays_trampoline_lowered:
0x8: {  	[smem:$0x3F54] =	sst s0  }
0x9: {  	[smem:$0x3F55] =	sst s1  }
0xa: {  	[smem:$0x3F56] =	sst s2  }
0xb: {  	[smem:$0x3F57] =	sst s3  }
0xc: {  	[smem:$0x3F58] =	sst s4  }
0xd: {  	[smem:$0x3F59] =	sst s5  }
0xe: {  	[smem:$0x3F5A] =	sst s6  }
0xf: {  	[smem:$0x3F5B] =	sst s7  }
0x10: {  	[smem:$0x3F5C] =	sst s8  }
0x11: {  	[smem:$0x3F5D] =	sst s9;
	s0 =	simm.s32 @!p0 $0x0  }
0x12: {  	s1 =	sld [smem:$0x3F43];
	s0 =	simm.s32 @p0 $0x1  }
0x13: {  	[smem:$0x3F5E] =	sst s0;
	s0 =	simm.s32 @!p1 $0x0  }
0x14: {  	s2 =	sld [smem:$0x3F42];
	s0 =	simm.s32 @p1 $0x1  }
0x15: {  	[smem:$0x3F5F] =	sst s0;
	s0 =	simm.s32 @!p2 $0x0  }
0x16: {  	s3 =	sld [smem:$0x3FDB];
	s0 =	simm.s32 @p2 $0x1  }
0x17: {  	s4 =	simm.s32 $0x1BF5;
	[smem:$0x3F61] =	sst s0  }
0x18: {  	s0 =	sld [smem:$0x3F44];
	_ =	swait.ge [sflag:s4], $0x0  }
0x19: {  	s7 =	sld [smem:$0x3F45]  }
0x1a: {  	s8 =	sadd.s32 $0xFFFFE003, lr  }
0x1b: {  	s9 =	sadd.s32 $0xFFFFFEF7, lr;
	s5 =	simm.s32 $0xFFFFFFFF;
	p2 =	slt.u32 s8, $0xFFFFF086  }
0x1c: {  	p1 =	slt.u32 s9, $0xF7A;
	s5 =	simm.s32 @!p2 $0x0  }
0x1d: {  	s5 =	simm.s32 @p1 $0x1;
	p0 =	seq.s32 s7, s2  }
0x1e: {  	s7 =	smul.u32 @!p0 $0xF7A, s2;
	p2 =	seq.s32 @!p0 s5, $0x0  }
0x1f: {  	s9 =	smul.u32 $0xF7A, s1;
	s8 =	simm.s32 @!p0 $0x1BF5;
	p2 =	por !p2, p0  }
0x20: {  	[sflag:s8] =	ssyncset.s32 @!p0 $0xFFFFF086;
	s6 =	sadd.s32 @!p0 s3, s7;
	s7 =	simm.s32 @!p0 $0x108  }
0x21: {  	s3 =	sadd.s32 s3, s9;
	s6 =	sadd.s32 @!p0 $0x88, s6;
	s7 =	simm.s32 @p2 $0x1082  }
0x22: {  	[simem:s7], [sflag:s8] =	dma.local @!p0 [hbm:s6], $0xF7A  }
0x23: {  	s9 =	sor.u32 $0xD0000000, s2;
	s6 =	simm.s32 $0x108;
	_ =	swait.ge @!p0 [sflag:s8], $0x0  }
0x24: {  	s3 =	sadd.s32 $0x88, s3;
	s6 =	simm.s32 @!p1 $0x1082;
	[sflag:s4] =	ssyncset.s32 $0xFFFFF086  }
0x25: {  	[simem:s6], [sflag:s4] =	dma.local [hbm:s3], $0xF7A  }
0x26: {  	[smem:$0x3F45] =	sst s1;
	(tag) =	ssettag s2;
	_ =	strace s9  }
0x27: {  	s1 =	sld [smem:$0x3F55]  }
0x28: {  	s2 =	sld [smem:$0x3F56]  }
0x29: {  	s4 =	sld [smem:$0x3F58]  }
0x2a: {  	p0 =	seq.s32 s5, $0x0;
	s5 =	sld [smem:$0x3F59]  }
0x2b: {  	s6 =	sld [smem:$0x3F5A]  }
0x2c: {  	s7 =	sld [smem:$0x3F5B]  }
0x2d: {  	s3 =	simm.s32 $0x108;
	s8 =	sld [smem:$0x3F5C]  }
0x2e: {  	s3 =	simm.s32 @!p0 $0x1082;
	s9 =	sld [smem:$0x3F5D]  }
0x2f: {  	lr =	sadd.s32 s0, s3;
	s0 =	sld [smem:$0x3F54]  }
0x30: {  	s3 =	sld [smem:$0x3F57]  }
0x31: {  	[smem:$0x3F60] =	sst s10  }
0x32: {  	s10 =	sld [smem:$0x3F5E];
	_ =	sdelay $0x3  }
0x33: {  	p0 =	seq.s32 s10, $0x1;
	s10 =	sld [smem:$0x3F60];
	_ =	sdelay $0x3  }
0x34: {  	[smem:$0x3F60] =	sst s10  }
0x35: {  	s10 =	sld [smem:$0x3F5F];
	_ =	sdelay $0x3  }
0x36: {  	p1 =	seq.s32 s10, $0x1;
	s10 =	sld [smem:$0x3F60];
	_ =	sdelay $0x3  }
0x37: {  	[smem:$0x3F60] =	sst s10  }
0x38: {  	s10 =	sld [smem:$0x3F61]  }
0x39: {  	_ = 	snop;
	(pc) =	sbr.ind lr, $3  }
0x3a: {  	_ = 	snop  }
0x3b: {  	_ = 	snop  }
0x3c: {  	p2 =	seq.s32 s10, $0x1;
	s10 =	sld [smem:$0x3F60]  }
0x3d: {  	_ =	shalt  }
0x3e: {  	_ =	shalt  }
0x3f: {  	_ =	shalt  }
0x40: {  	_ =	shalt  }
0x41: {  	_ =	shalt  }
0x42: {  	_ =	shalt  }
0x43: {  	_ =	shalt  }
0x44: {  	_ =	shalt  }
0x45: {  	_ =	shalt  }
0x46: {  	_ =	shalt  }
0x47: {  	_ =	shalt  }
0x48: {  	_ =	shalt  }
0x49: {  	_ =	shalt  }
0x4a: {  	_ =	shalt  }
0x4b: {  	_ =	shalt  }
0x4c: {  	_ =	shalt  }
0x4d: {  	_ =	shalt  }
0x4e: {  	_ =	shalt  }
0x4f: {  	_ =	shalt  }
0x50: {  	_ =	shalt  }
0x51: {  	_ =	shalt  }
0x52: {  	_ =	shalt  }
0x53: {  	_ =	shalt  }
0x54: {  	_ =	shalt  }
0x55: {  	_ =	shalt  }
0x56: {  	_ =	shalt  }
0x57: {  	_ =	shalt  }
0x58: {  	_ =	shalt  }
0x59: {  	_ =	shalt  }
0x5a: {  	_ =	shalt  }
0x5b: {  	_ =	shalt  }
0x5c: {  	_ =	shalt  }
0x5d: {  	_ =	shalt  }
0x5e: {  	_ =	shalt  }
0x5f: {  	_ =	shalt  }
0x60: {  	_ =	shalt  }
0x61: {  	_ =	shalt  }
0x62: {  	_ =	shalt  }
0x63: {  	_ =	shalt  }
0x64: {  	_ =	shalt  }
0x65: {  	_ =	shalt  }
0x66: {  	_ =	shalt  }
0x67: {  	_ =	shalt  }
0x68: {  	_ =	shalt  }
0x69: {  	_ =	shalt  }
0x6a: {  	_ =	shalt  }
0x6b: {  	_ =	shalt  }
0x6c: {  	_ =	shalt  }
0x6d: {  	_ =	shalt  }
0x6e: {  	_ =	shalt  }
0x6f: {  	_ =	shalt  }
0x70: {  	_ =	shalt  }
0x71: {  	_ =	shalt  }
0x72: {  	_ =	shalt  }
0x73: {  	_ =	shalt  }
0x74: {  	_ =	shalt  }
0x75: {  	_ =	shalt  }
0x76: {  	_ =	shalt  }
0x77: {  	_ =	shalt  }
0x78: {  	_ =	shalt  }
0x79: {  	_ =	shalt  }
0x7a: {  	_ =	shalt  }
0x7b: {  	_ =	shalt  }
0x7c: {  	_ =	shalt  }
0x7d: {  	_ =	shalt  }
0x7e: {  	_ =	shalt  }
0x7f: {  	_ =	shalt  }
0x80: {  	_ =	shalt  }
0x81: {  	_ =	shalt  }
0x82: {  	_ =	shalt  }
0x83: {  	_ =	shalt  }
0x84: {  	_ =	shalt  }
0x85: {  	_ =	shalt  }
0x86: {  	_ =	shalt  }
0x87: {  	_ =	shalt  }
.Lfunc_end0:
.L_simem_size_0:
called_computation_lowered:
.L_overlay_start_0:
0x88: {  	s2 =	sld [smem:$0x3FD9]  }
0x89: {  	s3 =	sld [smem:$0x3FFE];
	_ =	sdelay $0x1  }
0x8a: {  	s1 =	srdreg.scid  }
0x8b: {  	s0 =	sand.u32 $0x1, s1  }
0x8c: {  	s16 =	sshll.u32 s0, $0xA;
	s2 =	sadd.s32 s3, s2  }
0x8d: {  	s2 =	sadd.s32 s2, s16  }
0x8e: {  	[smem:$0x3F6C] =	sst s2  }
0x8f: {  	_ = 	snop  }
0x90: {  	(tm) =	ssettm $0x1  }
0x91: {  	s17 =	sld [smem:$0x3FFB];
	_ =	sdelay $0x3  }
0x92: {  	_ =	strace s17  }
0x93: {  	s2 =	sld [smem:$0x3FFC];
	_ =	sdelay $0x3  }
0x94: {  	_ =	strace s2  }
0x95: {  	s2 =	sld [smem:$0x3FFD];
	_ =	sdelay $0x3  }
0x96: {  	_ =	strace s2  }
0x97: {  	_ =	strace $0x8FFFFFFF  }
0x98: {  	s18 =	sld [smem:$0x3FDB];
	_ =	sdelay $0x1  }
0x99: {  	s19 =	simm.s32 $_scs_section_size  }
0x9a: {  	s4 =	simm.s32 $_size__tile_overlayer_lowered;
	s5 =	simm.s32 $_tile_overlayer_lowered  }
0x9b: {  	s22 =	simm.s32 $0x1BFF;
	s21 =	sshll.u32 s5, $0x1;
	s2 =	sadd.s32 s19, s18  }
0x9c: {  	s6 =	simm.s32 $0x0;
	s20 =	sshll.u32 s4, $0x1;
	s4 =	sadd.s32 s21, s2  }
0x9d: {  	[timem:s6], [sflag:s22] =	dma.local [hbm:s4], s20  }
0x9e: {  	_ =	swait.ge [sflag:s22], s20  }
0x9f: {  	s3 =	ssub.s32 $0x0, s20;
	[sflag:s22] =	ssyncset.done $0x0  }
0xa0: {  	[sflag:s22] =	ssyncadd.s32 s3;
	_ =	sdelay $0x1  }
0xa1: {  	s23 =	simm.s32 $0x1B8B  }
0xa2: {  	_ =	swait.ge [sflag:s23], $0x1  }
0xa3: {  	[sflag:s23] =	ssyncset.done $0x0  }
0xa4: {  	s25 =	simm.s32 $0x1B8E;
	s24 =	sld [smem:$0x3FFE];
	[sflag:s23] =	ssyncadd.s32 $0xFFFFFFFF  }
0xa5: {  	s26 =	simm.s32 $execute0_lowered;
	[smem:$0x3FD2] =	sst s25  }
0xa6: {  	s4 =	sshll.u32 s26, $0x1;
	_ =	strace $0x80000046;
	[dreg:$0x1] =	wrdreg $0xFFFFFFFF  }
0xa7: {  	s28 =	simm.s32 $_size_execute0_lowered;
	s2 =	sadd.s32 s2, s4;
	[dreg:$0x0] =	wrdreg $0x0  }
0xa8: {  	s4 =	sshll.u32 s28, $0x1;
	[dreg:$0x2] =	wrdreg s2  }
0xa9: {  	[dreg:$0x3] =	wrdreg s4  }
0xaa: {  	[dreg:$0x4] =	wrdreg $0xC0  }
0xab: {  	_ =	task [dreg:s6], $0x5FFFF  }
0xac: {  	[dreg:$0x1] =	wrdreg $0xFFFFFFFF  }
0xad: {  	[dreg:$0x0] =	wrdreg $0x60  }
0xae: {  	[dreg:$0x2] =	wrdreg s24  }
0xaf: {  	[dreg:$0x3] =	wrdreg $0x9  }
0xb0: {  	_ =	task.clear_ibuf [dreg:s6], $0x4FFFF;
	_ =	strace $0x90000046  }
0xb1: {  	s29 =	simm.s32 $0x9;
	_ =	strace $0x80000048  }
0xb2: {  	_ =	swait.ge [sflag:s29], $0x1  }
0xb3: {  	[sflag:s29] =	ssyncadd.s32 $0xFFFFFFFF  }
0xb4: {  	_ =	strace $0x90000048  }
0xb5: {  	_ =	sfence  }
0xb6: {  	s30 =	sld [smem:$0x0];
	_ =	sdelay $0x2  }
0xb7: {  	s31 =	sshll.u32 s1, $0xD;
	s1 =	sshrl.u32 s1, $0x2  }
0xb8: {  	s3 =	sand.u32 $0x4000, s31;
	s1 =	sadd.s32 s1, s30  }
0xb9: {  	s0 =	sor.u32 s3, s0;
	s1 =	sshll.u32 s1, $0x11  }
0xba: {  	s0 =	sor.u32 s1, s0  }
0xbb: {  	s0 =	sadd.s32 $0x8F2B, s0  }
0xbc: {  	[sflag:s0] =	ssyncadd.remote.s32 $0x1  }
0xbd: {  	_ =	sfence.sel $0xFFFF  }
0xbe: {  	[dreg:$0x0] =	wrdreg $0xFFFFFFFF;
	(pc) =	sbr.abs _section_cstart, $3  }
0xbf: {  	[dreg:$0x1] =	wrdreg $0xFFFFFFFF  }
0xc0: {  	_ =	task.clear_ibuf [dreg:s6], $0x2FFFF;
	_ =	strace $0x9FFFFFFF  }
0xc1: {  	(tm) =	ssettm $0x7FFFFFFF  }
tec
execute0_lowered:
.L_overlay_start_1:
0x0: {  	(tag) =	ssettag $0x1  }
0x1: {  	s1 =	srdreg.scid  }
0x2: {  	s0 =	stileid.u32;
	s4 =	rddreg [dreg:$0x0];
	s2 =	simm.s32 $0x0  }
0x3: {  	s9 =	simm.s32 $0x7580;
	s3 =	sand.u32 $0x1, s1;
	s5 =	sshll.u32 s0, $0x1  }
0x4: {  	s10 =	simm.s32 $0x8980;
	s11 =	simm.s32 $0x9D80;
	s5 =	sor.u32 s3, s5  }
0x5: {  	s1 =	rddreg [dreg:$0x1];
	s6 =	ssub.s32 $0x2, s3;
	s5 =	smul.u32 $0x280, s5  }
0x6: {  	s12 =	simm.s32 $0x0;
	[smem:$0x7FF] =	sst s2;
	s7 =	sshrl.u32 s6, $0x1  }
0x7: {  	_ =	strace $0x80000047;
	s7 =	ssub.s32 s6, s7;
	s8 =	sadd.s32 s5, s4  }
0x8: {  	s3 =	sadd.s32 $0x1B200, s4;
	s7 =	smax.u32 s7, $0x1;
	s4 =	sadd.s32 $0x11200, s8  }
0x9: {  	s5 =	sadd.s32 $0x16200, s8;
	s6 =	sadd.s32 $0x1C200, s8;
	s8 =	simm.s32 $0x1  }
.LBB2_1:
0xa: {  	[tilespmem:s2], [sflag:$0x1] =	stream.linear.gather [hbm4b:s3+s2], $0x7580, $0x38;
	[tilespmem:$0xB180] =	vst v63  }
0xb: {  	_ =	swait.ge [sflag:s8], $0x7580  }
0xc: {  	[sflag:s8] =	ssyncset.done $0x0  }
0xd: {  	[sflag:s8] =	ssyncadd.s32 $0xFFFF8A80  }
0xe: {  	[tilespmem:s9], [sflag:$0x1] =	stream.linear.gather [hbm4b:s4+s2], $0x1400, $0x38;
	[tilespmem:$0xB180] =	vst v63  }
0xf: {  	_ =	swait.ge [sflag:s8], $0x1400  }
0x10: {  	[sflag:s8] =	ssyncset.done $0x0  }
0x11: {  	[sflag:s8] =	ssyncadd.s32 $0xFFFFEC00  }
0x12: {  	[tilespmem:s10], [sflag:$0x1] =	stream.linear.gather [hbm4b:s5+s2], $0x1400, $0x38;
	[tilespmem:$0xB180] =	vst v63  }
0x13: {  	_ =	swait.ge [sflag:s8], $0x1400  }
0x14: {  	[sflag:s8] =	ssyncset.done $0x0  }
0x15: {  	s13 =	simm.s32 $0x0;
	[sflag:s8] =	ssyncadd.s32 $0xFFFFEC00  }
0x16: {  	v0 =	vld [tilespmem:s13+$0x8980]  }
0x17: {  	v1 =	vld [tilespmem:s13+$0x7580];
	_ =	sdelay $0x3  }
0x18: {  	v2 =	vmul.u32 $0x3, v0  }
0x19: {  	v1 =	vmul.u32 $0x3, v1;
	_ =	sdelay $0x1  }
0x1a: {  	v3 =	vadd.s32 $0x1, v1  }
0x1b: {  	v4 =	vadd.s32 $0x1, v2  }
0x1c: {  	v5 =	vadd.s32 $0x2, v1  }
0x1d: {  	v6 =	vadd.s32 $0x2, v2;
	v0 =	vld.idx.msk [tilespmem:v2+s2+$0x0], $0xffff  }
0x1e: {  	v1 =	vld.idx.msk [tilespmem:v1+s2+$0x0], $0xffff  }
0x1f: {  	v2 =	vld.idx.msk [tilespmem:v3+s2+$0x0], $0xffff  }
0x20: {  	v4 =	vld.idx.msk [tilespmem:v4+s2+$0x0], $0xffff  }
0x21: {  	v3 =	vld.idx.msk [tilespmem:v5+s2+$0x0], $0xffff  }
0x22: {  	s14 =	simm.s32 $0x10;
	v7 =	vld.idx.msk [tilespmem:v6+s2+$0x0], $0xffff  }
0x23: {  	v5 =	vld [tilespmem:s14+$0x8980]  }
0x24: {  	s15 =	simm.s32 $0x80;
	v6 =	vld [tilespmem:s14+$0x7580]  }
.LBB2_2:
0x25: {  	p0 =	sne.s32 s15, $0x4FC0;
	v0 =	vsub.f32 v1, v0;
	v1 =	vsub.f32 v2, v4;
	_ =	sdelay $0x1  }
0x26: {  	v2 =	vsub.f32 v3, v7;
	v0 =	vmul.f32 v0, v0;
	v1 =	vmul.f32 v1, v1  }
0x27: {  	v3 =	vmul.u32 $0x3, v5  }
0x28: {  	v4 =	vmul.u32 $0x3, v6;
	v0 =	vadd.f32 v1, v0;
	v1 =	vmul.f32 v2, v2;
	_ =	sdelay $0x1  }
0x29: {  	v2 =	vadd.s32 $0x1, v4;
	v0 =	vadd.f32 v1, v0  }
0x2a: {  	v5 =	vadd.s32 $0x1, v3  }
0x2b: {  	v6 =	vadd.s32 $0x2, v4;
	[tilespmem:s13+$0x9D80] =	vst v0;
	s13 =	smov.u32 s14  }
0x2c: {  	v7 =	vadd.s32 $0x2, v3;
	v0 =	vld.idx.msk [tilespmem:v3+s2+$0x0], $0xffff  }
0x2d: {  	v1 =	vld.idx.msk [tilespmem:v4+s2+$0x0], $0xffff  }
0x2e: {  	v2 =	vld.idx.msk [tilespmem:v2+s2+$0x0], $0xffff  }
0x2f: {  	v4 =	vld.idx.msk [tilespmem:v5+s2+$0x0], $0xffff  }
.Ltmp0:
0x30: {  	v3 =	vld.idx.msk [tilespmem:v6+s2+$0x0], $0xffff;
	(pc) =	sbr.rel @p0 .LBB2_2-.Ltmp0, $4  }
0x31: {  	v7 =	vld.idx.msk [tilespmem:v7+s2+$0x0], $0xffff  }
0x32: {  	s14 =	sshra.s32 s15, $0x2  }
0x33: {  	v5 =	vld [tilespmem:s14+$0x8980]  }
0x34: {  	s15 =	sadd.s32 $0x40, s15;
	v6 =	vld [tilespmem:s14+$0x7580]  }
0x35: {  	v0 =	vsub.f32 v1, v0;
	v54 =	vsub.f32 v2, v4;
	_ =	sdelay $0x1  }
0x36: {  	v55 =	vsub.f32 v3, v7;
	v0 =	vmul.f32 v0, v0;
	v1 =	vmul.f32 v54, v54  }
0x37: {  	v56 =	vmul.u32 $0x3, v5  }
0x38: {  	v58 =	vmul.f32 v55, v55;
	v57 =	vmul.u32 $0x3, v6;
	v0 =	vadd.f32 v1, v0;
	_ =	sdelay $0x1  }
0x39: {  	v60 =	vadd.s32 $0x1, v56;
	v0 =	vadd.f32 v58, v0  }
0x3a: {  	v59 =	vadd.s32 $0x1, v57  }
0x3b: {  	v3 =	vadd.s32 $0x2, v56;
	[tilespmem:s13+$0x9D80] =	vst v0  }
0x3c: {  	v61 =	vadd.s32 $0x2, v57;
	v0 =	vld.idx.msk [tilespmem:v56+s2+$0x0], $0xffff  }
0x3d: {  	v4 =	vld.idx.msk [tilespmem:v57+s2+$0x0], $0xffff  }
0x3e: {  	v1 =	vld.idx.msk [tilespmem:v60+s2+$0x0], $0xffff  }
0x3f: {  	v2 =	vld.idx.msk [tilespmem:v59+s2+$0x0], $0xffff  }
0x40: {  	v3 =	vld.idx.msk [tilespmem:v3+s2+$0x0], $0xffff  }
0x41: {  	v5 =	vld.idx.msk [tilespmem:v61+s2+$0x0], $0xffff;
	_ =	sdelay $0x2  }
0x42: {  	v0 =	vsub.f32 v4, v0;
	v1 =	vsub.f32 v2, v1;
	_ =	sdelay $0x1  }
0x43: {  	v62 =	vsub.f32 v5, v3;
	v0 =	vmul.f32 v0, v0;
	v1 =	vmul.f32 v1, v1;
	_ =	sdelay $0x1  }
0x44: {  	v63 =	vmul.f32 v62, v62;
	v0 =	vadd.f32 v1, v0;
	_ =	sdelay $0x1  }
0x45: {  	s12 =	sadd.s32 $0x1, s12;
	v0 =	vadd.f32 v63, v0  }
0x46: {  	p0 =	sne.s32 s12, s7  }
.Ltmp1:
0x47: {  	[tilespmem:s14+$0x9D80] =	vst v0;
	(pc) =	sbr.rel @p0 .LBB2_1-.Ltmp1, $4  }
0x48: {  	[hbm4b:s6+s2] =	stream.linear.scatter [tilespmem:s11], [sflag:$0x1], $0x1400, $0x38;
	[tilespmem:$0xB180] =	vst v63  }
0x49: {  	_ =	swait.ge [sflag:s8], $0x1400  }
0x4a: {  	[sflag:s8] =	ssyncset.done $0x0  }
0x4b: {  	[sflag:s8] =	ssyncadd.s32 $0xFFFFEC00  }
0x4c: {  	_ =	sfence.sel $0x180000  }
0x4d: {  	[bflag:$0x0] =	sbarrier.arrive $0xFFFF  }
0x4e: {  	p0 =	sne.s32 s0, $0x0;
	_ =	strace $0x90000047  }
0x4f: {  	s0 =	sadd.s32 @!p0 $0x100000, s1;
	[bflag:$0x2] =	sbarrier.arrive $0xFFFF  }
0x50: {  	[sflag:s0] =	ssyncadd.tile.s32 @!p0 $0x1;
	_ =	shalt  }
.Lfunc_end2:
_tile_overlayer_lowered:
.L_overlay_start_2:
0x51: {  	(tag) =	ssettag $0x2  }
0x52: {  	s0 =	rddreg [dreg:$0x0];
	s2 =	stileid.u32  }
0x53: {  	s1 =	rddreg [dreg:$0x1];
	p0 =	sne.s32 s2, $0x0  }
0x54: {  	s3 =	rddreg [dreg:$0x2];
	[bflag:$0x3] =	sbarrier.arrive $0xFFFF;
	s2 =	simm.s32 @!p0 $0x1C01  }
0x55: {  	[timem:s3], [sflag:s2] =	dma.local @!p0 [hbm:s0], s1  }
0x56: {  	s0 =	simm.s32 @!p0 $0x1  }
0x57: {  	_ =	swait.ge @!p0 [sflag:s0], s1  }
0x58: {  	s1 =	ssub.s32 @!p0 $0x0, s1;
	[sflag:s0] =	ssyncset.done @!p0 $0x0  }
0x59: {  	[sflag:s0] =	ssyncadd.s32 @!p0 s1  }
0x5a: {  	[bflag:$0x3] =	sbarrier.arrive $0xFFFF  }
0x5b: {  	_ =	shalt  }

// kernel: _run.18.cloned.1.call-start
scs
__scs_entry_jumppad:
0x0: {  	(pc) =	sbr.rel $0x88, $3  }
0x1: {  	(tag) =	ssettag $0x0;
	lr =	simm.s32 $0x1  }
0x2: {  	[smem:$0x3F45] =	sst lr;
	_ =	strace $0xD0000000  }
0x3: {  	_ = 	snop  }
0x4: {  	_ = 	snop  }
0x5: {  	_ = 	snop  }
0x6: {  	_ = 	snop  }
0x7: {  	_ = 	snop  }
__scs_overlays_trampoline_lowered:
0x8: {  	[smem:$0x3F54] =	sst s0  }
0x9: {  	[smem:$0x3F55] =	sst s1  }
0xa: {  	[smem:$0x3F56] =	sst s2  }
0xb: {  	[smem:$0x3F57] =	sst s3  }
0xc: {  	[smem:$0x3F58] =	sst s4  }
0xd: {  	[smem:$0x3F59] =	sst s5  }
0xe: {  	[smem:$0x3F5A] =	sst s6  }
0xf: {  	[smem:$0x3F5B] =	sst s7  }
0x10: {  	[smem:$0x3F5C] =	sst s8  }
0x11: {  	[smem:$0x3F5D] =	sst s9;
	s0 =	simm.s32 @!p0 $0x0  }
0x12: {  	s1 =	sld [smem:$0x3F43];
	s0 =	simm.s32 @p0 $0x1  }
0x13: {  	[smem:$0x3F5E] =	sst s0;
	s0 =	simm.s32 @!p1 $0x0  }
0x14: {  	s2 =	sld [smem:$0x3F42];
	s0 =	simm.s32 @p1 $0x1  }
0x15: {  	[smem:$0x3F5F] =	sst s0;
	s0 =	simm.s32 @!p2 $0x0  }
0x16: {  	s3 =	sld [smem:$0x3FDB];
	s0 =	simm.s32 @p2 $0x1  }
0x17: {  	s4 =	simm.s32 $0x1BF5;
	[smem:$0x3F61] =	sst s0  }
0x18: {  	s0 =	sld [smem:$0x3F44];
	_ =	swait.ge [sflag:s4], $0x0  }
0x19: {  	s7 =	sld [smem:$0x3F45]  }
0x1a: {  	s8 =	sadd.s32 $0xFFFFE003, lr  }
0x1b: {  	s9 =	sadd.s32 $0xFFFFFEF7, lr;
	s5 =	simm.s32 $0xFFFFFFFF;
	p2 =	slt.u32 s8, $0xFFFFF086  }
0x1c: {  	p1 =	slt.u32 s9, $0xF7A;
	s5 =	simm.s32 @!p2 $0x0  }
0x1d: {  	s5 =	simm.s32 @p1 $0x1;
	p0 =	seq.s32 s7, s2  }
0x1e: {  	s7 =	smul.u32 @!p0 $0xF7A, s2;
	p2 =	seq.s32 @!p0 s5, $0x0  }
0x1f: {  	s9 =	smul.u32 $0xF7A, s1;
	s8 =	simm.s32 @!p0 $0x1BF5;
	p2 =	por !p2, p0  }
0x20: {  	[sflag:s8] =	ssyncset.s32 @!p0 $0xFFFFF086;
	s6 =	sadd.s32 @!p0 s3, s7;
	s7 =	simm.s32 @!p0 $0x108  }
0x21: {  	s3 =	sadd.s32 s3, s9;
	s6 =	sadd.s32 @!p0 $0x88, s6;
	s7 =	simm.s32 @p2 $0x1082  }
0x22: {  	[simem:s7], [sflag:s8] =	dma.local @!p0 [hbm:s6], $0xF7A  }
0x23: {  	s9 =	sor.u32 $0xD0000000, s2;
	s6 =	simm.s32 $0x108;
	_ =	swait.ge @!p0 [sflag:s8], $0x0  }
0x24: {  	s3 =	sadd.s32 $0x88, s3;
	s6 =	simm.s32 @!p1 $0x1082;
	[sflag:s4] =	ssyncset.s32 $0xFFFFF086  }
0x25: {  	[simem:s6], [sflag:s4] =	dma.local [hbm:s3], $0xF7A  }
0x26: {  	[smem:$0x3F45] =	sst s1;
	(tag) =	ssettag s2;
	_ =	strace s9  }
0x27: {  	s1 =	sld [smem:$0x3F55]  }
0x28: {  	s2 =	sld [smem:$0x3F56]  }
0x29: {  	s4 =	sld [smem:$0x3F58]  }
0x2a: {  	p0 =	seq.s32 s5, $0x0;
	s5 =	sld [smem:$0x3F59]  }
0x2b: {  	s6 =	sld [smem:$0x3F5A]  }
0x2c: {  	s7 =	sld [smem:$0x3F5B]  }
0x2d: {  	s3 =	simm.s32 $0x108;
	s8 =	sld [smem:$0x3F5C]  }
0x2e: {  	s3 =	simm.s32 @!p0 $0x1082;
	s9 =	sld [smem:$0x3F5D]  }
0x2f: {  	lr =	sadd.s32 s0, s3;
	s0 =	sld [smem:$0x3F54]  }
0x30: {  	s3 =	sld [smem:$0x3F57]  }
0x31: {  	[smem:$0x3F60] =	sst s10  }
0x32: {  	s10 =	sld [smem:$0x3F5E];
	_ =	sdelay $0x3  }
0x33: {  	p0 =	seq.s32 s10, $0x1;
	s10 =	sld [smem:$0x3F60];
	_ =	sdelay $0x3  }
0x34: {  	[smem:$0x3F60] =	sst s10  }
0x35: {  	s10 =	sld [smem:$0x3F5F];
	_ =	sdelay $0x3  }
0x36: {  	p1 =	seq.s32 s10, $0x1;
	s10 =	sld [smem:$0x3F60];
	_ =	sdelay $0x3  }
0x37: {  	[smem:$0x3F60] =	sst s10  }
0x38: {  	s10 =	sld [smem:$0x3F61]  }
0x39: {  	_ = 	snop;
	(pc) =	sbr.ind lr, $3  }
0x3a: {  	_ = 	snop  }
0x3b: {  	_ = 	snop  }
0x3c: {  	p2 =	seq.s32 s10, $0x1;
	s10 =	sld [smem:$0x3F60]  }
0x3d: {  	_ =	shalt  }
0x3e: {  	_ =	shalt  }
0x3f: {  	_ =	shalt  }
0x40: {  	_ =	shalt  }
0x41: {  	_ =	shalt  }
0x42: {  	_ =	shalt  }
0x43: {  	_ =	shalt  }
0x44: {  	_ =	shalt  }
0x45: {  	_ =	shalt  }
0x46: {  	_ =	shalt  }
0x47: {  	_ =	shalt  }
0x48: {  	_ =	shalt  }
0x49: {  	_ =	shalt  }
0x4a: {  	_ =	shalt  }
0x4b: {  	_ =	shalt  }
0x4c: {  	_ =	shalt  }
0x4d: {  	_ =	shalt  }
0x4e: {  	_ =	shalt  }
0x4f: {  	_ =	shalt  }
0x50: {  	_ =	shalt  }
0x51: {  	_ =	shalt  }
0x52: {  	_ =	shalt  }
0x53: {  	_ =	shalt  }
0x54: {  	_ =	shalt  }
0x55: {  	_ =	shalt  }
0x56: {  	_ =	shalt  }
0x57: {  	_ =	shalt  }
0x58: {  	_ =	shalt  }
0x59: {  	_ =	shalt  }
0x5a: {  	_ =	shalt  }
0x5b: {  	_ =	shalt  }
0x5c: {  	_ =	shalt  }
0x5d: {  	_ =	shalt  }
0x5e: {  	_ =	shalt  }
0x5f: {  	_ =	shalt  }
0x60: {  	_ =	shalt  }
0x61: {  	_ =	shalt  }
0x62: {  	_ =	shalt  }
0x63: {  	_ =	shalt  }
0x64: {  	_ =	shalt  }
0x65: {  	_ =	shalt  }
0x66: {  	_ =	shalt  }
0x67: {  	_ =	shalt  }
0x68: {  	_ =	shalt  }
0x69: {  	_ =	shalt  }
0x6a: {  	_ =	shalt  }
0x6b: {  	_ =	shalt  }
0x6c: {  	_ =	shalt  }
0x6d: {  	_ =	shalt  }
0x6e: {  	_ =	shalt  }
0x6f: {  	_ =	shalt  }
0x70: {  	_ =	shalt  }
0x71: {  	_ =	shalt  }
0x72: {  	_ =	shalt  }
0x73: {  	_ =	shalt  }
0x74: {  	_ =	shalt  }
0x75: {  	_ =	shalt  }
0x76: {  	_ =	shalt  }
0x77: {  	_ =	shalt  }
0x78: {  	_ =	shalt  }
0x79: {  	_ =	shalt  }
0x7a: {  	_ =	shalt  }
0x7b: {  	_ =	shalt  }
0x7c: {  	_ =	shalt  }
0x7d: {  	_ =	shalt  }
0x7e: {  	_ =	shalt  }
0x7f: {  	_ =	shalt  }
0x80: {  	_ =	shalt  }
0x81: {  	_ =	shalt  }
0x82: {  	_ =	shalt  }
0x83: {  	_ =	shalt  }
0x84: {  	_ =	shalt  }
0x85: {  	_ =	shalt  }
0x86: {  	_ =	shalt  }
0x87: {  	_ =	shalt  }
.Lfunc_end0:
.L_simem_size_0:
called_computation.1_lowered:
.L_overlay_start_0:
0x88: {  	s2 =	sld [smem:$0x3FD9]  }
0x89: {  	s3 =	sld [smem:$0x3FFE];
	_ =	sdelay $0x1  }
0x8a: {  	s1 =	srdreg.scid  }
0x8b: {  	s0 =	sand.u32 $0x1, s1  }
0x8c: {  	s16 =	sshll.u32 s0, $0xA;
	s2 =	sadd.s32 s3, s2  }
0x8d: {  	s2 =	sadd.s32 s2, s16  }
0x8e: {  	[smem:$0x3F6C] =	sst s2  }
0x8f: {  	_ = 	snop  }
0x90: {  	(tm) =	ssettm $0x1  }
0x91: {  	s17 =	sld [smem:$0x3FFB];
	_ =	sdelay $0x3  }
0x92: {  	_ =	strace s17  }
0x93: {  	s2 =	sld [smem:$0x3FFC];
	_ =	sdelay $0x3  }
0x94: {  	_ =	strace s2  }
0x95: {  	s2 =	sld [smem:$0x3FFD];
	_ =	sdelay $0x3  }
0x96: {  	_ =	strace s2  }
0x97: {  	_ =	strace $0x8FFFFFFF  }
0x98: {  	s18 =	sld [smem:$0x3FDB];
	_ =	sdelay $0x1  }
0x99: {  	s19 =	simm.s32 $_scs_section_size  }
0x9a: {  	s4 =	simm.s32 $_size__tile_overlayer_lowered;
	s5 =	simm.s32 $_tile_overlayer_lowered  }
0x9b: {  	s22 =	simm.s32 $0x1BFF;
	s21 =	sshll.u32 s5, $0x1;
	s2 =	sadd.s32 s19, s18  }
0x9c: {  	s6 =	simm.s32 $0x0;
	s20 =	sshll.u32 s4, $0x1;
	s4 =	sadd.s32 s21, s2  }
0x9d: {  	[timem:s6], [sflag:s22] =	dma.local [hbm:s4], s20  }
0x9e: {  	_ =	swait.ge [sflag:s22], s20  }
0x9f: {  	s3 =	ssub.s32 $0x0, s20;
	[sflag:s22] =	ssyncset.done $0x0  }
0xa0: {  	[sflag:s22] =	ssyncadd.s32 s3;
	_ =	sdelay $0x1  }
0xa1: {  	s23 =	simm.s32 $0x1B8B  }
0xa2: {  	_ =	swait.ge [sflag:s23], $0x1  }
0xa3: {  	[sflag:s23] =	ssyncset.done $0x0  }
0xa4: {  	s25 =	simm.s32 $0x1B8E;
	s24 =	sld [smem:$0x3FFE];
	[sflag:s23] =	ssyncadd.s32 $0xFFFFFFFF  }
0xa5: {  	s26 =	simm.s32 $execute0_lowered;
	[smem:$0x3FD2] =	sst s25  }
0xa6: {  	s4 =	sshll.u32 s26, $0x1;
	_ =	strace $0x80000049;
	[dreg:$0x1] =	wrdreg $0xFFFFFFFF  }
0xa7: {  	s28 =	simm.s32 $_size_execute0_lowered;
	s2 =	sadd.s32 s2, s4;
	[dreg:$0x0] =	wrdreg $0x0  }
0xa8: {  	s4 =	sshll.u32 s28, $0x1;
	[dreg:$0x2] =	wrdreg s2  }
0xa9: {  	[dreg:$0x3] =	wrdreg s4  }
0xaa: {  	[dreg:$0x4] =	wrdreg $0xC0  }
0xab: {  	_ =	task [dreg:s6], $0x5FFFF  }
0xac: {  	[dreg:$0x1] =	wrdreg $0xFFFFFFFF  }
0xad: {  	[dreg:$0x0] =	wrdreg $0x60  }
0xae: {  	[dreg:$0x2] =	wrdreg s24  }
0xaf: {  	[dreg:$0x3] =	wrdreg $0x0  }
0xb0: {  	[dreg:$0x4] =	wrdreg $0x9  }
0xb1: {  	_ =	task.clear_ibuf [dreg:s6], $0x5FFFF;
	_ =	strace $0x90000049  }
0xb2: {  	s29 =	simm.s32 $0x9;
	_ =	strace $0x8000004B  }
0xb3: {  	_ =	swait.ge [sflag:s29], $0x1  }
0xb4: {  	[sflag:s29] =	ssyncadd.s32 $0xFFFFFFFF  }
0xb5: {  	_ =	strace $0x9000004B  }
0xb6: {  	_ =	sfence  }
0xb7: {  	s30 =	sld [smem:$0x0];
	_ =	sdelay $0x2  }
0xb8: {  	s31 =	sshll.u32 s1, $0xD;
	s1 =	sshrl.u32 s1, $0x2  }
0xb9: {  	s3 =	sand.u32 $0x4000, s31;
	s1 =	sadd.s32 s1, s30  }
0xba: {  	s0 =	sor.u32 s3, s0;
	s1 =	sshll.u32 s1, $0x11  }
0xbb: {  	s0 =	sor.u32 s1, s0  }
0xbc: {  	s0 =	sadd.s32 $0x8F2B, s0  }
0xbd: {  	[sflag:s0] =	ssyncadd.remote.s32 $0x1  }
0xbe: {  	_ =	sfence.sel $0xFFFF  }
0xbf: {  	[dreg:$0x0] =	wrdreg $0xFFFFFFFF;
	(pc) =	sbr.abs _section_cstart, $3  }
0xc0: {  	[dreg:$0x1] =	wrdreg $0xFFFFFFFF  }
0xc1: {  	_ =	task.clear_ibuf [dreg:s6], $0x2FFFF;
	_ =	strace $0x9FFFFFFF  }
0xc2: {  	(tm) =	ssettm $0x7FFFFFFF  }
0xc3: {  	_ =	shalt  }
tec
execute0_lowered:
.L_overlay_start_1:
0x0: {  	(tag) =	ssettag $0x1  }
0x1: {  	s0 =	rddreg [dreg:$0x0]  }
0x2: {  	s1 =	rddreg [dreg:$0x1]  }
0x3: {  	s2 =	simm.s32 $0x0;
	s16 =	srdreg.scid;
	s11 =	stileid.u32  }
0x4: {  	s28 =	simm.s32 $0x16800;
	s29 =	simm.s32 $0x19000;
	s30 =	simm.s32 $0x1D000  }
0x5: {  	s31 =	simm.s32 $0x1;
	[smem:$0x7FF] =	sst s2;
	s9 =	sadd.s32 $0x39FA00, s0  }
0x6: {  	s10 =	sadd.s32 $0x61FA00, s0;
	s5 =	sadd.s32 $0x83400, s0;
	s6 =	sadd.s32 $0xAA600, s0  }
0x7: {  	s8 =	sadd.s32 $0x21200, s0;
	s12 =	sadd.s32 $0x2B200, s0;
	s3 =	sadd.s32 $0x11200, s0  }
0x8: {  	s4 =	sadd.s32 $0x11FA00, s0;
	_ =	strace $0x8000004A;
	[dreg:$0x6] =	wrdreg s3  }
0x9: {  	s7 =	smul.u32 $0x50000, s11;
	s0 =	sadd.s32 $0x147A00, s0;
	[dreg:$0x7] =	wrdreg s4  }
0xa: {  	s2 =	sand.u32 $0x1, s16;
	s13 =	smul.u32 $0x2800, s11;
	[dreg:$0x8] =	wrdreg s0  }
0xb: {  	s22 =	smul.u32 $0x28000, s11;
	s24 =	sshll.u32 s11, $0x1;
	[dreg:$0x5] =	wrdreg s12  }
0xc: {  	s21 =	sshll.u32 s11, $0x6;
	s26 =	smul.u32 $0xA, s11;
	[dreg:$0xb] =	wrdreg s24  }
0xd: {  	s11 =	simm.s32 $0x4;
	s17 =	ssub.s32 $0x2, s2;
	[dreg:$0x4] =	wrdreg s10  }
0xe: {  	s14 =	sor.u32 $0x1C07, s21;
	[dreg:$0x3] =	wrdreg s9;
	p0 =	sne.s32 s2, $0x0  }
0xf: {  	s24 =	simm.s32 $0x40;
	s18 =	sshrl.u32 s17, $0x1;
	s20 =	sshrl.u32 s7, $0x2  }
0x10: {  	s23 =	sshrl.u32 s13, $0x3;
	s25 =	sor.u32 $0x400, s22;
	[dreg:$0xc] =	wrdreg s26  }
0x11: {  	s22 =	simm.s32 $0x7;
	s7 =	simm.s32 $0x2;
	[dreg:$0x9] =	wrdreg s14  }
.Ltmp0:
0x12: {  	s19 =	ssub.s32 s17, s18;
	s3 =	sadd.s32 s20, s1;
	(pc) =	sbr.rel .LBB2_1-.Ltmp0, $4  }
0x13: {  	s4 =	sadd.s32 s12, s23;
	s20 =	sadd.s32 s9, s25;
	s23 =	simm.s32 $0x14000  }
0x14: {  	[dreg:$0xa] =	wrdreg s4;
	s0 =	smax.u32 s19, $0x1;
	s19 =	sadd.s32 s10, s25  }
0x15: {  	s3 =	sshrl.u32 s3, $0x3;
	s25 =	simm.s32 $0x17000;
	[dreg:$0xd] =	wrdreg s0  }
0x16: {  	s4 =	simm.s32 $0x0;
	s0 =	simm.s32 $0x3;
	[dreg:$0xe] =	wrdreg s3  }
.LBB2_22:
0x17: {  	s3 =	simm.s32 $0x5  }
0x18: {  	_ =	swait.ge [sflag:s3], $0x2000  }
0x19: {  	[sflag:s3] =	ssyncset.done $0x0  }
0x1a: {  	s21 =	simm.s32 $0x6;
	[sflag:s3] =	ssyncadd.s32 $0xFFFFE000  }
0x1b: {  	_ =	swait.ge [sflag:s21], $0x2000  }
0x1c: {  	[sflag:s21] =	ssyncset.done $0x0  }
0x1d: {  	[sflag:s21] =	ssyncadd.s32 $0xFFFFE000  }
0x1e: {  	[bflag:$0x0] =	sbarrier.arrive $0xFFFF  }
0x1f: {  	s14 =	rddreg [dreg:$0x9]  }
0x20: {  	s2 =	sadd.s32 s2, s13;
	s3 =	rddreg [dreg:$0xe]  }
0x21: {  	[hbm:s2], [sflag:s14] =	dma.local [spmem:s3], $0x2800  }
0x22: {  	_ =	swait.ge [sflag:s22], $0x2800  }
0x23: {  	s4 =	sadd.s32 $0x1, s4;
	s26 =	rddreg [dreg:$0xd]  }
0x24: {  	p1 =	sne.s32 s4, s26  }
.Ltmp1:
0x25: {  	_ = 	snop;
	(pc) =	sbr.rel @!p1 .LBB2_23-.Ltmp1, $3  }
0x26: {  	_ =	sdelay $0x1  }
0x27: {  	[sflag:s22] =	ssyncset.done $0x0  }
0x28: {  	[sflag:s22] =	ssyncadd.s32 $0xFFFFD800  }
.LBB2_1:
0x29: {  	[dreg:$0xf] =	wrdreg s4  }
0x2a: {  	s2 =	rddreg [dreg:$0x6]  }
0x2b: {  	[spmem:s3], [sflag:s14] =	dma.local [hbm:s2], $0x2800  }
0x2c: {  	_ =	swait.ge [sflag:s22], $0x2800  }
0x2d: {  	[sflag:s22] =	ssyncset.done $0x0  }
0x2e: {  	s21 =	simm.s32 $0x0;
	s26 =	rddreg [dreg:$0xa];
	[sflag:s22] =	ssyncadd.s32 $0xFFFFD800  }
0x2f: {  	[tilespmem:s23], [sflag:$0x7] =	stream.linear.gather [hbm4b:s26+s21], $0x2800, $0x38;
	[tilespmem:$0x1F000] =	vst v63  }
.Ltmp2:
0x30: {  	_ =	swait.ge [sflag:s22], $0x2800;
	(pc) =	sbr.rel @p0 .LBB2_12-.Ltmp2, $4  }
0x31: {  	[sflag:s22] =	ssyncset.done $0x0  }
0x32: {  	[sflag:s22] =	ssyncadd.s32 $0xFFFFD800  }
0x33: {  	p2 =	por $0x1, $0x1;
	[bflag:$0x0] =	sbarrier.arrive $0xFFFF  }
0x34: {  	p3 =	por $0x0, $0x0;
	s18 =	simm.s32 $0x0;
	s12 =	simm.s32 $0x0  }
.LBB2_2:
0x35: {  	s2 =	rddreg [dreg:$0xb]  }
0x36: {  	s2 =	sor.u32 s2, s18  }
0x37: {  	s2 =	smul.u32 $0x500, s2  }
0x38: {  	s3 =	rddreg [dreg:$0x5]  }
0x39: {  	s14 =	simm.s32 $0x0;
	s2 =	sadd.s32 s3, s2  }
0x3a: {  	[tilespmem:s23], [sflag:$0x7] =	stream.linear.gather [hbm4b:s2+s14], $0x2800, $0x38;
	[tilespmem:$0x1F000] =	vst v63  }
0x3b: {  	_ =	swait.ge [sflag:s22], $0x2800  }
0x3c: {  	[sflag:s22] =	ssyncset.done $0x0  }
0x3d: {  	s15 =	smul.u32 $0x1400, s18;
	s2 =	simm.s32 @p3 $0x5;
	[sflag:s22] =	ssyncadd.s32 $0xFFFFD800  }
0x3e: {  	s12 =	simm.s32 $0x0;
	s17 =	simm.s32 $0x1B000;
	_ =	swait.ge @p3 [sflag:s2], $0x2000  }
0x3f: {  	s21 =	smul.u32 $0x5, s18;
	p1 =	por p2, p2;
	[sflag:s2] =	ssyncset.done @p3 $0x0  }
0x40: {  	s16 =	rddreg [dreg:$0x3];
	[sflag:s2] =	ssyncadd.s32 @p3 $0xFFFFE000;
	s2 =	sadd.s32 s13, s15  }
0x41: {  	[tilespmem:s25], [sflag:$0x1] =	stream.indirect.gather [hbm4b:s5+s24], $0x80, s23, s24, $0xb8;
	[tilespmem:$0x1F000] =	vst v63  }
0x42: {  	s14 =	smul.u32 $0x50, s18;
	s26 =	rddreg [dreg:$0xc];
	s2 =	sshll.u32 s2, $0x4  }
0x43: {  	s10 =	sadd.s32 s26, s21;
	s21 =	simm.s32 $0x0;
	s2 =	sadd.s32 s16, s2  }
0x44: {  	[tilespmem:s17], [sflag:$0x3] =	stream.linear.gather [hbm4b:s2+s12], $0x2000, $0x38;
	[tilespmem:$0x1F000] =	vst v63  }
.LBB2_3:
0x45: {  	s2 =	sadd.s32 s21, s10  }
0x46: {  	s2 =	sshll.u32 s2, $0x8  }
0x47: {  	s2 =	sadd.s32 s8, s2  }
0x48: {  	[tilespmem:s28], [sflag:$0x7] =	stream.linear.gather [hbm4b:s2+s12], $0x800, $0x38;
	[tilespmem:$0x1F000] =	vst v63  }
0x49: {  	_ =	swait.ge [sflag:s22], $0x800  }
0x4a: {  	s15 =	sshll.u32 s21, $0x4;
	[sflag:s22] =	ssyncset.done $0x0  }
0x4b: {  	s3 =	sadd.s32 s18, s21;
	s4 =	simm.s32 $0x0;
	[sflag:s22] =	ssyncadd.s32 $0xFFFFF800  }
.LBB2_4:
0x4c: {  	s2 =	sshll.u32 s4, $0x1;
	s9 =	sor.u32 s3, s4  }
0x4d: {  	s26 =	sadd.s32 s15, s2;
	p2 =	seq.s32 s9, $0x0  }
0x4e: {  	s9 =	simm.s32 @!p2 $0x6;
	s2 =	sor.u32 $0x1, s26  }
0x4f: {  	_ =	swait.ge @!p2 [sflag:s9], $0x2000;
	s16 =	sshll.u32 s2, $0x7  }
0x50: {  	s17 =	sadd.s32 s14, s26;
	[sflag:s9] =	ssyncset.done @!p2 $0x0;
	s16 =	sand.u32 $0x3FFFFF80, s16  }
0x51: {  	[sflag:s9] =	ssyncadd.s32 @!p2 $0xFFFFE000;
	s16 =	sadd.s32 $0x14000, s16;
	s9 =	sshll.u32 s17, $0xA  }
0x52: {  	[tilespmem:s29], [sflag:$0x2] =	stream.indirect.gather [hbm4b:s5+s24], $0x80, s16, s24, $0xb8;
	[tilespmem:$0x1F000] =	vst v63  }
0x53: {  	s17 =	simm.s32 $0x0;
	s9 =	sadd.s32 s20, s9  }
0x54: {  	[tilespmem:s30], [sflag:$0x4] =	stream.linear.gather [hbm4b:s9+s17], $0x2000, $0x38;
	[tilespmem:$0x1F000] =	vst v63  }
0x55: {  	_ =	swait.ge [sflag:s31], $0x2000  }
0x56: {  	[sflag:s31] =	ssyncset.done $0x0  }
0x57: {  	[sflag:s31] =	ssyncadd.s32 $0xFFFFE000  }
0x58: {  	_ =	swait.ge [sflag:s0], $0x2000  }
0x59: {  	[sflag:s0] =	ssyncset.done $0x0  }
0x5a: {  	s16 =	simm.s32 $0x0;
	[sflag:s0] =	ssyncadd.s32 $0xFFFFE000  }
0x5b: {  	v7 =	vld [tilespmem:s16+$0x1B000]  }
0x5c: {  	v11 =	vld [tilespmem:s16+$0x1B010]  }
0x5d: {  	v5 =	vld [tilespmem:s16+$0x1B020]  }
0x5e: {  	v4 =	vld [tilespmem:s16+$0x1B030]  }
0x5f: {  	v3 =	vld [tilespmem:s16+$0x1B040]  }
0x60: {  	v2 =	vld [tilespmem:s16+$0x1B050]  }
0x61: {  	v1 =	vld [tilespmem:s16+$0x1B060]  }
0x62: {  	v0 =	vld [tilespmem:s16+$0x1B070]  }
0x63: {  	v12 =	vld [tilespmem:s16+$0x17000]  }
0x64: {  	v13 =	vld [tilespmem:s16+$0x17010]  }
0x65: {  	v10 =	vld [tilespmem:s16+$0x17020]  }
0x66: {  	v9 =	vld [tilespmem:s16+$0x17030]  }
0x67: {  	v8 =	vld [tilespmem:s16+$0x17040]  }
0x68: {  	v6 =	vld [tilespmem:s16+$0x17050];
	v12 =	vmul.f32 v7, v12  }
0x69: {  	s9 =	simm.s32 $0x200;
	v11 =	vmul.f32 v11, v13;
	v7 =	vld [tilespmem:s16+$0x17060]  }
.LBB2_5:
0x6a: {  	s17 =	sshra.s32 s9, $0x2;
	p2 =	sne.s32 s9, $0x7E00;
	[tilespmem:s16+$0x17000] =	vst v12;
	v5 =	vmul.f32 v5, v10;
	v10 =	vld [tilespmem:s16+$0x17070]  }
0x6b: {  	v12 =	vld [tilespmem:s17+$0x1B000];
	[tilespmem:s16+$0x17010] =	vst v11;
	v4 =	vmul.f32 v4, v9  }
0x6c: {  	v11 =	vld [tilespmem:s17+$0x1B010];
	[tilespmem:s16+$0x17020] =	vst v5;
	v3 =	vmul.f32 v3, v8  }
0x6d: {  	v5 =	vld [tilespmem:s17+$0x1B020];
	[tilespmem:s16+$0x17030] =	vst v4;
	v2 =	vmul.f32 v2, v6  }
0x6e: {  	v4 =	vld [tilespmem:s17+$0x1B030];
	[tilespmem:s16+$0x17040] =	vst v3;
	v1 =	vmul.f32 v1, v7  }
0x6f: {  	v3 =	vld [tilespmem:s17+$0x1B040];
	[tilespmem:s16+$0x17050] =	vst v2;
	v0 =	vmul.f32 v0, v10  }
0x70: {  	v2 =	vld [tilespmem:s17+$0x1B050];
	[tilespmem:s16+$0x17060] =	vst v1  }
0x71: {  	v1 =	vld [tilespmem:s17+$0x1B060];
	[tilespmem:s16+$0x17070] =	vst v0;
	s16 =	smov.u32 s17  }
0x72: {  	v0 =	vld [tilespmem:s16+$0x1B070]  }
0x73: {  	v6 =	vld [tilespmem:s16+$0x17000]  }
0x74: {  	v7 =	vld [tilespmem:s16+$0x17010]  }
.Ltmp3:
0x75: {  	v10 =	vld [tilespmem:s16+$0x17020];
	(pc) =	sbr.rel @p2 .LBB2_5-.Ltmp3, $4  }
0x76: {  	v9 =	vld [tilespmem:s16+$0x17030]  }
0x77: {  	v8 =	vld [tilespmem:s16+$0x17040]  }
0x78: {  	v12 =	vmul.f32 v12, v6;
	v6 =	vld [tilespmem:s16+$0x17050]  }
0x79: {  	s9 =	sadd.s32 $0x200, s9;
	v11 =	vmul.f32 v11, v7;
	v7 =	vld [tilespmem:s16+$0x17060]  }
0x7a: {  	[tilespmem:s16+$0x17000] =	vst v12;
	v5 =	vmul.f32 v5, v10;
	v10 =	vld [tilespmem:s16+$0x17070]  }
0x7b: {  	[tilespmem:s16+$0x17010] =	vst v11;
	v4 =	vmul.f32 v4, v9  }
0x7c: {  	[tilespmem:s16+$0x17020] =	vst v5;
	v3 =	vmul.f32 v3, v8  }
0x7d: {  	[tilespmem:s16+$0x17030] =	vst v4;
	v2 =	vmul.f32 v2, v6  }
0x7e: {  	[tilespmem:s16+$0x17040] =	vst v3;
	v1 =	vmul.f32 v1, v7  }
0x7f: {  	s9 =	sshll.u32 s4, $0x8;
	[tilespmem:s16+$0x17050] =	vst v2;
	v0 =	vmul.f32 v0, v10  }
0x80: {  	p2 =	sgt.u32 s26, $0x4D;
	s9 =	sand.u32 $0x3FFFFF00, s9;
	[tilespmem:s16+$0x17060] =	vst v1  }
0x81: {  	s17 =	sadd.s32 $0x16800, s9;
	[tilespmem:s16+$0x17070] =	vst v0;
	s16 =	simm.s32 @!p2 $0x5  }
0x82: {  	[spmem:s1] =	stream.indirect.scatter.add.f32 [tilespmem:s25], [sflag:$0x5], $0x80, s17, s24, $0xb8;
	[tilespmem:$0x1F000] =	vst v63  }
0x83: {  	_ =	swait.ge @!p2 [sflag:s16], $0x2000  }
0x84: {  	s2 =	sadd.s32 @!p2 s14, s2;
	s17 =	sshll.u32 @!p2 s26, $0x7;
	[sflag:s16] =	ssyncset.done @!p2 $0x0  }
0x85: {  	s2 =	sshll.u32 @!p2 s2, $0xA;
	[sflag:s16] =	ssyncadd.s32 @!p2 $0xFFFFE000;
	s16 =	sand.u32 @!p2 $0x3FFFFF80, s17  }
0x86: {  	s26 =	simm.s32 @!p2 $0x17000;
	s17 =	simm.s32 @!p2 $0x40;
	s16 =	sadd.s32 @!p2 $0x14100, s16  }
0x87: {  	[tilespmem:s26], [sflag:$0x1] =	stream.indirect.gather @!p2 [hbm4b:s5+s17], $0x80, s16, s17, $0xb8;
	[tilespmem:$0x1F000] =	vst v63  }
0x88: {  	s2 =	sadd.s32 @!p2 s20, s2;
	s16 =	simm.s32 @!p2 $0x0;
	s17 =	simm.s32 @!p2 $0x1B000  }
0x89: {  	[tilespmem:s17], [sflag:$0x3] =	stream.linear.gather @!p2 [hbm4b:s2+s16], $0x2000, $0x38;
	[tilespmem:$0x1F000] =	vst v63  }
0x8a: {  	_ =	swait.ge [sflag:s7], $0x2000  }
0x8b: {  	[sflag:s7] =	ssyncset.done $0x0  }
0x8c: {  	[sflag:s7] =	ssyncadd.s32 $0xFFFFE000  }
0x8d: {  	_ =	swait.ge [sflag:s11], $0x2000  }
0x8e: {  	[sflag:s11] =	ssyncset.done $0x0  }
0x8f: {  	s2 =	simm.s32 $0x0;
	[sflag:s11] =	ssyncadd.s32 $0xFFFFE000  }
0x90: {  	v7 =	vld [tilespmem:s2+$0x1D000]  }
0x91: {  	v11 =	vld [tilespmem:s2+$0x1D010]  }
0x92: {  	v5 =	vld [tilespmem:s2+$0x1D020]  }
0x93: {  	v4 =	vld [tilespmem:s2+$0x1D030]  }
0x94: {  	v3 =	vld [tilespmem:s2+$0x1D040]  }
0x95: {  	v2 =	vld [tilespmem:s2+$0x1D050]  }
0x96: {  	v1 =	vld [tilespmem:s2+$0x1D060]  }
0x97: {  	v0 =	vld [tilespmem:s2+$0x1D070]  }
0x98: {  	v12 =	vld [tilespmem:s2+$0x19000]  }
0x99: {  	v13 =	vld [tilespmem:s2+$0x19010]  }
0x9a: {  	v10 =	vld [tilespmem:s2+$0x19020]  }
0x9b: {  	v9 =	vld [tilespmem:s2+$0x19030]  }
0x9c: {  	v8 =	vld [tilespmem:s2+$0x19040]  }
0x9d: {  	v6 =	vld [tilespmem:s2+$0x19050];
	v12 =	vmul.f32 v7, v12  }
0x9e: {  	s16 =	simm.s32 $0x200;
	v11 =	vmul.f32 v11, v13;
	v7 =	vld [tilespmem:s2+$0x19060]  }
.LBB2_7:
0x9f: {  	s17 =	sshra.s32 s16, $0x2;
	p2 =	sne.s32 s16, $0x7E00;
	[tilespmem:s2+$0x19000] =	vst v12;
	v5 =	vmul.f32 v5, v10;
	v10 =	vld [tilespmem:s2+$0x19070]  }
0xa0: {  	v12 =	vld [tilespmem:s17+$0x1D000];
	[tilespmem:s2+$0x19010] =	vst v11;
	v4 =	vmul.f32 v4, v9  }
0xa1: {  	v11 =	vld [tilespmem:s17+$0x1D010];
	[tilespmem:s2+$0x19020] =	vst v5;
	v3 =	vmul.f32 v3, v8  }
0xa2: {  	v5 =	vld [tilespmem:s17+$0x1D020];
	[tilespmem:s2+$0x19030] =	vst v4;
	v2 =	vmul.f32 v2, v6  }
0xa3: {  	v4 =	vld [tilespmem:s17+$0x1D030];
	[tilespmem:s2+$0x19040] =	vst v3;
	v1 =	vmul.f32 v1, v7  }
0xa4: {  	v3 =	vld [tilespmem:s17+$0x1D040];
	[tilespmem:s2+$0x19050] =	vst v2;
	v0 =	vmul.f32 v0, v10  }
0xa5: {  	v2 =	vld [tilespmem:s17+$0x1D050];
	[tilespmem:s2+$0x19060] =	vst v1  }
0xa6: {  	v1 =	vld [tilespmem:s17+$0x1D060];
	[tilespmem:s2+$0x19070] =	vst v0;
	s2 =	smov.u32 s17  }
0xa7: {  	v0 =	vld [tilespmem:s2+$0x1D070]  }
0xa8: {  	v6 =	vld [tilespmem:s2+$0x19000]  }
0xa9: {  	v7 =	vld [tilespmem:s2+$0x19010]  }
.Ltmp4:
0xaa: {  	v10 =	vld [tilespmem:s2+$0x19020];
	(pc) =	sbr.rel @p2 .LBB2_7-.Ltmp4, $4  }
0xab: {  	v9 =	vld [tilespmem:s2+$0x19030]  }
0xac: {  	v8 =	vld [tilespmem:s2+$0x19040]  }
0xad: {  	v12 =	vmul.f32 v12, v6;
	v6 =	vld [tilespmem:s2+$0x19050]  }
0xae: {  	s16 =	sadd.s32 $0x200, s16;
	v11 =	vmul.f32 v11, v7;
	v7 =	vld [tilespmem:s2+$0x19060]  }
0xaf: {  	[tilespmem:s2+$0x19000] =	vst v12;
	v5 =	vmul.f32 v5, v10;
	v63 =	vld [tilespmem:s2+$0x19070]  }
0xb0: {  	[tilespmem:s2+$0x19010] =	vst v11;
	v4 =	vmul.f32 v4, v9  }
0xb1: {  	s4 =	sadd.s32 $0x1, s4;
	[tilespmem:s2+$0x19020] =	vst v5;
	v3 =	vmul.f32 v3, v8  }
0xb2: {  	p2 =	sne.s32 s4, $0x8;
	[tilespmem:s2+$0x19030] =	vst v4;
	v2 =	vmul.f32 v2, v6  }
.Ltmp5:
0xb3: {  	[tilespmem:s2+$0x19040] =	vst v3;
	v1 =	vmul.f32 v1, v7;
	(pc) =	sbr.rel @p2 .LBB2_4-.Ltmp5, $4  }
0xb4: {  	[tilespmem:s2+$0x19050] =	vst v2;
	v0 =	vmul.f32 v0, v63  }
0xb5: {  	[tilespmem:s2+$0x19060] =	vst v1  }
0xb6: {  	s26 =	sadd.s32 $0x16880, s9;
	[tilespmem:s2+$0x19070] =	vst v0  }
0xb7: {  	[spmem:s1] =	stream.indirect.scatter.add.f32 [tilespmem:s29], [sflag:$0x6], $0x80, s26, s24, $0xb8;
	[tilespmem:$0x1F000] =	vst v63  }
0xb8: {  	s21 =	sadd.s32 $0x1, s21  }
0xb9: {  	p2 =	sne.s32 s21, $0x5  }
.Ltmp6:
0xba: {  	_ = 	snop;
	(pc) =	sbr.rel @p2 .LBB2_3-.Ltmp6, $1  }
0xbb: {  	_ =	sdelay $0x3  }
.Ltmp7:
0xbc: {  	(pc) =	sbr.rel @p1 .LBB2_2-.Ltmp7, $2  }
0xbd: {  	_ =	sdelay $0x2  }
0xbe: {  	s18 =	simm.s32 $0x1;
	p2 =	por $0x0, $0x0;
	p3 =	por $0x1, $0x1  }
.Ltmp8:
0xbf: {  	(pc) =	sbr.rel .LBB2_22-.Ltmp8, $3  }
0xc0: {  	_ =	sdelay $0x1  }
0xc1: {  	s2 =	rddreg [dreg:$0x7]  }
0xc2: {  	s4 =	rddreg [dreg:$0xf]  }
.LBB2_12:
0xc3: {  	s2 =	rddreg [dreg:$0xb]  }
0xc4: {  	s2 =	sor.u32 s2, s12  }
0xc5: {  	s2 =	smul.u32 $0x500, s2  }
0xc6: {  	s3 =	rddreg [dreg:$0x5]  }
0xc7: {  	s14 =	simm.s32 $0x0;
	s2 =	sadd.s32 s3, s2  }
0xc8: {  	[tilespmem:s23], [sflag:$0x7] =	stream.linear.gather [hbm4b:s2+s14], $0x2800, $0x38;
	[tilespmem:$0x1F000] =	vst v63  }
0xc9: {  	_ =	swait.ge [sflag:s22], $0x2800  }
0xca: {  	[sflag:s22] =	ssyncset.done $0x0  }
0xcb: {  	s15 =	smul.u32 $0x1400, s12;
	s2 =	simm.s32 @p3 $0x5;
	[sflag:s22] =	ssyncadd.s32 $0xFFFFD800  }
0xcc: {  	s18 =	simm.s32 $0x0;
	s17 =	simm.s32 $0x1B000;
	_ =	swait.ge @p3 [sflag:s2], $0x2000  }
0xcd: {  	s21 =	smul.u32 $0x5, s12;
	p1 =	por p2, p2;
	[sflag:s2] =	ssyncset.done @p3 $0x0  }
0xce: {  	s16 =	rddreg [dreg:$0x4];
	[sflag:s2] =	ssyncadd.s32 @p3 $0xFFFFE000;
	s2 =	sadd.s32 s13, s15  }
0xcf: {  	[tilespmem:s25], [sflag:$0x1] =	stream.indirect.gather [hbm4b:s6+s24], $0x80, s23, s24, $0xb8;
	[tilespmem:$0x1F000] =	vst v63  }
0xd0: {  	s14 =	smul.u32 $0x50, s12;
	s26 =	rddreg [dreg:$0xc];
	s2 =	sshll.u32 s2, $0x4  }
0xd1: {  	s10 =	sadd.s32 s26, s21;
	s21 =	simm.s32 $0x0;
	s2 =	sadd.s32 s16, s2  }
0xd2: {  	[tilespmem:s17], [sflag:$0x3] =	stream.linear.gather [hbm4b:s2+s18], $0x2000, $0x38;
	[tilespmem:$0x1F000] =	vst v63  }
.LBB2_13:
0xd3: {  	s2 =	sadd.s32 s21, s10  }
0xd4: {  	s2 =	sshll.u32 s2, $0x8  }
0xd5: {  	s2 =	sadd.s32 s8, s2  }
0xd6: {  	[tilespmem:s28], [sflag:$0x7] =	stream.linear.gather [hbm4b:s2+s18], $0x800, $0x38;
	[tilespmem:$0x1F000] =	vst v63  }
0xd7: {  	_ =	swait.ge [sflag:s22], $0x800  }
0xd8: {  	s15 =	sshll.u32 s21, $0x4;
	[sflag:s22] =	ssyncset.done $0x0  }
0xd9: {  	s3 =	sadd.s32 s12, s21;
	s4 =	simm.s32 $0x0;
	[sflag:s22] =	ssyncadd.s32 $0xFFFFF800  }
.LBB2_14:
0xda: {  	s2 =	sshll.u32 s4, $0x1;
	s9 =	sor.u32 s3, s4  }
0xdb: {  	s26 =	sadd.s32 s15, s2;
	p2 =	seq.s32 s9, $0x0  }
0xdc: {  	s9 =	simm.s32 @!p2 $0x6;
	s2 =	sor.u32 $0x1, s26  }
0xdd: {  	_ =	swait.ge @!p2 [sflag:s9], $0x2000;
	s16 =	sshll.u32 s2, $0x7  }
0xde: {  	s17 =	sadd.s32 s14, s26;
	[sflag:s9] =	ssyncset.done @!p2 $0x0;
	s16 =	sand.u32 $0x3FFFFF80, s16  }
0xdf: {  	[sflag:s9] =	ssyncadd.s32 @!p2 $0xFFFFE000;
	s16 =	sadd.s32 $0x14000, s16;
	s9 =	sshll.u32 s17, $0xA  }
0xe0: {  	[tilespmem:s29], [sflag:$0x2] =	stream.indirect.gather [hbm4b:s6+s24], $0x80, s16, s24, $0xb8;
	[tilespmem:$0x1F000] =	vst v63  }
0xe1: {  	s17 =	simm.s32 $0x0;
	s9 =	sadd.s32 s19, s9  }
0xe2: {  	[tilespmem:s30], [sflag:$0x4] =	stream.linear.gather [hbm4b:s9+s17], $0x2000, $0x38;
	[tilespmem:$0x1F000] =	vst v63  }
0xe3: {  	_ =	swait.ge [sflag:s31], $0x2000  }
0xe4: {  	[sflag:s31] =	ssyncset.done $0x0  }
0xe5: {  	[sflag:s31] =	ssyncadd.s32 $0xFFFFE000  }
0xe6: {  	_ =	swait.ge [sflag:s0], $0x2000  }
0xe7: {  	[sflag:s0] =	ssyncset.done $0x0  }
0xe8: {  	s16 =	simm.s32 $0x0;
	[sflag:s0] =	ssyncadd.s32 $0xFFFFE000  }
0xe9: {  	v7 =	vld [tilespmem:s16+$0x1B000]  }
0xea: {  	v11 =	vld [tilespmem:s16+$0x1B010]  }
0xeb: {  	v5 =	vld [tilespmem:s16+$0x1B020]  }
0xec: {  	v4 =	vld [tilespmem:s16+$0x1B030]  }
0xed: {  	v3 =	vld [tilespmem:s16+$0x1B040]  }
0xee: {  	v2 =	vld [tilespmem:s16+$0x1B050]  }
0xef: {  	v1 =	vld [tilespmem:s16+$0x1B060]  }
0xf0: {  	v0 =	vld [tilespmem:s16+$0x1B070]  }
0xf1: {  	v12 =	vld [tilespmem:s16+$0x17000]  }
0xf2: {  	v13 =	vld [tilespmem:s16+$0x17010]  }
0xf3: {  	v10 =	vld [tilespmem:s16+$0x17020]  }
0xf4: {  	v9 =	vld [tilespmem:s16+$0x17030]  }
0xf5: {  	v8 =	vld [tilespmem:s16+$0x17040]  }
0xf6: {  	v6 =	vld [tilespmem:s16+$0x17050];
	v12 =	vmul.f32 v7, v12  }
0xf7: {  	s9 =	simm.s32 $0x200;
	v11 =	vmul.f32 v11, v13;
	v7 =	vld [tilespmem:s16+$0x17060]  }
.LBB2_15:
0xf8: {  	s17 =	sshra.s32 s9, $0x2;
	p2 =	sne.s32 s9, $0x7E00;
	[tilespmem:s16+$0x17000] =	vst v12;
	v5 =	vmul.f32 v5, v10;
	v10 =	vld [tilespmem:s16+$0x17070]  }
0xf9: {  	v12 =	vld [tilespmem:s17+$0x1B000];
	[tilespmem:s16+$0x17010] =	vst v11;
	v4 =	vmul.f32 v4, v9  }
0xfa: {  	v11 =	vld [tilespmem:s17+$0x1B010];
	[tilespmem:s16+$0x17020] =	vst v5;
	v3 =	vmul.f32 v3, v8  }
0xfb: {  	v5 =	vld [tilespmem:s17+$0x1B020];
	[tilespmem:s16+$0x17030] =	vst v4;
	v2 =	vmul.f32 v2, v6  }
0xfc: {  	v4 =	vld [tilespmem:s17+$0x1B030];
	[tilespmem:s16+$0x17040] =	vst v3;
	v1 =	vmul.f32 v1, v7  }
0xfd: {  	v3 =	vld [tilespmem:s17+$0x1B040];
	[tilespmem:s16+$0x17050] =	vst v2;
	v0 =	vmul.f32 v0, v10  }
0xfe: {  	v2 =	vld [tilespmem:s17+$0x1B050];
	[tilespmem:s16+$0x17060] =	vst v1  }
0xff: {  	v1 =	vld [tilespmem:s17+$0x1B060];
	[tilespmem:s16+$0x17070] =	vst v0;
	s16 =	smov.u32 s17  }
0x100: {  	v0 =	vld [tilespmem:s16+$0x1B070]  }
0x101: {  	v6 =	vld [tilespmem:s16+$0x17000]  }
0x102: {  	v7 =	vld [tilespmem:s16+$0x17010]  }
.Ltmp9:
0x103: {  	v10 =	vld [tilespmem:s16+$0x17020];
	(pc) =	sbr.rel @p2 .LBB2_15-.Ltmp9, $4  }
0x104: {  	v9 =	vld [tilespmem:s16+$0x17030]  }
0x105: {  	v8 =	vld [tilespmem:s16+$0x17040]  }
0x106: {  	v12 =	vmul.f32 v12, v6;
	v6 =	vld [tilespmem:s16+$0x17050]  }
0x107: {  	s9 =	sadd.s32 $0x200, s9;
	v11 =	vmul.f32 v11, v7;
	v7 =	vld [tilespmem:s16+$0x17060]  }
0x108: {  	[tilespmem:s16+$0x17000] =	vst v12;
	v5 =	vmul.f32 v5, v10;
	v10 =	vld [tilespmem:s16+$0x17070]  }
0x109: {  	[tilespmem:s16+$0x17010] =	vst v11;
	v4 =	vmul.f32 v4, v9  }
0x10a: {  	[tilespmem:s16+$0x17020] =	vst v5;
	v3 =	vmul.f32 v3, v8  }
0x10b: {  	[tilespmem:s16+$0x17030] =	vst v4;
	v2 =	vmul.f32 v2, v6  }
0x10c: {  	[tilespmem:s16+$0x17040] =	vst v3;
	v1 =	vmul.f32 v1, v7  }
0x10d: {  	s9 =	sshll.u32 s4, $0x8;
	[tilespmem:s16+$0x17050] =	vst v2;
	v0 =	vmul.f32 v0, v10  }
0x10e: {  	p2 =	sgt.u32 s26, $0x4D;
	s9 =	sand.u32 $0x3FFFFF00, s9;
	[tilespmem:s16+$0x17060] =	vst v1  }
0x10f: {  	s17 =	sadd.s32 $0x16800, s9;
	[tilespmem:s16+$0x17070] =	vst v0;
	s16 =	simm.s32 @!p2 $0x5  }
0x110: {  	[spmem:s1] =	stream.indirect.scatter.add.f32 [tilespmem:s25], [sflag:$0x5], $0x80, s17, s24, $0xb8;
	[tilespmem:$0x1F000] =	vst v63  }
0x111: {  	_ =	swait.ge @!p2 [sflag:s16], $0x2000  }
0x112: {  	s2 =	sadd.s32 @!p2 s14, s2;
	s17 =	sshll.u32 @!p2 s26, $0x7;
	[sflag:s16] =	ssyncset.done @!p2 $0x0  }
0x113: {  	s2 =	sshll.u32 @!p2 s2, $0xA;
	[sflag:s16] =	ssyncadd.s32 @!p2 $0xFFFFE000;
	s16 =	sand.u32 @!p2 $0x3FFFFF80, s17  }
0x114: {  	s26 =	simm.s32 @!p2 $0x17000;
	s17 =	simm.s32 @!p2 $0x40;
	s16 =	sadd.s32 @!p2 $0x14100, s16  }
0x115: {  	[tilespmem:s26], [sflag:$0x1] =	stream.indirect.gather @!p2 [hbm4b:s6+s17], $0x80, s16, s17, $0xb8;
	[tilespmem:$0x1F000] =	vst v63  }
0x116: {  	s2 =	sadd.s32 @!p2 s19, s2;
	s16 =	simm.s32 @!p2 $0x0;
	s17 =	simm.s32 @!p2 $0x1B000  }
0x117: {  	[tilespmem:s17], [sflag:$0x3] =	stream.linear.gather @!p2 [hbm4b:s2+s16], $0x2000, $0x38;
	[tilespmem:$0x1F000] =	vst v63  }
0x118: {  	_ =	swait.ge [sflag:s7], $0x2000  }
0x119: {  	[sflag:s7] =	ssyncset.done $0x0  }
0x11a: {  	[sflag:s7] =	ssyncadd.s32 $0xFFFFE000  }
0x11b: {  	_ =	swait.ge [sflag:s11], $0x2000  }
0x11c: {  	[sflag:s11] =	ssyncset.done $0x0  }
0x11d: {  	s2 =	simm.s32 $0x0;
	[sflag:s11] =	ssyncadd.s32 $0xFFFFE000  }
0x11e: {  	v7 =	vld [tilespmem:s2+$0x1D000]  }
0x11f: {  	v11 =	vld [tilespmem:s2+$0x1D010]  }
0x120: {  	v5 =	vld [tilespmem:s2+$0x1D020]  }
0x121: {  	v4 =	vld [tilespmem:s2+$0x1D030]  }
0x122: {  	v3 =	vld [tilespmem:s2+$0x1D040]  }
0x123: {  	v2 =	vld [tilespmem:s2+$0x1D050]  }
0x124: {  	v1 =	vld [tilespmem:s2+$0x1D060]  }
0x125: {  	v0 =	vld [tilespmem:s2+$0x1D070]  }
0x126: {  	v12 =	vld [tilespmem:s2+$0x19000]  }
0x127: {  	v13 =	vld [tilespmem:s2+$0x19010]  }
0x128: {  	v10 =	vld [tilespmem:s2+$0x19020]  }
0x129: {  	v9 =	vld [tilespmem:s2+$0x19030]  }
0x12a: {  	v8 =	vld [tilespmem:s2+$0x19040]  }
0x12b: {  	v6 =	vld [tilespmem:s2+$0x19050];
	v12 =	vmul.f32 v7, v12  }
0x12c: {  	s16 =	simm.s32 $0x200;
	v11 =	vmul.f32 v11, v13;
	v7 =	vld [tilespmem:s2+$0x19060]  }
.LBB2_17:
0x12d: {  	s17 =	sshra.s32 s16, $0x2;
	p2 =	sne.s32 s16, $0x7E00;
	[tilespmem:s2+$0x19000] =	vst v12;
	v5 =	vmul.f32 v5, v10;
	v10 =	vld [tilespmem:s2+$0x19070]  }
0x12e: {  	v12 =	vld [tilespmem:s17+$0x1D000];
	[tilespmem:s2+$0x19010] =	vst v11;
	v4 =	vmul.f32 v4, v9  }
0x12f: {  	v11 =	vld [tilespmem:s17+$0x1D010];
	[tilespmem:s2+$0x19020] =	vst v5;
	v3 =	vmul.f32 v3, v8  }
0x130: {  	v5 =	vld [tilespmem:s17+$0x1D020];
	[tilespmem:s2+$0x19030] =	vst v4;
	v2 =	vmul.f32 v2, v6  }
0x131: {  	v4 =	vld [tilespmem:s17+$0x1D030];
	[tilespmem:s2+$0x19040] =	vst v3;
	v1 =	vmul.f32 v1, v7  }
0x132: {  	v3 =	vld [tilespmem:s17+$0x1D040];
	[tilespmem:s2+$0x19050] =	vst v2;
	v0 =	vmul.f32 v0, v10  }
0x133: {  	v2 =	vld [tilespmem:s17+$0x1D050];
	[tilespmem:s2+$0x19060] =	vst v1  }
0x134: {  	v1 =	vld [tilespmem:s17+$0x1D060];
	[tilespmem:s2+$0x19070] =	vst v0;
	s2 =	smov.u32 s17  }
0x135: {  	v0 =	vld [tilespmem:s2+$0x1D070]  }
0x136: {  	v6 =	vld [tilespmem:s2+$0x19000]  }
0x137: {  	v7 =	vld [tilespmem:s2+$0x19010]  }
.Ltmp10:
0x138: {  	v10 =	vld [tilespmem:s2+$0x19020];
	(pc) =	sbr.rel @p2 .LBB2_17-.Ltmp10, $4  }
0x139: {  	v9 =	vld [tilespmem:s2+$0x19030]  }
0x13a: {  	v8 =	vld [tilespmem:s2+$0x19040]  }
0x13b: {  	v12 =	vmul.f32 v12, v6;
	v6 =	vld [tilespmem:s2+$0x19050]  }
0x13c: {  	s16 =	sadd.s32 $0x200, s16;
	v11 =	vmul.f32 v11, v7;
	v7 =	vld [tilespmem:s2+$0x19060]  }
0x13d: {  	[tilespmem:s2+$0x19000] =	vst v12;
	v5 =	vmul.f32 v5, v10;
	v63 =	vld [tilespmem:s2+$0x19070]  }
0x13e: {  	[tilespmem:s2+$0x19010] =	vst v11;
	v4 =	vmul.f32 v4, v9  }
0x13f: {  	s4 =	sadd.s32 $0x1, s4;
	[tilespmem:s2+$0x19020] =	vst v5;
	v3 =	vmul.f32 v3, v8  }
0x140: {  	p2 =	sne.s32 s4, $0x8;
	[tilespmem:s2+$0x19030] =	vst v4;
	v2 =	vmul.f32 v2, v6  }
.Ltmp11:
0x141: {  	[tilespmem:s2+$0x19040] =	vst v3;
	v1 =	vmul.f32 v1, v7;
	(pc) =	sbr.rel @p2 .LBB2_14-.Ltmp11, $4  }
0x142: {  	[tilespmem:s2+$0x19050] =	vst v2;
	v0 =	vmul.f32 v0, v63  }
0x143: {  	[tilespmem:s2+$0x19060] =	vst v1  }
0x144: {  	s26 =	sadd.s32 $0x16880, s9;
	[tilespmem:s2+$0x19070] =	vst v0  }
0x145: {  	[spmem:s1] =	stream.indirect.scatter.add.f32 [tilespmem:s29], [sflag:$0x6], $0x80, s26, s24, $0xb8;
	[tilespmem:$0x1F000] =	vst v63  }
0x146: {  	s21 =	sadd.s32 $0x1, s21  }
0x147: {  	p2 =	sne.s32 s21, $0x5  }
.Ltmp12:
0x148: {  	_ = 	snop;
	(pc) =	sbr.rel @p2 .LBB2_13-.Ltmp12, $1  }
0x149: {  	_ =	sdelay $0x3  }
.Ltmp13:
0x14a: {  	(pc) =	sbr.rel @p1 .LBB2_12-.Ltmp13, $2  }
0x14b: {  	_ =	sdelay $0x2  }
0x14c: {  	s12 =	simm.s32 $0x1;
	p2 =	por $0x0, $0x0;
	p3 =	por $0x1, $0x1  }
.Ltmp14:
0x14d: {  	(pc) =	sbr.rel .LBB2_22-.Ltmp14, $3  }
0x14e: {  	_ =	sdelay $0x1  }
0x14f: {  	s2 =	rddreg [dreg:$0x8]  }
0x150: {  	s4 =	rddreg [dreg:$0xf]  }
.LBB2_23:
0x151: {  	_ =	sfence.sel $0x180000  }
0x152: {  	[bflag:$0x0] =	sbarrier.arrive $0xFFFF  }
0x153: {  	_ =	strace $0x9000004A  }
0x154: {  	s0 =	stileid.u32;
	[bflag:$0x2] =	sbarrier.arrive $0xFFFF  }
0x155: {  	p0 =	sne.s32 s0, $0x0;
	s0 =	rddreg [dreg:$0x2]  }
0x156: {  	s0 =	sadd.s32 @!p0 $0x100000, s0  }
0x157: {  	[sflag:s0] =	ssyncadd.tile.s32 @!p0 $0x1;
	_ =	shalt  }
.Lfunc_end2:
_tile_overlayer_lowered:
.L_overlay_start_2:
0x158: {  	(tag) =	ssettag $0x2  }
0x159: {  	s0 =	rddreg [dreg:$0x0];
	s2 =	stileid.u32  }
0x15a: {  	s1 =	rddreg [dreg:$0x1];
	p0 =	sne.s32 s2, $0x0  }
0x15b: {  	s3 =	rddreg [dreg:$0x2];
	[bflag:$0x3] =	sbarrier.arrive $0xFFFF;
	s2 =	simm.s32 @!p0 $0x1C07  }
0x15c: {  	[timem:s3], [sflag:s2] =	dma.local @!p0 [hbm:s0], s1  }
0x15d: {  	s0 =	simm.s32 @!p0 $0x7  }
0x15e: {  	_ =	swait.ge @!p0 [sflag:s0], s1  }
0x15f: {  	s1 =	ssub.s32 @!p0 $0x0, s1;
	[sflag:s0] =	ssyncset.done @!p0 $0x0  }
0x160: {  	[sflag:s0] =	ssyncadd.s32 @!p0 s1  }
0x161: {  	[bflag:$0x3] =	sbarrier.arrive $0xFFFF  }
0x162: {  	_ =	shalt  }

// kernel: _run.21.cloned.1.call-start
scs
__scs_entry_jumppad:
0x0: {  	(pc) =	sbr.rel $0x88, $3  }
0x1: {  	(tag) =	ssettag $0x0;
	lr =	simm.s32 $0x1  }
0x2: {  	[smem:$0x3F45] =	sst lr;
	_ =	strace $0xD0000000  }
0x3: {  	_ = 	snop  }
0x4: {  	_ = 	snop  }
0x5: {  	_ = 	snop  }
0x6: {  	_ = 	snop  }
0x7: {  	_ = 	snop  }
__scs_overlays_trampoline_lowered:
0x8: {  	[smem:$0x3F54] =	sst s0  }
0x9: {  	[smem:$0x3F55] =	sst s1  }
0xa: {  	[smem:$0x3F56] =	sst s2  }
0xb: {  	[smem:$0x3F57] =	sst s3  }
0xc: {  	[smem:$0x3F58] =	sst s4  }
0xd: {  	[smem:$0x3F59] =	sst s5  }
0xe: {  	[smem:$0x3F5A] =	sst s6  }
0xf: {  	[smem:$0x3F5B] =	sst s7  }
0x10: {  	[smem:$0x3F5C] =	sst s8  }
0x11: {  	[smem:$0x3F5D] =	sst s9;
	s0 =	simm.s32 @!p0 $0x0  }
0x12: {  	s1 =	sld [smem:$0x3F43];
	s0 =	simm.s32 @p0 $0x1  }
0x13: {  	[smem:$0x3F5E] =	sst s0;
	s0 =	simm.s32 @!p1 $0x0  }
0x14: {  	s2 =	sld [smem:$0x3F42];
	s0 =	simm.s32 @p1 $0x1  }
0x15: {  	[smem:$0x3F5F] =	sst s0;
	s0 =	simm.s32 @!p2 $0x0  }
0x16: {  	s3 =	sld [smem:$0x3FDB];
	s0 =	simm.s32 @p2 $0x1  }
0x17: {  	s4 =	simm.s32 $0x1BF5;
	[smem:$0x3F61] =	sst s0  }
0x18: {  	s0 =	sld [smem:$0x3F44];
	_ =	swait.ge [sflag:s4], $0x0  }
0x19: {  	s7 =	sld [smem:$0x3F45]  }
0x1a: {  	s8 =	sadd.s32 $0xFFFFE003, lr  }
0x1b: {  	s9 =	sadd.s32 $0xFFFFFEF7, lr;
	s5 =	simm.s32 $0xFFFFFFFF;
	p2 =	slt.u32 s8, $0xFFFFF086  }
0x1c: {  	p1 =	slt.u32 s9, $0xF7A;
	s5 =	simm.s32 @!p2 $0x0  }
0x1d: {  	s5 =	simm.s32 @p1 $0x1;
	p0 =	seq.s32 s7, s2  }
0x1e: {  	s7 =	smul.u32 @!p0 $0xF7A, s2;
	p2 =	seq.s32 @!p0 s5, $0x0  }
0x1f: {  	s9 =	smul.u32 $0xF7A, s1;
	s8 =	simm.s32 @!p0 $0x1BF5;
	p2 =	por !p2, p0  }
0x20: {  	[sflag:s8] =	ssyncset.s32 @!p0 $0xFFFFF086;
	s6 =	sadd.s32 @!p0 s3, s7;
	s7 =	simm.s32 @!p0 $0x108  }
0x21: {  	s3 =	sadd.s32 s3, s9;
	s6 =	sadd.s32 @!p0 $0x88, s6;
	s7 =	simm.s32 @p2 $0x1082  }
0x22: {  	[simem:s7], [sflag:s8] =	dma.local @!p0 [hbm:s6], $0xF7A  }
0x23: {  	s9 =	sor.u32 $0xD0000000, s2;
	s6 =	simm.s32 $0x108;
	_ =	swait.ge @!p0 [sflag:s8], $0x0  }
0x24: {  	s3 =	sadd.s32 $0x88, s3;
	s6 =	simm.s32 @!p1 $0x1082;
	[sflag:s4] =	ssyncset.s32 $0xFFFFF086  }
0x25: {  	[simem:s6], [sflag:s4] =	dma.local [hbm:s3], $0xF7A  }
0x26: {  	[smem:$0x3F45] =	sst s1;
	(tag) =	ssettag s2;
	_ =	strace s9  }
0x27: {  	s1 =	sld [smem:$0x3F55]  }
0x28: {  	s2 =	sld [smem:$0x3F56]  }
0x29: {  	s4 =	sld [smem:$0x3F58]  }
0x2a: {  	p0 =	seq.s32 s5, $0x0;
	s5 =	sld [smem:$0x3F59]  }
0x2b: {  	s6 =	sld [smem:$0x3F5A]  }
0x2c: {  	s7 =	sld [smem:$0x3F5B]  }
0x2d: {  	s3 =	simm.s32 $0x108;
	s8 =	sld [smem:$0x3F5C]  }
0x2e: {  	s3 =	simm.s32 @!p0 $0x1082;
	s9 =	sld [smem:$0x3F5D]  }
0x2f: {  	lr =	sadd.s32 s0, s3;
	s0 =	sld [smem:$0x3F54]  }
0x30: {  	s3 =	sld [smem:$0x3F57]  }
0x31: {  	[smem:$0x3F60] =	sst s10  }
0x32: {  	s10 =	sld [smem:$0x3F5E];
	_ =	sdelay $0x3  }
0x33: {  	p0 =	seq.s32 s10, $0x1;
	s10 =	sld [smem:$0x3F60];
	_ =	sdelay $0x3  }
0x34: {  	[smem:$0x3F60] =	sst s10  }
0x35: {  	s10 =	sld [smem:$0x3F5F];
	_ =	sdelay $0x3  }
0x36: {  	p1 =	seq.s32 s10, $0x1;
	s10 =	sld [smem:$0x3F60];
	_ =	sdelay $0x3  }
0x37: {  	[smem:$0x3F60] =	sst s10  }
0x38: {  	s10 =	sld [smem:$0x3F61]  }
0x39: {  	_ = 	snop;
	(pc) =	sbr.ind lr, $3  }
0x3a: {  	_ = 	snop  }
0x3b: {  	_ = 	snop  }
0x3c: {  	p2 =	seq.s32 s10, $0x1;
	s10 =	sld [smem:$0x3F60]  }
0x3d: {  	_ =	shalt  }
0x3e: {  	_ =	shalt  }
0x3f: {  	_ =	shalt  }
0x40: {  	_ =	shalt  }
0x41: {  	_ =	shalt  }
0x42: {  	_ =	shalt  }
0x43: {  	_ =	shalt  }
0x44: {  	_ =	shalt  }
0x45: {  	_ =	shalt  }
0x46: {  	_ =	shalt  }
0x47: {  	_ =	shalt  }
0x48: {  	_ =	shalt  }
0x49: {  	_ =	shalt  }
0x4a: {  	_ =	shalt  }
0x4b: {  	_ =	shalt  }
0x4c: {  	_ =	shalt  }
0x4d: {  	_ =	shalt  }
0x4e: {  	_ =	shalt  }
0x4f: {  	_ =	shalt  }
0x50: {  	_ =	shalt  }
0x51: {  	_ =	shalt  }
0x52: {  	_ =	shalt  }
0x53: {  	_ =	shalt  }
0x54: {  	_ =	shalt  }
0x55: {  	_ =	shalt  }
0x56: {  	_ =	shalt  }
0x57: {  	_ =	shalt  }
0x58: {  	_ =	shalt  }
0x59: {  	_ =	shalt  }
0x5a: {  	_ =	shalt  }
0x5b: {  	_ =	shalt  }
0x5c: {  	_ =	shalt  }
0x5d: {  	_ =	shalt  }
0x5e: {  	_ =	shalt  }
0x5f: {  	_ =	shalt  }
0x60: {  	_ =	shalt  }
0x61: {  	_ =	shalt  }
0x62: {  	_ =	shalt  }
0x63: {  	_ =	shalt  }
0x64: {  	_ =	shalt  }
0x65: {  	_ =	shalt  }
0x66: {  	_ =	shalt  }
0x67: {  	_ =	shalt  }
0x68: {  	_ =	shalt  }
0x69: {  	_ =	shalt  }
0x6a: {  	_ =	shalt  }
0x6b: {  	_ =	shalt  }
0x6c: {  	_ =	shalt  }
0x6d: {  	_ =	shalt  }
0x6e: {  	_ =	shalt  }
0x6f: {  	_ =	shalt  }
0x70: {  	_ =	shalt  }
0x71: {  	_ =	shalt  }
0x72: {  	_ =	shalt  }
0x73: {  	_ =	shalt  }
0x74: {  	_ =	shalt  }
0x75: {  	_ =	shalt  }
0x76: {  	_ =	shalt  }
0x77: {  	_ =	shalt  }
0x78: {  	_ =	shalt  }
0x79: {  	_ =	shalt  }
0x7a: {  	_ =	shalt  }
0x7b: {  	_ =	shalt  }
0x7c: {  	_ =	shalt  }
0x7d: {  	_ =	shalt  }
0x7e: {  	_ =	shalt  }
0x7f: {  	_ =	shalt  }
0x80: {  	_ =	shalt  }
0x81: {  	_ =	shalt  }
0x82: {  	_ =	shalt  }
0x83: {  	_ =	shalt  }
0x84: {  	_ =	shalt  }
0x85: {  	_ =	shalt  }
0x86: {  	_ =	shalt  }
0x87: {  	_ =	shalt  }
.Lfunc_end0:
.L_simem_size_0:
called_computation.2_lowered:
.L_overlay_start_0:
0x88: {  	s2 =	sld [smem:$0x3FD9]  }
0x89: {  	s3 =	sld [smem:$0x3FFE];
	_ =	sdelay $0x1  }
0x8a: {  	s1 =	srdreg.scid  }
0x8b: {  	s0 =	sand.u32 $0x1, s1  }
0x8c: {  	s16 =	sshll.u32 s0, $0xA;
	s2 =	sadd.s32 s3, s2  }
0x8d: {  	s2 =	sadd.s32 s2, s16  }
0x8e: {  	[smem:$0x3F6C] =	sst s2  }
0x8f: {  	_ = 	snop  }
0x90: {  	(tm) =	ssettm $0x1  }
0x91: {  	s17 =	sld [smem:$0x3FFB];
	_ =	sdelay $0x3  }
0x92: {  	_ =	strace s17  }
0x93: {  	s2 =	sld [smem:$0x3FFC];
	_ =	sdelay $0x3  }
0x94: {  	_ =	strace s2  }
0x95: {  	s2 =	sld [smem:$0x3FFD];
	_ =	sdelay $0x3  }
0x96: {  	_ =	strace s2  }
0x97: {  	_ =	strace $0x8FFFFFFF  }
0x98: {  	s18 =	sld [smem:$0x3FDB];
	_ =	sdelay $0x1  }
0x99: {  	s19 =	simm.s32 $_scs_section_size  }
0x9a: {  	s4 =	simm.s32 $_size__tile_overlayer_lowered;
	s5 =	simm.s32 $_tile_overlayer_lowered  }
0x9b: {  	s22 =	simm.s32 $0x1BFF;
	s21 =	sshll.u32 s5, $0x1;
	s2 =	sadd.s32 s19, s18  }
0x9c: {  	s6 =	simm.s32 $0x0;
	s20 =	sshll.u32 s4, $0x1;
	s4 =	sadd.s32 s21, s2  }
0x9d: {  	[timem:s6], [sflag:s22] =	dma.local [hbm:s4], s20  }
0x9e: {  	_ =	swait.ge [sflag:s22], s20  }
0x9f: {  	s3 =	ssub.s32 $0x0, s20;
	[sflag:s22] =	ssyncset.done $0x0  }
0xa0: {  	[sflag:s22] =	ssyncadd.s32 s3;
	_ =	sdelay $0x1  }
0xa1: {  	s23 =	simm.s32 $0x1B8B  }
0xa2: {  	_ =	swait.ge [sflag:s23], $0x1  }
0xa3: {  	[sflag:s23] =	ssyncset.done $0x0  }
0xa4: {  	s25 =	simm.s32 $0x1B8E;
	s24 =	sld [smem:$0x3FFE];
	[sflag:s23] =	ssyncadd.s32 $0xFFFFFFFF  }
0xa5: {  	s26 =	simm.s32 $execute0_lowered;
	[smem:$0x3FD2] =	sst s25  }
0xa6: {  	s4 =	sshll.u32 s26, $0x1;
	_ =	strace $0x8000004C;
	[dreg:$0x1] =	wrdreg $0xFFFFFFFF  }
0xa7: {  	s28 =	simm.s32 $_size_execute0_lowered;
	s2 =	sadd.s32 s2, s4;
	[dreg:$0x0] =	wrdreg $0x0  }
0xa8: {  	s4 =	sshll.u32 s28, $0x1;
	[dreg:$0x2] =	wrdreg s2  }
0xa9: {  	[dreg:$0x3] =	wrdreg s4  }
0xaa: {  	[dreg:$0x4] =	wrdreg $0xC0  }
0xab: {  	_ =	task [dreg:s6], $0x5FFFF  }
0xac: {  	[dreg:$0x1] =	wrdreg $0xFFFFFFFF  }
0xad: {  	[dreg:$0x0] =	wrdreg $0x60  }
0xae: {  	[dreg:$0x2] =	wrdreg s24  }
0xaf: {  	[dreg:$0x3] =	wrdreg $0x0  }
0xb0: {  	[dreg:$0x4] =	wrdreg $0x9  }
0xb1: {  	_ =	task.clear_ibuf [dreg:s6], $0x5FFFF;
	_ =	strace $0x9000004C  }
0xb2: {  	s29 =	simm.s32 $0x9;
	_ =	strace $0x8000004E  }
0xb3: {  	_ =	swait.ge [sflag:s29], $0x1  }
0xb4: {  	[sflag:s29] =	ssyncadd.s32 $0xFFFFFFFF  }
0xb5: {  	_ =	strace $0x9000004E  }
0xb6: {  	_ =	sfence  }
0xb7: {  	s30 =	sld [smem:$0x0];
	_ =	sdelay $0x2  }
0xb8: {  	s31 =	sshll.u32 s1, $0xD;
	s1 =	sshrl.u32 s1, $0x2  }
0xb9: {  	s3 =	sand.u32 $0x4000, s31;
	s1 =	sadd.s32 s1, s30  }
0xba: {  	s0 =	sor.u32 s3, s0;
	s1 =	sshll.u32 s1, $0x11  }
0xbb: {  	s0 =	sor.u32 s1, s0  }
0xbc: {  	s0 =	sadd.s32 $0x8F2B, s0  }
0xbd: {  	[sflag:s0] =	ssyncadd.remote.s32 $0x1  }
0xbe: {  	_ =	sfence.sel $0xFFFF  }
0xbf: {  	[dreg:$0x0] =	wrdreg $0xFFFFFFFF;
	(pc) =	sbr.abs _section_cstart, $3  }
0xc0: {  	[dreg:$0x1] =	wrdreg $0xFFFFFFFF  }
0xc1: {  	_ =	task.clear_ibuf [dreg:s6], $0x2FFFF;
	_ =	strace $0x9FFFFFFF  }
0xc2: {  	(tm) =	ssettm $0x7FFFFFFF  }
0xc3: {  	_ =	shalt  }
tec
execute0_lowered:
.L_overlay_start_1:
0x0: {  	(tag) =	ssettag $0x1  }
0x1: {  	s0 =	rddreg [dreg:$0x0]  }
0x2: {  	s1 =	rddreg [dreg:$0x1]  }
0x3: {  	s2 =	simm.s32 $0x0;
	s16 =	srdreg.scid;
	s11 =	stileid.u32  }
0x4: {  	s28 =	simm.s32 $0x16800;
	s29 =	simm.s32 $0x19000;
	s30 =	simm.s32 $0x1D000  }
0x5: {  	s31 =	simm.s32 $0x1;
	[smem:$0x7FF] =	sst s2;
	s9 =	sadd.s32 $0x89FA00, s0  }
0x6: {  	s10 =	sadd.s32 $0xB1FA00, s0;
	s5 =	sadd.s32 $0xD1600, s0;
	s6 =	sadd.s32 $0xF8800, s0  }
0x7: {  	s8 =	sadd.s32 $0x21200, s0;
	s12 =	sadd.s32 $0x2B200, s0;
	s3 =	sadd.s32 $0x11200, s0  }
0x8: {  	s4 =	sadd.s32 $0x16DC00, s0;
	_ =	strace $0x8000004D;
	[dreg:$0x6] =	wrdreg s3  }
0x9: {  	s7 =	smul.u32 $0x50000, s11;
	s0 =	sadd.s32 $0x195C00, s0;
	[dreg:$0x7] =	wrdreg s4  }
0xa: {  	s2 =	sand.u32 $0x1, s16;
	s13 =	smul.u32 $0x2800, s11;
	[dreg:$0x8] =	wrdreg s0  }
0xb: {  	s22 =	smul.u32 $0x28000, s11;
	s24 =	sshll.u32 s11, $0x1;
	[dreg:$0x5] =	wrdreg s12  }
0xc: {  	s21 =	sshll.u32 s11, $0x6;
	s26 =	smul.u32 $0xA, s11;
	[dreg:$0xb] =	wrdreg s24  }
0xd: {  	s11 =	simm.s32 $0x4;
	s17 =	ssub.s32 $0x2, s2;
	[dreg:$0x4] =	wrdreg s10  }
0xe: {  	s14 =	sor.u32 $0x1C07, s21;
	[dreg:$0x3] =	wrdreg s9;
	p0 =	sne.s32 s2, $0x0  }
0xf: {  	s24 =	simm.s32 $0x40;
	s18 =	sshrl.u32 s17, $0x1;
	s20 =	sshrl.u32 s7, $0x2  }
0x10: {  	s23 =	sshrl.u32 s13, $0x3;
	s25 =	sor.u32 $0x400, s22;
	[dreg:$0xc] =	wrdreg s26  }
0x11: {  	s22 =	simm.s32 $0x7;
	s7 =	simm.s32 $0x2;
	[dreg:$0x9] =	wrdreg s14  }
.Ltmp0:
0x12: {  	s19 =	ssub.s32 s17, s18;
	s3 =	sadd.s32 s20, s1;
	(pc) =	sbr.rel .LBB2_1-.Ltmp0, $4  }
0x13: {  	s4 =	sadd.s32 s12, s23;
	s20 =	sadd.s32 s9, s25;
	s23 =	simm.s32 $0x14000  }
0x14: {  	[dreg:$0xa] =	wrdreg s4;
	s0 =	smax.u32 s19, $0x1;
	s19 =	sadd.s32 s10, s25  }
0x15: {  	s3 =	sshrl.u32 s3, $0x3;
	s25 =	simm.s32 $0x17000;
	[dreg:$0xd] =	wrdreg s0  }
0x16: {  	s4 =	simm.s32 $0x0;
	s0 =	simm.s32 $0x3;
	[dreg:$0xe] =	wrdreg s3  }
.LBB2_22:
0x17: {  	s3 =	simm.s32 $0x5  }
0x18: {  	_ =	swait.ge [sflag:s3], $0x2000  }
0x19: {  	[sflag:s3] =	ssyncset.done $0x0  }
0x1a: {  	s21 =	simm.s32 $0x6;
	[sflag:s3] =	ssyncadd.s32 $0xFFFFE000  }
0x1b: {  	_ =	swait.ge [sflag:s21], $0x2000  }
0x1c: {  	[sflag:s21] =	ssyncset.done $0x0  }
0x1d: {  	[sflag:s21] =	ssyncadd.s32 $0xFFFFE000  }
0x1e: {  	[bflag:$0x0] =	sbarrier.arrive $0xFFFF  }
0x1f: {  	s14 =	rddreg [dreg:$0x9]  }
0x20: {  	s2 =	sadd.s32 s2, s13;
	s3 =	rddreg [dreg:$0xe]  }
0x21: {  	[hbm:s2], [sflag:s14] =	dma.local [spmem:s3], $0x2800  }
0x22: {  	_ =	swait.ge [sflag:s22], $0x2800  }
0x23: {  	s4 =	sadd.s32 $0x1, s4;
	s26 =	rddreg [dreg:$0xd]  }
0x24: {  	p1 =	sne.s32 s4, s26  }
.Ltmp1:
0x25: {  	_ = 	snop;
	(pc) =	sbr.rel @!p1 .LBB2_23-.Ltmp1, $3  }
0x26: {  	_ =	sdelay $0x1  }
0x27: {  	[sflag:s22] =	ssyncset.done $0x0  }
0x28: {  	[sflag:s22] =	ssyncadd.s32 $0xFFFFD800  }
.LBB2_1:
0x29: {  	[dreg:$0xf] =	wrdreg s4  }
0x2a: {  	s2 =	rddreg [dreg:$0x6]  }
0x2b: {  	[spmem:s3], [sflag:s14] =	dma.local [hbm:s2], $0x2800  }
0x2c: {  	_ =	swait.ge [sflag:s22], $0x2800  }
0x2d: {  	[sflag:s22] =	ssyncset.done $0x0  }
0x2e: {  	s21 =	simm.s32 $0x0;
	s26 =	rddreg [dreg:$0xa];
	[sflag:s22] =	ssyncadd.s32 $0xFFFFD800  }
0x2f: {  	[tilespmem:s23], [sflag:$0x7] =	stream.linear.gather [hbm4b:s26+s21], $0x2800, $0x38;
	[tilespmem:$0x1F000] =	vst v63  }
.Ltmp2:
0x30: {  	_ =	swait.ge [sflag:s22], $0x2800;
	(pc) =	sbr.rel @p0 .LBB2_12-.Ltmp2, $4  }
0x31: {  	[sflag:s22] =	ssyncset.done $0x0  }
0x32: {  	[sflag:s22] =	ssyncadd.s32 $0xFFFFD800  }
0x33: {  	p2 =	por $0x1, $0x1;
	[bflag:$0x0] =	sbarrier.arrive $0xFFFF  }
0x34: {  	p3 =	por $0x0, $0x0;
	s18 =	simm.s32 $0x0;
	s12 =	simm.s32 $0x0  }
.LBB2_2:
0x35: {  	s2 =	rddreg [dreg:$0xb]  }
0x36: {  	s2 =	sor.u32 s2, s18  }
0x37: {  	s2 =	smul.u32 $0x500, s2  }
0x38: {  	s3 =	rddreg [dreg:$0x5]  }
0x39: {  	s14 =	simm.s32 $0x0;
	s2 =	sadd.s32 s3, s2  }
0x3a: {  	[tilespmem:s23], [sflag:$0x7] =	stream.linear.gather [hbm4b:s2+s14], $0x2800, $0x38;
	[tilespmem:$0x1F000] =	vst v63  }
0x3b: {  	_ =	swait.ge [sflag:s22], $0x2800  }
0x3c: {  	[sflag:s22] =	ssyncset.done $0x0  }
0x3d: {  	s15 =	smul.u32 $0x1400, s18;
	s2 =	simm.s32 @p3 $0x5;
	[sflag:s22] =	ssyncadd.s32 $0xFFFFD800  }
0x3e: {  	s12 =	simm.s32 $0x0;
	s17 =	simm.s32 $0x1B000;
	_ =	swait.ge @p3 [sflag:s2], $0x2000  }
0x3f: {  	s21 =	smul.u32 $0x5, s18;
	p1 =	por p2, p2;
	[sflag:s2] =	ssyncset.done @p3 $0x0  }
0x40: {  	s16 =	rddreg [dreg:$0x3];
	[sflag:s2] =	ssyncadd.s32 @p3 $0xFFFFE000;
	s2 =	sadd.s32 s13, s15  }
0x41: {  	[tilespmem:s25], [sflag:$0x1] =	stream.indirect.gather [hbm4b:s5+s24], $0x80, s23, s24, $0xb8;
	[tilespmem:$0x1F000] =	vst v63  }
0x42: {  	s14 =	smul.u32 $0x50, s18;
	s26 =	rddreg [dreg:$0xc];
	s2 =	sshll.u32 s2, $0x4  }
0x43: {  	s10 =	sadd.s32 s26, s21;
	s21 =	simm.s32 $0x0;
	s2 =	sadd.s32 s16, s2  }
0x44: {  	[tilespmem:s17], [sflag:$0x3] =	stream.linear.gather [hbm4b:s2+s12], $0x2000, $0x38;
	[tilespmem:$0x1F000] =	vst v63  }
.LBB2_3:
0x45: {  	s2 =	sadd.s32 s21, s10  }
0x46: {  	s2 =	sshll.u32 s2, $0x8  }
0x47: {  	s2 =	sadd.s32 s8, s2  }
0x48: {  	[tilespmem:s28], [sflag:$0x7] =	stream.linear.gather [hbm4b:s2+s12], $0x800, $0x38;
	[tilespmem:$0x1F000] =	vst v63  }
0x49: {  	_ =	swait.ge [sflag:s22], $0x800  }
0x4a: {  	s15 =	sshll.u32 s21, $0x4;
	[sflag:s22] =	ssyncset.done $0x0  }
0x4b: {  	s3 =	sadd.s32 s18, s21;
	s4 =	simm.s32 $0x0;
	[sflag:s22] =	ssyncadd.s32 $0xFFFFF800  }
.LBB2_4:
0x4c: {  	s2 =	sshll.u32 s4, $0x1;
	s9 =	sor.u32 s3, s4  }
0x4d: {  	s26 =	sadd.s32 s15, s2;
	p2 =	seq.s32 s9, $0x0  }
0x4e: {  	s9 =	simm.s32 @!p2 $0x6;
	s2 =	sor.u32 $0x1, s26  }
0x4f: {  	_ =	swait.ge @!p2 [sflag:s9], $0x2000;
	s16 =	sshll.u32 s2, $0x7  }
0x50: {  	s17 =	sadd.s32 s14, s26;
	[sflag:s9] =	ssyncset.done @!p2 $0x0;
	s16 =	sand.u32 $0x3FFFFF80, s16  }
0x51: {  	[sflag:s9] =	ssyncadd.s32 @!p2 $0xFFFFE000;
	s16 =	sadd.s32 $0x14000, s16;
	s9 =	sshll.u32 s17, $0xA  }
0x52: {  	[tilespmem:s29], [sflag:$0x2] =	stream.indirect.gather [hbm4b:s5+s24], $0x80, s16, s24, $0xb8;
	[tilespmem:$0x1F000] =	vst v63  }
0x53: {  	s17 =	simm.s32 $0x0;
	s9 =	sadd.s32 s20, s9  }
0x54: {  	[tilespmem:s30], [sflag:$0x4] =	stream.linear.gather [hbm4b:s9+s17], $0x2000, $0x38;
	[tilespmem:$0x1F000] =	vst v63  }
0x55: {  	_ =	swait.ge [sflag:s31], $0x2000  }
0x56: {  	[sflag:s31] =	ssyncset.done $0x0  }
0x57: {  	[sflag:s31] =	ssyncadd.s32 $0xFFFFE000  }
0x58: {  	_ =	swait.ge [sflag:s0], $0x2000  }
0x59: {  	[sflag:s0] =	ssyncset.done $0x0  }
0x5a: {  	s16 =	simm.s32 $0x0;
	[sflag:s0] =	ssyncadd.s32 $0xFFFFE000  }
0x5b: {  	v7 =	vld [tilespmem:s16+$0x1B000]  }
0x5c: {  	v11 =	vld [tilespmem:s16+$0x1B010]  }
0x5d: {  	v5 =	vld [tilespmem:s16+$0x1B020]  }
0x5e: {  	v4 =	vld [tilespmem:s16+$0x1B030]  }
0x5f: {  	v3 =	vld [tilespmem:s16+$0x1B040]  }
0x60: {  	v2 =	vld [tilespmem:s16+$0x1B050]  }
0x61: {  	v1 =	vld [tilespmem:s16+$0x1B060]  }
0x62: {  	v0 =	vld [tilespmem:s16+$0x1B070]  }
0x63: {  	v12 =	vld [tilespmem:s16+$0x17000]  }
0x64: {  	v13 =	vld [tilespmem:s16+$0x17010]  }
0x65: {  	v10 =	vld [tilespmem:s16+$0x17020]  }
0x66: {  	v9 =	vld [tilespmem:s16+$0x17030]  }
0x67: {  	v8 =	vld [tilespmem:s16+$0x17040]  }
0x68: {  	v6 =	vld [tilespmem:s16+$0x17050];
	v12 =	vmul.f32 v7, v12  }
0x69: {  	s9 =	simm.s32 $0x200;
	v11 =	vmul.f32 v11, v13;
	v7 =	vld [tilespmem:s16+$0x17060]  }
.LBB2_5:
0x6a: {  	s17 =	sshra.s32 s9, $0x2;
	p2 =	sne.s32 s9, $0x7E00;
	[tilespmem:s16+$0x17000] =	vst v12;
	v5 =	vmul.f32 v5, v10;
	v10 =	vld [tilespmem:s16+$0x17070]  }
0x6b: {  	v12 =	vld [tilespmem:s17+$0x1B000];
	[tilespmem:s16+$0x17010] =	vst v11;
	v4 =	vmul.f32 v4, v9  }
0x6c: {  	v11 =	vld [tilespmem:s17+$0x1B010];
	[tilespmem:s16+$0x17020] =	vst v5;
	v3 =	vmul.f32 v3, v8  }
0x6d: {  	v5 =	vld [tilespmem:s17+$0x1B020];
	[tilespmem:s16+$0x17030] =	vst v4;
	v2 =	vmul.f32 v2, v6  }
0x6e: {  	v4 =	vld [tilespmem:s17+$0x1B030];
	[tilespmem:s16+$0x17040] =	vst v3;
	v1 =	vmul.f32 v1, v7  }
0x6f: {  	v3 =	vld [tilespmem:s17+$0x1B040];
	[tilespmem:s16+$0x17050] =	vst v2;
	v0 =	vmul.f32 v0, v10  }
0x70: {  	v2 =	vld [tilespmem:s17+$0x1B050];
	[tilespmem:s16+$0x17060] =	vst v1  }
0x71: {  	v1 =	vld [tilespmem:s17+$0x1B060];
	[tilespmem:s16+$0x17070] =	vst v0;
	s16 =	smov.u32 s17  }
0x72: {  	v0 =	vld [tilespmem:s16+$0x1B070]  }
0x73: {  	v6 =	vld [tilespmem:s16+$0x17000]  }
0x74: {  	v7 =	vld [tilespmem:s16+$0x17010]  }
.Ltmp3:
0x75: {  	v10 =	vld [tilespmem:s16+$0x17020];
	(pc) =	sbr.rel @p2 .LBB2_5-.Ltmp3, $4  }
0x76: {  	v9 =	vld [tilespmem:s16+$0x17030]  }
0x77: {  	v8 =	vld [tilespmem:s16+$0x17040]  }
0x78: {  	v12 =	vmul.f32 v12, v6;
	v6 =	vld [tilespmem:s16+$0x17050]  }
0x79: {  	s9 =	sadd.s32 $0x200, s9;
	v11 =	vmul.f32 v11, v7;
	v7 =	vld [tilespmem:s16+$0x17060]  }
0x7a: {  	[tilespmem:s16+$0x17000] =	vst v12;
	v5 =	vmul.f32 v5, v10;
	v10 =	vld [tilespmem:s16+$0x17070]  }
0x7b: {  	[tilespmem:s16+$0x17010] =	vst v11;
	v4 =	vmul.f32 v4, v9  }
0x7c: {  	[tilespmem:s16+$0x17020] =	vst v5;
	v3 =	vmul.f32 v3, v8  }
0x7d: {  	[tilespmem:s16+$0x17030] =	vst v4;
	v2 =	vmul.f32 v2, v6  }
0x7e: {  	[tilespmem:s16+$0x17040] =	vst v3;
	v1 =	vmul.f32 v1, v7  }
0x7f: {  	s9 =	sshll.u32 s4, $0x8;
	[tilespmem:s16+$0x17050] =	vst v2;
	v0 =	vmul.f32 v0, v10  }
0x80: {  	p2 =	sgt.u32 s26, $0x4D;
	s9 =	sand.u32 $0x3FFFFF00, s9;
	[tilespmem:s16+$0x17060] =	vst v1  }
0x81: {  	s17 =	sadd.s32 $0x16800, s9;
	[tilespmem:s16+$0x17070] =	vst v0;
	s16 =	simm.s32 @!p2 $0x5  }
0x82: {  	[spmem:s1] =	stream.indirect.scatter.add.f32 [tilespmem:s25], [sflag:$0x5], $0x80, s17, s24, $0xb8;
	[tilespmem:$0x1F000] =	vst v63  }
0x83: {  	_ =	swait.ge @!p2 [sflag:s16], $0x2000  }
0x84: {  	s2 =	sadd.s32 @!p2 s14, s2;
	s17 =	sshll.u32 @!p2 s26, $0x7;
	[sflag:s16] =	ssyncset.done @!p2 $0x0  }
0x85: {  	s2 =	sshll.u32 @!p2 s2, $0xA;
	[sflag:s16] =	ssyncadd.s32 @!p2 $0xFFFFE000;
	s16 =	sand.u32 @!p2 $0x3FFFFF80, s17  }
0x86: {  	s26 =	simm.s32 @!p2 $0x17000;
	s17 =	simm.s32 @!p2 $0x40;
	s16 =	sadd.s32 @!p2 $0x14100, s16  }
0x87: {  	[tilespmem:s26], [sflag:$0x1] =	stream.indirect.gather @!p2 [hbm4b:s5+s17], $0x80, s16, s17, $0xb8;
	[tilespmem:$0x1F000] =	vst v63  }
0x88: {  	s2 =	sadd.s32 @!p2 s20, s2;
	s16 =	simm.s32 @!p2 $0x0;
	s17 =	simm.s32 @!p2 $0x1B000  }
0x89: {  	[tilespmem:s17], [sflag:$0x3] =	stream.linear.gather @!p2 [hbm4b:s2+s16], $0x2000, $0x38;
	[tilespmem:$0x1F000] =	vst v63  }
0x8a: {  	_ =	swait.ge [sflag:s7], $0x2000  }
0x8b: {  	[sflag:s7] =	ssyncset.done $0x0  }
0x8c: {  	[sflag:s7] =	ssyncadd.s32 $0xFFFFE000  }
0x8d: {  	_ =	swait.ge [sflag:s11], $0x2000  }
0x8e: {  	[sflag:s11] =	ssyncset.done $0x0  }
0x8f: {  	s2 =	simm.s32 $0x0;
	[sflag:s11] =	ssyncadd.s32 $0xFFFFE000  }
0x90: {  	v7 =	vld [tilespmem:s2+$0x1D000]  }
0x91: {  	v11 =	vld [tilespmem:s2+$0x1D010]  }
0x92: {  	v5 =	vld [tilespmem:s2+$0x1D020]  }
0x93: {  	v4 =	vld [tilespmem:s2+$0x1D030]  }
0x94: {  	v3 =	vld [tilespmem:s2+$0x1D040]  }
0x95: {  	v2 =	vld [tilespmem:s2+$0x1D050]  }
0x96: {  	v1 =	vld [tilespmem:s2+$0x1D060]  }
0x97: {  	v0 =	vld [tilespmem:s2+$0x1D070]  }
0x98: {  	v12 =	vld [tilespmem:s2+$0x19000]  }
0x99: {  	v13 =	vld [tilespmem:s2+$0x19010]  }
0x9a: {  	v10 =	vld [tilespmem:s2+$0x19020]  }
0x9b: {  	v9 =	vld [tilespmem:s2+$0x19030]  }
0x9c: {  	v8 =	vld [tilespmem:s2+$0x19040]  }
0x9d: {  	v6 =	vld [tilespmem:s2+$0x19050];
	v12 =	vmul.f32 v7, v12  }
0x9e: {  	s16 =	simm.s32 $0x200;
	v11 =	vmul.f32 v11, v13;
	v7 =	vld [tilespmem:s2+$0x19060]  }
.LBB2_7:
0x9f: {  	s17 =	sshra.s32 s16, $0x2;
	p2 =	sne.s32 s16, $0x7E00;
	[tilespmem:s2+$0x19000] =	vst v12;
	v5 =	vmul.f32 v5, v10;
	v10 =	vld [tilespmem:s2+$0x19070]  }
0xa0: {  	v12 =	vld [tilespmem:s17+$0x1D000];
	[tilespmem:s2+$0x19010] =	vst v11;
	v4 =	vmul.f32 v4, v9  }
0xa1: {  	v11 =	vld [tilespmem:s17+$0x1D010];
	[tilespmem:s2+$0x19020] =	vst v5;
	v3 =	vmul.f32 v3, v8  }
0xa2: {  	v5 =	vld [tilespmem:s17+$0x1D020];
	[tilespmem:s2+$0x19030] =	vst v4;
	v2 =	vmul.f32 v2, v6  }
0xa3: {  	v4 =	vld [tilespmem:s17+$0x1D030];
	[tilespmem:s2+$0x19040] =	vst v3;
	v1 =	vmul.f32 v1, v7  }
0xa4: {  	v3 =	vld [tilespmem:s17+$0x1D040];
	[tilespmem:s2+$0x19050] =	vst v2;
	v0 =	vmul.f32 v0, v10  }
0xa5: {  	v2 =	vld [tilespmem:s17+$0x1D050];
	[tilespmem:s2+$0x19060] =	vst v1  }
0xa6: {  	v1 =	vld [tilespmem:s17+$0x1D060];
	[tilespmem:s2+$0x19070] =	vst v0;
	s2 =	smov.u32 s17  }
0xa7: {  	v0 =	vld [tilespmem:s2+$0x1D070]  }
0xa8: {  	v6 =	vld [tilespmem:s2+$0x19000]  }
0xa9: {  	v7 =	vld [tilespmem:s2+$0x19010]  }
.Ltmp4:
0xaa: {  	v10 =	vld [tilespmem:s2+$0x19020];
	(pc) =	sbr.rel @p2 .LBB2_7-.Ltmp4, $4  }
0xab: {  	v9 =	vld [tilespmem:s2+$0x19030]  }
0xac: {  	v8 =	vld [tilespmem:s2+$0x19040]  }
0xad: {  	v12 =	vmul.f32 v12, v6;
	v6 =	vld [tilespmem:s2+$0x19050]  }
0xae: {  	s16 =	sadd.s32 $0x200, s16;
	v11 =	vmul.f32 v11, v7;
	v7 =	vld [tilespmem:s2+$0x19060]  }
0xaf: {  	[tilespmem:s2+$0x19000] =	vst v12;
	v5 =	vmul.f32 v5, v10;
	v63 =	vld [tilespmem:s2+$0x19070]  }
0xb0: {  	[tilespmem:s2+$0x19010] =	vst v11;
	v4 =	vmul.f32 v4, v9  }
0xb1: {  	s4 =	sadd.s32 $0x1, s4;
	[tilespmem:s2+$0x19020] =	vst v5;
	v3 =	vmul.f32 v3, v8  }
0xb2: {  	p2 =	sne.s32 s4, $0x8;
	[tilespmem:s2+$0x19030] =	vst v4;
	v2 =	vmul.f32 v2, v6  }
.Ltmp5:
0xb3: {  	[tilespmem:s2+$0x19040] =	vst v3;
	v1 =	vmul.f32 v1, v7;
	(pc) =	sbr.rel @p2 .LBB2_4-.Ltmp5, $4  }
0xb4: {  	[tilespmem:s2+$0x19050] =	vst v2;
	v0 =	vmul.f32 v0, v63  }
0xb5: {  	[tilespmem:s2+$0x19060] =	vst v1  }
0xb6: {  	s26 =	sadd.s32 $0x16880, s9;
	[tilespmem:s2+$0x19070] =	vst v0  }
0xb7: {  	[spmem:s1] =	stream.indirect.scatter.add.f32 [tilespmem:s29], [sflag:$0x6], $0x80, s26, s24, $0xb8;
	[tilespmem:$0x1F000] =	vst v63  }
0xb8: {  	s21 =	sadd.s32 $0x1, s21  }
0xb9: {  	p2 =	sne.s32 s21, $0x5  }
.Ltmp6:
0xba: {  	_ = 	snop;
	(pc) =	sbr.rel @p2 .LBB2_3-.Ltmp6, $1  }
0xbb: {  	_ =	sdelay $0x3  }
.Ltmp7:
0xbc: {  	(pc) =	sbr.rel @p1 .LBB2_2-.Ltmp7, $2  }
0xbd: {  	_ =	sdelay $0x2  }
0xbe: {  	s18 =	simm.s32 $0x1;
	p2 =	por $0x0, $0x0;
	p3 =	por $0x1, $0x1  }
.Ltmp8:
0xbf: {  	(pc) =	sbr.rel .LBB2_22-.Ltmp8, $3  }
0xc0: {  	_ =	sdelay $0x1  }
0xc1: {  	s2 =	rddreg [dreg:$0x7]  }
0xc2: {  	s4 =	rddreg [dreg:$0xf]  }
.LBB2_12:
0xc3: {  	s2 =	rddreg [dreg:$0xb]  }
0xc4: {  	s2 =	sor.u32 s2, s12  }
0xc5: {  	s2 =	smul.u32 $0x500, s2  }
0xc6: {  	s3 =	rddreg [dreg:$0x5]  }
0xc7: {  	s14 =	simm.s32 $0x0;
	s2 =	sadd.s32 s3, s2  }
0xc8: {  	[tilespmem:s23], [sflag:$0x7] =	stream.linear.gather [hbm4b:s2+s14], $0x2800, $0x38;
	[tilespmem:$0x1F000] =	vst v63  }
0xc9: {  	_ =	swait.ge [sflag:s22], $0x2800  }
0xca: {  	[sflag:s22] =	ssyncset.done $0x0  }
0xcb: {  	s15 =	smul.u32 $0x1400, s12;
	s2 =	simm.s32 @p3 $0x5;
	[sflag:s22] =	ssyncadd.s32 $0xFFFFD800  }
0xcc: {  	s18 =	simm.s32 $0x0;
	s17 =	simm.s32 $0x1B000;
	_ =	swait.ge @p3 [sflag:s2], $0x2000  }
0xcd: {  	s21 =	smul.u32 $0x5, s12;
	p1 =	por p2, p2;
	[sflag:s2] =	ssyncset.done @p3 $0x0  }
0xce: {  	s16 =	rddreg [dreg:$0x4];
	[sflag:s2] =	ssyncadd.s32 @p3 $0xFFFFE000;
	s2 =	sadd.s32 s13, s15  }
0xcf: {  	[tilespmem:s25], [sflag:$0x1] =	stream.indirect.gather [hbm4b:s6+s24], $0x80, s23, s24, $0xb8;
	[tilespmem:$0x1F000] =	vst v63  }
0xd0: {  	s14 =	smul.u32 $0x50, s12;
	s26 =	rddreg [dreg:$0xc];
	s2 =	sshll.u32 s2, $0x4  }
0xd1: {  	s10 =	sadd.s32 s26, s21;
	s21 =	simm.s32 $0x0;
	s2 =	sadd.s32 s16, s2  }
0xd2: {  	[tilespmem:s17], [sflag:$0x3] =	stream.linear.gather [hbm4b:s2+s18], $0x2000, $0x38;
	[tilespmem:$0x1F000] =	vst v63  }
.LBB2_13:
0xd3: {  	s2 =	sadd.s32 s21, s10  }
0xd4: {  	s2 =	sshll.u32 s2, $0x8  }
0xd5: {  	s2 =	sadd.s32 s8, s2  }
0xd6: {  	[tilespmem:s28], [sflag:$0x7] =	stream.linear.gather [hbm4b:s2+s18], $0x800, $0x38;
	[tilespmem:$0x1F000] =	vst v63  }
0xd7: {  	_ =	swait.ge [sflag:s22], $0x800  }
0xd8: {  	s15 =	sshll.u32 s21, $0x4;
	[sflag:s22] =	ssyncset.done $0x0  }
0xd9: {  	s3 =	sadd.s32 s12, s21;
	s4 =	simm.s32 $0x0;
	[sflag:s22] =	ssyncadd.s32 $0xFFFFF800  }
.LBB2_14:
0xda: {  	s2 =	sshll.u32 s4, $0x1;
	s9 =	sor.u32 s3, s4  }
0xdb: {  	s26 =	sadd.s32 s15, s2;
	p2 =	seq.s32 s9, $0x0  }
0xdc: {  	s9 =	simm.s32 @!p2 $0x6;
	s2 =	sor.u32 $0x1, s26  }
0xdd: {  	_ =	swait.ge @!p2 [sflag:s9], $0x2000;
	s16 =	sshll.u32 s2, $0x7  }
0xde: {  	s17 =	sadd.s32 s14, s26;
	[sflag:s9] =	ssyncset.done @!p2 $0x0;
	s16 =	sand.u32 $0x3FFFFF80, s16  }
0xdf: {  	[sflag:s9] =	ssyncadd.s32 @!p2 $0xFFFFE000;
	s16 =	sadd.s32 $0x14000, s16;
	s9 =	sshll.u32 s17, $0xA  }
0xe0: {  	[tilespmem:s29], [sflag:$0x2] =	stream.indirect.gather [hbm4b:s6+s24], $0x80, s16, s24, $0xb8;
	[tilespmem:$0x1F000] =	vst v63  }
0xe1: {  	s17 =	simm.s32 $0x0;
	s9 =	sadd.s32 s19, s9  }
0xe2: {  	[tilespmem:s30], [sflag:$0x4] =	stream.linear.gather [hbm4b:s9+s17], $0x2000, $0x38;
	[tilespmem:$0x1F000] =	vst v63  }
0xe3: {  	_ =	swait.ge [sflag:s31], $0x2000  }
0xe4: {  	[sflag:s31] =	ssyncset.done $0x0  }
0xe5: {  	[sflag:s31] =	ssyncadd.s32 $0xFFFFE000  }
0xe6: {  	_ =	swait.ge [sflag:s0], $0x2000  }
0xe7: {  	[sflag:s0] =	ssyncset.done $0x0  }
0xe8: {  	s16 =	simm.s32 $0x0;
	[sflag:s0] =	ssyncadd.s32 $0xFFFFE000  }
0xe9: {  	v7 =	vld [tilespmem:s16+$0x1B000]  }
0xea: {  	v11 =	vld [tilespmem:s16+$0x1B010]  }
0xeb: {  	v5 =	vld [tilespmem:s16+$0x1B020]  }
0xec: {  	v4 =	vld [tilespmem:s16+$0x1B030]  }
0xed: {  	v3 =	vld [tilespmem:s16+$0x1B040]  }
0xee: {  	v2 =	vld [tilespmem:s16+$0x1B050]  }
0xef: {  	v1 =	vld [tilespmem:s16+$0x1B060]  }
0xf0: {  	v0 =	vld [tilespmem:s16+$0x1B070]  }
0xf1: {  	v12 =	vld [tilespmem:s16+$0x17000]  }
0xf2: {  	v13 =	vld [tilespmem:s16+$0x17010]  }
0xf3: {  	v10 =	vld [tilespmem:s16+$0x17020]  }
0xf4: {  	v9 =	vld [tilespmem:s16+$0x17030]  }
0xf5: {  	v8 =	vld [tilespmem:s16+$0x17040]  }
0xf6: {  	v6 =	vld [tilespmem:s16+$0x17050];
	v12 =	vmul.f32 v7, v12  }
0xf7: {  	s9 =	simm.s32 $0x200;
	v11 =	vmul.f32 v11, v13;
	v7 =	vld [tilespmem:s16+$0x17060]  }
.LBB2_15:
0xf8: {  	s17 =	sshra.s32 s9, $0x2;
	p2 =	sne.s32 s9, $0x7E00;
	[tilespmem:s16+$0x17000] =	vst v12;
	v5 =	vmul.f32 v5, v10;
	v10 =	vld [tilespmem:s16+$0x17070]  }
0xf9: {  	v12 =	vld [tilespmem:s17+$0x1B000];
	[tilespmem:s16+$0x17010] =	vst v11;
	v4 =	vmul.f32 v4, v9  }
0xfa: {  	v11 =	vld [tilespmem:s17+$0x1B010];
	[tilespmem:s16+$0x17020] =	vst v5;
	v3 =	vmul.f32 v3, v8  }
0xfb: {  	v5 =	vld [tilespmem:s17+$0x1B020];
	[tilespmem:s16+$0x17030] =	vst v4;
	v2 =	vmul.f32 v2, v6  }
0xfc: {  	v4 =	vld [tilespmem:s17+$0x1B030];
	[tilespmem:s16+$0x17040] =	vst v3;
	v1 =	vmul.f32 v1, v7  }
0xfd: {  	v3 =	vld [tilespmem:s17+$0x1B040];
	[tilespmem:s16+$0x17050] =	vst v2;
	v0 =	vmul.f32 v0, v10  }
0xfe: {  	v2 =	vld [tilespmem:s17+$0x1B050];
	[tilespmem:s16+$0x17060] =	vst v1  }
0xff: {  	v1 =	vld [tilespmem:s17+$0x1B060];
	[tilespmem:s16+$0x17070] =	vst v0;
	s16 =	smov.u32 s17  }
0x100: {  	v0 =	vld [tilespmem:s16+$0x1B070]  }
0x101: {  	v6 =	vld [tilespmem:s16+$0x17000]  }
0x102: {  	v7 =	vld [tilespmem:s16+$0x17010]  }
.Ltmp9:
0x103: {  	v10 =	vld [tilespmem:s16+$0x17020];
	(pc) =	sbr.rel @p2 .LBB2_15-.Ltmp9, $4  }
0x104: {  	v9 =	vld [tilespmem:s16+$0x17030]  }
0x105: {  	v8 =	vld [tilespmem:s16+$0x17040]  }
0x106: {  	v12 =	vmul.f32 v12, v6;
	v6 =	vld [tilespmem:s16+$0x17050]  }
0x107: {  	s9 =	sadd.s32 $0x200, s9;
	v11 =	vmul.f32 v11, v7;
	v7 =	vld [tilespmem:s16+$0x17060]  }
0x108: {  	[tilespmem:s16+$0x17000] =	vst v12;
	v5 =	vmul.f32 v5, v10;
	v10 =	vld [tilespmem:s16+$0x17070]  }
0x109: {  	[tilespmem:s16+$0x17010] =	vst v11;
	v4 =	vmul.f32 v4, v9  }
0x10a: {  	[tilespmem:s16+$0x17020] =	vst v5;
	v3 =	vmul.f32 v3, v8  }
0x10b: {  	[tilespmem:s16+$0x17030] =	vst v4;
	v2 =	vmul.f32 v2, v6  }
0x10c: {  	[tilespmem:s16+$0x17040] =	vst v3;
	v1 =	vmul.f32 v1, v7  }
0x10d: {  	s9 =	sshll.u32 s4, $0x8;
	[tilespmem:s16+$0x17050] =	vst v2;
	v0 =	vmul.f32 v0, v10  }
0x10e: {  	p2 =	sgt.u32 s26, $0x4D;
	s9 =	sand.u32 $0x3FFFFF00, s9;
	[tilespmem:s16+$0x17060] =	vst v1  }
0x10f: {  	s17 =	sadd.s32 $0x16800, s9;
	[tilespmem:s16+$0x17070] =	vst v0;
	s16 =	simm.s32 @!p2 $0x5  }
0x110: {  	[spmem:s1] =	stream.indirect.scatter.add.f32 [tilespmem:s25], [sflag:$0x5], $0x80, s17, s24, $0xb8;
	[tilespmem:$0x1F000] =	vst v63  }
0x111: {  	_ =	swait.ge @!p2 [sflag:s16], $0x2000  }
0x112: {  	s2 =	sadd.s32 @!p2 s14, s2;
	s17 =	sshll.u32 @!p2 s26, $0x7;
	[sflag:s16] =	ssyncset.done @!p2 $0x0  }
0x113: {  	s2 =	sshll.u32 @!p2 s2, $0xA;
	[sflag:s16] =	ssyncadd.s32 @!p2 $0xFFFFE000;
	s16 =	sand.u32 @!p2 $0x3FFFFF80, s17  }
0x114: {  	s26 =	simm.s32 @!p2 $0x17000;
	s17 =	simm.s32 @!p2 $0x40;
	s16 =	sadd.s32 @!p2 $0x14100, s16  }
0x115: {  	[tilespmem:s26], [sflag:$0x1] =	stream.indirect.gather @!p2 [hbm4b:s6+s17], $0x80, s16, s17, $0xb8;
	[tilespmem:$0x1F000] =	vst v63  }
0x116: {  	s2 =	sadd.s32 @!p2 s19, s2;
	s16 =	simm.s32 @!p2 $0x0;
	s17 =	simm.s32 @!p2 $0x1B000  }
0x117: {  	[tilespmem:s17], [sflag:$0x3] =	stream.linear.gather @!p2 [hbm4b:s2+s16], $0x2000, $0x38;
	[tilespmem:$0x1F000] =	vst v63  }
0x118: {  	_ =	swait.ge [sflag:s7], $0x2000  }
0x119: {  	[sflag:s7] =	ssyncset.done $0x0  }
0x11a: {  	[sflag:s7] =	ssyncadd.s32 $0xFFFFE000  }
0x11b: {  	_ =	swait.ge [sflag:s11], $0x2000  }
0x11c: {  	[sflag:s11] =	ssyncset.done $0x0  }
0x11d: {  	s2 =	simm.s32 $0x0;
	[sflag:s11] =	ssyncadd.s32 $0xFFFFE000  }
0x11e: {  	v7 =	vld [tilespmem:s2+$0x1D000]  }
0x11f: {  	v11 =	vld [tilespmem:s2+$0x1D010]  }
0x120: {  	v5 =	vld [tilespmem:s2+$0x1D020]  }
0x121: {  	v4 =	vld [tilespmem:s2+$0x1D030]  }
0x122: {  	v3 =	vld [tilespmem:s2+$0x1D040]  }
0x123: {  	v2 =	vld [tilespmem:s2+$0x1D050]  }
0x124: {  	v1 =	vld [tilespmem:s2+$0x1D060]  }
0x125: {  	v0 =	vld [tilespmem:s2+$0x1D070]  }
0x126: {  	v12 =	vld [tilespmem:s2+$0x19000]  }
0x127: {  	v13 =	vld [tilespmem:s2+$0x19010]  }
0x128: {  	v10 =	vld [tilespmem:s2+$0x19020]  }
0x129: {  	v9 =	vld [tilespmem:s2+$0x19030]  }
0x12a: {  	v8 =	vld [tilespmem:s2+$0x19040]  }
0x12b: {  	v6 =	vld [tilespmem:s2+$0x19050];
	v12 =	vmul.f32 v7, v12  }
0x12c: {  	s16 =	simm.s32 $0x200;
	v11 =	vmul.f32 v11, v13;
	v7 =	vld [tilespmem:s2+$0x19060]  }
.LBB2_17:
0x12d: {  	s17 =	sshra.s32 s16, $0x2;
	p2 =	sne.s32 s16, $0x7E00;
	[tilespmem:s2+$0x19000] =	vst v12;
	v5 =	vmul.f32 v5, v10;
	v10 =	vld [tilespmem:s2+$0x19070]  }
0x12e: {  	v12 =	vld [tilespmem:s17+$0x1D000];
	[tilespmem:s2+$0x19010] =	vst v11;
	v4 =	vmul.f32 v4, v9  }
0x12f: {  	v11 =	vld [tilespmem:s17+$0x1D010];
	[tilespmem:s2+$0x19020] =	vst v5;
	v3 =	vmul.f32 v3, v8  }
0x130: {  	v5 =	vld [tilespmem:s17+$0x1D020];
	[tilespmem:s2+$0x19030] =	vst v4;
	v2 =	vmul.f32 v2, v6  }
0x131: {  	v4 =	vld [tilespmem:s17+$0x1D030];
	[tilespmem:s2+$0x19040] =	vst v3;
	v1 =	vmul.f32 v1, v7  }
0x132: {  	v3 =	vld [tilespmem:s17+$0x1D040];
	[tilespmem:s2+$0x19050] =	vst v2;
	v0 =	vmul.f32 v0, v10  }
0x133: {  	v2 =	vld [tilespmem:s17+$0x1D050];
	[tilespmem:s2+$0x19060] =	vst v1  }
0x134: {  	v1 =	vld [tilespmem:s17+$0x1D060];
	[tilespmem:s2+$0x19070] =	vst v0;
	s2 =	smov.u32 s17  }
0x135: {  	v0 =	vld [tilespmem:s2+$0x1D070]  }
0x136: {  	v6 =	vld [tilespmem:s2+$0x19000]  }
0x137: {  	v7 =	vld [tilespmem:s2+$0x19010]  }
.Ltmp10:
0x138: {  	v10 =	vld [tilespmem:s2+$0x19020];
	(pc) =	sbr.rel @p2 .LBB2_17-.Ltmp10, $4  }
0x139: {  	v9 =	vld [tilespmem:s2+$0x19030]  }
0x13a: {  	v8 =	vld [tilespmem:s2+$0x19040]  }
0x13b: {  	v12 =	vmul.f32 v12, v6;
	v6 =	vld [tilespmem:s2+$0x19050]  }
0x13c: {  	s16 =	sadd.s32 $0x200, s16;
	v11 =	vmul.f32 v11, v7;
	v7 =	vld [tilespmem:s2+$0x19060]  }
0x13d: {  	[tilespmem:s2+$0x19000] =	vst v12;
	v5 =	vmul.f32 v5, v10;
	v63 =	vld [tilespmem:s2+$0x19070]  }
0x13e: {  	[tilespmem:s2+$0x19010] =	vst v11;
	v4 =	vmul.f32 v4, v9  }
0x13f: {  	s4 =	sadd.s32 $0x1, s4;
	[tilespmem:s2+$0x19020] =	vst v5;
	v3 =	vmul.f32 v3, v8  }
0x140: {  	p2 =	sne.s32 s4, $0x8;
	[tilespmem:s2+$0x19030] =	vst v4;
	v2 =	vmul.f32 v2, v6  }
.Ltmp11:
0x141: {  	[tilespmem:s2+$0x19040] =	vst v3;
	v1 =	vmul.f32 v1, v7;
	(pc) =	sbr.rel @p2 .LBB2_14-.Ltmp11, $4  }
0x142: {  	[tilespmem:s2+$0x19050] =	vst v2;
	v0 =	vmul.f32 v0, v63  }
0x143: {  	[tilespmem:s2+$0x19060] =	vst v1  }
0x144: {  	s26 =	sadd.s32 $0x16880, s9;
	[tilespmem:s2+$0x19070] =	vst v0  }
0x145: {  	[spmem:s1] =	stream.indirect.scatter.add.f32 [tilespmem:s29], [sflag:$0x6], $0x80, s26, s24, $0xb8;
	[tilespmem:$0x1F000] =	vst v63  }
0x146: {  	s21 =	sadd.s32 $0x1, s21  }
0x147: {  	p2 =	sne.s32 s21, $0x5  }
.Ltmp12:
0x148: {  	_ = 	snop;
	(pc) =	sbr.rel @p2 .LBB2_13-.Ltmp12, $1  }
0x149: {  	_ =	sdelay $0x3  }
.Ltmp13:
0x14a: {  	(pc) =	sbr.rel @p1 .LBB2_12-.Ltmp13, $2  }
0x14b: {  	_ =	sdelay $0x2  }
0x14c: {  	s12 =	simm.s32 $0x1;
	p2 =	por $0x0, $0x0;
	p3 =	por $0x1, $0x1  }
.Ltmp14:
0x14d: {  	(pc) =	sbr.rel .LBB2_22-.Ltmp14, $3  }
0x14e: {  	_ =	sdelay $0x1  }
0x14f: {  	s2 =	rddreg [dreg:$0x8]  }
0x150: {  	s4 =	rddreg [dreg:$0xf]  }
.LBB2_23:
0x151: {  	_ =	sfence.sel $0x180000  }
0x152: {  	[bflag:$0x0] =	sbarrier.arrive $0xFFFF  }
0x153: {  	_ =	strace $0x9000004D  }
0x154: {  	s0 =	stileid.u32;
	[bflag:$0x2] =	sbarrier.arrive $0xFFFF  }
0x155: {  	p0 =	sne.s32 s0, $0x0;
	s0 =	rddreg [dreg:$0x2]  }
0x156: {  	s0 =	sadd.s32 @!p0 $0x100000, s0  }
0x157: {  	[sflag:s0] =	ssyncadd.tile.s32 @!p0 $0x1;
	_ =	shalt  }
.Lfunc_end2:
_tile_overlayer_lowered:
.L_overlay_start_2:
0x158: {  	(tag) =	ssettag $0x2  }
0x159: {  	s0 =	rddreg [dreg:$0x0];
	s2 =	stileid.u32  }
0x15a: {  	s1 =	rddreg [dreg:$0x1];
	p0 =	sne.s32 s2, $0x0  }
0x15b: {  	s3 =	rddreg [dreg:$0x2];
	[bflag:$0x3] =	sbarrier.arrive $0xFFFF;
	s2 =	simm.s32 @!p0 $0x1C07  }
0x15c: {  	[timem:s3], [sflag:s2] =	dma.local @!p0 [hbm:s0], s1  }
0x15d: {  	s0 =	simm.s32 @!p0 $0x7  }
0x15e: {  	_ =	swait.ge @!p0 [sflag:s0], s1  }
0x15f: {  	s1 =	ssub.s32 @!p0 $0x0, s1;
	[sflag:s0] =	ssyncset.done @!p0 $0x0  }
0x160: {  	[sflag:s0] =	ssyncadd.s32 @!p0 s1  }
0x161: {  	[bflag:$0x3] =	sbarrier.arrive $0xFFFF  }
0x162: {  	_ =	shalt  }

// kernel: _run.24.cloned.1.call-start
scs
__scs_entry_jumppad:
0x0: {  	(pc) =	sbr.rel $0x88, $3  }
0x1: {  	(tag) =	ssettag $0x0;
	lr =	simm.s32 $0x1  }
0x2: {  	[smem:$0x3F45] =	sst lr;
	_ =	strace $0xD0000000  }
0x3: {  	_ = 	snop  }
0x4: {  	_ = 	snop  }
0x5: {  	_ = 	snop  }
0x6: {  	_ = 	snop  }
0x7: {  	_ = 	snop  }
__scs_overlays_trampoline_lowered:
0x8: {  	[smem:$0x3F54] =	sst s0  }
0x9: {  	[smem:$0x3F55] =	sst s1  }
0xa: {  	[smem:$0x3F56] =	sst s2  }
0xb: {  	[smem:$0x3F57] =	sst s3  }
0xc: {  	[smem:$0x3F58] =	sst s4  }
0xd: {  	[smem:$0x3F59] =	sst s5  }
0xe: {  	[smem:$0x3F5A] =	sst s6  }
0xf: {  	[smem:$0x3F5B] =	sst s7  }
0x10: {  	[smem:$0x3F5C] =	sst s8  }
0x11: {  	[smem:$0x3F5D] =	sst s9;
	s0 =	simm.s32 @!p0 $0x0  }
0x12: {  	s1 =	sld [smem:$0x3F43];
	s0 =	simm.s32 @p0 $0x1  }
0x13: {  	[smem:$0x3F5E] =	sst s0;
	s0 =	simm.s32 @!p1 $0x0  }
0x14: {  	s2 =	sld [smem:$0x3F42];
	s0 =	simm.s32 @p1 $0x1  }
0x15: {  	[smem:$0x3F5F] =	sst s0;
	s0 =	simm.s32 @!p2 $0x0  }
0x16: {  	s3 =	sld [smem:$0x3FDB];
	s0 =	simm.s32 @p2 $0x1  }
0x17: {  	s4 =	simm.s32 $0x1BF5;
	[smem:$0x3F61] =	sst s0  }
0x18: {  	s0 =	sld [smem:$0x3F44];
	_ =	swait.ge [sflag:s4], $0x0  }
0x19: {  	s7 =	sld [smem:$0x3F45]  }
0x1a: {  	s8 =	sadd.s32 $0xFFFFE003, lr  }
0x1b: {  	s9 =	sadd.s32 $0xFFFFFEF7, lr;
	s5 =	simm.s32 $0xFFFFFFFF;
	p2 =	slt.u32 s8, $0xFFFFF086  }
0x1c: {  	p1 =	slt.u32 s9, $0xF7A;
	s5 =	simm.s32 @!p2 $0x0  }
0x1d: {  	s5 =	simm.s32 @p1 $0x1;
	p0 =	seq.s32 s7, s2  }
0x1e: {  	s7 =	smul.u32 @!p0 $0xF7A, s2;
	p2 =	seq.s32 @!p0 s5, $0x0  }
0x1f: {  	s9 =	smul.u32 $0xF7A, s1;
	s8 =	simm.s32 @!p0 $0x1BF5;
	p2 =	por !p2, p0  }
0x20: {  	[sflag:s8] =	ssyncset.s32 @!p0 $0xFFFFF086;
	s6 =	sadd.s32 @!p0 s3, s7;
	s7 =	simm.s32 @!p0 $0x108  }
0x21: {  	s3 =	sadd.s32 s3, s9;
	s6 =	sadd.s32 @!p0 $0x88, s6;
	s7 =	simm.s32 @p2 $0x1082  }
0x22: {  	[simem:s7], [sflag:s8] =	dma.local @!p0 [hbm:s6], $0xF7A  }
0x23: {  	s9 =	sor.u32 $0xD0000000, s2;
	s6 =	simm.s32 $0x108;
	_ =	swait.ge @!p0 [sflag:s8], $0x0  }
0x24: {  	s3 =	sadd.s32 $0x88, s3;
	s6 =	simm.s32 @!p1 $0x1082;
	[sflag:s4] =	ssyncset.s32 $0xFFFFF086  }
0x25: {  	[simem:s6], [sflag:s4] =	dma.local [hbm:s3], $0xF7A  }
0x26: {  	[smem:$0x3F45] =	sst s1;
	(tag) =	ssettag s2;
	_ =	strace s9  }
0x27: {  	s1 =	sld [smem:$0x3F55]  }
0x28: {  	s2 =	sld [smem:$0x3F56]  }
0x29: {  	s4 =	sld [smem:$0x3F58]  }
0x2a: {  	p0 =	seq.s32 s5, $0x0;
	s5 =	sld [smem:$0x3F59]  }
0x2b: {  	s6 =	sld [smem:$0x3F5A]  }
0x2c: {  	s7 =	sld [smem:$0x3F5B]  }
0x2d: {  	s3 =	simm.s32 $0x108;
	s8 =	sld [smem:$0x3F5C]  }
0x2e: {  	s3 =	simm.s32 @!p0 $0x1082;
	s9 =	sld [smem:$0x3F5D]  }
0x2f: {  	lr =	sadd.s32 s0, s3;
	s0 =	sld [smem:$0x3F54]  }
0x30: {  	s3 =	sld [smem:$0x3F57]  }
0x31: {  	[smem:$0x3F60] =	sst s10  }
0x32: {  	s10 =	sld [smem:$0x3F5E];
	_ =	sdelay $0x3  }
0x33: {  	p0 =	seq.s32 s10, $0x1;
	s10 =	sld [smem:$0x3F60];
	_ =	sdelay $0x3  }
0x34: {  	[smem:$0x3F60] =	sst s10  }
0x35: {  	s10 =	sld [smem:$0x3F5F];
	_ =	sdelay $0x3  }
0x36: {  	p1 =	seq.s32 s10, $0x1;
	s10 =	sld [smem:$0x3F60];
	_ =	sdelay $0x3  }
0x37: {  	[smem:$0x3F60] =	sst s10  }
0x38: {  	s10 =	sld [smem:$0x3F61]  }
0x39: {  	_ = 	snop;
	(pc) =	sbr.ind lr, $3  }
0x3a: {  	_ = 	snop  }
0x3b: {  	_ = 	snop  }
0x3c: {  	p2 =	seq.s32 s10, $0x1;
	s10 =	sld [smem:$0x3F60]  }
0x3d: {  	_ =	shalt  }
0x3e: {  	_ =	shalt  }
0x3f: {  	_ =	shalt  }
0x40: {  	_ =	shalt  }
0x41: {  	_ =	shalt  }
0x42: {  	_ =	shalt  }
0x43: {  	_ =	shalt  }
0x44: {  	_ =	shalt  }
0x45: {  	_ =	shalt  }
0x46: {  	_ =	shalt  }
0x47: {  	_ =	shalt  }
0x48: {  	_ =	shalt  }
0x49: {  	_ =	shalt  }
0x4a: {  	_ =	shalt  }
0x4b: {  	_ =	shalt  }
0x4c: {  	_ =	shalt  }
0x4d: {  	_ =	shalt  }
0x4e: {  	_ =	shalt  }
0x4f: {  	_ =	shalt  }
0x50: {  	_ =	shalt  }
0x51: {  	_ =	shalt  }
0x52: {  	_ =	shalt  }
0x53: {  	_ =	shalt  }
0x54: {  	_ =	shalt  }
0x55: {  	_ =	shalt  }
0x56: {  	_ =	shalt  }
0x57: {  	_ =	shalt  }
0x58: {  	_ =	shalt  }
0x59: {  	_ =	shalt  }
0x5a: {  	_ =	shalt  }
0x5b: {  	_ =	shalt  }
0x5c: {  	_ =	shalt  }
0x5d: {  	_ =	shalt  }
0x5e: {  	_ =	shalt  }
0x5f: {  	_ =	shalt  }
0x60: {  	_ =	shalt  }
0x61: {  	_ =	shalt  }
0x62: {  	_ =	shalt  }
0x63: {  	_ =	shalt  }
0x64: {  	_ =	shalt  }
0x65: {  	_ =	shalt  }
0x66: {  	_ =	shalt  }
0x67: {  	_ =	shalt  }
0x68: {  	_ =	shalt  }
0x69: {  	_ =	shalt  }
0x6a: {  	_ =	shalt  }
0x6b: {  	_ =	shalt  }
0x6c: {  	_ =	shalt  }
0x6d: {  	_ =	shalt  }
0x6e: {  	_ =	shalt  }
0x6f: {  	_ =	shalt  }
0x70: {  	_ =	shalt  }
0x71: {  	_ =	shalt  }
0x72: {  	_ =	shalt  }
0x73: {  	_ =	shalt  }
0x74: {  	_ =	shalt  }
0x75: {  	_ =	shalt  }
0x76: {  	_ =	shalt  }
0x77: {  	_ =	shalt  }
0x78: {  	_ =	shalt  }
0x79: {  	_ =	shalt  }
0x7a: {  	_ =	shalt  }
0x7b: {  	_ =	shalt  }
0x7c: {  	_ =	shalt  }
0x7d: {  	_ =	shalt  }
0x7e: {  	_ =	shalt  }
0x7f: {  	_ =	shalt  }
0x80: {  	_ =	shalt  }
0x81: {  	_ =	shalt  }
0x82: {  	_ =	shalt  }
0x83: {  	_ =	shalt  }
0x84: {  	_ =	shalt  }
0x85: {  	_ =	shalt  }
0x86: {  	_ =	shalt  }
0x87: {  	_ =	shalt  }
.Lfunc_end0:
.L_simem_size_0:
called_computation.3_lowered:
.L_overlay_start_0:
0x88: {  	s2 =	sld [smem:$0x3FD9]  }
0x89: {  	s3 =	sld [smem:$0x3FFE];
	_ =	sdelay $0x1  }
0x8a: {  	s1 =	srdreg.scid  }
0x8b: {  	s0 =	sand.u32 $0x1, s1  }
0x8c: {  	s16 =	sshll.u32 s0, $0xA;
	s2 =	sadd.s32 s3, s2  }
0x8d: {  	s2 =	sadd.s32 s2, s16  }
0x8e: {  	[smem:$0x3F6C] =	sst s2  }
0x8f: {  	_ = 	snop  }
0x90: {  	(tm) =	ssettm $0x1  }
0x91: {  	s17 =	sld [smem:$0x3FFB];
	_ =	sdelay $0x3  }
0x92: {  	_ =	strace s17  }
0x93: {  	s2 =	sld [smem:$0x3FFC];
	_ =	sdelay $0x3  }
0x94: {  	_ =	strace s2  }
0x95: {  	s2 =	sld [smem:$0x3FFD];
	_ =	sdelay $0x3  }
0x96: {  	_ =	strace s2  }
0x97: {  	_ =	strace $0x8FFFFFFF  }
0x98: {  	s18 =	sld [smem:$0x3FDB];
	_ =	sdelay $0x1  }
0x99: {  	s19 =	simm.s32 $_scs_section_size  }
0x9a: {  	s4 =	simm.s32 $_size__tile_overlayer_lowered;
	s5 =	simm.s32 $_tile_overlayer_lowered  }
0x9b: {  	s22 =	simm.s32 $0x1BFF;
	s21 =	sshll.u32 s5, $0x1;
	s2 =	sadd.s32 s19, s18  }
0x9c: {  	s6 =	simm.s32 $0x0;
	s20 =	sshll.u32 s4, $0x1;
	s4 =	sadd.s32 s21, s2  }
0x9d: {  	[timem:s6], [sflag:s22] =	dma.local [hbm:s4], s20  }
0x9e: {  	_ =	swait.ge [sflag:s22], s20  }
0x9f: {  	s3 =	ssub.s32 $0x0, s20;
	[sflag:s22] =	ssyncset.done $0x0  }
0xa0: {  	[sflag:s22] =	ssyncadd.s32 s3;
	_ =	sdelay $0x1  }
0xa1: {  	s23 =	simm.s32 $0x1B8B  }
0xa2: {  	_ =	swait.ge [sflag:s23], $0x1  }
0xa3: {  	[sflag:s23] =	ssyncset.done $0x0  }
0xa4: {  	s25 =	simm.s32 $0x1B8E;
	s24 =	sld [smem:$0x3FFE];
	[sflag:s23] =	ssyncadd.s32 $0xFFFFFFFF  }
0xa5: {  	s26 =	simm.s32 $execute0_lowered;
	[smem:$0x3FD2] =	sst s25  }
0xa6: {  	s4 =	sshll.u32 s26, $0x1;
	_ =	strace $0x8000004F;
	[dreg:$0x1] =	wrdreg $0xFFFFFFFF  }
0xa7: {  	s28 =	simm.s32 $_size_execute0_lowered;
	s2 =	sadd.s32 s2, s4;
	[dreg:$0x0] =	wrdreg $0x0  }
0xa8: {  	s4 =	sshll.u32 s28, $0x1;
	[dreg:$0x2] =	wrdreg s2  }
0xa9: {  	[dreg:$0x3] =	wrdreg s4  }
0xaa: {  	[dreg:$0x4] =	wrdreg $0xC0  }
0xab: {  	_ =	task [dreg:s6], $0x5FFFF  }
0xac: {  	[dreg:$0x1] =	wrdreg $0xFFFFFFFF  }
0xad: {  	[dreg:$0x0] =	wrdreg $0x60  }
0xae: {  	[dreg:$0x2] =	wrdreg s24  }
0xaf: {  	[dreg:$0x3] =	wrdreg $0x0  }
0xb0: {  	[dreg:$0x4] =	wrdreg $0x9  }
0xb1: {  	_ =	task.clear_ibuf [dreg:s6], $0x5FFFF;
	_ =	strace $0x9000004F  }
0xb2: {  	s29 =	simm.s32 $0x9;
	_ =	strace $0x80000051  }
0xb3: {  	_ =	swait.ge [sflag:s29], $0x1  }
0xb4: {  	[sflag:s29] =	ssyncadd.s32 $0xFFFFFFFF  }
0xb5: {  	_ =	strace $0x90000051  }
0xb6: {  	_ =	sfence  }
0xb7: {  	s30 =	sld [smem:$0x0];
	_ =	sdelay $0x2  }
0xb8: {  	s31 =	sshll.u32 s1, $0xD;
	s1 =	sshrl.u32 s1, $0x2  }
0xb9: {  	s3 =	sand.u32 $0x4000, s31;
	s1 =	sadd.s32 s1, s30  }
0xba: {  	s0 =	sor.u32 s3, s0;
	s1 =	sshll.u32 s1, $0x11  }
0xbb: {  	s0 =	sor.u32 s1, s0  }
0xbc: {  	s0 =	sadd.s32 $0x8F2B, s0  }
0xbd: {  	[sflag:s0] =	ssyncadd.remote.s32 $0x1  }
0xbe: {  	_ =	sfence.sel $0xFFFF  }
0xbf: {  	[dreg:$0x0] =	wrdreg $0xFFFFFFFF;
	(pc) =	sbr.abs _section_cstart, $3  }
0xc0: {  	[dreg:$0x1] =	wrdreg $0xFFFFFFFF  }
0xc1: {  	_ =	task.clear_ibuf [dreg:s6], $0x2FFFF;
	_ =	strace $0x9FFFFFFF  }
0xc2: {  	(tm) =	ssettm $0x7FFFFFFF  }
0xc3: {  	_ =	shalt  }
tec
execute0_lowered:
.L_overlay_start_1:
0x0: {  	(tag) =	ssettag $0x1  }
0x1: {  	s0 =	rddreg [dreg:$0x0]  }
0x2: {  	s1 =	rddreg [dreg:$0x1]  }
0x3: {  	s2 =	simm.s32 $0x0;
	s16 =	srdreg.scid;
	s11 =	stileid.u32  }
0x4: {  	s28 =	simm.s32 $0x16800;
	s29 =	simm.s32 $0x19000;
	s30 =	simm.s32 $0x1D000  }
0x5: {  	s31 =	simm.s32 $0x1;
	s9 =	sadd.s32 $0xD9FA00, s0;
	s10 =	sadd.s32 $0x101FA00, s0  }
0x6: {  	[smem:$0x7FF] =	sst s2;
	s5 =	sadd.s32 $0x83600, s0;
	s6 =	sadd.s32 $0x11F800, s0  }
0x7: {  	s8 =	sadd.s32 $0x21200, s0;
	s12 =	sadd.s32 $0x2B200, s0;
	s3 =	sadd.s32 $0x11200, s0  }
0x8: {  	s4 =	sadd.s32 $0x194C00, s0;
	_ =	strace $0x80000050;
	[dreg:$0x6] =	wrdreg s3  }
0x9: {  	s7 =	smul.u32 $0x50000, s11;
	s0 =	sadd.s32 $0x1BCC00, s0;
	[dreg:$0x7] =	wrdreg s4  }
0xa: {  	s2 =	sand.u32 $0x1, s16;
	s13 =	smul.u32 $0x2800, s11;
	[dreg:$0x8] =	wrdreg s0  }
0xb: {  	s22 =	smul.u32 $0x28000, s11;
	s24 =	sshll.u32 s11, $0x1;
	[dreg:$0x5] =	wrdreg s12  }
0xc: {  	s21 =	sshll.u32 s11, $0x6;
	s26 =	smul.u32 $0xA, s11;
	[dreg:$0xb] =	wrdreg s24  }
0xd: {  	s11 =	simm.s32 $0x4;
	s17 =	ssub.s32 $0x2, s2;
	[dreg:$0x4] =	wrdreg s10  }
0xe: {  	s14 =	sor.u32 $0x1C07, s21;
	[dreg:$0x3] =	wrdreg s9;
	p0 =	sne.s32 s2, $0x0  }
0xf: {  	s24 =	simm.s32 $0x40;
	s18 =	sshrl.u32 s17, $0x1;
	s20 =	sshrl.u32 s7, $0x2  }
0x10: {  	s23 =	sshrl.u32 s13, $0x3;
	s25 =	sor.u32 $0x400, s22;
	[dreg:$0xc] =	wrdreg s26  }
0x11: {  	s22 =	simm.s32 $0x7;
	s7 =	simm.s32 $0x2;
	[dreg:$0x9] =	wrdreg s14  }
.Ltmp0:
0x12: {  	s19 =	ssub.s32 s17, s18;
	s3 =	sadd.s32 s20, s1;
	(pc) =	sbr.rel .LBB2_1-.Ltmp0, $4  }
0x13: {  	s4 =	sadd.s32 s12, s23;
	s20 =	sadd.s32 s9, s25;
	s23 =	simm.s32 $0x14000  }
0x14: {  	[dreg:$0xa] =	wrdreg s4;
	s0 =	smax.u32 s19, $0x1;
	s19 =	sadd.s32 s10, s25  }
0x15: {  	s3 =	sshrl.u32 s3, $0x3;
	s25 =	simm.s32 $0x17000;
	[dreg:$0xd] =	wrdreg s0  }
0x16: {  	s4 =	simm.s32 $0x0;
	s0 =	simm.s32 $0x3;
	[dreg:$0xe] =	wrdreg s3  }
.LBB2_22:
0x17: {  	s3 =	simm.s32 $0x5  }
0x18: {  	_ =	swait.ge [sflag:s3], $0x2000  }
0x19: {  	[sflag:s3] =	ssyncset.done $0x0  }
0x1a: {  	s21 =	simm.s32 $0x6;
	[sflag:s3] =	ssyncadd.s32 $0xFFFFE000  }
0x1b: {  	_ =	swait.ge [sflag:s21], $0x2000  }
0x1c: {  	[sflag:s21] =	ssyncset.done $0x0  }
0x1d: {  	[sflag:s21] =	ssyncadd.s32 $0xFFFFE000  }
0x1e: {  	[bflag:$0x0] =	sbarrier.arrive $0xFFFF  }
0x1f: {  	s14 =	rddreg [dreg:$0x9]  }
0x20: {  	s2 =	sadd.s32 s2, s13;
	s3 =	rddreg [dreg:$0xe]  }
0x21: {  	[hbm:s2], [sflag:s14] =	dma.local [spmem:s3], $0x2800  }
0x22: {  	_ =	swait.ge [sflag:s22], $0x2800  }
0x23: {  	s4 =	sadd.s32 $0x1, s4;
	s26 =	rddreg [dreg:$0xd]  }
0x24: {  	p1 =	sne.s32 s4, s26  }
.Ltmp1:
0x25: {  	_ = 	snop;
	(pc) =	sbr.rel @!p1 .LBB2_23-.Ltmp1, $3  }
0x26: {  	_ =	sdelay $0x1  }
0x27: {  	[sflag:s22] =	ssyncset.done $0x0  }
0x28: {  	[sflag:s22] =	ssyncadd.s32 $0xFFFFD800  }
.LBB2_1:
0x29: {  	[dreg:$0xf] =	wrdreg s4  }
0x2a: {  	s2 =	rddreg [dreg:$0x6]  }
0x2b: {  	[spmem:s3], [sflag:s14] =	dma.local [hbm:s2], $0x2800  }
0x2c: {  	_ =	swait.ge [sflag:s22], $0x2800  }
0x2d: {  	[sflag:s22] =	ssyncset.done $0x0  }
0x2e: {  	s21 =	simm.s32 $0x0;
	s26 =	rddreg [dreg:$0xa];
	[sflag:s22] =	ssyncadd.s32 $0xFFFFD800  }
0x2f: {  	[tilespmem:s23], [sflag:$0x7] =	stream.linear.gather [hbm4b:s26+s21], $0x2800, $0x38;
	[tilespmem:$0x1F000] =	vst v63  }
.Ltmp2:
0x30: {  	_ =	swait.ge [sflag:s22], $0x2800;
	(pc) =	sbr.rel @p0 .LBB2_12-.Ltmp2, $4  }
0x31: {  	[sflag:s22] =	ssyncset.done $0x0  }
0x32: {  	[sflag:s22] =	ssyncadd.s32 $0xFFFFD800  }
0x33: {  	p2 =	por $0x1, $0x1;
	[bflag:$0x0] =	sbarrier.arrive $0xFFFF  }
0x34: {  	p3 =	por $0x0, $0x0;
	s18 =	simm.s32 $0x0;
	s12 =	simm.s32 $0x0  }
.LBB2_2:
0x35: {  	s2 =	rddreg [dreg:$0xb]  }
0x36: {  	s2 =	sor.u32 s2, s18  }
0x37: {  	s2 =	smul.u32 $0x500, s2  }
0x38: {  	s3 =	rddreg [dreg:$0x5]  }
0x39: {  	s14 =	simm.s32 $0x0;
	s2 =	sadd.s32 s3, s2  }
0x3a: {  	[tilespmem:s23], [sflag:$0x7] =	stream.linear.gather [hbm4b:s2+s14], $0x2800, $0x38;
	[tilespmem:$0x1F000] =	vst v63  }
0x3b: {  	_ =	swait.ge [sflag:s22], $0x2800  }
0x3c: {  	[sflag:s22] =	ssyncset.done $0x0  }
0x3d: {  	s15 =	smul.u32 $0x1400, s18;
	s2 =	simm.s32 @p3 $0x5;
	[sflag:s22] =	ssyncadd.s32 $0xFFFFD800  }
0x3e: {  	s12 =	simm.s32 $0x0;
	s17 =	simm.s32 $0x1B000;
	_ =	swait.ge @p3 [sflag:s2], $0x2000  }
0x3f: {  	s21 =	smul.u32 $0x5, s18;
	p1 =	por p2, p2;
	[sflag:s2] =	ssyncset.done @p3 $0x0  }
0x40: {  	s16 =	rddreg [dreg:$0x3];
	[sflag:s2] =	ssyncadd.s32 @p3 $0xFFFFE000;
	s2 =	sadd.s32 s13, s15  }
0x41: {  	[tilespmem:s25], [sflag:$0x1] =	stream.indirect.gather [hbm4b:s5+s24], $0x80, s23, s24, $0xb8;
	[tilespmem:$0x1F000] =	vst v63  }
0x42: {  	s14 =	smul.u32 $0x50, s18;
	s26 =	rddreg [dreg:$0xc];
	s2 =	sshll.u32 s2, $0x4  }
0x43: {  	s10 =	sadd.s32 s26, s21;
	s21 =	simm.s32 $0x0;
	s2 =	sadd.s32 s16, s2  }
0x44: {  	[tilespmem:s17], [sflag:$0x3] =	stream.linear.gather [hbm4b:s2+s12], $0x2000, $0x38;
	[tilespmem:$0x1F000] =	vst v63  }
.LBB2_3:
0x45: {  	s2 =	sadd.s32 s21, s10  }
0x46: {  	s2 =	sshll.u32 s2, $0x8  }
0x47: {  	s2 =	sadd.s32 s8, s2  }
0x48: {  	[tilespmem:s28], [sflag:$0x7] =	stream.linear.gather [hbm4b:s2+s12], $0x800, $0x38;
	[tilespmem:$0x1F000] =	vst v63  }
0x49: {  	_ =	swait.ge [sflag:s22], $0x800  }
0x4a: {  	s15 =	sshll.u32 s21, $0x4;
	[sflag:s22] =	ssyncset.done $0x0  }
0x4b: {  	s3 =	sadd.s32 s18, s21;
	s4 =	simm.s32 $0x0;
	[sflag:s22] =	ssyncadd.s32 $0xFFFFF800  }
.LBB2_4:
0x4c: {  	s2 =	sshll.u32 s4, $0x1;
	s9 =	sor.u32 s3, s4  }
0x4d: {  	s26 =	sadd.s32 s15, s2;
	p2 =	seq.s32 s9, $0x0  }
0x4e: {  	s9 =	simm.s32 @!p2 $0x6;
	s2 =	sor.u32 $0x1, s26  }
0x4f: {  	_ =	swait.ge @!p2 [sflag:s9], $0x2000;
	s16 =	sshll.u32 s2, $0x7  }
0x50: {  	s17 =	sadd.s32 s14, s26;
	[sflag:s9] =	ssyncset.done @!p2 $0x0;
	s16 =	sand.u32 $0x3FFFFF80, s16  }
0x51: {  	[sflag:s9] =	ssyncadd.s32 @!p2 $0xFFFFE000;
	s16 =	sadd.s32 $0x14000, s16;
	s9 =	sshll.u32 s17, $0xA  }
0x52: {  	[tilespmem:s29], [sflag:$0x2] =	stream.indirect.gather [hbm4b:s5+s24], $0x80, s16, s24, $0xb8;
	[tilespmem:$0x1F000] =	vst v63  }
0x53: {  	s17 =	simm.s32 $0x0;
	s9 =	sadd.s32 s20, s9  }
0x54: {  	[tilespmem:s30], [sflag:$0x4] =	stream.linear.gather [hbm4b:s9+s17], $0x2000, $0x38;
	[tilespmem:$0x1F000] =	vst v63  }
0x55: {  	_ =	swait.ge [sflag:s31], $0x2000  }
0x56: {  	[sflag:s31] =	ssyncset.done $0x0  }
0x57: {  	[sflag:s31] =	ssyncadd.s32 $0xFFFFE000  }
0x58: {  	_ =	swait.ge [sflag:s0], $0x2000  }
0x59: {  	[sflag:s0] =	ssyncset.done $0x0  }
0x5a: {  	s16 =	simm.s32 $0x0;
	[sflag:s0] =	ssyncadd.s32 $0xFFFFE000  }
0x5b: {  	v7 =	vld [tilespmem:s16+$0x1B000]  }
0x5c: {  	v11 =	vld [tilespmem:s16+$0x1B010]  }
0x5d: {  	v5 =	vld [tilespmem:s16+$0x1B020]  }
0x5e: {  	v4 =	vld [tilespmem:s16+$0x1B030]  }
0x5f: {  	v3 =	vld [tilespmem:s16+$0x1B040]  }
0x60: {  	v2 =	vld [tilespmem:s16+$0x1B050]  }
0x61: {  	v1 =	vld [tilespmem:s16+$0x1B060]  }
0x62: {  	v0 =	vld [tilespmem:s16+$0x1B070]  }
0x63: {  	v12 =	vld [tilespmem:s16+$0x17000]  }
0x64: {  	v13 =	vld [tilespmem:s16+$0x17010]  }
0x65: {  	v10 =	vld [tilespmem:s16+$0x17020]  }
0x66: {  	v9 =	vld [tilespmem:s16+$0x17030]  }
0x67: {  	v8 =	vld [tilespmem:s16+$0x17040]  }
0x68: {  	v6 =	vld [tilespmem:s16+$0x17050];
	v12 =	vmul.f32 v7, v12  }
0x69: {  	s9 =	simm.s32 $0x200;
	v11 =	vmul.f32 v11, v13;
	v7 =	vld [tilespmem:s16+$0x17060]  }
.LBB2_5:
0x6a: {  	s17 =	sshra.s32 s9, $0x2;
	p2 =	sne.s32 s9, $0x7E00;
	[tilespmem:s16+$0x17000] =	vst v12;
	v5 =	vmul.f32 v5, v10;
	v10 =	vld [tilespmem:s16+$0x17070]  }
0x6b: {  	v12 =	vld [tilespmem:s17+$0x1B000];
	[tilespmem:s16+$0x17010] =	vst v11;
	v4 =	vmul.f32 v4, v9  }
0x6c: {  	v11 =	vld [tilespmem:s17+$0x1B010];
	[tilespmem:s16+$0x17020] =	vst v5;
	v3 =	vmul.f32 v3, v8  }
0x6d: {  	v5 =	vld [tilespmem:s17+$0x1B020];
	[tilespmem:s16+$0x17030] =	vst v4;
	v2 =	vmul.f32 v2, v6  }
0x6e: {  	v4 =	vld [tilespmem:s17+$0x1B030];
	[tilespmem:s16+$0x17040] =	vst v3;
	v1 =	vmul.f32 v1, v7  }
0x6f: {  	v3 =	vld [tilespmem:s17+$0x1B040];
	[tilespmem:s16+$0x17050] =	vst v2;
	v0 =	vmul.f32 v0, v10  }
0x70: {  	v2 =	vld [tilespmem:s17+$0x1B050];
	[tilespmem:s16+$0x17060] =	vst v1  }
0x71: {  	v1 =	vld [tilespmem:s17+$0x1B060];
	[tilespmem:s16+$0x17070] =	vst v0;
	s16 =	smov.u32 s17  }
0x72: {  	v0 =	vld [tilespmem:s16+$0x1B070]  }
0x73: {  	v6 =	vld [tilespmem:s16+$0x17000]  }
0x74: {  	v7 =	vld [tilespmem:s16+$0x17010]  }
.Ltmp3:
0x75: {  	v10 =	vld [tilespmem:s16+$0x17020];
	(pc) =	sbr.rel @p2 .LBB2_5-.Ltmp3, $4  }
0x76: {  	v9 =	vld [tilespmem:s16+$0x17030]  }
0x77: {  	v8 =	vld [tilespmem:s16+$0x17040]  }
0x78: {  	v12 =	vmul.f32 v12, v6;
	v6 =	vld [tilespmem:s16+$0x17050]  }
0x79: {  	s9 =	sadd.s32 $0x200, s9;
	v11 =	vmul.f32 v11, v7;
	v7 =	vld [tilespmem:s16+$0x17060]  }
0x7a: {  	[tilespmem:s16+$0x17000] =	vst v12;
	v5 =	vmul.f32 v5, v10;
	v10 =	vld [tilespmem:s16+$0x17070]  }
0x7b: {  	[tilespmem:s16+$0x17010] =	vst v11;
	v4 =	vmul.f32 v4, v9  }
0x7c: {  	[tilespmem:s16+$0x17020] =	vst v5;
	v3 =	vmul.f32 v3, v8  }
0x7d: {  	[tilespmem:s16+$0x17030] =	vst v4;
	v2 =	vmul.f32 v2, v6  }
0x7e: {  	[tilespmem:s16+$0x17040] =	vst v3;
	v1 =	vmul.f32 v1, v7  }
0x7f: {  	s9 =	sshll.u32 s4, $0x8;
	[tilespmem:s16+$0x17050] =	vst v2;
	v0 =	vmul.f32 v0, v10  }
0x80: {  	p2 =	sgt.u32 s26, $0x4D;
	s9 =	sand.u32 $0x3FFFFF00, s9;
	[tilespmem:s16+$0x17060] =	vst v1  }
0x81: {  	s17 =	sadd.s32 $0x16800, s9;
	[tilespmem:s16+$0x17070] =	vst v0;
	s16 =	simm.s32 @!p2 $0x5  }
0x82: {  	[spmem:s1] =	stream.indirect.scatter.add.f32 [tilespmem:s25], [sflag:$0x5], $0x80, s17, s24, $0xb8;
	[tilespmem:$0x1F000] =	vst v63  }
0x83: {  	_ =	swait.ge @!p2 [sflag:s16], $0x2000  }
0x84: {  	s2 =	sadd.s32 @!p2 s14, s2;
	s17 =	sshll.u32 @!p2 s26, $0x7;
	[sflag:s16] =	ssyncset.done @!p2 $0x0  }
0x85: {  	s2 =	sshll.u32 @!p2 s2, $0xA;
	[sflag:s16] =	ssyncadd.s32 @!p2 $0xFFFFE000;
	s16 =	sand.u32 @!p2 $0x3FFFFF80, s17  }
0x86: {  	s26 =	simm.s32 @!p2 $0x17000;
	s17 =	simm.s32 @!p2 $0x40;
	s16 =	sadd.s32 @!p2 $0x14100, s16  }
0x87: {  	[tilespmem:s26], [sflag:$0x1] =	stream.indirect.gather @!p2 [hbm4b:s5+s17], $0x80, s16, s17, $0xb8;
	[tilespmem:$0x1F000] =	vst v63  }
0x88: {  	s2 =	sadd.s32 @!p2 s20, s2;
	s16 =	simm.s32 @!p2 $0x0;
	s17 =	simm.s32 @!p2 $0x1B000  }
0x89: {  	[tilespmem:s17], [sflag:$0x3] =	stream.linear.gather @!p2 [hbm4b:s2+s16], $0x2000, $0x38;
	[tilespmem:$0x1F000] =	vst v63  }
0x8a: {  	_ =	swait.ge [sflag:s7], $0x2000  }
0x8b: {  	[sflag:s7] =	ssyncset.done $0x0  }
0x8c: {  	[sflag:s7] =	ssyncadd.s32 $0xFFFFE000  }
0x8d: {  	_ =	swait.ge [sflag:s11], $0x2000  }
0x8e: {  	[sflag:s11] =	ssyncset.done $0x0  }
0x8f: {  	s2 =	simm.s32 $0x0;
	[sflag:s11] =	ssyncadd.s32 $0xFFFFE000  }
0x90: {  	v7 =	vld [tilespmem:s2+$0x1D000]  }
0x91: {  	v11 =	vld [tilespmem:s2+$0x1D010]  }
0x92: {  	v5 =	vld [tilespmem:s2+$0x1D020]  }
0x93: {  	v4 =	vld [tilespmem:s2+$0x1D030]  }
0x94: {  	v3 =	vld [tilespmem:s2+$0x1D040]  }
0x95: {  	v2 =	vld [tilespmem:s2+$0x1D050]  }
0x96: {  	v1 =	vld [tilespmem:s2+$0x1D060]  }
0x97: {  	v0 =	vld [tilespmem:s2+$0x1D070]  }
0x98: {  	v12 =	vld [tilespmem:s2+$0x19000]  }
0x99: {  	v13 =	vld [tilespmem:s2+$0x19010]  }
0x9a: {  	v10 =	vld [tilespmem:s2+$0x19020]  }
0x9b: {  	v9 =	vld [tilespmem:s2+$0x19030]  }
0x9c: {  	v8 =	vld [tilespmem:s2+$0x19040]  }
0x9d: {  	v6 =	vld [tilespmem:s2+$0x19050];
	v12 =	vmul.f32 v7, v12  }
0x9e: {  	s16 =	simm.s32 $0x200;
	v11 =	vmul.f32 v11, v13;
	v7 =	vld [tilespmem:s2+$0x19060]  }
.LBB2_7:
0x9f: {  	s17 =	sshra.s32 s16, $0x2;
	p2 =	sne.s32 s16, $0x7E00;
	[tilespmem:s2+$0x19000] =	vst v12;
	v5 =	vmul.f32 v5, v10;
	v10 =	vld [tilespmem:s2+$0x19070]  }
0xa0: {  	v12 =	vld [tilespmem:s17+$0x1D000];
	[tilespmem:s2+$0x19010] =	vst v11;
	v4 =	vmul.f32 v4, v9  }
0xa1: {  	v11 =	vld [tilespmem:s17+$0x1D010];
	[tilespmem:s2+$0x19020] =	vst v5;
	v3 =	vmul.f32 v3, v8  }
0xa2: {  	v5 =	vld [tilespmem:s17+$0x1D020];
	[tilespmem:s2+$0x19030] =	vst v4;
	v2 =	vmul.f32 v2, v6  }
0xa3: {  	v4 =	vld [tilespmem:s17+$0x1D030];
	[tilespmem:s2+$0x19040] =	vst v3;
	v1 =	vmul.f32 v1, v7  }
0xa4: {  	v3 =	vld [tilespmem:s17+$0x1D040];
	[tilespmem:s2+$0x19050] =	vst v2;
	v0 =	vmul.f32 v0, v10  }
0xa5: {  	v2 =	vld [tilespmem:s17+$0x1D050];
	[tilespmem:s2+$0x19060] =	vst v1  }
0xa6: {  	v1 =	vld [tilespmem:s17+$0x1D060];
	[tilespmem:s2+$0x19070] =	vst v0;
	s2 =	smov.u32 s17  }
0xa7: {  	v0 =	vld [tilespmem:s2+$0x1D070]  }
0xa8: {  	v6 =	vld [tilespmem:s2+$0x19000]  }
0xa9: {  	v7 =	vld [tilespmem:s2+$0x19010]  }
.Ltmp4:
0xaa: {  	v10 =	vld [tilespmem:s2+$0x19020];
	(pc) =	sbr.rel @p2 .LBB2_7-.Ltmp4, $4  }
0xab: {  	v9 =	vld [tilespmem:s2+$0x19030]  }
0xac: {  	v8 =	vld [tilespmem:s2+$0x19040]  }
0xad: {  	v12 =	vmul.f32 v12, v6;
	v6 =	vld [tilespmem:s2+$0x19050]  }
0xae: {  	s16 =	sadd.s32 $0x200, s16;
	v11 =	vmul.f32 v11, v7;
	v7 =	vld [tilespmem:s2+$0x19060]  }
0xaf: {  	[tilespmem:s2+$0x19000] =	vst v12;
	v5 =	vmul.f32 v5, v10;
	v63 =	vld [tilespmem:s2+$0x19070]  }
0xb0: {  	[tilespmem:s2+$0x19010] =	vst v11;
	v4 =	vmul.f32 v4, v9  }
0xb1: {  	s4 =	sadd.s32 $0x1, s4;
	[tilespmem:s2+$0x19020] =	vst v5;
	v3 =	vmul.f32 v3, v8  }
0xb2: {  	p2 =	sne.s32 s4, $0x8;
	[tilespmem:s2+$0x19030] =	vst v4;
	v2 =	vmul.f32 v2, v6  }
.Ltmp5:
0xb3: {  	[tilespmem:s2+$0x19040] =	vst v3;
	v1 =	vmul.f32 v1, v7;
	(pc) =	sbr.rel @p2 .LBB2_4-.Ltmp5, $4  }
0xb4: {  	[tilespmem:s2+$0x19050] =	vst v2;
	v0 =	vmul.f32 v0, v63  }
0xb5: {  	[tilespmem:s2+$0x19060] =	vst v1  }
0xb6: {  	s26 =	sadd.s32 $0x16880, s9;
	[tilespmem:s2+$0x19070] =	vst v0  }
0xb7: {  	[spmem:s1] =	stream.indirect.scatter.add.f32 [tilespmem:s29], [sflag:$0x6], $0x80, s26, s24, $0xb8;
	[tilespmem:$0x1F000] =	vst v63  }
0xb8: {  	s21 =	sadd.s32 $0x1, s21  }
0xb9: {  	p2 =	sne.s32 s21, $0x5  }
.Ltmp6:
0xba: {  	_ = 	snop;
	(pc) =	sbr.rel @p2 .LBB2_3-.Ltmp6, $1  }
0xbb: {  	_ =	sdelay $0x3  }
.Ltmp7:
0xbc: {  	(pc) =	sbr.rel @p1 .LBB2_2-.Ltmp7, $2  }
0xbd: {  	_ =	sdelay $0x2  }
0xbe: {  	s18 =	simm.s32 $0x1;
	p2 =	por $0x0, $0x0;
	p3 =	por $0x1, $0x1  }
.Ltmp8:
0xbf: {  	(pc) =	sbr.rel .LBB2_22-.Ltmp8, $3  }
0xc0: {  	_ =	sdelay $0x1  }
0xc1: {  	s2 =	rddreg [dreg:$0x7]  }
0xc2: {  	s4 =	rddreg [dreg:$0xf]  }
.LBB2_12:
0xc3: {  	s2 =	rddreg [dreg:$0xb]  }
0xc4: {  	s2 =	sor.u32 s2, s12  }
0xc5: {  	s2 =	smul.u32 $0x500, s2  }
0xc6: {  	s3 =	rddreg [dreg:$0x5]  }
0xc7: {  	s14 =	simm.s32 $0x0;
	s2 =	sadd.s32 s3, s2  }
0xc8: {  	[tilespmem:s23], [sflag:$0x7] =	stream.linear.gather [hbm4b:s2+s14], $0x2800, $0x38;
	[tilespmem:$0x1F000] =	vst v63  }
0xc9: {  	_ =	swait.ge [sflag:s22], $0x2800  }
0xca: {  	[sflag:s22] =	ssyncset.done $0x0  }
0xcb: {  	s15 =	smul.u32 $0x1400, s12;
	s2 =	simm.s32 @p3 $0x5;
	[sflag:s22] =	ssyncadd.s32 $0xFFFFD800  }
0xcc: {  	s18 =	simm.s32 $0x0;
	s17 =	simm.s32 $0x1B000;
	_ =	swait.ge @p3 [sflag:s2], $0x2000  }
0xcd: {  	s21 =	smul.u32 $0x5, s12;
	p1 =	por p2, p2;
	[sflag:s2] =	ssyncset.done @p3 $0x0  }
0xce: {  	s16 =	rddreg [dreg:$0x4];
	[sflag:s2] =	ssyncadd.s32 @p3 $0xFFFFE000;
	s2 =	sadd.s32 s13, s15  }
0xcf: {  	[tilespmem:s25], [sflag:$0x1] =	stream.indirect.gather [hbm4b:s6+s24], $0x80, s23, s24, $0xb8;
	[tilespmem:$0x1F000] =	vst v63  }
0xd0: {  	s14 =	smul.u32 $0x50, s12;
	s26 =	rddreg [dreg:$0xc];
	s2 =	sshll.u32 s2, $0x4  }
0xd1: {  	s10 =	sadd.s32 s26, s21;
	s21 =	simm.s32 $0x0;
	s2 =	sadd.s32 s16, s2  }
0xd2: {  	[tilespmem:s17], [sflag:$0x3] =	stream.linear.gather [hbm4b:s2+s18], $0x2000, $0x38;
	[tilespmem:$0x1F000] =	vst v63  }
.LBB2_13:
0xd3: {  	s2 =	sadd.s32 s21, s10  }
0xd4: {  	s2 =	sshll.u32 s2, $0x8  }
0xd5: {  	s2 =	sadd.s32 s8, s2  }
0xd6: {  	[tilespmem:s28], [sflag:$0x7] =	stream.linear.gather [hbm4b:s2+s18], $0x800, $0x38;
	[tilespmem:$0x1F000] =	vst v63  }
0xd7: {  	_ =	swait.ge [sflag:s22], $0x800  }
0xd8: {  	s15 =	sshll.u32 s21, $0x4;
	[sflag:s22] =	ssyncset.done $0x0  }
0xd9: {  	s3 =	sadd.s32 s12, s21;
	s4 =	simm.s32 $0x0;
	[sflag:s22] =	ssyncadd.s32 $0xFFFFF800  }
.LBB2_14:
0xda: {  	s2 =	sshll.u32 s4, $0x1;
	s9 =	sor.u32 s3, s4  }
0xdb: {  	s26 =	sadd.s32 s15, s2;
	p2 =	seq.s32 s9, $0x0  }
0xdc: {  	s9 =	simm.s32 @!p2 $0x6;
	s2 =	sor.u32 $0x1, s26  }
0xdd: {  	_ =	swait.ge @!p2 [sflag:s9], $0x2000;
	s16 =	sshll.u32 s2, $0x7  }
0xde: {  	s17 =	sadd.s32 s14, s26;
	[sflag:s9] =	ssyncset.done @!p2 $0x0;
	s16 =	sand.u32 $0x3FFFFF80, s16  }
0xdf: {  	[sflag:s9] =	ssyncadd.s32 @!p2 $0xFFFFE000;
	s16 =	sadd.s32 $0x14000, s16;
	s9 =	sshll.u32 s17, $0xA  }
0xe0: {  	[tilespmem:s29], [sflag:$0x2] =	stream.indirect.gather [hbm4b:s6+s24], $0x80, s16, s24, $0xb8;
	[tilespmem:$0x1F000] =	vst v63  }
0xe1: {  	s17 =	simm.s32 $0x0;
	s9 =	sadd.s32 s19, s9  }
0xe2: {  	[tilespmem:s30], [sflag:$0x4] =	stream.linear.gather [hbm4b:s9+s17], $0x2000, $0x38;
	[tilespmem:$0x1F000] =	vst v63  }
0xe3: {  	_ =	swait.ge [sflag:s31], $0x2000  }
0xe4: {  	[sflag:s31] =	ssyncset.done $0x0  }
0xe5: {  	[sflag:s31] =	ssyncadd.s32 $0xFFFFE000  }
0xe6: {  	_ =	swait.ge [sflag:s0], $0x2000  }
0xe7: {  	[sflag:s0] =	ssyncset.done $0x0  }
0xe8: {  	s16 =	simm.s32 $0x0;
	[sflag:s0] =	ssyncadd.s32 $0xFFFFE000  }
0xe9: {  	v7 =	vld [tilespmem:s16+$0x1B000]  }
0xea: {  	v11 =	vld [tilespmem:s16+$0x1B010]  }
0xeb: {  	v5 =	vld [tilespmem:s16+$0x1B020]  }
0xec: {  	v4 =	vld [tilespmem:s16+$0x1B030]  }
0xed: {  	v3 =	vld [tilespmem:s16+$0x1B040]  }
0xee: {  	v2 =	vld [tilespmem:s16+$0x1B050]  }
0xef: {  	v1 =	vld [tilespmem:s16+$0x1B060]  }
0xf0: {  	v0 =	vld [tilespmem:s16+$0x1B070]  }
0xf1: {  	v12 =	vld [tilespmem:s16+$0x17000]  }
0xf2: {  	v13 =	vld [tilespmem:s16+$0x17010]  }
0xf3: {  	v10 =	vld [tilespmem:s16+$0x17020]  }
0xf4: {  	v9 =	vld [tilespmem:s16+$0x17030]  }
0xf5: {  	v8 =	vld [tilespmem:s16+$0x17040]  }
0xf6: {  	v6 =	vld [tilespmem:s16+$0x17050];
	v12 =	vmul.f32 v7, v12  }
0xf7: {  	s9 =	simm.s32 $0x200;
	v11 =	vmul.f32 v11, v13;
	v7 =	vld [tilespmem:s16+$0x17060]  }
.LBB2_15:
0xf8: {  	s17 =	sshra.s32 s9, $0x2;
	p2 =	sne.s32 s9, $0x7E00;
	[tilespmem:s16+$0x17000] =	vst v12;
	v5 =	vmul.f32 v5, v10;
	v10 =	vld [tilespmem:s16+$0x17070]  }
0xf9: {  	v12 =	vld [tilespmem:s17+$0x1B000];
	[tilespmem:s16+$0x17010] =	vst v11;
	v4 =	vmul.f32 v4, v9  }
0xfa: {  	v11 =	vld [tilespmem:s17+$0x1B010];
	[tilespmem:s16+$0x17020] =	vst v5;
	v3 =	vmul.f32 v3, v8  }
0xfb: {  	v5 =	vld [tilespmem:s17+$0x1B020];
	[tilespmem:s16+$0x17030] =	vst v4;
	v2 =	vmul.f32 v2, v6  }
0xfc: {  	v4 =	vld [tilespmem:s17+$0x1B030];
	[tilespmem:s16+$0x17040] =	vst v3;
	v1 =	vmul.f32 v1, v7  }
0xfd: {  	v3 =	vld [tilespmem:s17+$0x1B040];
	[tilespmem:s16+$0x17050] =	vst v2;
	v0 =	vmul.f32 v0, v10  }
0xfe: {  	v2 =	vld [tilespmem:s17+$0x1B050];
	[tilespmem:s16+$0x17060] =	vst v1  }
0xff: {  	v1 =	vld [tilespmem:s17+$0x1B060];
	[tilespmem:s16+$0x17070] =	vst v0;
	s16 =	smov.u32 s17  }
0x100: {  	v0 =	vld [tilespmem:s16+$0x1B070]  }
0x101: {  	v6 =	vld [tilespmem:s16+$0x17000]  }
0x102: {  	v7 =	vld [tilespmem:s16+$0x17010]  }
.Ltmp9:
0x103: {  	v10 =	vld [tilespmem:s16+$0x17020];
	(pc) =	sbr.rel @p2 .LBB2_15-.Ltmp9, $4  }
0x104: {  	v9 =	vld [tilespmem:s16+$0x17030]  }
0x105: {  	v8 =	vld [tilespmem:s16+$0x17040]  }
0x106: {  	v12 =	vmul.f32 v12, v6;
	v6 =	vld [tilespmem:s16+$0x17050]  }
0x107: {  	s9 =	sadd.s32 $0x200, s9;
	v11 =	vmul.f32 v11, v7;
	v7 =	vld [tilespmem:s16+$0x17060]  }
0x108: {  	[tilespmem:s16+$0x17000] =	vst v12;
	v5 =	vmul.f32 v5, v10;
	v10 =	vld [tilespmem:s16+$0x17070]  }
0x109: {  	[tilespmem:s16+$0x17010] =	vst v11;
	v4 =	vmul.f32 v4, v9  }
0x10a: {  	[tilespmem:s16+$0x17020] =	vst v5;
	v3 =	vmul.f32 v3, v8  }
0x10b: {  	[tilespmem:s16+$0x17030] =	vst v4;
	v2 =	vmul.f32 v2, v6  }
0x10c: {  	[tilespmem:s16+$0x17040] =	vst v3;
	v1 =	vmul.f32 v1, v7  }
0x10d: {  	s9 =	sshll.u32 s4, $0x8;
	[tilespmem:s16+$0x17050] =	vst v2;
	v0 =	vmul.f32 v0, v10  }
0x10e: {  	p2 =	sgt.u32 s26, $0x4D;
	s9 =	sand.u32 $0x3FFFFF00, s9;
	[tilespmem:s16+$0x17060] =	vst v1  }
0x10f: {  	s17 =	sadd.s32 $0x16800, s9;
	[tilespmem:s16+$0x17070] =	vst v0;
	s16 =	simm.s32 @!p2 $0x5  }
0x110: {  	[spmem:s1] =	stream.indirect.scatter.add.f32 [tilespmem:s25], [sflag:$0x5], $0x80, s17, s24, $0xb8;
	[tilespmem:$0x1F000] =	vst v63  }
0x111: {  	_ =	swait.ge @!p2 [sflag:s16], $0x2000  }
0x112: {  	s2 =	sadd.s32 @!p2 s14, s2;
	s17 =	sshll.u32 @!p2 s26, $0x7;
	[sflag:s16] =	ssyncset.done @!p2 $0x0  }
0x113: {  	s2 =	sshll.u32 @!p2 s2, $0xA;
	[sflag:s16] =	ssyncadd.s32 @!p2 $0xFFFFE000;
	s16 =	sand.u32 @!p2 $0x3FFFFF80, s17  }
0x114: {  	s26 =	simm.s32 @!p2 $0x17000;
	s17 =	simm.s32 @!p2 $0x40;
	s16 =	sadd.s32 @!p2 $0x14100, s16  }
0x115: {  	[tilespmem:s26], [sflag:$0x1] =	stream.indirect.gather @!p2 [hbm4b:s6+s17], $0x80, s16, s17, $0xb8;
	[tilespmem:$0x1F000] =	vst v63  }
0x116: {  	s2 =	sadd.s32 @!p2 s19, s2;
	s16 =	simm.s32 @!p2 $0x0;
	s17 =	simm.s32 @!p2 $0x1B000  }
0x117: {  	[tilespmem:s17], [sflag:$0x3] =	stream.linear.gather @!p2 [hbm4b:s2+s16], $0x2000, $0x38;
	[tilespmem:$0x1F000] =	vst v63  }
0x118: {  	_ =	swait.ge [sflag:s7], $0x2000  }
0x119: {  	[sflag:s7] =	ssyncset.done $0x0  }
0x11a: {  	[sflag:s7] =	ssyncadd.s32 $0xFFFFE000  }
0x11b: {  	_ =	swait.ge [sflag:s11], $0x2000  }
0x11c: {  	[sflag:s11] =	ssyncset.done $0x0  }
0x11d: {  	s2 =	simm.s32 $0x0;
	[sflag:s11] =	ssyncadd.s32 $0xFFFFE000  }
0x11e: {  	v7 =	vld [tilespmem:s2+$0x1D000]  }
0x11f: {  	v11 =	vld [tilespmem:s2+$0x1D010]  }
0x120: {  	v5 =	vld [tilespmem:s2+$0x1D020]  }
0x121: {  	v4 =	vld [tilespmem:s2+$0x1D030]  }
0x122: {  	v3 =	vld [tilespmem:s2+$0x1D040]  }
0x123: {  	v2 =	vld [tilespmem:s2+$0x1D050]  }
0x124: {  	v1 =	vld [tilespmem:s2+$0x1D060]  }
0x125: {  	v0 =	vld [tilespmem:s2+$0x1D070]  }
0x126: {  	v12 =	vld [tilespmem:s2+$0x19000]  }
0x127: {  	v13 =	vld [tilespmem:s2+$0x19010]  }
0x128: {  	v10 =	vld [tilespmem:s2+$0x19020]  }
0x129: {  	v9 =	vld [tilespmem:s2+$0x19030]  }
0x12a: {  	v8 =	vld [tilespmem:s2+$0x19040]  }
0x12b: {  	v6 =	vld [tilespmem:s2+$0x19050];
	v12 =	vmul.f32 v7, v12  }
0x12c: {  	s16 =	simm.s32 $0x200;
	v11 =	vmul.f32 v11, v13;
	v7 =	vld [tilespmem:s2+$0x19060]  }
.LBB2_17:
0x12d: {  	s17 =	sshra.s32 s16, $0x2;
	p2 =	sne.s32 s16, $0x7E00;
	[tilespmem:s2+$0x19000] =	vst v12;
	v5 =	vmul.f32 v5, v10;
	v10 =	vld [tilespmem:s2+$0x19070]  }
0x12e: {  	v12 =	vld [tilespmem:s17+$0x1D000];
	[tilespmem:s2+$0x19010] =	vst v11;
	v4 =	vmul.f32 v4, v9  }
0x12f: {  	v11 =	vld [tilespmem:s17+$0x1D010];
	[tilespmem:s2+$0x19020] =	vst v5;
	v3 =	vmul.f32 v3, v8  }
0x130: {  	v5 =	vld [tilespmem:s17+$0x1D020];
	[tilespmem:s2+$0x19030] =	vst v4;
	v2 =	vmul.f32 v2, v6  }
0x131: {  	v4 =	vld [tilespmem:s17+$0x1D030];
	[tilespmem:s2+$0x19040] =	vst v3;
	v1 =	vmul.f32 v1, v7  }
0x132: {  	v3 =	vld [tilespmem:s17+$0x1D040];
	[tilespmem:s2+$0x19050] =	vst v2;
	v0 =	vmul.f32 v0, v10  }
0x133: {  	v2 =	vld [tilespmem:s17+$0x1D050];
	[tilespmem:s2+$0x19060] =	vst v1  }
0x134: {  	v1 =	vld [tilespmem:s17+$0x1D060];
	[tilespmem:s2+$0x19070] =	vst v0;
	s2 =	smov.u32 s17  }
0x135: {  	v0 =	vld [tilespmem:s2+$0x1D070]  }
0x136: {  	v6 =	vld [tilespmem:s2+$0x19000]  }
0x137: {  	v7 =	vld [tilespmem:s2+$0x19010]  }
.Ltmp10:
0x138: {  	v10 =	vld [tilespmem:s2+$0x19020];
	(pc) =	sbr.rel @p2 .LBB2_17-.Ltmp10, $4  }
0x139: {  	v9 =	vld [tilespmem:s2+$0x19030]  }
0x13a: {  	v8 =	vld [tilespmem:s2+$0x19040]  }
0x13b: {  	v12 =	vmul.f32 v12, v6;
	v6 =	vld [tilespmem:s2+$0x19050]  }
0x13c: {  	s16 =	sadd.s32 $0x200, s16;
	v11 =	vmul.f32 v11, v7;
	v7 =	vld [tilespmem:s2+$0x19060]  }
0x13d: {  	[tilespmem:s2+$0x19000] =	vst v12;
	v5 =	vmul.f32 v5, v10;
	v63 =	vld [tilespmem:s2+$0x19070]  }
0x13e: {  	[tilespmem:s2+$0x19010] =	vst v11;
	v4 =	vmul.f32 v4, v9  }
0x13f: {  	s4 =	sadd.s32 $0x1, s4;
	[tilespmem:s2+$0x19020] =	vst v5;
	v3 =	vmul.f32 v3, v8  }
0x140: {  	p2 =	sne.s32 s4, $0x8;
	[tilespmem:s2+$0x19030] =	vst v4;
	v2 =	vmul.f32 v2, v6  }
.Ltmp11:
0x141: {  	[tilespmem:s2+$0x19040] =	vst v3;
	v1 =	vmul.f32 v1, v7;
	(pc) =	sbr.rel @p2 .LBB2_14-.Ltmp11, $4  }
0x142: {  	[tilespmem:s2+$0x19050] =	vst v2;
	v0 =	vmul.f32 v0, v63  }
0x143: {  	[tilespmem:s2+$0x19060] =	vst v1  }
0x144: {  	s26 =	sadd.s32 $0x16880, s9;
	[tilespmem:s2+$0x19070] =	vst v0  }
0x145: {  	[spmem:s1] =	stream.indirect.scatter.add.f32 [tilespmem:s29], [sflag:$0x6], $0x80, s26, s24, $0xb8;
	[tilespmem:$0x1F000] =	vst v63  }
0x146: {  	s21 =	sadd.s32 $0x1, s21  }
0x147: {  	p2 =	sne.s32 s21, $0x5  }
.Ltmp12:
0x148: {  	_ = 	snop;
	(pc) =	sbr.rel @p2 .LBB2_13-.Ltmp12, $1  }
0x149: {  	_ =	sdelay $0x3  }
.Ltmp13:
0x14a: {  	(pc) =	sbr.rel @p1 .LBB2_12-.Ltmp13, $2  }
0x14b: {  	_ =	sdelay $0x2  }
0x14c: {  	s12 =	simm.s32 $0x1;
	p2 =	por $0x0, $0x0;
	p3 =	por $0x1, $0x1  }
.Ltmp14:
0x14d: {  	(pc) =	sbr.rel .LBB2_22-.Ltmp14, $3  }
0x14e: {  	_ =	sdelay $0x1  }
0x14f: {  	s2 =	rddreg [dreg:$0x8]  }
0x150: {  	s4 =	rddreg [dreg:$0xf]  }
.LBB2_23:
0x151: {  	_ =	sfence.sel $0x180000  }
0x152: {  	[bflag:$0x0] =	sbarrier.arrive $0xFFFF  }
0x153: {  	_ =	strace $0x90000050  }
0x154: {  	s0 =	stileid.u32;
	[bflag:$0x2] =	sbarrier.arrive $0xFFFF  }
0x155: {  	p0 =	sne.s32 s0, $0x0;
	s0 =	rddreg [dreg:$0x2]  }
0x156: {  	s0 =	sadd.s32 @!p0 $0x100000, s0  }
0x157: {  	[sflag:s0] =	ssyncadd.tile.s32 @!p0 $0x1;
	_ =	shalt  }
.Lfunc_end2:
_tile_overlayer_lowered:
.L_overlay_start_2:
0x158: {  	(tag) =	ssettag $0x2  }
0x159: {  	s0 =	rddreg [dreg:$0x0];
	s2 =	stileid.u32  }
0x15a: {  	s1 =	rddreg [dreg:$0x1];
	p0 =	sne.s32 s2, $0x0  }
0x15b: {  	s3 =	rddreg [dreg:$0x2];
	[bflag:$0x3] =	sbarrier.arrive $0xFFFF;
	s2 =	simm.s32 @!p0 $0x1C07  }
0x15c: {  	[timem:s3], [sflag:s2] =	dma.local @!p0 [hbm:s0], s1  }
0x15d: {  	s0 =	simm.s32 @!p0 $0x7  }
0x15e: {  	_ =	swait.ge @!p0 [sflag:s0], s1  }
0x15f: {  	s1 =	ssub.s32 @!p0 $0x0, s1;
	[sflag:s0] =	ssyncset.done @!p0 $0x0  }
0x160: {  	[sflag:s0] =	ssyncadd.s32 @!p0 s1  }
0x161: {  	[bflag:$0x3] =	sbarrier.arrive $0xFFFF  }
0x162: {  	_ =	shalt  }

</sc_bundles>
